<compile_context>
chip_gen: v7x
topology: tpu7x:2x2x1
jax: 0.10.2.dev20260603
libtpu: 0.0.44.dev20260713+nightly
codegen_flags: <defaults>
</compile_context>

<pallas_src>
import functools

import jax
import jax.numpy as jnp
from jax import lax
from jax.experimental import pallas as pl
from jax.experimental.pallas import tpu as pltpu
from jax.experimental.pallas import tpu_sc as plsc

D = 32
NC, NS = 2, 16
NW = NC * NS
BATCH = 16384
SEQ = 50
BPW = BATCH // NW
NBB = BPW // 128
UNITS = NBB * SEQ
NB = 4
SEQP = 56
OPITCH = 137
TROWS = 250000


def _advance(s, bb):
    wrap = s == SEQ - 1
    return jnp.where(wrap, 0, s + 1), bb + wrap.astype(jnp.int32)


def _xstage_body(xt, out, xs_v):
    wid = lax.axis_index("s") * NC + lax.axis_index("c")
    for j in range(NBB):
        pltpu.sync_copy(xt.at[:, pl.ds(wid * BPW + j * 128, 128)],
                        xs_v.at[pl.ds(j * SEQ, SEQ)])
    pltpu.sync_copy(xs_v, out.at[pl.ds(wid * UNITS, UNITS)])


_xstage = functools.partial(
    pl.kernel,
    out_type=jax.ShapeDtypeStruct((NW * UNITS, 128), jnp.int32),
    mesh=plsc.VectorSubcoreMesh(
        core_axis_name="c", subcore_axis_name="s",
        num_cores=NC, num_subcores=NS),
    scratch_types=[pltpu.VMEM((UNITS, 128), jnp.int32)],
    compiler_params=pltpu.CompilerParams(needs_layout_passes=False),
)(_xstage_body)


def _emb_body(tbl, xt, out, xstage, idx4, rows4, obuf,
              gsem0, gsem1, gsem2, gsem3, wsem0, wsem1, wsem2, wsem3):
    wid = lax.axis_index("s") * NC + lax.axis_index("c")
    b0w = wid * BPW
    gsems = (gsem0, gsem1, gsem2, gsem3)
    wsems = (wsem0, wsem1, wsem2, wsem3)

    pltpu.sync_copy(xt.at[pl.ds(wid * UNITS, UNITS)], xstage)

    iota = lax.iota(jnp.int32, 16)

    def prep(slot, s, bb):
        for l in range(8):
            idx4[slot, pl.ds(l * 16, 16)] = xstage[bb * SEQ + s, pl.ds(l * 16, 16)]

    def gather_desc(slot):
        return pltpu.make_async_copy(
            tbl.at[idx4.at[slot]], rows4.at[slot], gsems[slot])

    def write_desc(slot, s, bb):
        return pltpu.make_async_copy(
            obuf.at[slot, 0, :, pl.ds(0, 128)],
            out.at[pl.ds(s * D, D), pl.ds(b0w + bb * 128, 128)],
            wsems[slot])

    for u in range(NB):
        prep(u, u, 0)
        gather_desc(u).start()

    def step(q, c):
        s_d, bb_d, s_f, bb_f, s_w, bb_w = c
        gather_desc(q).wait()

        @pl.when(bb_w >= 0)
        def _():
            write_desc(q, s_w, bb_w).wait()

        obuf_q = obuf.at[q, 0]
        iota16 = iota + 16

        def bgroup(g, carry):
            for j in range(16):
                b = g * 16 + j
                v0 = rows4[q, b, pl.ds(0, 16)]
                v1 = rows4[q, b, pl.ds(16, 16)]
                bvec = jnp.full((16,), b, jnp.int32)
                plsc.store_scatter(obuf_q, [iota, bvec], v0)
                plsc.store_scatter(obuf_q, [iota16, bvec], v1)
            return carry
        lax.fori_loop(0, 8, bgroup, 0)

        write_desc(q, s_d, bb_d).start()

        @pl.when(bb_f < NBB)
        def _():
            prep(q, s_f, bb_f)
            gather_desc(q).start()

        s_d, bb_d = _advance(s_d, bb_d)
        s_f, bb_f = _advance(s_f, bb_f)
        s_w, bb_w = _advance(s_w, bb_w)
        return s_d, bb_d, s_f, bb_f, s_w, bb_w

    def body(t, c):
        for q in range(NB):
            c = step(q, c)
        return c

    c0 = (jnp.int32(0), jnp.int32(0),
          jnp.int32(NB), jnp.int32(0),
          jnp.int32(SEQ - NB), jnp.int32(-1))
    c = lax.fori_loop(0, UNITS // NB, body, c0)

    s_w, bb_w = c[4], c[5]
    for q in range(NB):
        write_desc(q, s_w, bb_w).wait()
        s_w, bb_w = _advance(s_w, bb_w)


_emb = functools.partial(
    pl.kernel,
    out_type=jax.ShapeDtypeStruct((SEQ * D, BATCH), jnp.float32),
    mesh=plsc.VectorSubcoreMesh(
        core_axis_name="c", subcore_axis_name="s",
        num_cores=NC, num_subcores=NS),
    scratch_types=[
        pltpu.VMEM((UNITS, 128), jnp.int32),
        pltpu.VMEM((NB, 128), jnp.int32),
        pltpu.VMEM((NB, 128, D), jnp.float32),
        pltpu.VMEM((NB, 1, D, OPITCH), jnp.float32),
        pltpu.SemaphoreType.DMA,
        pltpu.SemaphoreType.DMA,
        pltpu.SemaphoreType.DMA,
        pltpu.SemaphoreType.DMA,
        pltpu.SemaphoreType.DMA,
        pltpu.SemaphoreType.DMA,
        pltpu.SemaphoreType.DMA,
        pltpu.SemaphoreType.DMA,
    ],
    compiler_params=pltpu.CompilerParams(
        needs_layout_passes=False, use_tc_tiling_on_sc=False),
)(_emb_body)


@jax.jit
def kernel(x, table):
    xt = jnp.transpose(x.astype(jnp.int32))
    idxall = _xstage(xt)
    out_t = _emb(table, idxall)
    out3 = jnp.reshape(out_t, (SEQ, D, BATCH))
    return jnp.transpose(out3, (2, 0, 1))

# --- scband reference (transcript-rebuilt; emitter-appended) ---
"""Pipeline reference for scband-text-embedder-22316650070966 (READ-ONLY COPY).

The authoritative reference and input builder live on the scoring server;
editing this copy changes nothing except your own understanding.
"""

import jax, jax.numpy as jnp
import numpy as np

VOCAB_SIZE = 1000000
EMBED_DIM = 32

def setup_inputs(seed: int = 0) -> dict:
    key = jax.random.key(seed)
    k1, k2 = jax.random.split(key)
    x = jax.random.randint(k1, (16384, 50), 0, VOCAB_SIZE, dtype=jnp.int64 if jax.config.read('jax_enable_x64') else jnp.int32)
    table = 0.02 * jax.random.normal(k2, (VOCAB_SIZE, EMBED_DIM), dtype=jnp.float32)
    return {"x": x, "table": table}

def reference(x, table):
    # nn.Embedding forward: gather rows of the table by index
    return jnp.take(table, x, axis=0)

if __name__ == "__main__":
    import jax
    _d = setup_inputs()
    print(jax.jit(kernel)(*tuple(_d.values())))

</pallas_src>

<mosaic_0001>
#map = affine_map<(d0, d1) -> (0, 0)>
module attributes {stable_mosaic.version = 14 : i64} {
  func.func @_emb_body(%arg0: i32, %arg1: i32, %arg2: memref<1000000x32xf32, #tpu.memory_space<hbm>>, %arg3: memref<6400x128xi32, #tpu.memory_space<hbm>>, %arg4: memref<1600x16384xf32, #tpu.memory_space<hbm>>, %arg5: memref<200x128xi32, #tpu.memory_space<vmem>>, %arg6: memref<4x128xi32, #tpu.memory_space<vmem>>, %arg7: memref<4x128x32xf32, #tpu.memory_space<vmem>>, %arg8: memref<4x1x32x137xf32, #tpu.memory_space<vmem>>, %arg9: memref<!tpu.dma_semaphore, #tpu.memory_space<semaphore_mem>>, %arg10: memref<!tpu.dma_semaphore, #tpu.memory_space<semaphore_mem>>, %arg11: memref<!tpu.dma_semaphore, #tpu.memory_space<semaphore_mem>>, %arg12: memref<!tpu.dma_semaphore, #tpu.memory_space<semaphore_mem>>, %arg13: memref<!tpu.dma_semaphore, #tpu.memory_space<semaphore_mem>>, %arg14: memref<!tpu.dma_semaphore, #tpu.memory_space<semaphore_mem>>, %arg15: memref<!tpu.dma_semaphore, #tpu.memory_space<semaphore_mem>>, %arg16: memref<!tpu.dma_semaphore, #tpu.memory_space<semaphore_mem>>) attributes {dimension_semantics = [#tpu.dimension_semantics<core_parallel>, #tpu.dimension_semantics<subcore_parallel>], iteration_bounds = array<i64: 2, 16>, scalar_prefetch = 0 : i64, scratch_operands = 12 : i64, tpu.core_type = #tpu.core_type<sc_vector_subcore>, window_params = [{transform_indices = #map}, {transform_indices = #map}, {transform_indices = #map}]} {
    %mul3A = arith.constant 2 : i32
    %mul3A_0 = arith.muli %arg1, %mul3A : i32
    %add3A = arith.addi %mul3A_0, %arg0 : i32
    %mul3A_1 = arith.constant 512 : i32
    %mul3A_2 = arith.muli %add3A, %mul3A_1 : i32
    %mul3A_3 = arith.constant 200 : i32
    %mul3A_4 = arith.muli %add3A, %mul3A_3 : i32
    "tpu.region"() ({
      %run_scoped3A = tpu.sem_alloc : memref<!tpu.dma_semaphore, #tpu.memory_space<semaphore_mem>>
      %dma_start3A_412 = arith.constant 0 : i32
      %dma_start3A_413 = tpu.memref_slice %arg3[%mul3A_4, %dma_start3A_412] : memref<6400x128xi32, #tpu.memory_space<hbm>> -> memref<200x128xi32, #tpu.memory_space<hbm>>
      %dma_start3A_414 = arith.constant 0 : i32
      %dma_start3A_415 = tpu.memref_slice %arg3[%mul3A_4, %dma_start3A_414] : memref<6400x128xi32, #tpu.memory_space<hbm>> -> memref<200x128xi32, #tpu.memory_space<hbm>>
      tpu.enqueue_dma source(%dma_start3A_415 : memref<200x128xi32, #tpu.memory_space<hbm>>) target(%arg5 : memref<200x128xi32, #tpu.memory_space<vmem>>) target_semaphore(%run_scoped3A : memref<!tpu.dma_semaphore, #tpu.memory_space<semaphore_mem>>)
      %dma_wait3A_416 = arith.constant 0 : i32
      %dma_wait3A_417 = tpu.memref_slice %arg3[%mul3A_4, %dma_wait3A_416] : memref<6400x128xi32, #tpu.memory_space<hbm>> -> memref<200x128xi32, #tpu.memory_space<hbm>>
      %dma_wait3A_418 = arith.constant 0 : i32
      %dma_wait3A_419 = tpu.memref_slice %arg3[%mul3A_4, %dma_wait3A_418] : memref<6400x128xi32, #tpu.memory_space<hbm>> -> memref<200x128xi32, #tpu.memory_space<hbm>>
      tpu.wait_dma2 semaphore(%run_scoped3A : memref<!tpu.dma_semaphore, #tpu.memory_space<semaphore_mem>>) src(%dma_wait3A_419 : memref<200x128xi32, #tpu.memory_space<hbm>>) dst(%arg5 : memref<200x128xi32, #tpu.memory_space<vmem>>)
      tpu.yield
    }) : () -> ()
    %iota3A = tpu.iota {dimensions = array<i32: 0>} : vector<16xi32>
    %get3A = arith.constant 0 : i32
    %get3A_5 = arith.index_cast %get3A : i32 to index
    %get3A_6 = arith.constant 0 : index
    %get3A_7 = tpu.vector_load %arg5[%get3A_5, %get3A_6] {strides = array<i32>} : memref<200x128xi32, #tpu.memory_space<vmem>>, vector<16xi32>,
    %swap3A = arith.constant 0 : i32
    %swap3A_8 = arith.index_cast %swap3A : i32 to index
    %swap3A_9 = arith.constant 0 : index
    %swap3A_10 = tpu.vector_load %arg6[%swap3A_8, %swap3A_9] {strides = array<i32>} : memref<4x128xi32, #tpu.memory_space<vmem>>, vector<16xi32>,
    tpu.vector_store %arg6[%swap3A_8, %swap3A_9], %get3A_7 {strides = array<i32>} : memref<4x128xi32, #tpu.memory_space<vmem>>, vector<16xi32>,
    %get3A_11 = arith.constant 0 : i32
    %get3A_12 = arith.index_cast %get3A_11 : i32 to index
    %get3A_13 = arith.constant 16 : index
    %get3A_14 = tpu.vector_load %arg5[%get3A_12, %get3A_13] {strides = array<i32>} : memref<200x128xi32, #tpu.memory_space<vmem>>, vector<16xi32>,
    %swap3A_15 = arith.constant 0 : i32
    %swap3A_16 = arith.index_cast %swap3A_15 : i32 to index
    %swap3A_17 = arith.constant 16 : index
    %swap3A_18 = tpu.vector_load %arg6[%swap3A_16, %swap3A_17] {strides = array<i32>} : memref<4x128xi32, #tpu.memory_space<vmem>>, vector<16xi32>,
    tpu.vector_store %arg6[%swap3A_16, %swap3A_17], %get3A_14 {strides = array<i32>} : memref<4x128xi32, #tpu.memory_space<vmem>>, vector<16xi32>,
    %get3A_19 = arith.constant 0 : i32
    %get3A_20 = arith.index_cast %get3A_19 : i32 to index
    %get3A_21 = arith.constant 32 : index
    %get3A_22 = tpu.vector_load %arg5[%get3A_20, %get3A_21] {strides = array<i32>} : memref<200x128xi32, #tpu.memory_space<vmem>>, vector<16xi32>,
    %swap3A_23 = arith.constant 0 : i32
    %swap3A_24 = arith.index_cast %swap3A_23 : i32 to index
    %swap3A_25 = arith.constant 32 : index
    %swap3A_26 = tpu.vector_load %arg6[%swap3A_24, %swap3A_25] {strides = array<i32>} : memref<4x128xi32, #tpu.memory_space<vmem>>, vector<16xi32>,
    tpu.vector_store %arg6[%swap3A_24, %swap3A_25], %get3A_22 {strides = array<i32>} : memref<4x128xi32, #tpu.memory_space<vmem>>, vector<16xi32>,
    %get3A_27 = arith.constant 0 : i32
    %get3A_28 = arith.index_cast %get3A_27 : i32 to index
    %get3A_29 = arith.constant 48 : index
    %get3A_30 = tpu.vector_load %arg5[%get3A_28, %get3A_29] {strides = array<i32>} : memref<200x128xi32, #tpu.memory_space<vmem>>, vector<16xi32>,
    %swap3A_31 = arith.constant 0 : i32
    %swap3A_32 = arith.index_cast %swap3A_31 : i32 to index
    %swap3A_33 = arith.constant 48 : index
    %swap3A_34 = tpu.vector_load %arg6[%swap3A_32, %swap3A_33] {strides = array<i32>} : memref<4x128xi32, #tpu.memory_space<vmem>>, vector<16xi32>,
    tpu.vector_store %arg6[%swap3A_32, %swap3A_33], %get3A_30 {strides = array<i32>} : memref<4x128xi32, #tpu.memory_space<vmem>>, vector<16xi32>,
    %get3A_35 = arith.constant 0 : i32
    %get3A_36 = arith.index_cast %get3A_35 : i32 to index
    %get3A_37 = arith.constant 64 : index
    %get3A_38 = tpu.vector_load %arg5[%get3A_36, %get3A_37] {strides = array<i32>} : memref<200x128xi32, #tpu.memory_space<vmem>>, vector<16xi32>,
    %swap3A_39 = arith.constant 0 : i32
    %swap3A_40 = arith.index_cast %swap3A_39 : i32 to index
    %swap3A_41 = arith.constant 64 : index
    %swap3A_42 = tpu.vector_load %arg6[%swap3A_40, %swap3A_41] {strides = array<i32>} : memref<4x128xi32, #tpu.memory_space<vmem>>, vector<16xi32>,
    tpu.vector_store %arg6[%swap3A_40, %swap3A_41], %get3A_38 {strides = array<i32>} : memref<4x128xi32, #tpu.memory_space<vmem>>, vector<16xi32>,
    %get3A_43 = arith.constant 0 : i32
    %get3A_44 = arith.index_cast %get3A_43 : i32 to index
    %get3A_45 = arith.constant 80 : index
    %get3A_46 = tpu.vector_load %arg5[%get3A_44, %get3A_45] {strides = array<i32>} : memref<200x128xi32, #tpu.memory_space<vmem>>, vector<16xi32>,
    %swap3A_47 = arith.constant 0 : i32
    %swap3A_48 = arith.index_cast %swap3A_47 : i32 to index
    %swap3A_49 = arith.constant 80 : index
    %swap3A_50 = tpu.vector_load %arg6[%swap3A_48, %swap3A_49] {strides = array<i32>} : memref<4x128xi32, #tpu.memory_space<vmem>>, vector<16xi32>,
    tpu.vector_store %arg6[%swap3A_48, %swap3A_49], %get3A_46 {strides = array<i32>} : memref<4x128xi32, #tpu.memory_space<vmem>>, vector<16xi32>,
    %get3A_51 = arith.constant 0 : i32
    %get3A_52 = arith.index_cast %get3A_51 : i32 to index
    %get3A_53 = arith.constant 96 : index
    %get3A_54 = tpu.vector_load %arg5[%get3A_52, %get3A_53] {strides = array<i32>} : memref<200x128xi32, #tpu.memory_space<vmem>>, vector<16xi32>,
    %swap3A_55 = arith.constant 0 : i32
    %swap3A_56 = arith.index_cast %swap3A_55 : i32 to index
    %swap3A_57 = arith.constant 96 : index
    %swap3A_58 = tpu.vector_load %arg6[%swap3A_56, %swap3A_57] {strides = array<i32>} : memref<4x128xi32, #tpu.memory_space<vmem>>, vector<16xi32>,
    tpu.vector_store %arg6[%swap3A_56, %swap3A_57], %get3A_54 {strides = array<i32>} : memref<4x128xi32, #tpu.memory_space<vmem>>, vector<16xi32>,
    %get3A_59 = arith.constant 0 : i32
    %get3A_60 = arith.index_cast %get3A_59 : i32 to index
    %get3A_61 = arith.constant 112 : index
    %get3A_62 = tpu.vector_load %arg5[%get3A_60, %get3A_61] {strides = array<i32>} : memref<200x128xi32, #tpu.memory_space<vmem>>, vector<16xi32>,
    %swap3A_63 = arith.constant 0 : i32
    %swap3A_64 = arith.index_cast %swap3A_63 : i32 to index
    %swap3A_65 = arith.constant 112 : index
    %swap3A_66 = tpu.vector_load %arg6[%swap3A_64, %swap3A_65] {strides = array<i32>} : memref<4x128xi32, #tpu.memory_space<vmem>>, vector<16xi32>,
    tpu.vector_store %arg6[%swap3A_64, %swap3A_65], %get3A_62 {strides = array<i32>} : memref<4x128xi32, #tpu.memory_space<vmem>>, vector<16xi32>,
    %dma_start3A = arith.constant 0 : i32
    %dma_start3A_67 = arith.constant 0 : i32
    %dma_start3A_68 = arith.constant 0 : i32
    %dma_start3A_69 = arith.constant 0 : i32
    %dma_start3A_70 = tpu.memref_slice %arg7[%dma_start3A_67, %dma_start3A_68, %dma_start3A_69] : memref<4x128x32xf32, #tpu.memory_space<vmem>> -> memref<1x128x32xf32, #tpu.memory_space<vmem>>
    %dma_start3A_71 = tpu.memref_squeeze %dma_start3A_70 : memref<1x128x32xf32, #tpu.memory_space<vmem>> -> memref<128x32xf32, #tpu.memory_space<vmem>>
    %dma_start3A_72 = arith.constant 0 : i32
    %dma_start3A_73 = tpu.memref_slice %arg6[%dma_start3A, %dma_start3A_72] : memref<4x128xi32, #tpu.memory_space<vmem>> -> memref<1x128xi32, #tpu.memory_space<vmem>>
    %dma_start3A_74 = tpu.memref_squeeze %dma_start3A_73 : memref<1x128xi32, #tpu.memory_space<vmem>> -> memref<128xi32, #tpu.memory_space<vmem>>
    %dma_start3A_75 = arith.constant 0 : i32
    %dma_start3A_76 = arith.constant 0 : i32
    %dma_start3A_77 = tpu.memref_slice %arg2[%dma_start3A_75, %dma_start3A_76] : memref<1000000x32xf32, #tpu.memory_space<hbm>> -> memref<1000000x32xf32, #tpu.memory_space<hbm>>
    tpu.enqueue_indirect_dma source(%dma_start3A_77 : memref<1000000x32xf32, #tpu.memory_space<hbm>>) target(%dma_start3A_71 : memref<128x32xf32, #tpu.memory_space<vmem>>) offsets(%dma_start3A_74 : memref<128xi32, #tpu.memory_space<vmem>>) semaphore(%arg9 : memref<!tpu.dma_semaphore, #tpu.memory_space<semaphore_mem>>)
    %get3A_78 = arith.constant 1 : i32
    %get3A_79 = arith.index_cast %get3A_78 : i32 to index
    %get3A_80 = arith.constant 0 : index
    %get3A_81 = tpu.vector_load %arg5[%get3A_79, %get3A_80] {strides = array<i32>} : memref<200x128xi32, #tpu.memory_space<vmem>>, vector<16xi32>,
    %swap3A_82 = arith.constant 1 : i32
    %swap3A_83 = arith.index_cast %swap3A_82 : i32 to index
    %swap3A_84 = arith.constant 0 : index
    %swap3A_85 = tpu.vector_load %arg6[%swap3A_83, %swap3A_84] {strides = array<i32>} : memref<4x128xi32, #tpu.memory_space<vmem>>, vector<16xi32>,
    tpu.vector_store %arg6[%swap3A_83, %swap3A_84], %get3A_81 {strides = array<i32>} : memref<4x128xi32, #tpu.memory_space<vmem>>, vector<16xi32>,
    %get3A_86 = arith.constant 1 : i32
    %get3A_87 = arith.index_cast %get3A_86 : i32 to index
    %get3A_88 = arith.constant 16 : index
    %get3A_89 = tpu.vector_load %arg5[%get3A_87, %get3A_88] {strides = array<i32>} : memref<200x128xi32, #tpu.memory_space<vmem>>, vector<16xi32>,
    %swap3A_90 = arith.constant 1 : i32
    %swap3A_91 = arith.index_cast %swap3A_90 : i32 to index
    %swap3A_92 = arith.constant 16 : index
    %swap3A_93 = tpu.vector_load %arg6[%swap3A_91, %swap3A_92] {strides = array<i32>} : memref<4x128xi32, #tpu.memory_space<vmem>>, vector<16xi32>,
    tpu.vector_store %arg6[%swap3A_91, %swap3A_92], %get3A_89 {strides = array<i32>} : memref<4x128xi32, #tpu.memory_space<vmem>>, vector<16xi32>,
    %get3A_94 = arith.constant 1 : i32
    %get3A_95 = arith.index_cast %get3A_94 : i32 to index
    %get3A_96 = arith.constant 32 : index
    %get3A_97 = tpu.vector_load %arg5[%get3A_95, %get3A_96] {strides = array<i32>} : memref<200x128xi32, #tpu.memory_space<vmem>>, vector<16xi32>,
    %swap3A_98 = arith.constant 1 : i32
    %swap3A_99 = arith.index_cast %swap3A_98 : i32 to index
    %swap3A_100 = arith.constant 32 : index
    %swap3A_101 = tpu.vector_load %arg6[%swap3A_99, %swap3A_100] {strides = array<i32>} : memref<4x128xi32, #tpu.memory_space<vmem>>, vector<16xi32>,
    tpu.vector_store %arg6[%swap3A_99, %swap3A_100], %get3A_97 {strides = array<i32>} : memref<4x128xi32, #tpu.memory_space<vmem>>, vector<16xi32>,
    %get3A_102 = arith.constant 1 : i32
    %get3A_103 = arith.index_cast %get3A_102 : i32 to index
    %get3A_104 = arith.constant 48 : index
    %get3A_105 = tpu.vector_load %arg5[%get3A_103, %get3A_104] {strides = array<i32>} : memref<200x128xi32, #tpu.memory_space<vmem>>, vector<16xi32>,
    %swap3A_106 = arith.constant 1 : i32
    %swap3A_107 = arith.index_cast %swap3A_106 : i32 to index
    %swap3A_108 = arith.constant 48 : index
    %swap3A_109 = tpu.vector_load %arg6[%swap3A_107, %swap3A_108] {strides = array<i32>} : memref<4x128xi32, #tpu.memory_space<vmem>>, vector<16xi32>,
    tpu.vector_store %arg6[%swap3A_107, %swap3A_108], %get3A_105 {strides = array<i32>} : memref<4x128xi32, #tpu.memory_space<vmem>>, vector<16xi32>,
    %get3A_110 = arith.constant 1 : i32
    %get3A_111 = arith.index_cast %get3A_110 : i32 to index
    %get3A_112 = arith.constant 64 : index
    %get3A_113 = tpu.vector_load %arg5[%get3A_111, %get3A_112] {strides = array<i32>} : memref<200x128xi32, #tpu.memory_space<vmem>>, vector<16xi32>,
    %swap3A_114 = arith.constant 1 : i32
    %swap3A_115 = arith.index_cast %swap3A_114 : i32 to index
    %swap3A_116 = arith.constant 64 : index
    %swap3A_117 = tpu.vector_load %arg6[%swap3A_115, %swap3A_116] {strides = array<i32>} : memref<4x128xi32, #tpu.memory_space<vmem>>, vector<16xi32>,
    tpu.vector_store %arg6[%swap3A_115, %swap3A_116], %get3A_113 {strides = array<i32>} : memref<4x128xi32, #tpu.memory_space<vmem>>, vector<16xi32>,
    %get3A_118 = arith.constant 1 : i32
    %get3A_119 = arith.index_cast %get3A_118 : i32 to index
    %get3A_120 = arith.constant 80 : index
    %get3A_121 = tpu.vector_load %arg5[%get3A_119, %get3A_120] {strides = array<i32>} : memref<200x128xi32, #tpu.memory_space<vmem>>, vector<16xi32>,
    %swap3A_122 = arith.constant 1 : i32
    %swap3A_123 = arith.index_cast %swap3A_122 : i32 to index
    %swap3A_124 = arith.constant 80 : index
    %swap3A_125 = tpu.vector_load %arg6[%swap3A_123, %swap3A_124] {strides = array<i32>} : memref<4x128xi32, #tpu.memory_space<vmem>>, vector<16xi32>,
    tpu.vector_store %arg6[%swap3A_123, %swap3A_124], %get3A_121 {strides = array<i32>} : memref<4x128xi32, #tpu.memory_space<vmem>>, vector<16xi32>,
    %get3A_126 = arith.constant 1 : i32
    %get3A_127 = arith.index_cast %get3A_126 : i32 to index
    %get3A_128 = arith.constant 96 : index
    %get3A_129 = tpu.vector_load %arg5[%get3A_127, %get3A_128] {strides = array<i32>} : memref<200x128xi32, #tpu.memory_space<vmem>>, vector<16xi32>,
    %swap3A_130 = arith.constant 1 : i32
    %swap3A_131 = arith.index_cast %swap3A_130 : i32 to index
    %swap3A_132 = arith.constant 96 : index
    %swap3A_133 = tpu.vector_load %arg6[%swap3A_131, %swap3A_132] {strides = array<i32>} : memref<4x128xi32, #tpu.memory_space<vmem>>, vector<16xi32>,
    tpu.vector_store %arg6[%swap3A_131, %swap3A_132], %get3A_129 {strides = array<i32>} : memref<4x128xi32, #tpu.memory_space<vmem>>, vector<16xi32>,
    %get3A_134 = arith.constant 1 : i32
    %get3A_135 = arith.index_cast %get3A_134 : i32 to index
    %get3A_136 = arith.constant 112 : index
    %get3A_137 = tpu.vector_load %arg5[%get3A_135, %get3A_136] {strides = array<i32>} : memref<200x128xi32, #tpu.memory_space<vmem>>, vector<16xi32>,
    %swap3A_138 = arith.constant 1 : i32
    %swap3A_139 = arith.index_cast %swap3A_138 : i32 to index
    %swap3A_140 = arith.constant 112 : index
    %swap3A_141 = tpu.vector_load %arg6[%swap3A_139, %swap3A_140] {strides = array<i32>} : memref<4x128xi32, #tpu.memory_space<vmem>>, vector<16xi32>,
    tpu.vector_store %arg6[%swap3A_139, %swap3A_140], %get3A_137 {strides = array<i32>} : memref<4x128xi32, #tpu.memory_space<vmem>>, vector<16xi32>,
    %dma_start3A_142 = arith.constant 1 : i32
    %dma_start3A_143 = arith.constant 1 : i32
    %dma_start3A_144 = arith.constant 0 : i32
    %dma_start3A_145 = arith.constant 0 : i32
    %dma_start3A_146 = tpu.memref_slice %arg7[%dma_start3A_143, %dma_start3A_144, %dma_start3A_145] : memref<4x128x32xf32, #tpu.memory_space<vmem>> -> memref<1x128x32xf32, #tpu.memory_space<vmem>>
    %dma_start3A_147 = tpu.memref_squeeze %dma_start3A_146 : memref<1x128x32xf32, #tpu.memory_space<vmem>> -> memref<128x32xf32, #tpu.memory_space<vmem>>
    %dma_start3A_148 = arith.constant 0 : i32
    %dma_start3A_149 = tpu.memref_slice %arg6[%dma_start3A_142, %dma_start3A_148] : memref<4x128xi32, #tpu.memory_space<vmem>> -> memref<1x128xi32, #tpu.memory_space<vmem>>
    %dma_start3A_150 = tpu.memref_squeeze %dma_start3A_149 : memref<1x128xi32, #tpu.memory_space<vmem>> -> memref<128xi32, #tpu.memory_space<vmem>>
    %dma_start3A_151 = arith.constant 0 : i32
    %dma_start3A_152 = arith.constant 0 : i32
    %dma_start3A_153 = tpu.memref_slice %arg2[%dma_start3A_151, %dma_start3A_152] : memref<1000000x32xf32, #tpu.memory_space<hbm>> -> memref<1000000x32xf32, #tpu.memory_space<hbm>>
    tpu.enqueue_indirect_dma source(%dma_start3A_153 : memref<1000000x32xf32, #tpu.memory_space<hbm>>) target(%dma_start3A_147 : memref<128x32xf32, #tpu.memory_space<vmem>>) offsets(%dma_start3A_150 : memref<128xi32, #tpu.memory_space<vmem>>) semaphore(%arg10 : memref<!tpu.dma_semaphore, #tpu.memory_space<semaphore_mem>>)
    %get3A_154 = arith.constant 2 : i32
    %get3A_155 = arith.index_cast %get3A_154 : i32 to index
    %get3A_156 = arith.constant 0 : index
    %get3A_157 = tpu.vector_load %arg5[%get3A_155, %get3A_156] {strides = array<i32>} : memref<200x128xi32, #tpu.memory_space<vmem>>, vector<16xi32>,
    %swap3A_158 = arith.constant 2 : i32
    %swap3A_159 = arith.index_cast %swap3A_158 : i32 to index
    %swap3A_160 = arith.constant 0 : index
    %swap3A_161 = tpu.vector_load %arg6[%swap3A_159, %swap3A_160] {strides = array<i32>} : memref<4x128xi32, #tpu.memory_space<vmem>>, vector<16xi32>,
    tpu.vector_store %arg6[%swap3A_159, %swap3A_160], %get3A_157 {strides = array<i32>} : memref<4x128xi32, #tpu.memory_space<vmem>>, vector<16xi32>,
    %get3A_162 = arith.constant 2 : i32
    %get3A_163 = arith.index_cast %get3A_162 : i32 to index
    %get3A_164 = arith.constant 16 : index
    %get3A_165 = tpu.vector_load %arg5[%get3A_163, %get3A_164] {strides = array<i32>} : memref<200x128xi32, #tpu.memory_space<vmem>>, vector<16xi32>,
    %swap3A_166 = arith.constant 2 : i32
    %swap3A_167 = arith.index_cast %swap3A_166 : i32 to index
    %swap3A_168 = arith.constant 16 : index
    %swap3A_169 = tpu.vector_load %arg6[%swap3A_167, %swap3A_168] {strides = array<i32>} : memref<4x128xi32, #tpu.memory_space<vmem>>, vector<16xi32>,
    tpu.vector_store %arg6[%swap3A_167, %swap3A_168], %get3A_165 {strides = array<i32>} : memref<4x128xi32, #tpu.memory_space<vmem>>, vector<16xi32>,
    %get3A_170 = arith.constant 2 : i32
    %get3A_171 = arith.index_cast %get3A_170 : i32 to index
    %get3A_172 = arith.constant 32 : index
    %get3A_173 = tpu.vector_load %arg5[%get3A_171, %get3A_172] {strides = array<i32>} : memref<200x128xi32, #tpu.memory_space<vmem>>, vector<16xi32>,
    %swap3A_174 = arith.constant 2 : i32
    %swap3A_175 = arith.index_cast %swap3A_174 : i32 to index
    %swap3A_176 = arith.constant 32 : index
    %swap3A_177 = tpu.vector_load %arg6[%swap3A_175, %swap3A_176] {strides = array<i32>} : memref<4x128xi32, #tpu.memory_space<vmem>>, vector<16xi32>,
    tpu.vector_store %arg6[%swap3A_175, %swap3A_176], %get3A_173 {strides = array<i32>} : memref<4x128xi32, #tpu.memory_space<vmem>>, vector<16xi32>,
    %get3A_178 = arith.constant 2 : i32
    %get3A_179 = arith.index_cast %get3A_178 : i32 to index
    %get3A_180 = arith.constant 48 : index
    %get3A_181 = tpu.vector_load %arg5[%get3A_179, %get3A_180] {strides = array<i32>} : memref<200x128xi32, #tpu.memory_space<vmem>>, vector<16xi32>,
    %swap3A_182 = arith.constant 2 : i32
    %swap3A_183 = arith.index_cast %swap3A_182 : i32 to index
    %swap3A_184 = arith.constant 48 : index
    %swap3A_185 = tpu.vector_load %arg6[%swap3A_183, %swap3A_184] {strides = array<i32>} : memref<4x128xi32, #tpu.memory_space<vmem>>, vector<16xi32>,
    tpu.vector_store %arg6[%swap3A_183, %swap3A_184], %get3A_181 {strides = array<i32>} : memref<4x128xi32, #tpu.memory_space<vmem>>, vector<16xi32>,
    %get3A_186 = arith.constant 2 : i32
    %get3A_187 = arith.index_cast %get3A_186 : i32 to index
    %get3A_188 = arith.constant 64 : index
    %get3A_189 = tpu.vector_load %arg5[%get3A_187, %get3A_188] {strides = array<i32>} : memref<200x128xi32, #tpu.memory_space<vmem>>, vector<16xi32>,
    %swap3A_190 = arith.constant 2 : i32
    %swap3A_191 = arith.index_cast %swap3A_190 : i32 to index
    %swap3A_192 = arith.constant 64 : index
    %swap3A_193 = tpu.vector_load %arg6[%swap3A_191, %swap3A_192] {strides = array<i32>} : memref<4x128xi32, #tpu.memory_space<vmem>>, vector<16xi32>,
    tpu.vector_store %arg6[%swap3A_191, %swap3A_192], %get3A_189 {strides = array<i32>} : memref<4x128xi32, #tpu.memory_space<vmem>>, vector<16xi32>,
    %get3A_194 = arith.constant 2 : i32
    %get3A_195 = arith.index_cast %get3A_194 : i32 to index
    %get3A_196 = arith.constant 80 : index
    %get3A_197 = tpu.vector_load %arg5[%get3A_195, %get3A_196] {strides = array<i32>} : memref<200x128xi32, #tpu.memory_space<vmem>>, vector<16xi32>,
    %swap3A_198 = arith.constant 2 : i32
    %swap3A_199 = arith.index_cast %swap3A_198 : i32 to index
    %swap3A_200 = arith.constant 80 : index
    %swap3A_201 = tpu.vector_load %arg6[%swap3A_199, %swap3A_200] {strides = array<i32>} : memref<4x128xi32, #tpu.memory_space<vmem>>, vector<16xi32>,
    tpu.vector_store %arg6[%swap3A_199, %swap3A_200], %get3A_197 {strides = array<i32>} : memref<4x128xi32, #tpu.memory_space<vmem>>, vector<16xi32>,
    %get3A_202 = arith.constant 2 : i32
    %get3A_203 = arith.index_cast %get3A_202 : i32 to index
    %get3A_204 = arith.constant 96 : index
    %get3A_205 = tpu.vector_load %arg5[%get3A_203, %get3A_204] {strides = array<i32>} : memref<200x128xi32, #tpu.memory_space<vmem>>, vector<16xi32>,
    %swap3A_206 = arith.constant 2 : i32
    %swap3A_207 = arith.index_cast %swap3A_206 : i32 to index
    %swap3A_208 = arith.constant 96 : index
    %swap3A_209 = tpu.vector_load %arg6[%swap3A_207, %swap3A_208] {strides = array<i32>} : memref<4x128xi32, #tpu.memory_space<vmem>>, vector<16xi32>,
    tpu.vector_store %arg6[%swap3A_207, %swap3A_208], %get3A_205 {strides = array<i32>} : memref<4x128xi32, #tpu.memory_space<vmem>>, vector<16xi32>,
    %get3A_210 = arith.constant 2 : i32
    %get3A_211 = arith.index_cast %get3A_210 : i32 to index
    %get3A_212 = arith.constant 112 : index
    %get3A_213 = tpu.vector_load %arg5[%get3A_211, %get3A_212] {strides = array<i32>} : memref<200x128xi32, #tpu.memory_space<vmem>>, vector<16xi32>,
    %swap3A_214 = arith.constant 2 : i32
    %swap3A_215 = arith.index_cast %swap3A_214 : i32 to index
    %swap3A_216 = arith.constant 112 : index
    %swap3A_217 = tpu.vector_load %arg6[%swap3A_215, %swap3A_216] {strides = array<i32>} : memref<4x128xi32, #tpu.memory_space<vmem>>, vector<16xi32>,
    tpu.vector_store %arg6[%swap3A_215, %swap3A_216], %get3A_213 {strides = array<i32>} : memref<4x128xi32, #tpu.memory_space<vmem>>, vector<16xi32>,
    %dma_start3A_218 = arith.constant 2 : i32
    %dma_start3A_219 = arith.constant 2 : i32
    %dma_start3A_220 = arith.constant 0 : i32
    %dma_start3A_221 = arith.constant 0 : i32
    %dma_start3A_222 = tpu.memref_slice %arg7[%dma_start3A_219, %dma_start3A_220, %dma_start3A_221] : memref<4x128x32xf32, #tpu.memory_space<vmem>> -> memref<1x128x32xf32, #tpu.memory_space<vmem>>
    %dma_start3A_223 = tpu.memref_squeeze %dma_start3A_222 : memref<1x128x32xf32, #tpu.memory_space<vmem>> -> memref<128x32xf32, #tpu.memory_space<vmem>>
    %dma_start3A_224 = arith.constant 0 : i32
    %dma_start3A_225 = tpu.memref_slice %arg6[%dma_start3A_218, %dma_start3A_224] : memref<4x128xi32, #tpu.memory_space<vmem>> -> memref<1x128xi32, #tpu.memory_space<vmem>>
    %dma_start3A_226 = tpu.memref_squeeze %dma_start3A_225 : memref<1x128xi32, #tpu.memory_space<vmem>> -> memref<128xi32, #tpu.memory_space<vmem>>
    %dma_start3A_227 = arith.constant 0 : i32
    %dma_start3A_228 = arith.constant 0 : i32
    %dma_start3A_229 = tpu.memref_slice %arg2[%dma_start3A_227, %dma_start3A_228] : memref<1000000x32xf32, #tpu.memory_space<hbm>> -> memref<1000000x32xf32, #tpu.memory_space<hbm>>
    tpu.enqueue_indirect_dma source(%dma_start3A_229 : memref<1000000x32xf32, #tpu.memory_space<hbm>>) target(%dma_start3A_223 : memref<128x32xf32, #tpu.memory_space<vmem>>) offsets(%dma_start3A_226 : memref<128xi32, #tpu.memory_space<vmem>>) semaphore(%arg11 : memref<!tpu.dma_semaphore, #tpu.memory_space<semaphore_mem>>)
    %get3A_230 = arith.constant 3 : i32
    %get3A_231 = arith.index_cast %get3A_230 : i32 to index
    %get3A_232 = arith.constant 0 : index
    %get3A_233 = tpu.vector_load %arg5[%get3A_231, %get3A_232] {strides = array<i32>} : memref<200x128xi32, #tpu.memory_space<vmem>>, vector<16xi32>,
    %swap3A_234 = arith.constant 3 : i32
    %swap3A_235 = arith.index_cast %swap3A_234 : i32 to index
    %swap3A_236 = arith.constant 0 : index
    %swap3A_237 = tpu.vector_load %arg6[%swap3A_235, %swap3A_236] {strides = array<i32>} : memref<4x128xi32, #tpu.memory_space<vmem>>, vector<16xi32>,
    tpu.vector_store %arg6[%swap3A_235, %swap3A_236], %get3A_233 {strides = array<i32>} : memref<4x128xi32, #tpu.memory_space<vmem>>, vector<16xi32>,
    %get3A_238 = arith.constant 3 : i32
    %get3A_239 = arith.index_cast %get3A_238 : i32 to index
    %get3A_240 = arith.constant 16 : index
    %get3A_241 = tpu.vector_load %arg5[%get3A_239, %get3A_240] {strides = array<i32>} : memref<200x128xi32, #tpu.memory_space<vmem>>, vector<16xi32>,
    %swap3A_242 = arith.constant 3 : i32
    %swap3A_243 = arith.index_cast %swap3A_242 : i32 to index
    %swap3A_244 = arith.constant 16 : index
    %swap3A_245 = tpu.vector_load %arg6[%swap3A_243, %swap3A_244] {strides = array<i32>} : memref<4x128xi32, #tpu.memory_space<vmem>>, vector<16xi32>,
    tpu.vector_store %arg6[%swap3A_243, %swap3A_244], %get3A_241 {strides = array<i32>} : memref<4x128xi32, #tpu.memory_space<vmem>>, vector<16xi32>,
    %get3A_246 = arith.constant 3 : i32
    %get3A_247 = arith.index_cast %get3A_246 : i32 to index
    %get3A_248 = arith.constant 32 : index
    %get3A_249 = tpu.vector_load %arg5[%get3A_247, %get3A_248] {strides = array<i32>} : memref<200x128xi32, #tpu.memory_space<vmem>>, vector<16xi32>,
    %swap3A_250 = arith.constant 3 : i32
    %swap3A_251 = arith.index_cast %swap3A_250 : i32 to index
    %swap3A_252 = arith.constant 32 : index
    %swap3A_253 = tpu.vector_load %arg6[%swap3A_251, %swap3A_252] {strides = array<i32>} : memref<4x128xi32, #tpu.memory_space<vmem>>, vector<16xi32>,
    tpu.vector_store %arg6[%swap3A_251, %swap3A_252], %get3A_249 {strides = array<i32>} : memref<4x128xi32, #tpu.memory_space<vmem>>, vector<16xi32>,
    %get3A_254 = arith.constant 3 : i32
    %get3A_255 = arith.index_cast %get3A_254 : i32 to index
    %get3A_256 = arith.constant 48 : index
    %get3A_257 = tpu.vector_load %arg5[%get3A_255, %get3A_256] {strides = array<i32>} : memref<200x128xi32, #tpu.memory_space<vmem>>, vector<16xi32>,
    %swap3A_258 = arith.constant 3 : i32
    %swap3A_259 = arith.index_cast %swap3A_258 : i32 to index
    %swap3A_260 = arith.constant 48 : index
    %swap3A_261 = tpu.vector_load %arg6[%swap3A_259, %swap3A_260] {strides = array<i32>} : memref<4x128xi32, #tpu.memory_space<vmem>>, vector<16xi32>,
    tpu.vector_store %arg6[%swap3A_259, %swap3A_260], %get3A_257 {strides = array<i32>} : memref<4x128xi32, #tpu.memory_space<vmem>>, vector<16xi32>,
    %get3A_262 = arith.constant 3 : i32
    %get3A_263 = arith.index_cast %get3A_262 : i32 to index
    %get3A_264 = arith.constant 64 : index
    %get3A_265 = tpu.vector_load %arg5[%get3A_263, %get3A_264] {strides = array<i32>} : memref<200x128xi32, #tpu.memory_space<vmem>>, vector<16xi32>,
    %swap3A_266 = arith.constant 3 : i32
    %swap3A_267 = arith.index_cast %swap3A_266 : i32 to index
    %swap3A_268 = arith.constant 64 : index
    %swap3A_269 = tpu.vector_load %arg6[%swap3A_267, %swap3A_268] {strides = array<i32>} : memref<4x128xi32, #tpu.memory_space<vmem>>, vector<16xi32>,
    tpu.vector_store %arg6[%swap3A_267, %swap3A_268], %get3A_265 {strides = array<i32>} : memref<4x128xi32, #tpu.memory_space<vmem>>, vector<16xi32>,
    %get3A_270 = arith.constant 3 : i32
    %get3A_271 = arith.index_cast %get3A_270 : i32 to index
    %get3A_272 = arith.constant 80 : index
    %get3A_273 = tpu.vector_load %arg5[%get3A_271, %get3A_272] {strides = array<i32>} : memref<200x128xi32, #tpu.memory_space<vmem>>, vector<16xi32>,
    %swap3A_274 = arith.constant 3 : i32
    %swap3A_275 = arith.index_cast %swap3A_274 : i32 to index
    %swap3A_276 = arith.constant 80 : index
    %swap3A_277 = tpu.vector_load %arg6[%swap3A_275, %swap3A_276] {strides = array<i32>} : memref<4x128xi32, #tpu.memory_space<vmem>>, vector<16xi32>,
    tpu.vector_store %arg6[%swap3A_275, %swap3A_276], %get3A_273 {strides = array<i32>} : memref<4x128xi32, #tpu.memory_space<vmem>>, vector<16xi32>,
    %get3A_278 = arith.constant 3 : i32
    %get3A_279 = arith.index_cast %get3A_278 : i32 to index
    %get3A_280 = arith.constant 96 : index
    %get3A_281 = tpu.vector_load %arg5[%get3A_279, %get3A_280] {strides = array<i32>} : memref<200x128xi32, #tpu.memory_space<vmem>>, vector<16xi32>,
    %swap3A_282 = arith.constant 3 : i32
    %swap3A_283 = arith.index_cast %swap3A_282 : i32 to index
    %swap3A_284 = arith.constant 96 : index
    %swap3A_285 = tpu.vector_load %arg6[%swap3A_283, %swap3A_284] {strides = array<i32>} : memref<4x128xi32, #tpu.memory_space<vmem>>, vector<16xi32>,
    tpu.vector_store %arg6[%swap3A_283, %swap3A_284], %get3A_281 {strides = array<i32>} : memref<4x128xi32, #tpu.memory_space<vmem>>, vector<16xi32>,
    %get3A_286 = arith.constant 3 : i32
    %get3A_287 = arith.index_cast %get3A_286 : i32 to index
    %get3A_288 = arith.constant 112 : index
    %get3A_289 = tpu.vector_load %arg5[%get3A_287, %get3A_288] {strides = array<i32>} : memref<200x128xi32, #tpu.memory_space<vmem>>, vector<16xi32>,
    %swap3A_290 = arith.constant 3 : i32
    %swap3A_291 = arith.index_cast %swap3A_290 : i32 to index
    %swap3A_292 = arith.constant 112 : index
    %swap3A_293 = tpu.vector_load %arg6[%swap3A_291, %swap3A_292] {strides = array<i32>} : memref<4x128xi32, #tpu.memory_space<vmem>>, vector<16xi32>,
    tpu.vector_store %arg6[%swap3A_291, %swap3A_292], %get3A_289 {strides = array<i32>} : memref<4x128xi32, #tpu.memory_space<vmem>>, vector<16xi32>,
    %dma_start3A_294 = arith.constant 3 : i32
    %dma_start3A_295 = arith.constant 3 : i32
    %dma_start3A_296 = arith.constant 0 : i32
    %dma_start3A_297 = arith.constant 0 : i32
    %dma_start3A_298 = tpu.memref_slice %arg7[%dma_start3A_295, %dma_start3A_296, %dma_start3A_297] : memref<4x128x32xf32, #tpu.memory_space<vmem>> -> memref<1x128x32xf32, #tpu.memory_space<vmem>>
    %dma_start3A_299 = tpu.memref_squeeze %dma_start3A_298 : memref<1x128x32xf32, #tpu.memory_space<vmem>> -> memref<128x32xf32, #tpu.memory_space<vmem>>
    %dma_start3A_300 = arith.constant 0 : i32
    %dma_start3A_301 = tpu.memref_slice %arg6[%dma_start3A_294, %dma_start3A_300] : memref<4x128xi32, #tpu.memory_space<vmem>> -> memref<1x128xi32, #tpu.memory_space<vmem>>
    %dma_start3A_302 = tpu.memref_squeeze %dma_start3A_301 : memref<1x128xi32, #tpu.memory_space<vmem>> -> memref<128xi32, #tpu.memory_space<vmem>>
    %dma_start3A_303 = arith.constant 0 : i32
    %dma_start3A_304 = arith.constant 0 : i32
    %dma_start3A_305 = tpu.memref_slice %arg2[%dma_start3A_303, %dma_start3A_304] : memref<1000000x32xf32, #tpu.memory_space<hbm>> -> memref<1000000x32xf32, #tpu.memory_space<hbm>>
    tpu.enqueue_indirect_dma source(%dma_start3A_305 : memref<1000000x32xf32, #tpu.memory_space<hbm>>) target(%dma_start3A_299 : memref<128x32xf32, #tpu.memory_space<vmem>>) offsets(%dma_start3A_302 : memref<128xi32, #tpu.memory_space<vmem>>) semaphore(%arg12 : memref<!tpu.dma_semaphore, #tpu.memory_space<semaphore_mem>>)
    %scan3A = arith.constant 0 : i32
    %scan3A_306 = arith.constant 0 : i32
    %scan3A_307 = arith.constant 4 : i32
    %scan3A_308 = arith.constant 0 : i32
    %scan3A_309 = arith.constant 46 : i32
    %scan3A_310 = arith.constant -1 : i32
    %scan3A_311 = arith.constant 0 : i32
    %scan3A_312 = arith.constant 50 : i32
    %scan3A_313 = arith.addi %scan3A_311, %scan3A_312 : i32
    %scan3A_314 = arith.constant 1 : i32
    %scan3A_315:6 = scf.for %scan3A_412 = %scan3A_311 to %scan3A_313 step %scan3A_314 iter_args(%scan3A_413 = %scan3A, %scan3A_414 = %scan3A_306, %scan3A_415 = %scan3A_307, %scan3A_416 = %scan3A_308, %scan3A_417 = %scan3A_309, %scan3A_418 = %scan3A_310) -> (i32, i32, i32, i32, i32, i32)  : i32 {
      %dma_wait3A_419 = arith.constant 0 : i32
      %dma_wait3A_420 = arith.constant 0 : i32
      %dma_wait3A_421 = arith.constant 0 : i32
      %dma_wait3A_422 = arith.constant 0 : i32
      %dma_wait3A_423 = tpu.memref_slice %arg7[%dma_wait3A_420, %dma_wait3A_421, %dma_wait3A_422] : memref<4x128x32xf32, #tpu.memory_space<vmem>> -> memref<1x128x32xf32, #tpu.memory_space<vmem>>
      %dma_wait3A_424 = tpu.memref_squeeze %dma_wait3A_423 : memref<1x128x32xf32, #tpu.memory_space<vmem>> -> memref<128x32xf32, #tpu.memory_space<vmem>>
      %dma_wait3A_425 = arith.constant 0 : i32
      %dma_wait3A_426 = tpu.memref_slice %arg6[%dma_wait3A_419, %dma_wait3A_425] : memref<4x128xi32, #tpu.memory_space<vmem>> -> memref<1x128xi32, #tpu.memory_space<vmem>>
      %dma_wait3A_427 = tpu.memref_squeeze %dma_wait3A_426 : memref<1x128xi32, #tpu.memory_space<vmem>> -> memref<128xi32, #tpu.memory_space<vmem>>
      %dma_wait3A_428 = arith.constant 0 : i32
      %dma_wait3A_429 = arith.constant 0 : i32
      %dma_wait3A_430 = tpu.memref_slice %arg2[%dma_wait3A_428, %dma_wait3A_429] : memref<1000000x32xf32, #tpu.memory_space<hbm>> -> memref<1000000x32xf32, #tpu.memory_space<hbm>>
      tpu.wait_indirect_dma semaphore(%arg9 : memref<!tpu.dma_semaphore, #tpu.memory_space<semaphore_mem>>) src(%dma_wait3A_430 : memref<1000000x32xf32, #tpu.memory_space<hbm>>) dst(%dma_wait3A_424 : memref<128x32xf32, #tpu.memory_space<vmem>>)
      %ge3A = arith.constant 0 : i32
      %ge3A_431 = arith.cmpi sge, %scan3A_418, %ge3A : i32
      %convert_element_type3A_432 = arith.extui %ge3A_431 : i1 to i32
      %cond3A = arith.constant 0 : i32
      %cond3A_433 = arith.cmpi ne, %convert_element_type3A_432, %cond3A : i32
      scf.if %cond3A_433 {
        %mul3A_712 = arith.constant 32 : i32
        %mul3A_713 = arith.muli %scan3A_417, %mul3A_712 : i32
        %mul3A_714 = arith.constant 128 : i32
        %mul3A_715 = arith.muli %scan3A_418, %mul3A_714 : i32
        %add3A_716 = arith.addi %mul3A_2, %mul3A_715 : i32
        %dma_wait3A_717 = arith.constant 0 : i32
        %dma_wait3A_718 = arith.constant 0 : i32
        %dma_wait3A_719 = arith.constant 0 : i32
        %dma_wait3A_720 = arith.constant 0 : i32
        %dma_wait3A_721 = tpu.memref_slice %arg8[%dma_wait3A_717, %dma_wait3A_718, %dma_wait3A_719, %dma_wait3A_720] : memref<4x1x32x137xf32, #tpu.memory_space<vmem>> -> memref<1x1x32x128xf32, #tpu.memory_space<vmem>>
        %dma_wait3A_722 = tpu.memref_squeeze %dma_wait3A_721 : memref<1x1x32x128xf32, #tpu.memory_space<vmem>> -> memref<32x128xf32, #tpu.memory_space<vmem>>
        %dma_wait3A_723 = tpu.memref_slice %arg4[%mul3A_713, %add3A_716] : memref<1600x16384xf32, #tpu.memory_space<hbm>> -> memref<32x128xf32, #tpu.memory_space<hbm>>
        %dma_wait3A_724 = tpu.memref_slice %arg4[%mul3A_713, %add3A_716] : memref<1600x16384xf32, #tpu.memory_space<hbm>> -> memref<32x128xf32, #tpu.memory_space<hbm>>
        %dma_wait3A_725 = arith.constant 0 : i32
        %dma_wait3A_726 = arith.constant 0 : i32
        %dma_wait3A_727 = tpu.memref_slice %arg8[%dma_wait3A_717, %dma_wait3A_718, %dma_wait3A_725, %dma_wait3A_726] : memref<4x1x32x137xf32, #tpu.memory_space<vmem>> -> memref<1x1x32x128xf32, #tpu.memory_space<vmem>>
        %dma_wait3A_728 = tpu.memref_squeeze %dma_wait3A_727 : memref<1x1x32x128xf32, #tpu.memory_space<vmem>> -> memref<32x128xf32, #tpu.memory_space<vmem>>
        tpu.wait_dma2 semaphore(%arg13 : memref<!tpu.dma_semaphore, #tpu.memory_space<semaphore_mem>>) src(%dma_wait3A_728 : memref<32x128xf32, #tpu.memory_space<vmem>>) dst(%dma_wait3A_724 : memref<32x128xf32, #tpu.memory_space<hbm>>)
      } else {
      }
      %add3A_434 = arith.constant 16 : i32
      %add3A_435 = vector.broadcast %add3A_434 : i32 to vector<16xi32>
      %add3A_436 = arith.addi %iota3A, %add3A_435 : vector<16xi32>
      %scan3A_437 = arith.constant 0 : i32
      %scan3A_438 = arith.constant 0 : i32
      %scan3A_439 = arith.constant 0 : i32
      %scan3A_440 = arith.constant 0 : i32
      %scan3A_441 = arith.constant 8 : i32
      %scan3A_442 = arith.addi %scan3A_440, %scan3A_441 : i32
      %scan3A_443 = arith.constant 1 : i32
      scf.for %scan3A_712 = %scan3A_440 to %scan3A_442 step %scan3A_443  : i32 {
        %mul3A_713 = arith.constant 16 : i32
        %mul3A_714 = arith.muli %scan3A_712, %mul3A_713 : i32
        %add3A_715 = arith.constant 0 : i32
        %add3A_716 = arith.addi %mul3A_714, %add3A_715 : i32
        %get3A_717 = arith.constant 0 : i32
        %get3A_718 = arith.index_cast %get3A_717 : i32 to index
        %get3A_719 = arith.index_cast %add3A_716 : i32 to index
        %get3A_720 = arith.constant 0 : index
        %get3A_721 = tpu.vector_load %arg7[%get3A_718, %get3A_719, %get3A_720] {strides = array<i32>} : memref<4x128x32xf32, #tpu.memory_space<vmem>>, vector<16xf32>,
        %get3A_722 = arith.constant 0 : i32
        %get3A_723 = arith.index_cast %get3A_722 : i32 to index
        %get3A_724 = arith.index_cast %add3A_716 : i32 to index
        %get3A_725 = arith.constant 16 : index
        %get3A_726 = tpu.vector_load %arg7[%get3A_723, %get3A_724, %get3A_725] {strides = array<i32>} : memref<4x128x32xf32, #tpu.memory_space<vmem>>, vector<16xf32>,
        %broadcast_in_dim3A = vector.broadcast %add3A_716 : i32 to vector<16xi32>
        %scatter3A = arith.constant 0 : i32
        %scatter3A_727 = arith.constant 0 : i32
        %scatter3A_728 = tpu.memref_slice %arg8[%scan3A_438, %scan3A_439, %scatter3A, %scatter3A_727] : memref<4x1x32x137xf32, #tpu.memory_space<vmem>> -> memref<1x1x32x137xf32, #tpu.memory_space<vmem>>
        %scatter3A_729 = tpu.memref_squeeze %scatter3A_728 : memref<1x1x32x137xf32, #tpu.memory_space<vmem>> -> memref<32x137xf32, #tpu.memory_space<vmem>>
        tpu.vector_store_idx %scatter3A_729[%iota3A, %broadcast_in_dim3A], %get3A_721 : memref<32x137xf32, #tpu.memory_space<vmem>>[vector<16xi32>, vector<16xi32>], vector<16xf32>,
        %scatter3A_730 = arith.constant 0 : i32
        %scatter3A_731 = arith.constant 0 : i32
        %scatter3A_732 = tpu.memref_slice %arg8[%scan3A_438, %scan3A_439, %scatter3A_730, %scatter3A_731] : memref<4x1x32x137xf32, #tpu.memory_space<vmem>> -> memref<1x1x32x137xf32, #tpu.memory_space<vmem>>
        %scatter3A_733 = tpu.memref_squeeze %scatter3A_732 : memref<1x1x32x137xf32, #tpu.memory_space<vmem>> -> memref<32x137xf32, #tpu.memory_space<vmem>>
        tpu.vector_store_idx %scatter3A_733[%add3A_436, %broadcast_in_dim3A], %get3A_726 : memref<32x137xf32, #tpu.memory_space<vmem>>[vector<16xi32>, vector<16xi32>], vector<16xf32>,
        %mul3A_734 = arith.constant 16 : i32
        %mul3A_735 = arith.muli %scan3A_712, %mul3A_734 : i32
        %add3A_736 = arith.constant 1 : i32
        %add3A_737 = arith.addi %mul3A_735, %add3A_736 : i32
        %get3A_738 = arith.constant 0 : i32
        %get3A_739 = arith.index_cast %get3A_738 : i32 to index
        %get3A_740 = arith.index_cast %add3A_737 : i32 to index
        %get3A_741 = arith.constant 0 : index
        %get3A_742 = tpu.vector_load %arg7[%get3A_739, %get3A_740, %get3A_741] {strides = array<i32>} : memref<4x128x32xf32, #tpu.memory_space<vmem>>, vector<16xf32>,
        %get3A_743 = arith.constant 0 : i32
        %get3A_744 = arith.index_cast %get3A_743 : i32 to index
        %get3A_745 = arith.index_cast %add3A_737 : i32 to index
        %get3A_746 = arith.constant 16 : index
        %get3A_747 = tpu.vector_load %arg7[%get3A_744, %get3A_745, %get3A_746] {strides = array<i32>} : memref<4x128x32xf32, #tpu.memory_space<vmem>>, vector<16xf32>,
        %broadcast_in_dim3A_748 = vector.broadcast %add3A_737 : i32 to vector<16xi32>
        %scatter3A_749 = arith.constant 0 : i32
        %scatter3A_750 = arith.constant 0 : i32
        %scatter3A_751 = tpu.memref_slice %arg8[%scan3A_438, %scan3A_439, %scatter3A_749, %scatter3A_750] : memref<4x1x32x137xf32, #tpu.memory_space<vmem>> -> memref<1x1x32x137xf32, #tpu.memory_space<vmem>>
        %scatter3A_752 = tpu.memref_squeeze %scatter3A_751 : memref<1x1x32x137xf32, #tpu.memory_space<vmem>> -> memref<32x137xf32, #tpu.memory_space<vmem>>
        tpu.vector_store_idx %scatter3A_752[%iota3A, %broadcast_in_dim3A_748], %get3A_742 : memref<32x137xf32, #tpu.memory_space<vmem>>[vector<16xi32>, vector<16xi32>], vector<16xf32>,
        %scatter3A_753 = arith.constant 0 : i32
        %scatter3A_754 = arith.constant 0 : i32
        %scatter3A_755 = tpu.memref_slice %arg8[%scan3A_438, %scan3A_439, %scatter3A_753, %scatter3A_754] : memref<4x1x32x137xf32, #tpu.memory_space<vmem>> -> memref<1x1x32x137xf32, #tpu.memory_space<vmem>>
        %scatter3A_756 = tpu.memref_squeeze %scatter3A_755 : memref<1x1x32x137xf32, #tpu.memory_space<vmem>> -> memref<32x137xf32, #tpu.memory_space<vmem>>
        tpu.vector_store_idx %scatter3A_756[%add3A_436, %broadcast_in_dim3A_748], %get3A_747 : memref<32x137xf32, #tpu.memory_space<vmem>>[vector<16xi32>, vector<16xi32>], vector<16xf32>,
        %mul3A_757 = arith.constant 16 : i32
        %mul3A_758 = arith.muli %scan3A_712, %mul3A_757 : i32
        %add3A_759 = arith.constant 2 : i32
        %add3A_760 = arith.addi %mul3A_758, %add3A_759 : i32
        %get3A_761 = arith.constant 0 : i32
        %get3A_762 = arith.index_cast %get3A_761 : i32 to index
        %get3A_763 = arith.index_cast %add3A_760 : i32 to index
        %get3A_764 = arith.constant 0 : index
        %get3A_765 = tpu.vector_load %arg7[%get3A_762, %get3A_763, %get3A_764] {strides = array<i32>} : memref<4x128x32xf32, #tpu.memory_space<vmem>>, vector<16xf32>,
        %get3A_766 = arith.constant 0 : i32
        %get3A_767 = arith.index_cast %get3A_766 : i32 to index
        %get3A_768 = arith.index_cast %add3A_760 : i32 to index
        %get3A_769 = arith.constant 16 : index
        %get3A_770 = tpu.vector_load %arg7[%get3A_767, %get3A_768, %get3A_769] {strides = array<i32>} : memref<4x128x32xf32, #tpu.memory_space<vmem>>, vector<16xf32>,
        %broadcast_in_dim3A_771 = vector.broadcast %add3A_760 : i32 to vector<16xi32>
        %scatter3A_772 = arith.constant 0 : i32
        %scatter3A_773 = arith.constant 0 : i32
        %scatter3A_774 = tpu.memref_slice %arg8[%scan3A_438, %scan3A_439, %scatter3A_772, %scatter3A_773] : memref<4x1x32x137xf32, #tpu.memory_space<vmem>> -> memref<1x1x32x137xf32, #tpu.memory_space<vmem>>
        %scatter3A_775 = tpu.memref_squeeze %scatter3A_774 : memref<1x1x32x137xf32, #tpu.memory_space<vmem>> -> memref<32x137xf32, #tpu.memory_space<vmem>>
        tpu.vector_store_idx %scatter3A_775[%iota3A, %broadcast_in_dim3A_771], %get3A_765 : memref<32x137xf32, #tpu.memory_space<vmem>>[vector<16xi32>, vector<16xi32>], vector<16xf32>,
        %scatter3A_776 = arith.constant 0 : i32
        %scatter3A_777 = arith.constant 0 : i32
        %scatter3A_778 = tpu.memref_slice %arg8[%scan3A_438, %scan3A_439, %scatter3A_776, %scatter3A_777] : memref<4x1x32x137xf32, #tpu.memory_space<vmem>> -> memref<1x1x32x137xf32, #tpu.memory_space<vmem>>
        %scatter3A_779 = tpu.memref_squeeze %scatter3A_778 : memref<1x1x32x137xf32, #tpu.memory_space<vmem>> -> memref<32x137xf32, #tpu.memory_space<vmem>>
        tpu.vector_store_idx %scatter3A_779[%add3A_436, %broadcast_in_dim3A_771], %get3A_770 : memref<32x137xf32, #tpu.memory_space<vmem>>[vector<16xi32>, vector<16xi32>], vector<16xf32>,
        %mul3A_780 = arith.constant 16 : i32
        %mul3A_781 = arith.muli %scan3A_712, %mul3A_780 : i32
        %add3A_782 = arith.constant 3 : i32
        %add3A_783 = arith.addi %mul3A_781, %add3A_782 : i32
        %get3A_784 = arith.constant 0 : i32
        %get3A_785 = arith.index_cast %get3A_784 : i32 to index
        %get3A_786 = arith.index_cast %add3A_783 : i32 to index
        %get3A_787 = arith.constant 0 : index
        %get3A_788 = tpu.vector_load %arg7[%get3A_785, %get3A_786, %get3A_787] {strides = array<i32>} : memref<4x128x32xf32, #tpu.memory_space<vmem>>, vector<16xf32>,
        %get3A_789 = arith.constant 0 : i32
        %get3A_790 = arith.index_cast %get3A_789 : i32 to index
        %get3A_791 = arith.index_cast %add3A_783 : i32 to index
        %get3A_792 = arith.constant 16 : index
        %get3A_793 = tpu.vector_load %arg7[%get3A_790, %get3A_791, %get3A_792] {strides = array<i32>} : memref<4x128x32xf32, #tpu.memory_space<vmem>>, vector<16xf32>,
        %broadcast_in_dim3A_794 = vector.broadcast %add3A_783 : i32 to vector<16xi32>
        %scatter3A_795 = arith.constant 0 : i32
        %scatter3A_796 = arith.constant 0 : i32
        %scatter3A_797 = tpu.memref_slice %arg8[%scan3A_438, %scan3A_439, %scatter3A_795, %scatter3A_796] : memref<4x1x32x137xf32, #tpu.memory_space<vmem>> -> memref<1x1x32x137xf32, #tpu.memory_space<vmem>>
        %scatter3A_798 = tpu.memref_squeeze %scatter3A_797 : memref<1x1x32x137xf32, #tpu.memory_space<vmem>> -> memref<32x137xf32, #tpu.memory_space<vmem>>
        tpu.vector_store_idx %scatter3A_798[%iota3A, %broadcast_in_dim3A_794], %get3A_788 : memref<32x137xf32, #tpu.memory_space<vmem>>[vector<16xi32>, vector<16xi32>], vector<16xf32>,
        %scatter3A_799 = arith.constant 0 : i32
        %scatter3A_800 = arith.constant 0 : i32
        %scatter3A_801 = tpu.memref_slice %arg8[%scan3A_438, %scan3A_439, %scatter3A_799, %scatter3A_800] : memref<4x1x32x137xf32, #tpu.memory_space<vmem>> -> memref<1x1x32x137xf32, #tpu.memory_space<vmem>>
        %scatter3A_802 = tpu.memref_squeeze %scatter3A_801 : memref<1x1x32x137xf32, #tpu.memory_space<vmem>> -> memref<32x137xf32, #tpu.memory_space<vmem>>
        tpu.vector_store_idx %scatter3A_802[%add3A_436, %broadcast_in_dim3A_794], %get3A_793 : memref<32x137xf32, #tpu.memory_space<vmem>>[vector<16xi32>, vector<16xi32>], vector<16xf32>,
        %mul3A_803 = arith.constant 16 : i32
        %mul3A_804 = arith.muli %scan3A_712, %mul3A_803 : i32
        %add3A_805 = arith.constant 4 : i32
        %add3A_806 = arith.addi %mul3A_804, %add3A_805 : i32
        %get3A_807 = arith.constant 0 : i32
        %get3A_808 = arith.index_cast %get3A_807 : i32 to index
        %get3A_809 = arith.index_cast %add3A_806 : i32 to index
        %get3A_810 = arith.constant 0 : index
        %get3A_811 = tpu.vector_load %arg7[%get3A_808, %get3A_809, %get3A_810] {strides = array<i32>} : memref<4x128x32xf32, #tpu.memory_space<vmem>>, vector<16xf32>,
        %get3A_812 = arith.constant 0 : i32
        %get3A_813 = arith.index_cast %get3A_812 : i32 to index
        %get3A_814 = arith.index_cast %add3A_806 : i32 to index
        %get3A_815 = arith.constant 16 : index
        %get3A_816 = tpu.vector_load %arg7[%get3A_813, %get3A_814, %get3A_815] {strides = array<i32>} : memref<4x128x32xf32, #tpu.memory_space<vmem>>, vector<16xf32>,
        %broadcast_in_dim3A_817 = vector.broadcast %add3A_806 : i32 to vector<16xi32>
        %scatter3A_818 = arith.constant 0 : i32
        %scatter3A_819 = arith.constant 0 : i32
        %scatter3A_820 = tpu.memref_slice %arg8[%scan3A_438, %scan3A_439, %scatter3A_818, %scatter3A_819] : memref<4x1x32x137xf32, #tpu.memory_space<vmem>> -> memref<1x1x32x137xf32, #tpu.memory_space<vmem>>
        %scatter3A_821 = tpu.memref_squeeze %scatter3A_820 : memref<1x1x32x137xf32, #tpu.memory_space<vmem>> -> memref<32x137xf32, #tpu.memory_space<vmem>>
        tpu.vector_store_idx %scatter3A_821[%iota3A, %broadcast_in_dim3A_817], %get3A_811 : memref<32x137xf32, #tpu.memory_space<vmem>>[vector<16xi32>, vector<16xi32>], vector<16xf32>,
        %scatter3A_822 = arith.constant 0 : i32
        %scatter3A_823 = arith.constant 0 : i32
        %scatter3A_824 = tpu.memref_slice %arg8[%scan3A_438, %scan3A_439, %scatter3A_822, %scatter3A_823] : memref<4x1x32x137xf32, #tpu.memory_space<vmem>> -> memref<1x1x32x137xf32, #tpu.memory_space<vmem>>
        %scatter3A_825 = tpu.memref_squeeze %scatter3A_824 : memref<1x1x32x137xf32, #tpu.memory_space<vmem>> -> memref<32x137xf32, #tpu.memory_space<vmem>>
        tpu.vector_store_idx %scatter3A_825[%add3A_436, %broadcast_in_dim3A_817], %get3A_816 : memref<32x137xf32, #tpu.memory_space<vmem>>[vector<16xi32>, vector<16xi32>], vector<16xf32>,
        %mul3A_826 = arith.constant 16 : i32
        %mul3A_827 = arith.muli %scan3A_712, %mul3A_826 : i32
        %add3A_828 = arith.constant 5 : i32
        %add3A_829 = arith.addi %mul3A_827, %add3A_828 : i32
        %get3A_830 = arith.constant 0 : i32
        %get3A_831 = arith.index_cast %get3A_830 : i32 to index
        %get3A_832 = arith.index_cast %add3A_829 : i32 to index
        %get3A_833 = arith.constant 0 : index
        %get3A_834 = tpu.vector_load %arg7[%get3A_831, %get3A_832, %get3A_833] {strides = array<i32>} : memref<4x128x32xf32, #tpu.memory_space<vmem>>, vector<16xf32>,
        %get3A_835 = arith.constant 0 : i32
        %get3A_836 = arith.index_cast %get3A_835 : i32 to index
        %get3A_837 = arith.index_cast %add3A_829 : i32 to index
        %get3A_838 = arith.constant 16 : index
        %get3A_839 = tpu.vector_load %arg7[%get3A_836, %get3A_837, %get3A_838] {strides = array<i32>} : memref<4x128x32xf32, #tpu.memory_space<vmem>>, vector<16xf32>,
        %broadcast_in_dim3A_840 = vector.broadcast %add3A_829 : i32 to vector<16xi32>
        %scatter3A_841 = arith.constant 0 : i32
        %scatter3A_842 = arith.constant 0 : i32
        %scatter3A_843 = tpu.memref_slice %arg8[%scan3A_438, %scan3A_439, %scatter3A_841, %scatter3A_842] : memref<4x1x32x137xf32, #tpu.memory_space<vmem>> -> memref<1x1x32x137xf32, #tpu.memory_space<vmem>>
        %scatter3A_844 = tpu.memref_squeeze %scatter3A_843 : memref<1x1x32x137xf32, #tpu.memory_space<vmem>> -> memref<32x137xf32, #tpu.memory_space<vmem>>
        tpu.vector_store_idx %scatter3A_844[%iota3A, %broadcast_in_dim3A_840], %get3A_834 : memref<32x137xf32, #tpu.memory_space<vmem>>[vector<16xi32>, vector<16xi32>], vector<16xf32>,
        %scatter3A_845 = arith.constant 0 : i32
        %scatter3A_846 = arith.constant 0 : i32
        %scatter3A_847 = tpu.memref_slice %arg8[%scan3A_438, %scan3A_439, %scatter3A_845, %scatter3A_846] : memref<4x1x32x137xf32, #tpu.memory_space<vmem>> -> memref<1x1x32x137xf32, #tpu.memory_space<vmem>>
        %scatter3A_848 = tpu.memref_squeeze %scatter3A_847 : memref<1x1x32x137xf32, #tpu.memory_space<vmem>> -> memref<32x137xf32, #tpu.memory_space<vmem>>
        tpu.vector_store_idx %scatter3A_848[%add3A_436, %broadcast_in_dim3A_840], %get3A_839 : memref<32x137xf32, #tpu.memory_space<vmem>>[vector<16xi32>, vector<16xi32>], vector<16xf32>,
        %mul3A_849 = arith.constant 16 : i32
        %mul3A_850 = arith.muli %scan3A_712, %mul3A_849 : i32
        %add3A_851 = arith.constant 6 : i32
        %add3A_852 = arith.addi %mul3A_850, %add3A_851 : i32
        %get3A_853 = arith.constant 0 : i32
        %get3A_854 = arith.index_cast %get3A_853 : i32 to index
        %get3A_855 = arith.index_cast %add3A_852 : i32 to index
        %get3A_856 = arith.constant 0 : index
        %get3A_857 = tpu.vector_load %arg7[%get3A_854, %get3A_855, %get3A_856] {strides = array<i32>} : memref<4x128x32xf32, #tpu.memory_space<vmem>>, vector<16xf32>,
        %get3A_858 = arith.constant 0 : i32
        %get3A_859 = arith.index_cast %get3A_858 : i32 to index
        %get3A_860 = arith.index_cast %add3A_852 : i32 to index
        %get3A_861 = arith.constant 16 : index
        %get3A_862 = tpu.vector_load %arg7[%get3A_859, %get3A_860, %get3A_861] {strides = array<i32>} : memref<4x128x32xf32, #tpu.memory_space<vmem>>, vector<16xf32>,
        %broadcast_in_dim3A_863 = vector.broadcast %add3A_852 : i32 to vector<16xi32>
        %scatter3A_864 = arith.constant 0 : i32
        %scatter3A_865 = arith.constant 0 : i32
        %scatter3A_866 = tpu.memref_slice %arg8[%scan3A_438, %scan3A_439, %scatter3A_864, %scatter3A_865] : memref<4x1x32x137xf32, #tpu.memory_space<vmem>> -> memref<1x1x32x137xf32, #tpu.memory_space<vmem>>
        %scatter3A_867 = tpu.memref_squeeze %scatter3A_866 : memref<1x1x32x137xf32, #tpu.memory_space<vmem>> -> memref<32x137xf32, #tpu.memory_space<vmem>>
        tpu.vector_store_idx %scatter3A_867[%iota3A, %broadcast_in_dim3A_863], %get3A_857 : memref<32x137xf32, #tpu.memory_space<vmem>>[vector<16xi32>, vector<16xi32>], vector<16xf32>,
        %scatter3A_868 = arith.constant 0 : i32
        %scatter3A_869 = arith.constant 0 : i32
        %scatter3A_870 = tpu.memref_slice %arg8[%scan3A_438, %scan3A_439, %scatter3A_868, %scatter3A_869] : memref<4x1x32x137xf32, #tpu.memory_space<vmem>> -> memref<1x1x32x137xf32, #tpu.memory_space<vmem>>
        %scatter3A_871 = tpu.memref_squeeze %scatter3A_870 : memref<1x1x32x137xf32, #tpu.memory_space<vmem>> -> memref<32x137xf32, #tpu.memory_space<vmem>>
        tpu.vector_store_idx %scatter3A_871[%add3A_436, %broadcast_in_dim3A_863], %get3A_862 : memref<32x137xf32, #tpu.memory_space<vmem>>[vector<16xi32>, vector<16xi32>], vector<16xf32>,
        %mul3A_872 = arith.constant 16 : i32
        %mul3A_873 = arith.muli %scan3A_712, %mul3A_872 : i32
        %add3A_874 = arith.constant 7 : i32
        %add3A_875 = arith.addi %mul3A_873, %add3A_874 : i32
        %get3A_876 = arith.constant 0 : i32
        %get3A_877 = arith.index_cast %get3A_876 : i32 to index
        %get3A_878 = arith.index_cast %add3A_875 : i32 to index
        %get3A_879 = arith.constant 0 : index
        %get3A_880 = tpu.vector_load %arg7[%get3A_877, %get3A_878, %get3A_879] {strides = array<i32>} : memref<4x128x32xf32, #tpu.memory_space<vmem>>, vector<16xf32>,
        %get3A_881 = arith.constant 0 : i32
        %get3A_882 = arith.index_cast %get3A_881 : i32 to index
        %get3A_883 = arith.index_cast %add3A_875 : i32 to index
        %get3A_884 = arith.constant 16 : index
        %get3A_885 = tpu.vector_load %arg7[%get3A_882, %get3A_883, %get3A_884] {strides = array<i32>} : memref<4x128x32xf32, #tpu.memory_space<vmem>>, vector<16xf32>,
        %broadcast_in_dim3A_886 = vector.broadcast %add3A_875 : i32 to vector<16xi32>
        %scatter3A_887 = arith.constant 0 : i32
        %scatter3A_888 = arith.constant 0 : i32
        %scatter3A_889 = tpu.memref_slice %arg8[%scan3A_438, %scan3A_439, %scatter3A_887, %scatter3A_888] : memref<4x1x32x137xf32, #tpu.memory_space<vmem>> -> memref<1x1x32x137xf32, #tpu.memory_space<vmem>>
        %scatter3A_890 = tpu.memref_squeeze %scatter3A_889 : memref<1x1x32x137xf32, #tpu.memory_space<vmem>> -> memref<32x137xf32, #tpu.memory_space<vmem>>
        tpu.vector_store_idx %scatter3A_890[%iota3A, %broadcast_in_dim3A_886], %get3A_880 : memref<32x137xf32, #tpu.memory_space<vmem>>[vector<16xi32>, vector<16xi32>], vector<16xf32>,
        %scatter3A_891 = arith.constant 0 : i32
        %scatter3A_892 = arith.constant 0 : i32
        %scatter3A_893 = tpu.memref_slice %arg8[%scan3A_438, %scan3A_439, %scatter3A_891, %scatter3A_892] : memref<4x1x32x137xf32, #tpu.memory_space<vmem>> -> memref<1x1x32x137xf32, #tpu.memory_space<vmem>>
        %scatter3A_894 = tpu.memref_squeeze %scatter3A_893 : memref<1x1x32x137xf32, #tpu.memory_space<vmem>> -> memref<32x137xf32, #tpu.memory_space<vmem>>
        tpu.vector_store_idx %scatter3A_894[%add3A_436, %broadcast_in_dim3A_886], %get3A_885 : memref<32x137xf32, #tpu.memory_space<vmem>>[vector<16xi32>, vector<16xi32>], vector<16xf32>,
        %mul3A_895 = arith.constant 16 : i32
        %mul3A_896 = arith.muli %scan3A_712, %mul3A_895 : i32
        %add3A_897 = arith.constant 8 : i32
        %add3A_898 = arith.addi %mul3A_896, %add3A_897 : i32
        %get3A_899 = arith.constant 0 : i32
        %get3A_900 = arith.index_cast %get3A_899 : i32 to index
        %get3A_901 = arith.index_cast %add3A_898 : i32 to index
        %get3A_902 = arith.constant 0 : index
        %get3A_903 = tpu.vector_load %arg7[%get3A_900, %get3A_901, %get3A_902] {strides = array<i32>} : memref<4x128x32xf32, #tpu.memory_space<vmem>>, vector<16xf32>,
        %get3A_904 = arith.constant 0 : i32
        %get3A_905 = arith.index_cast %get3A_904 : i32 to index
        %get3A_906 = arith.index_cast %add3A_898 : i32 to index
        %get3A_907 = arith.constant 16 : index
        %get3A_908 = tpu.vector_load %arg7[%get3A_905, %get3A_906, %get3A_907] {strides = array<i32>} : memref<4x128x32xf32, #tpu.memory_space<vmem>>, vector<16xf32>,
        %broadcast_in_dim3A_909 = vector.broadcast %add3A_898 : i32 to vector<16xi32>
        %scatter3A_910 = arith.constant 0 : i32
        %scatter3A_911 = arith.constant 0 : i32
        %scatter3A_912 = tpu.memref_slice %arg8[%scan3A_438, %scan3A_439, %scatter3A_910, %scatter3A_911] : memref<4x1x32x137xf32, #tpu.memory_space<vmem>> -> memref<1x1x32x137xf32, #tpu.memory_space<vmem>>
        %scatter3A_913 = tpu.memref_squeeze %scatter3A_912 : memref<1x1x32x137xf32, #tpu.memory_space<vmem>> -> memref<32x137xf32, #tpu.memory_space<vmem>>
        tpu.vector_store_idx %scatter3A_913[%iota3A, %broadcast_in_dim3A_909], %get3A_903 : memref<32x137xf32, #tpu.memory_space<vmem>>[vector<16xi32>, vector<16xi32>], vector<16xf32>,
        %scatter3A_914 = arith.constant 0 : i32
        %scatter3A_915 = arith.constant 0 : i32
        %scatter3A_916 = tpu.memref_slice %arg8[%scan3A_438, %scan3A_439, %scatter3A_914, %scatter3A_915] : memref<4x1x32x137xf32, #tpu.memory_space<vmem>> -> memref<1x1x32x137xf32, #tpu.memory_space<vmem>>
        %scatter3A_917 = tpu.memref_squeeze %scatter3A_916 : memref<1x1x32x137xf32, #tpu.memory_space<vmem>> -> memref<32x137xf32, #tpu.memory_space<vmem>>
        tpu.vector_store_idx %scatter3A_917[%add3A_436, %broadcast_in_dim3A_909], %get3A_908 : memref<32x137xf32, #tpu.memory_space<vmem>>[vector<16xi32>, vector<16xi32>], vector<16xf32>,
        %mul3A_918 = arith.constant 16 : i32
        %mul3A_919 = arith.muli %scan3A_712, %mul3A_918 : i32
        %add3A_920 = arith.constant 9 : i32
        %add3A_921 = arith.addi %mul3A_919, %add3A_920 : i32
        %get3A_922 = arith.constant 0 : i32
        %get3A_923 = arith.index_cast %get3A_922 : i32 to index
        %get3A_924 = arith.index_cast %add3A_921 : i32 to index
        %get3A_925 = arith.constant 0 : index
        %get3A_926 = tpu.vector_load %arg7[%get3A_923, %get3A_924, %get3A_925] {strides = array<i32>} : memref<4x128x32xf32, #tpu.memory_space<vmem>>, vector<16xf32>,
        %get3A_927 = arith.constant 0 : i32
        %get3A_928 = arith.index_cast %get3A_927 : i32 to index
        %get3A_929 = arith.index_cast %add3A_921 : i32 to index
        %get3A_930 = arith.constant 16 : index
        %get3A_931 = tpu.vector_load %arg7[%get3A_928, %get3A_929, %get3A_930] {strides = array<i32>} : memref<4x128x32xf32, #tpu.memory_space<vmem>>, vector<16xf32>,
        %broadcast_in_dim3A_932 = vector.broadcast %add3A_921 : i32 to vector<16xi32>
        %scatter3A_933 = arith.constant 0 : i32
        %scatter3A_934 = arith.constant 0 : i32
        %scatter3A_935 = tpu.memref_slice %arg8[%scan3A_438, %scan3A_439, %scatter3A_933, %scatter3A_934] : memref<4x1x32x137xf32, #tpu.memory_space<vmem>> -> memref<1x1x32x137xf32, #tpu.memory_space<vmem>>
        %scatter3A_936 = tpu.memref_squeeze %scatter3A_935 : memref<1x1x32x137xf32, #tpu.memory_space<vmem>> -> memref<32x137xf32, #tpu.memory_space<vmem>>
        tpu.vector_store_idx %scatter3A_936[%iota3A, %broadcast_in_dim3A_932], %get3A_926 : memref<32x137xf32, #tpu.memory_space<vmem>>[vector<16xi32>, vector<16xi32>], vector<16xf32>,
        %scatter3A_937 = arith.constant 0 : i32
        %scatter3A_938 = arith.constant 0 : i32
        %scatter3A_939 = tpu.memref_slice %arg8[%scan3A_438, %scan3A_439, %scatter3A_937, %scatter3A_938] : memref<4x1x32x137xf32, #tpu.memory_space<vmem>> -> memref<1x1x32x137xf32, #tpu.memory_space<vmem>>
        %scatter3A_940 = tpu.memref_squeeze %scatter3A_939 : memref<1x1x32x137xf32, #tpu.memory_space<vmem>> -> memref<32x137xf32, #tpu.memory_space<vmem>>
        tpu.vector_store_idx %scatter3A_940[%add3A_436, %broadcast_in_dim3A_932], %get3A_931 : memref<32x137xf32, #tpu.memory_space<vmem>>[vector<16xi32>, vector<16xi32>], vector<16xf32>,
        %mul3A_941 = arith.constant 16 : i32
        %mul3A_942 = arith.muli %scan3A_712, %mul3A_941 : i32
        %add3A_943 = arith.constant 10 : i32
        %add3A_944 = arith.addi %mul3A_942, %add3A_943 : i32
        %get3A_945 = arith.constant 0 : i32
        %get3A_946 = arith.index_cast %get3A_945 : i32 to index
        %get3A_947 = arith.index_cast %add3A_944 : i32 to index
        %get3A_948 = arith.constant 0 : index
        %get3A_949 = tpu.vector_load %arg7[%get3A_946, %get3A_947, %get3A_948] {strides = array<i32>} : memref<4x128x32xf32, #tpu.memory_space<vmem>>, vector<16xf32>,
        %get3A_950 = arith.constant 0 : i32
        %get3A_951 = arith.index_cast %get3A_950 : i32 to index
        %get3A_952 = arith.index_cast %add3A_944 : i32 to index
        %get3A_953 = arith.constant 16 : index
        %get3A_954 = tpu.vector_load %arg7[%get3A_951, %get3A_952, %get3A_953] {strides = array<i32>} : memref<4x128x32xf32, #tpu.memory_space<vmem>>, vector<16xf32>,
        %broadcast_in_dim3A_955 = vector.broadcast %add3A_944 : i32 to vector<16xi32>
        %scatter3A_956 = arith.constant 0 : i32
        %scatter3A_957 = arith.constant 0 : i32
        %scatter3A_958 = tpu.memref_slice %arg8[%scan3A_438, %scan3A_439, %scatter3A_956, %scatter3A_957] : memref<4x1x32x137xf32, #tpu.memory_space<vmem>> -> memref<1x1x32x137xf32, #tpu.memory_space<vmem>>
        %scatter3A_959 = tpu.memref_squeeze %scatter3A_958 : memref<1x1x32x137xf32, #tpu.memory_space<vmem>> -> memref<32x137xf32, #tpu.memory_space<vmem>>
        tpu.vector_store_idx %scatter3A_959[%iota3A, %broadcast_in_dim3A_955], %get3A_949 : memref<32x137xf32, #tpu.memory_space<vmem>>[vector<16xi32>, vector<16xi32>], vector<16xf32>,
        %scatter3A_960 = arith.constant 0 : i32
        %scatter3A_961 = arith.constant 0 : i32
        %scatter3A_962 = tpu.memref_slice %arg8[%scan3A_438, %scan3A_439, %scatter3A_960, %scatter3A_961] : memref<4x1x32x137xf32, #tpu.memory_space<vmem>> -> memref<1x1x32x137xf32, #tpu.memory_space<vmem>>
        %scatter3A_963 = tpu.memref_squeeze %scatter3A_962 : memref<1x1x32x137xf32, #tpu.memory_space<vmem>> -> memref<32x137xf32, #tpu.memory_space<vmem>>
        tpu.vector_store_idx %scatter3A_963[%add3A_436, %broadcast_in_dim3A_955], %get3A_954 : memref<32x137xf32, #tpu.memory_space<vmem>>[vector<16xi32>, vector<16xi32>], vector<16xf32>,
        %mul3A_964 = arith.constant 16 : i32
        %mul3A_965 = arith.muli %scan3A_712, %mul3A_964 : i32
        %add3A_966 = arith.constant 11 : i32
        %add3A_967 = arith.addi %mul3A_965, %add3A_966 : i32
        %get3A_968 = arith.constant 0 : i32
        %get3A_969 = arith.index_cast %get3A_968 : i32 to index
        %get3A_970 = arith.index_cast %add3A_967 : i32 to index
        %get3A_971 = arith.constant 0 : index
        %get3A_972 = tpu.vector_load %arg7[%get3A_969, %get3A_970, %get3A_971] {strides = array<i32>} : memref<4x128x32xf32, #tpu.memory_space<vmem>>, vector<16xf32>,
        %get3A_973 = arith.constant 0 : i32
        %get3A_974 = arith.index_cast %get3A_973 : i32 to index
        %get3A_975 = arith.index_cast %add3A_967 : i32 to index
        %get3A_976 = arith.constant 16 : index
        %get3A_977 = tpu.vector_load %arg7[%get3A_974, %get3A_975, %get3A_976] {strides = array<i32>} : memref<4x128x32xf32, #tpu.memory_space<vmem>>, vector<16xf32>,
        %broadcast_in_dim3A_978 = vector.broadcast %add3A_967 : i32 to vector<16xi32>
        %scatter3A_979 = arith.constant 0 : i32
        %scatter3A_980 = arith.constant 0 : i32
        %scatter3A_981 = tpu.memref_slice %arg8[%scan3A_438, %scan3A_439, %scatter3A_979, %scatter3A_980] : memref<4x1x32x137xf32, #tpu.memory_space<vmem>> -> memref<1x1x32x137xf32, #tpu.memory_space<vmem>>
        %scatter3A_982 = tpu.memref_squeeze %scatter3A_981 : memref<1x1x32x137xf32, #tpu.memory_space<vmem>> -> memref<32x137xf32, #tpu.memory_space<vmem>>
        tpu.vector_store_idx %scatter3A_982[%iota3A, %broadcast_in_dim3A_978], %get3A_972 : memref<32x137xf32, #tpu.memory_space<vmem>>[vector<16xi32>, vector<16xi32>], vector<16xf32>,
        %scatter3A_983 = arith.constant 0 : i32
        %scatter3A_984 = arith.constant 0 : i32
        %scatter3A_985 = tpu.memref_slice %arg8[%scan3A_438, %scan3A_439, %scatter3A_983, %scatter3A_984] : memref<4x1x32x137xf32, #tpu.memory_space<vmem>> -> memref<1x1x32x137xf32, #tpu.memory_space<vmem>>
        %scatter3A_986 = tpu.memref_squeeze %scatter3A_985 : memref<1x1x32x137xf32, #tpu.memory_space<vmem>> -> memref<32x137xf32, #tpu.memory_space<vmem>>
        tpu.vector_store_idx %scatter3A_986[%add3A_436, %broadcast_in_dim3A_978], %get3A_977 : memref<32x137xf32, #tpu.memory_space<vmem>>[vector<16xi32>, vector<16xi32>], vector<16xf32>,
        %mul3A_987 = arith.constant 16 : i32
        %mul3A_988 = arith.muli %scan3A_712, %mul3A_987 : i32
        %add3A_989 = arith.constant 12 : i32
        %add3A_990 = arith.addi %mul3A_988, %add3A_989 : i32
        %get3A_991 = arith.constant 0 : i32
        %get3A_992 = arith.index_cast %get3A_991 : i32 to index
        %get3A_993 = arith.index_cast %add3A_990 : i32 to index
        %get3A_994 = arith.constant 0 : index
        %get3A_995 = tpu.vector_load %arg7[%get3A_992, %get3A_993, %get3A_994] {strides = array<i32>} : memref<4x128x32xf32, #tpu.memory_space<vmem>>, vector<16xf32>,
        %get3A_996 = arith.constant 0 : i32
        %get3A_997 = arith.index_cast %get3A_996 : i32 to index
        %get3A_998 = arith.index_cast %add3A_990 : i32 to index
        %get3A_999 = arith.constant 16 : index
        %get3A_1000 = tpu.vector_load %arg7[%get3A_997, %get3A_998, %get3A_999] {strides = array<i32>} : memref<4x128x32xf32, #tpu.memory_space<vmem>>, vector<16xf32>,
        %broadcast_in_dim3A_1001 = vector.broadcast %add3A_990 : i32 to vector<16xi32>
        %scatter3A_1002 = arith.constant 0 : i32
        %scatter3A_1003 = arith.constant 0 : i32
        %scatter3A_1004 = tpu.memref_slice %arg8[%scan3A_438, %scan3A_439, %scatter3A_1002, %scatter3A_1003] : memref<4x1x32x137xf32, #tpu.memory_space<vmem>> -> memref<1x1x32x137xf32, #tpu.memory_space<vmem>>
        %scatter3A_1005 = tpu.memref_squeeze %scatter3A_1004 : memref<1x1x32x137xf32, #tpu.memory_space<vmem>> -> memref<32x137xf32, #tpu.memory_space<vmem>>
        tpu.vector_store_idx %scatter3A_1005[%iota3A, %broadcast_in_dim3A_1001], %get3A_995 : memref<32x137xf32, #tpu.memory_space<vmem>>[vector<16xi32>, vector<16xi32>], vector<16xf32>,
        %scatter3A_1006 = arith.constant 0 : i32
        %scatter3A_1007 = arith.constant 0 : i32
        %scatter3A_1008 = tpu.memref_slice %arg8[%scan3A_438, %scan3A_439, %scatter3A_1006, %scatter3A_1007] : memref<4x1x32x137xf32, #tpu.memory_space<vmem>> -> memref<1x1x32x137xf32, #tpu.memory_space<vmem>>
        %scatter3A_1009 = tpu.memref_squeeze %scatter3A_1008 : memref<1x1x32x137xf32, #tpu.memory_space<vmem>> -> memref<32x137xf32, #tpu.memory_space<vmem>>
        tpu.vector_store_idx %scatter3A_1009[%add3A_436, %broadcast_in_dim3A_1001], %get3A_1000 : memref<32x137xf32, #tpu.memory_space<vmem>>[vector<16xi32>, vector<16xi32>], vector<16xf32>,
        %mul3A_1010 = arith.constant 16 : i32
        %mul3A_1011 = arith.muli %scan3A_712, %mul3A_1010 : i32
        %add3A_1012 = arith.constant 13 : i32
        %add3A_1013 = arith.addi %mul3A_1011, %add3A_1012 : i32
        %get3A_1014 = arith.constant 0 : i32
        %get3A_1015 = arith.index_cast %get3A_1014 : i32 to index
        %get3A_1016 = arith.index_cast %add3A_1013 : i32 to index
        %get3A_1017 = arith.constant 0 : index
        %get3A_1018 = tpu.vector_load %arg7[%get3A_1015, %get3A_1016, %get3A_1017] {strides = array<i32>} : memref<4x128x32xf32, #tpu.memory_space<vmem>>, vector<16xf32>,
        %get3A_1019 = arith.constant 0 : i32
        %get3A_1020 = arith.index_cast %get3A_1019 : i32 to index
        %get3A_1021 = arith.index_cast %add3A_1013 : i32 to index
        %get3A_1022 = arith.constant 16 : index
        %get3A_1023 = tpu.vector_load %arg7[%get3A_1020, %get3A_1021, %get3A_1022] {strides = array<i32>} : memref<4x128x32xf32, #tpu.memory_space<vmem>>, vector<16xf32>,
        %broadcast_in_dim3A_1024 = vector.broadcast %add3A_1013 : i32 to vector<16xi32>
        %scatter3A_1025 = arith.constant 0 : i32
        %scatter3A_1026 = arith.constant 0 : i32
        %scatter3A_1027 = tpu.memref_slice %arg8[%scan3A_438, %scan3A_439, %scatter3A_1025, %scatter3A_1026] : memref<4x1x32x137xf32, #tpu.memory_space<vmem>> -> memref<1x1x32x137xf32, #tpu.memory_space<vmem>>
        %scatter3A_1028 = tpu.memref_squeeze %scatter3A_1027 : memref<1x1x32x137xf32, #tpu.memory_space<vmem>> -> memref<32x137xf32, #tpu.memory_space<vmem>>
        tpu.vector_store_idx %scatter3A_1028[%iota3A, %broadcast_in_dim3A_1024], %get3A_1018 : memref<32x137xf32, #tpu.memory_space<vmem>>[vector<16xi32>, vector<16xi32>], vector<16xf32>,
        %scatter3A_1029 = arith.constant 0 : i32
        %scatter3A_1030 = arith.constant 0 : i32
        %scatter3A_1031 = tpu.memref_slice %arg8[%scan3A_438, %scan3A_439, %scatter3A_1029, %scatter3A_1030] : memref<4x1x32x137xf32, #tpu.memory_space<vmem>> -> memref<1x1x32x137xf32, #tpu.memory_space<vmem>>
        %scatter3A_1032 = tpu.memref_squeeze %scatter3A_1031 : memref<1x1x32x137xf32, #tpu.memory_space<vmem>> -> memref<32x137xf32, #tpu.memory_space<vmem>>
        tpu.vector_store_idx %scatter3A_1032[%add3A_436, %broadcast_in_dim3A_1024], %get3A_1023 : memref<32x137xf32, #tpu.memory_space<vmem>>[vector<16xi32>, vector<16xi32>], vector<16xf32>,
        %mul3A_1033 = arith.constant 16 : i32
        %mul3A_1034 = arith.muli %scan3A_712, %mul3A_1033 : i32
        %add3A_1035 = arith.constant 14 : i32
        %add3A_1036 = arith.addi %mul3A_1034, %add3A_1035 : i32
        %get3A_1037 = arith.constant 0 : i32
        %get3A_1038 = arith.index_cast %get3A_1037 : i32 to index
        %get3A_1039 = arith.index_cast %add3A_1036 : i32 to index
        %get3A_1040 = arith.constant 0 : index
        %get3A_1041 = tpu.vector_load %arg7[%get3A_1038, %get3A_1039, %get3A_1040] {strides = array<i32>} : memref<4x128x32xf32, #tpu.memory_space<vmem>>, vector<16xf32>,
        %get3A_1042 = arith.constant 0 : i32
        %get3A_1043 = arith.index_cast %get3A_1042 : i32 to index
        %get3A_1044 = arith.index_cast %add3A_1036 : i32 to index
        %get3A_1045 = arith.constant 16 : index
        %get3A_1046 = tpu.vector_load %arg7[%get3A_1043, %get3A_1044, %get3A_1045] {strides = array<i32>} : memref<4x128x32xf32, #tpu.memory_space<vmem>>, vector<16xf32>,
        %broadcast_in_dim3A_1047 = vector.broadcast %add3A_1036 : i32 to vector<16xi32>
        %scatter3A_1048 = arith.constant 0 : i32
        %scatter3A_1049 = arith.constant 0 : i32
        %scatter3A_1050 = tpu.memref_slice %arg8[%scan3A_438, %scan3A_439, %scatter3A_1048, %scatter3A_1049] : memref<4x1x32x137xf32, #tpu.memory_space<vmem>> -> memref<1x1x32x137xf32, #tpu.memory_space<vmem>>
        %scatter3A_1051 = tpu.memref_squeeze %scatter3A_1050 : memref<1x1x32x137xf32, #tpu.memory_space<vmem>> -> memref<32x137xf32, #tpu.memory_space<vmem>>
        tpu.vector_store_idx %scatter3A_1051[%iota3A, %broadcast_in_dim3A_1047], %get3A_1041 : memref<32x137xf32, #tpu.memory_space<vmem>>[vector<16xi32>, vector<16xi32>], vector<16xf32>,
        %scatter3A_1052 = arith.constant 0 : i32
        %scatter3A_1053 = arith.constant 0 : i32
        %scatter3A_1054 = tpu.memref_slice %arg8[%scan3A_438, %scan3A_439, %scatter3A_1052, %scatter3A_1053] : memref<4x1x32x137xf32, #tpu.memory_space<vmem>> -> memref<1x1x32x137xf32, #tpu.memory_space<vmem>>
        %scatter3A_1055 = tpu.memref_squeeze %scatter3A_1054 : memref<1x1x32x137xf32, #tpu.memory_space<vmem>> -> memref<32x137xf32, #tpu.memory_space<vmem>>
        tpu.vector_store_idx %scatter3A_1055[%add3A_436, %broadcast_in_dim3A_1047], %get3A_1046 : memref<32x137xf32, #tpu.memory_space<vmem>>[vector<16xi32>, vector<16xi32>], vector<16xf32>,
        %mul3A_1056 = arith.constant 16 : i32
        %mul3A_1057 = arith.muli %scan3A_712, %mul3A_1056 : i32
        %add3A_1058 = arith.constant 15 : i32
        %add3A_1059 = arith.addi %mul3A_1057, %add3A_1058 : i32
        %get3A_1060 = arith.constant 0 : i32
        %get3A_1061 = arith.index_cast %get3A_1060 : i32 to index
        %get3A_1062 = arith.index_cast %add3A_1059 : i32 to index
        %get3A_1063 = arith.constant 0 : index
        %get3A_1064 = tpu.vector_load %arg7[%get3A_1061, %get3A_1062, %get3A_1063] {strides = array<i32>} : memref<4x128x32xf32, #tpu.memory_space<vmem>>, vector<16xf32>,
        %get3A_1065 = arith.constant 0 : i32
        %get3A_1066 = arith.index_cast %get3A_1065 : i32 to index
        %get3A_1067 = arith.index_cast %add3A_1059 : i32 to index
        %get3A_1068 = arith.constant 16 : index
        %get3A_1069 = tpu.vector_load %arg7[%get3A_1066, %get3A_1067, %get3A_1068] {strides = array<i32>} : memref<4x128x32xf32, #tpu.memory_space<vmem>>, vector<16xf32>,
        %broadcast_in_dim3A_1070 = vector.broadcast %add3A_1059 : i32 to vector<16xi32>
        %scatter3A_1071 = arith.constant 0 : i32
        %scatter3A_1072 = arith.constant 0 : i32
        %scatter3A_1073 = tpu.memref_slice %arg8[%scan3A_438, %scan3A_439, %scatter3A_1071, %scatter3A_1072] : memref<4x1x32x137xf32, #tpu.memory_space<vmem>> -> memref<1x1x32x137xf32, #tpu.memory_space<vmem>>
        %scatter3A_1074 = tpu.memref_squeeze %scatter3A_1073 : memref<1x1x32x137xf32, #tpu.memory_space<vmem>> -> memref<32x137xf32, #tpu.memory_space<vmem>>
        tpu.vector_store_idx %scatter3A_1074[%iota3A, %broadcast_in_dim3A_1070], %get3A_1064 : memref<32x137xf32, #tpu.memory_space<vmem>>[vector<16xi32>, vector<16xi32>], vector<16xf32>,
        %scatter3A_1075 = arith.constant 0 : i32
        %scatter3A_1076 = arith.constant 0 : i32
        %scatter3A_1077 = tpu.memref_slice %arg8[%scan3A_438, %scan3A_439, %scatter3A_1075, %scatter3A_1076] : memref<4x1x32x137xf32, #tpu.memory_space<vmem>> -> memref<1x1x32x137xf32, #tpu.memory_space<vmem>>
        %scatter3A_1078 = tpu.memref_squeeze %scatter3A_1077 : memref<1x1x32x137xf32, #tpu.memory_space<vmem>> -> memref<32x137xf32, #tpu.memory_space<vmem>>
        tpu.vector_store_idx %scatter3A_1078[%add3A_436, %broadcast_in_dim3A_1070], %get3A_1069 : memref<32x137xf32, #tpu.memory_space<vmem>>[vector<16xi32>, vector<16xi32>], vector<16xf32>,
      }
      %scan3A_444 = arith.constant 8 : i32
      %mul3A_445 = arith.constant 32 : i32
      %mul3A_446 = arith.muli %scan3A_413, %mul3A_445 : i32
      %mul3A_447 = arith.constant 128 : i32
      %mul3A_448 = arith.muli %scan3A_414, %mul3A_447 : i32
      %add3A_449 = arith.addi %mul3A_2, %mul3A_448 : i32
      %dma_start3A_450 = arith.constant 0 : i32
      %dma_start3A_451 = arith.constant 0 : i32
      %dma_start3A_452 = arith.constant 0 : i32
      %dma_start3A_453 = arith.constant 0 : i32
      %dma_start3A_454 = tpu.memref_slice %arg8[%dma_start3A_450, %dma_start3A_451, %dma_start3A_452, %dma_start3A_453] : memref<4x1x32x137xf32, #tpu.memory_space<vmem>> -> memref<1x1x32x128xf32, #tpu.memory_space<vmem>>
      %dma_start3A_455 = tpu.memref_squeeze %dma_start3A_454 : memref<1x1x32x128xf32, #tpu.memory_space<vmem>> -> memref<32x128xf32, #tpu.memory_space<vmem>>
      %dma_start3A_456 = tpu.memref_slice %arg4[%mul3A_446, %add3A_449] : memref<1600x16384xf32, #tpu.memory_space<hbm>> -> memref<32x128xf32, #tpu.memory_space<hbm>>
      %dma_start3A_457 = tpu.memref_slice %arg4[%mul3A_446, %add3A_449] : memref<1600x16384xf32, #tpu.memory_space<hbm>> -> memref<32x128xf32, #tpu.memory_space<hbm>>
      %dma_start3A_458 = arith.constant 0 : i32
      %dma_start3A_459 = arith.constant 0 : i32
      %dma_start3A_460 = tpu.memref_slice %arg8[%dma_start3A_450, %dma_start3A_451, %dma_start3A_458, %dma_start3A_459] : memref<4x1x32x137xf32, #tpu.memory_space<vmem>> -> memref<1x1x32x128xf32, #tpu.memory_space<vmem>>
      %dma_start3A_461 = tpu.memref_squeeze %dma_start3A_460 : memref<1x1x32x128xf32, #tpu.memory_space<vmem>> -> memref<32x128xf32, #tpu.memory_space<vmem>>
      tpu.enqueue_dma source(%dma_start3A_461 : memref<32x128xf32, #tpu.memory_space<vmem>>) target(%dma_start3A_457 : memref<32x128xf32, #tpu.memory_space<hbm>>) target_semaphore(%arg13 : memref<!tpu.dma_semaphore, #tpu.memory_space<semaphore_mem>>)
      %lt3A = arith.constant 4 : i32
      %lt3A_462 = arith.cmpi slt, %scan3A_416, %lt3A : i32
      %convert_element_type3A_463 = arith.extui %lt3A_462 : i1 to i32
      %cond3A_464 = arith.constant 0 : i32
      %cond3A_465 = arith.cmpi ne, %convert_element_type3A_463, %cond3A_464 : i32
      scf.if %cond3A_465 {
        %mul3A_712 = arith.constant 50 : i32
        %mul3A_713 = arith.muli %scan3A_416, %mul3A_712 : i32
        %add3A_714 = arith.addi %mul3A_713, %scan3A_415 : i32
        %get3A_715 = arith.index_cast %add3A_714 : i32 to index
        %get3A_716 = arith.constant 0 : index
        %get3A_717 = tpu.vector_load %arg5[%get3A_715, %get3A_716] {strides = array<i32>} : memref<200x128xi32, #tpu.memory_space<vmem>>, vector<16xi32>,
        %swap3A_718 = arith.constant 0 : i32
        %swap3A_719 = arith.index_cast %swap3A_718 : i32 to index
        %swap3A_720 = arith.constant 0 : index
        %swap3A_721 = tpu.vector_load %arg6[%swap3A_719, %swap3A_720] {strides = array<i32>} : memref<4x128xi32, #tpu.memory_space<vmem>>, vector<16xi32>,
        tpu.vector_store %arg6[%swap3A_719, %swap3A_720], %get3A_717 {strides = array<i32>} : memref<4x128xi32, #tpu.memory_space<vmem>>, vector<16xi32>,
        %mul3A_722 = arith.constant 50 : i32
        %mul3A_723 = arith.muli %scan3A_416, %mul3A_722 : i32
        %add3A_724 = arith.addi %mul3A_723, %scan3A_415 : i32
        %get3A_725 = arith.index_cast %add3A_724 : i32 to index
        %get3A_726 = arith.constant 16 : index
        %get3A_727 = tpu.vector_load %arg5[%get3A_725, %get3A_726] {strides = array<i32>} : memref<200x128xi32, #tpu.memory_space<vmem>>, vector<16xi32>,
        %swap3A_728 = arith.constant 0 : i32
        %swap3A_729 = arith.index_cast %swap3A_728 : i32 to index
        %swap3A_730 = arith.constant 16 : index
        %swap3A_731 = tpu.vector_load %arg6[%swap3A_729, %swap3A_730] {strides = array<i32>} : memref<4x128xi32, #tpu.memory_space<vmem>>, vector<16xi32>,
        tpu.vector_store %arg6[%swap3A_729, %swap3A_730], %get3A_727 {strides = array<i32>} : memref<4x128xi32, #tpu.memory_space<vmem>>, vector<16xi32>,
        %mul3A_732 = arith.constant 50 : i32
        %mul3A_733 = arith.muli %scan3A_416, %mul3A_732 : i32
        %add3A_734 = arith.addi %mul3A_733, %scan3A_415 : i32
        %get3A_735 = arith.index_cast %add3A_734 : i32 to index
        %get3A_736 = arith.constant 32 : index
        %get3A_737 = tpu.vector_load %arg5[%get3A_735, %get3A_736] {strides = array<i32>} : memref<200x128xi32, #tpu.memory_space<vmem>>, vector<16xi32>,
        %swap3A_738 = arith.constant 0 : i32
        %swap3A_739 = arith.index_cast %swap3A_738 : i32 to index
        %swap3A_740 = arith.constant 32 : index
        %swap3A_741 = tpu.vector_load %arg6[%swap3A_739, %swap3A_740] {strides = array<i32>} : memref<4x128xi32, #tpu.memory_space<vmem>>, vector<16xi32>,
        tpu.vector_store %arg6[%swap3A_739, %swap3A_740], %get3A_737 {strides = array<i32>} : memref<4x128xi32, #tpu.memory_space<vmem>>, vector<16xi32>,
        %mul3A_742 = arith.constant 50 : i32
        %mul3A_743 = arith.muli %scan3A_416, %mul3A_742 : i32
        %add3A_744 = arith.addi %mul3A_743, %scan3A_415 : i32
        %get3A_745 = arith.index_cast %add3A_744 : i32 to index
        %get3A_746 = arith.constant 48 : index
        %get3A_747 = tpu.vector_load %arg5[%get3A_745, %get3A_746] {strides = array<i32>} : memref<200x128xi32, #tpu.memory_space<vmem>>, vector<16xi32>,
        %swap3A_748 = arith.constant 0 : i32
        %swap3A_749 = arith.index_cast %swap3A_748 : i32 to index
        %swap3A_750 = arith.constant 48 : index
        %swap3A_751 = tpu.vector_load %arg6[%swap3A_749, %swap3A_750] {strides = array<i32>} : memref<4x128xi32, #tpu.memory_space<vmem>>, vector<16xi32>,
        tpu.vector_store %arg6[%swap3A_749, %swap3A_750], %get3A_747 {strides = array<i32>} : memref<4x128xi32, #tpu.memory_space<vmem>>, vector<16xi32>,
        %mul3A_752 = arith.constant 50 : i32
        %mul3A_753 = arith.muli %scan3A_416, %mul3A_752 : i32
        %add3A_754 = arith.addi %mul3A_753, %scan3A_415 : i32
        %get3A_755 = arith.index_cast %add3A_754 : i32 to index
        %get3A_756 = arith.constant 64 : index
        %get3A_757 = tpu.vector_load %arg5[%get3A_755, %get3A_756] {strides = array<i32>} : memref<200x128xi32, #tpu.memory_space<vmem>>, vector<16xi32>,
        %swap3A_758 = arith.constant 0 : i32
        %swap3A_759 = arith.index_cast %swap3A_758 : i32 to index
        %swap3A_760 = arith.constant 64 : index
        %swap3A_761 = tpu.vector_load %arg6[%swap3A_759, %swap3A_760] {strides = array<i32>} : memref<4x128xi32, #tpu.memory_space<vmem>>, vector<16xi32>,
        tpu.vector_store %arg6[%swap3A_759, %swap3A_760], %get3A_757 {strides = array<i32>} : memref<4x128xi32, #tpu.memory_space<vmem>>, vector<16xi32>,
        %mul3A_762 = arith.constant 50 : i32
        %mul3A_763 = arith.muli %scan3A_416, %mul3A_762 : i32
        %add3A_764 = arith.addi %mul3A_763, %scan3A_415 : i32
        %get3A_765 = arith.index_cast %add3A_764 : i32 to index
        %get3A_766 = arith.constant 80 : index
        %get3A_767 = tpu.vector_load %arg5[%get3A_765, %get3A_766] {strides = array<i32>} : memref<200x128xi32, #tpu.memory_space<vmem>>, vector<16xi32>,
        %swap3A_768 = arith.constant 0 : i32
        %swap3A_769 = arith.index_cast %swap3A_768 : i32 to index
        %swap3A_770 = arith.constant 80 : index
        %swap3A_771 = tpu.vector_load %arg6[%swap3A_769, %swap3A_770] {strides = array<i32>} : memref<4x128xi32, #tpu.memory_space<vmem>>, vector<16xi32>,
        tpu.vector_store %arg6[%swap3A_769, %swap3A_770], %get3A_767 {strides = array<i32>} : memref<4x128xi32, #tpu.memory_space<vmem>>, vector<16xi32>,
        %mul3A_772 = arith.constant 50 : i32
        %mul3A_773 = arith.muli %scan3A_416, %mul3A_772 : i32
        %add3A_774 = arith.addi %mul3A_773, %scan3A_415 : i32
        %get3A_775 = arith.index_cast %add3A_774 : i32 to index
        %get3A_776 = arith.constant 96 : index
        %get3A_777 = tpu.vector_load %arg5[%get3A_775, %get3A_776] {strides = array<i32>} : memref<200x128xi32, #tpu.memory_space<vmem>>, vector<16xi32>,
        %swap3A_778 = arith.constant 0 : i32
        %swap3A_779 = arith.index_cast %swap3A_778 : i32 to index
        %swap3A_780 = arith.constant 96 : index
        %swap3A_781 = tpu.vector_load %arg6[%swap3A_779, %swap3A_780] {strides = array<i32>} : memref<4x128xi32, #tpu.memory_space<vmem>>, vector<16xi32>,
        tpu.vector_store %arg6[%swap3A_779, %swap3A_780], %get3A_777 {strides = array<i32>} : memref<4x128xi32, #tpu.memory_space<vmem>>, vector<16xi32>,
        %mul3A_782 = arith.constant 50 : i32
        %mul3A_783 = arith.muli %scan3A_416, %mul3A_782 : i32
        %add3A_784 = arith.addi %mul3A_783, %scan3A_415 : i32
        %get3A_785 = arith.index_cast %add3A_784 : i32 to index
        %get3A_786 = arith.constant 112 : index
        %get3A_787 = tpu.vector_load %arg5[%get3A_785, %get3A_786] {strides = array<i32>} : memref<200x128xi32, #tpu.memory_space<vmem>>, vector<16xi32>,
        %swap3A_788 = arith.constant 0 : i32
        %swap3A_789 = arith.index_cast %swap3A_788 : i32 to index
        %swap3A_790 = arith.constant 112 : index
        %swap3A_791 = tpu.vector_load %arg6[%swap3A_789, %swap3A_790] {strides = array<i32>} : memref<4x128xi32, #tpu.memory_space<vmem>>, vector<16xi32>,
        tpu.vector_store %arg6[%swap3A_789, %swap3A_790], %get3A_787 {strides = array<i32>} : memref<4x128xi32, #tpu.memory_space<vmem>>, vector<16xi32>,
        %dma_start3A_792 = arith.constant 0 : i32
        %dma_start3A_793 = arith.constant 0 : i32
        %dma_start3A_794 = arith.constant 0 : i32
        %dma_start3A_795 = arith.constant 0 : i32
        %dma_start3A_796 = tpu.memref_slice %arg7[%dma_start3A_793, %dma_start3A_794, %dma_start3A_795] : memref<4x128x32xf32, #tpu.memory_space<vmem>> -> memref<1x128x32xf32, #tpu.memory_space<vmem>>
        %dma_start3A_797 = tpu.memref_squeeze %dma_start3A_796 : memref<1x128x32xf32, #tpu.memory_space<vmem>> -> memref<128x32xf32, #tpu.memory_space<vmem>>
        %dma_start3A_798 = arith.constant 0 : i32
        %dma_start3A_799 = tpu.memref_slice %arg6[%dma_start3A_792, %dma_start3A_798] : memref<4x128xi32, #tpu.memory_space<vmem>> -> memref<1x128xi32, #tpu.memory_space<vmem>>
        %dma_start3A_800 = tpu.memref_squeeze %dma_start3A_799 : memref<1x128xi32, #tpu.memory_space<vmem>> -> memref<128xi32, #tpu.memory_space<vmem>>
        %dma_start3A_801 = arith.constant 0 : i32
        %dma_start3A_802 = arith.constant 0 : i32
        %dma_start3A_803 = tpu.memref_slice %arg2[%dma_start3A_801, %dma_start3A_802] : memref<1000000x32xf32, #tpu.memory_space<hbm>> -> memref<1000000x32xf32, #tpu.memory_space<hbm>>
        tpu.enqueue_indirect_dma source(%dma_start3A_803 : memref<1000000x32xf32, #tpu.memory_space<hbm>>) target(%dma_start3A_797 : memref<128x32xf32, #tpu.memory_space<vmem>>) offsets(%dma_start3A_800 : memref<128xi32, #tpu.memory_space<vmem>>) semaphore(%arg9 : memref<!tpu.dma_semaphore, #tpu.memory_space<semaphore_mem>>)
      } else {
      }
      %eq3A_466 = arith.constant 49 : i32
      %eq3A_467 = arith.cmpi eq, %scan3A_413, %eq3A_466 : i32
      %add3A_468 = arith.constant 1 : i32
      %add3A_469 = arith.addi %scan3A_413, %add3A_468 : i32
      %jit3A_470 = arith.constant 0 : i32
      %select_n3A_471 = arith.select %eq3A_467, %jit3A_470, %add3A_469 : i32
      %convert_element_type3A_472 = arith.extui %eq3A_467 : i1 to i32
      %add3A_473 = arith.addi %scan3A_414, %convert_element_type3A_472 : i32
      %eq3A_474 = arith.constant 49 : i32
      %eq3A_475 = arith.cmpi eq, %scan3A_415, %eq3A_474 : i32
      %add3A_476 = arith.constant 1 : i32
      %add3A_477 = arith.addi %scan3A_415, %add3A_476 : i32
      %jit3A_478 = arith.constant 0 : i32
      %select_n3A_479 = arith.select %eq3A_475, %jit3A_478, %add3A_477 : i32
      %convert_element_type3A_480 = arith.extui %eq3A_475 : i1 to i32
      %add3A_481 = arith.addi %scan3A_416, %convert_element_type3A_480 : i32
      %eq3A_482 = arith.constant 49 : i32
      %eq3A_483 = arith.cmpi eq, %scan3A_417, %eq3A_482 : i32
      %add3A_484 = arith.constant 1 : i32
      %add3A_485 = arith.addi %scan3A_417, %add3A_484 : i32
      %jit3A_486 = arith.constant 0 : i32
      %select_n3A_487 = arith.select %eq3A_483, %jit3A_486, %add3A_485 : i32
      %convert_element_type3A_488 = arith.extui %eq3A_483 : i1 to i32
      %add3A_489 = arith.addi %scan3A_418, %convert_element_type3A_488 : i32
      %dma_wait3A_490 = arith.constant 1 : i32
      %dma_wait3A_491 = arith.constant 1 : i32
      %dma_wait3A_492 = arith.constant 0 : i32
      %dma_wait3A_493 = arith.constant 0 : i32
      %dma_wait3A_494 = tpu.memref_slice %arg7[%dma_wait3A_491, %dma_wait3A_492, %dma_wait3A_493] : memref<4x128x32xf32, #tpu.memory_space<vmem>> -> memref<1x128x32xf32, #tpu.memory_space<vmem>>
      %dma_wait3A_495 = tpu.memref_squeeze %dma_wait3A_494 : memref<1x128x32xf32, #tpu.memory_space<vmem>> -> memref<128x32xf32, #tpu.memory_space<vmem>>
      %dma_wait3A_496 = arith.constant 0 : i32
      %dma_wait3A_497 = tpu.memref_slice %arg6[%dma_wait3A_490, %dma_wait3A_496] : memref<4x128xi32, #tpu.memory_space<vmem>> -> memref<1x128xi32, #tpu.memory_space<vmem>>
      %dma_wait3A_498 = tpu.memref_squeeze %dma_wait3A_497 : memref<1x128xi32, #tpu.memory_space<vmem>> -> memref<128xi32, #tpu.memory_space<vmem>>
      %dma_wait3A_499 = arith.constant 0 : i32
      %dma_wait3A_500 = arith.constant 0 : i32
      %dma_wait3A_501 = tpu.memref_slice %arg2[%dma_wait3A_499, %dma_wait3A_500] : memref<1000000x32xf32, #tpu.memory_space<hbm>> -> memref<1000000x32xf32, #tpu.memory_space<hbm>>
      tpu.wait_indirect_dma semaphore(%arg10 : memref<!tpu.dma_semaphore, #tpu.memory_space<semaphore_mem>>) src(%dma_wait3A_501 : memref<1000000x32xf32, #tpu.memory_space<hbm>>) dst(%dma_wait3A_495 : memref<128x32xf32, #tpu.memory_space<vmem>>)
      %ge3A_502 = arith.constant 0 : i32
      %ge3A_503 = arith.cmpi sge, %add3A_489, %ge3A_502 : i32
      %convert_element_type3A_504 = arith.extui %ge3A_503 : i1 to i32
      %cond3A_505 = arith.constant 0 : i32
      %cond3A_506 = arith.cmpi ne, %convert_element_type3A_504, %cond3A_505 : i32
      scf.if %cond3A_506 {
        %mul3A_712 = arith.constant 32 : i32
        %mul3A_713 = arith.muli %select_n3A_487, %mul3A_712 : i32
        %mul3A_714 = arith.constant 128 : i32
        %mul3A_715 = arith.muli %add3A_489, %mul3A_714 : i32
        %add3A_716 = arith.addi %mul3A_2, %mul3A_715 : i32
        %dma_wait3A_717 = arith.constant 1 : i32
        %dma_wait3A_718 = arith.constant 0 : i32
        %dma_wait3A_719 = arith.constant 0 : i32
        %dma_wait3A_720 = arith.constant 0 : i32
        %dma_wait3A_721 = tpu.memref_slice %arg8[%dma_wait3A_717, %dma_wait3A_718, %dma_wait3A_719, %dma_wait3A_720] : memref<4x1x32x137xf32, #tpu.memory_space<vmem>> -> memref<1x1x32x128xf32, #tpu.memory_space<vmem>>
        %dma_wait3A_722 = tpu.memref_squeeze %dma_wait3A_721 : memref<1x1x32x128xf32, #tpu.memory_space<vmem>> -> memref<32x128xf32, #tpu.memory_space<vmem>>
        %dma_wait3A_723 = tpu.memref_slice %arg4[%mul3A_713, %add3A_716] : memref<1600x16384xf32, #tpu.memory_space<hbm>> -> memref<32x128xf32, #tpu.memory_space<hbm>>
        %dma_wait3A_724 = tpu.memref_slice %arg4[%mul3A_713, %add3A_716] : memref<1600x16384xf32, #tpu.memory_space<hbm>> -> memref<32x128xf32, #tpu.memory_space<hbm>>
        %dma_wait3A_725 = arith.constant 0 : i32
        %dma_wait3A_726 = arith.constant 0 : i32
        %dma_wait3A_727 = tpu.memref_slice %arg8[%dma_wait3A_717, %dma_wait3A_718, %dma_wait3A_725, %dma_wait3A_726] : memref<4x1x32x137xf32, #tpu.memory_space<vmem>> -> memref<1x1x32x128xf32, #tpu.memory_space<vmem>>
        %dma_wait3A_728 = tpu.memref_squeeze %dma_wait3A_727 : memref<1x1x32x128xf32, #tpu.memory_space<vmem>> -> memref<32x128xf32, #tpu.memory_space<vmem>>
        tpu.wait_dma2 semaphore(%arg14 : memref<!tpu.dma_semaphore, #tpu.memory_space<semaphore_mem>>) src(%dma_wait3A_728 : memref<32x128xf32, #tpu.memory_space<vmem>>) dst(%dma_wait3A_724 : memref<32x128xf32, #tpu.memory_space<hbm>>)
      } else {
      }
      %add3A_507 = arith.constant 16 : i32
      %add3A_508 = vector.broadcast %add3A_507 : i32 to vector<16xi32>
      %add3A_509 = arith.addi %iota3A, %add3A_508 : vector<16xi32>
      %scan3A_510 = arith.constant 0 : i32
      %scan3A_511 = arith.constant 1 : i32
      %scan3A_512 = arith.constant 0 : i32
      %scan3A_513 = arith.constant 0 : i32
      %scan3A_514 = arith.constant 8 : i32
      %scan3A_515 = arith.addi %scan3A_513, %scan3A_514 : i32
      %scan3A_516 = arith.constant 1 : i32
      scf.for %scan3A_712 = %scan3A_513 to %scan3A_515 step %scan3A_516  : i32 {
        %mul3A_713 = arith.constant 16 : i32
        %mul3A_714 = arith.muli %scan3A_712, %mul3A_713 : i32
        %add3A_715 = arith.constant 0 : i32
        %add3A_716 = arith.addi %mul3A_714, %add3A_715 : i32
        %get3A_717 = arith.constant 1 : i32
        %get3A_718 = arith.index_cast %get3A_717 : i32 to index
        %get3A_719 = arith.index_cast %add3A_716 : i32 to index
        %get3A_720 = arith.constant 0 : index
        %get3A_721 = tpu.vector_load %arg7[%get3A_718, %get3A_719, %get3A_720] {strides = array<i32>} : memref<4x128x32xf32, #tpu.memory_space<vmem>>, vector<16xf32>,
        %get3A_722 = arith.constant 1 : i32
        %get3A_723 = arith.index_cast %get3A_722 : i32 to index
        %get3A_724 = arith.index_cast %add3A_716 : i32 to index
        %get3A_725 = arith.constant 16 : index
        %get3A_726 = tpu.vector_load %arg7[%get3A_723, %get3A_724, %get3A_725] {strides = array<i32>} : memref<4x128x32xf32, #tpu.memory_space<vmem>>, vector<16xf32>,
        %broadcast_in_dim3A = vector.broadcast %add3A_716 : i32 to vector<16xi32>
        %scatter3A = arith.constant 0 : i32
        %scatter3A_727 = arith.constant 0 : i32
        %scatter3A_728 = tpu.memref_slice %arg8[%scan3A_511, %scan3A_512, %scatter3A, %scatter3A_727] : memref<4x1x32x137xf32, #tpu.memory_space<vmem>> -> memref<1x1x32x137xf32, #tpu.memory_space<vmem>>
        %scatter3A_729 = tpu.memref_squeeze %scatter3A_728 : memref<1x1x32x137xf32, #tpu.memory_space<vmem>> -> memref<32x137xf32, #tpu.memory_space<vmem>>
        tpu.vector_store_idx %scatter3A_729[%iota3A, %broadcast_in_dim3A], %get3A_721 : memref<32x137xf32, #tpu.memory_space<vmem>>[vector<16xi32>, vector<16xi32>], vector<16xf32>,
        %scatter3A_730 = arith.constant 0 : i32
        %scatter3A_731 = arith.constant 0 : i32
        %scatter3A_732 = tpu.memref_slice %arg8[%scan3A_511, %scan3A_512, %scatter3A_730, %scatter3A_731] : memref<4x1x32x137xf32, #tpu.memory_space<vmem>> -> memref<1x1x32x137xf32, #tpu.memory_space<vmem>>
        %scatter3A_733 = tpu.memref_squeeze %scatter3A_732 : memref<1x1x32x137xf32, #tpu.memory_space<vmem>> -> memref<32x137xf32, #tpu.memory_space<vmem>>
        tpu.vector_store_idx %scatter3A_733[%add3A_509, %broadcast_in_dim3A], %get3A_726 : memref<32x137xf32, #tpu.memory_space<vmem>>[vector<16xi32>, vector<16xi32>], vector<16xf32>,
        %mul3A_734 = arith.constant 16 : i32
        %mul3A_735 = arith.muli %scan3A_712, %mul3A_734 : i32
        %add3A_736 = arith.constant 1 : i32
        %add3A_737 = arith.addi %mul3A_735, %add3A_736 : i32
        %get3A_738 = arith.constant 1 : i32
        %get3A_739 = arith.index_cast %get3A_738 : i32 to index
        %get3A_740 = arith.index_cast %add3A_737 : i32 to index
        %get3A_741 = arith.constant 0 : index
        %get3A_742 = tpu.vector_load %arg7[%get3A_739, %get3A_740, %get3A_741] {strides = array<i32>} : memref<4x128x32xf32, #tpu.memory_space<vmem>>, vector<16xf32>,
        %get3A_743 = arith.constant 1 : i32
        %get3A_744 = arith.index_cast %get3A_743 : i32 to index
        %get3A_745 = arith.index_cast %add3A_737 : i32 to index
        %get3A_746 = arith.constant 16 : index
        %get3A_747 = tpu.vector_load %arg7[%get3A_744, %get3A_745, %get3A_746] {strides = array<i32>} : memref<4x128x32xf32, #tpu.memory_space<vmem>>, vector<16xf32>,
        %broadcast_in_dim3A_748 = vector.broadcast %add3A_737 : i32 to vector<16xi32>
        %scatter3A_749 = arith.constant 0 : i32
        %scatter3A_750 = arith.constant 0 : i32
        %scatter3A_751 = tpu.memref_slice %arg8[%scan3A_511, %scan3A_512, %scatter3A_749, %scatter3A_750] : memref<4x1x32x137xf32, #tpu.memory_space<vmem>> -> memref<1x1x32x137xf32, #tpu.memory_space<vmem>>
        %scatter3A_752 = tpu.memref_squeeze %scatter3A_751 : memref<1x1x32x137xf32, #tpu.memory_space<vmem>> -> memref<32x137xf32, #tpu.memory_space<vmem>>
        tpu.vector_store_idx %scatter3A_752[%iota3A, %broadcast_in_dim3A_748], %get3A_742 : memref<32x137xf32, #tpu.memory_space<vmem>>[vector<16xi32>, vector<16xi32>], vector<16xf32>,
        %scatter3A_753 = arith.constant 0 : i32
        %scatter3A_754 = arith.constant 0 : i32
        %scatter3A_755 = tpu.memref_slice %arg8[%scan3A_511, %scan3A_512, %scatter3A_753, %scatter3A_754] : memref<4x1x32x137xf32, #tpu.memory_space<vmem>> -> memref<1x1x32x137xf32, #tpu.memory_space<vmem>>
        %scatter3A_756 = tpu.memref_squeeze %scatter3A_755 : memref<1x1x32x137xf32, #tpu.memory_space<vmem>> -> memref<32x137xf32, #tpu.memory_space<vmem>>
        tpu.vector_store_idx %scatter3A_756[%add3A_509, %broadcast_in_dim3A_748], %get3A_747 : memref<32x137xf32, #tpu.memory_space<vmem>>[vector<16xi32>, vector<16xi32>], vector<16xf32>,
        %mul3A_757 = arith.constant 16 : i32
        %mul3A_758 = arith.muli %scan3A_712, %mul3A_757 : i32
        %add3A_759 = arith.constant 2 : i32
        %add3A_760 = arith.addi %mul3A_758, %add3A_759 : i32
        %get3A_761 = arith.constant 1 : i32
        %get3A_762 = arith.index_cast %get3A_761 : i32 to index
        %get3A_763 = arith.index_cast %add3A_760 : i32 to index
        %get3A_764 = arith.constant 0 : index
        %get3A_765 = tpu.vector_load %arg7[%get3A_762, %get3A_763, %get3A_764] {strides = array<i32>} : memref<4x128x32xf32, #tpu.memory_space<vmem>>, vector<16xf32>,
        %get3A_766 = arith.constant 1 : i32
        %get3A_767 = arith.index_cast %get3A_766 : i32 to index
        %get3A_768 = arith.index_cast %add3A_760 : i32 to index
        %get3A_769 = arith.constant 16 : index
        %get3A_770 = tpu.vector_load %arg7[%get3A_767, %get3A_768, %get3A_769] {strides = array<i32>} : memref<4x128x32xf32, #tpu.memory_space<vmem>>, vector<16xf32>,
        %broadcast_in_dim3A_771 = vector.broadcast %add3A_760 : i32 to vector<16xi32>
        %scatter3A_772 = arith.constant 0 : i32
        %scatter3A_773 = arith.constant 0 : i32
        %scatter3A_774 = tpu.memref_slice %arg8[%scan3A_511, %scan3A_512, %scatter3A_772, %scatter3A_773] : memref<4x1x32x137xf32, #tpu.memory_space<vmem>> -> memref<1x1x32x137xf32, #tpu.memory_space<vmem>>
        %scatter3A_775 = tpu.memref_squeeze %scatter3A_774 : memref<1x1x32x137xf32, #tpu.memory_space<vmem>> -> memref<32x137xf32, #tpu.memory_space<vmem>>
        tpu.vector_store_idx %scatter3A_775[%iota3A, %broadcast_in_dim3A_771], %get3A_765 : memref<32x137xf32, #tpu.memory_space<vmem>>[vector<16xi32>, vector<16xi32>], vector<16xf32>,
        %scatter3A_776 = arith.constant 0 : i32
        %scatter3A_777 = arith.constant 0 : i32
        %scatter3A_778 = tpu.memref_slice %arg8[%scan3A_511, %scan3A_512, %scatter3A_776, %scatter3A_777] : memref<4x1x32x137xf32, #tpu.memory_space<vmem>> -> memref<1x1x32x137xf32, #tpu.memory_space<vmem>>
        %scatter3A_779 = tpu.memref_squeeze %scatter3A_778 : memref<1x1x32x137xf32, #tpu.memory_space<vmem>> -> memref<32x137xf32, #tpu.memory_space<vmem>>
        tpu.vector_store_idx %scatter3A_779[%add3A_509, %broadcast_in_dim3A_771], %get3A_770 : memref<32x137xf32, #tpu.memory_space<vmem>>[vector<16xi32>, vector<16xi32>], vector<16xf32>,
        %mul3A_780 = arith.constant 16 : i32
        %mul3A_781 = arith.muli %scan3A_712, %mul3A_780 : i32
        %add3A_782 = arith.constant 3 : i32
        %add3A_783 = arith.addi %mul3A_781, %add3A_782 : i32
        %get3A_784 = arith.constant 1 : i32
        %get3A_785 = arith.index_cast %get3A_784 : i32 to index
        %get3A_786 = arith.index_cast %add3A_783 : i32 to index
        %get3A_787 = arith.constant 0 : index
        %get3A_788 = tpu.vector_load %arg7[%get3A_785, %get3A_786, %get3A_787] {strides = array<i32>} : memref<4x128x32xf32, #tpu.memory_space<vmem>>, vector<16xf32>,
        %get3A_789 = arith.constant 1 : i32
        %get3A_790 = arith.index_cast %get3A_789 : i32 to index
        %get3A_791 = arith.index_cast %add3A_783 : i32 to index
        %get3A_792 = arith.constant 16 : index
        %get3A_793 = tpu.vector_load %arg7[%get3A_790, %get3A_791, %get3A_792] {strides = array<i32>} : memref<4x128x32xf32, #tpu.memory_space<vmem>>, vector<16xf32>,
        %broadcast_in_dim3A_794 = vector.broadcast %add3A_783 : i32 to vector<16xi32>
        %scatter3A_795 = arith.constant 0 : i32
        %scatter3A_796 = arith.constant 0 : i32
        %scatter3A_797 = tpu.memref_slice %arg8[%scan3A_511, %scan3A_512, %scatter3A_795, %scatter3A_796] : memref<4x1x32x137xf32, #tpu.memory_space<vmem>> -> memref<1x1x32x137xf32, #tpu.memory_space<vmem>>
        %scatter3A_798 = tpu.memref_squeeze %scatter3A_797 : memref<1x1x32x137xf32, #tpu.memory_space<vmem>> -> memref<32x137xf32, #tpu.memory_space<vmem>>
        tpu.vector_store_idx %scatter3A_798[%iota3A, %broadcast_in_dim3A_794], %get3A_788 : memref<32x137xf32, #tpu.memory_space<vmem>>[vector<16xi32>, vector<16xi32>], vector<16xf32>,
        %scatter3A_799 = arith.constant 0 : i32
        %scatter3A_800 = arith.constant 0 : i32
        %scatter3A_801 = tpu.memref_slice %arg8[%scan3A_511, %scan3A_512, %scatter3A_799, %scatter3A_800] : memref<4x1x32x137xf32, #tpu.memory_space<vmem>> -> memref<1x1x32x137xf32, #tpu.memory_space<vmem>>
        %scatter3A_802 = tpu.memref_squeeze %scatter3A_801 : memref<1x1x32x137xf32, #tpu.memory_space<vmem>> -> memref<32x137xf32, #tpu.memory_space<vmem>>
        tpu.vector_store_idx %scatter3A_802[%add3A_509, %broadcast_in_dim3A_794], %get3A_793 : memref<32x137xf32, #tpu.memory_space<vmem>>[vector<16xi32>, vector<16xi32>], vector<16xf32>,
        %mul3A_803 = arith.constant 16 : i32
        %mul3A_804 = arith.muli %scan3A_712, %mul3A_803 : i32
        %add3A_805 = arith.constant 4 : i32
        %add3A_806 = arith.addi %mul3A_804, %add3A_805 : i32
        %get3A_807 = arith.constant 1 : i32
        %get3A_808 = arith.index_cast %get3A_807 : i32 to index
        %get3A_809 = arith.index_cast %add3A_806 : i32 to index
        %get3A_810 = arith.constant 0 : index
        %get3A_811 = tpu.vector_load %arg7[%get3A_808, %get3A_809, %get3A_810] {strides = array<i32>} : memref<4x128x32xf32, #tpu.memory_space<vmem>>, vector<16xf32>,
        %get3A_812 = arith.constant 1 : i32
        %get3A_813 = arith.index_cast %get3A_812 : i32 to index
        %get3A_814 = arith.index_cast %add3A_806 : i32 to index
        %get3A_815 = arith.constant 16 : index
        %get3A_816 = tpu.vector_load %arg7[%get3A_813, %get3A_814, %get3A_815] {strides = array<i32>} : memref<4x128x32xf32, #tpu.memory_space<vmem>>, vector<16xf32>,
        %broadcast_in_dim3A_817 = vector.broadcast %add3A_806 : i32 to vector<16xi32>
        %scatter3A_818 = arith.constant 0 : i32
        %scatter3A_819 = arith.constant 0 : i32
        %scatter3A_820 = tpu.memref_slice %arg8[%scan3A_511, %scan3A_512, %scatter3A_818, %scatter3A_819] : memref<4x1x32x137xf32, #tpu.memory_space<vmem>> -> memref<1x1x32x137xf32, #tpu.memory_space<vmem>>
        %scatter3A_821 = tpu.memref_squeeze %scatter3A_820 : memref<1x1x32x137xf32, #tpu.memory_space<vmem>> -> memref<32x137xf32, #tpu.memory_space<vmem>>
        tpu.vector_store_idx %scatter3A_821[%iota3A, %broadcast_in_dim3A_817], %get3A_811 : memref<32x137xf32, #tpu.memory_space<vmem>>[vector<16xi32>, vector<16xi32>], vector<16xf32>,
        %scatter3A_822 = arith.constant 0 : i32
        %scatter3A_823 = arith.constant 0 : i32
        %scatter3A_824 = tpu.memref_slice %arg8[%scan3A_511, %scan3A_512, %scatter3A_822, %scatter3A_823] : memref<4x1x32x137xf32, #tpu.memory_space<vmem>> -> memref<1x1x32x137xf32, #tpu.memory_space<vmem>>
        %scatter3A_825 = tpu.memref_squeeze %scatter3A_824 : memref<1x1x32x137xf32, #tpu.memory_space<vmem>> -> memref<32x137xf32, #tpu.memory_space<vmem>>
        tpu.vector_store_idx %scatter3A_825[%add3A_509, %broadcast_in_dim3A_817], %get3A_816 : memref<32x137xf32, #tpu.memory_space<vmem>>[vector<16xi32>, vector<16xi32>], vector<16xf32>,
        %mul3A_826 = arith.constant 16 : i32
        %mul3A_827 = arith.muli %scan3A_712, %mul3A_826 : i32
        %add3A_828 = arith.constant 5 : i32
        %add3A_829 = arith.addi %mul3A_827, %add3A_828 : i32
        %get3A_830 = arith.constant 1 : i32
        %get3A_831 = arith.index_cast %get3A_830 : i32 to index
        %get3A_832 = arith.index_cast %add3A_829 : i32 to index
        %get3A_833 = arith.constant 0 : index
        %get3A_834 = tpu.vector_load %arg7[%get3A_831, %get3A_832, %get3A_833] {strides = array<i32>} : memref<4x128x32xf32, #tpu.memory_space<vmem>>, vector<16xf32>,
        %get3A_835 = arith.constant 1 : i32
        %get3A_836 = arith.index_cast %get3A_835 : i32 to index
        %get3A_837 = arith.index_cast %add3A_829 : i32 to index
        %get3A_838 = arith.constant 16 : index
        %get3A_839 = tpu.vector_load %arg7[%get3A_836, %get3A_837, %get3A_838] {strides = array<i32>} : memref<4x128x32xf32, #tpu.memory_space<vmem>>, vector<16xf32>,
        %broadcast_in_dim3A_840 = vector.broadcast %add3A_829 : i32 to vector<16xi32>
        %scatter3A_841 = arith.constant 0 : i32
        %scatter3A_842 = arith.constant 0 : i32
        %scatter3A_843 = tpu.memref_slice %arg8[%scan3A_511, %scan3A_512, %scatter3A_841, %scatter3A_842] : memref<4x1x32x137xf32, #tpu.memory_space<vmem>> -> memref<1x1x32x137xf32, #tpu.memory_space<vmem>>
        %scatter3A_844 = tpu.memref_squeeze %scatter3A_843 : memref<1x1x32x137xf32, #tpu.memory_space<vmem>> -> memref<32x137xf32, #tpu.memory_space<vmem>>
        tpu.vector_store_idx %scatter3A_844[%iota3A, %broadcast_in_dim3A_840], %get3A_834 : memref<32x137xf32, #tpu.memory_space<vmem>>[vector<16xi32>, vector<16xi32>], vector<16xf32>,
        %scatter3A_845 = arith.constant 0 : i32
        %scatter3A_846 = arith.constant 0 : i32
        %scatter3A_847 = tpu.memref_slice %arg8[%scan3A_511, %scan3A_512, %scatter3A_845, %scatter3A_846] : memref<4x1x32x137xf32, #tpu.memory_space<vmem>> -> memref<1x1x32x137xf32, #tpu.memory_space<vmem>>
        %scatter3A_848 = tpu.memref_squeeze %scatter3A_847 : memref<1x1x32x137xf32, #tpu.memory_space<vmem>> -> memref<32x137xf32, #tpu.memory_space<vmem>>
        tpu.vector_store_idx %scatter3A_848[%add3A_509, %broadcast_in_dim3A_840], %get3A_839 : memref<32x137xf32, #tpu.memory_space<vmem>>[vector<16xi32>, vector<16xi32>], vector<16xf32>,
        %mul3A_849 = arith.constant 16 : i32
        %mul3A_850 = arith.muli %scan3A_712, %mul3A_849 : i32
        %add3A_851 = arith.constant 6 : i32
        %add3A_852 = arith.addi %mul3A_850, %add3A_851 : i32
        %get3A_853 = arith.constant 1 : i32
        %get3A_854 = arith.index_cast %get3A_853 : i32 to index
        %get3A_855 = arith.index_cast %add3A_852 : i32 to index
        %get3A_856 = arith.constant 0 : index
        %get3A_857 = tpu.vector_load %arg7[%get3A_854, %get3A_855, %get3A_856] {strides = array<i32>} : memref<4x128x32xf32, #tpu.memory_space<vmem>>, vector<16xf32>,
        %get3A_858 = arith.constant 1 : i32
        %get3A_859 = arith.index_cast %get3A_858 : i32 to index
        %get3A_860 = arith.index_cast %add3A_852 : i32 to index
        %get3A_861 = arith.constant 16 : index
        %get3A_862 = tpu.vector_load %arg7[%get3A_859, %get3A_860, %get3A_861] {strides = array<i32>} : memref<4x128x32xf32, #tpu.memory_space<vmem>>, vector<16xf32>,
        %broadcast_in_dim3A_863 = vector.broadcast %add3A_852 : i32 to vector<16xi32>
        %scatter3A_864 = arith.constant 0 : i32
        %scatter3A_865 = arith.constant 0 : i32
        %scatter3A_866 = tpu.memref_slice %arg8[%scan3A_511, %scan3A_512, %scatter3A_864, %scatter3A_865] : memref<4x1x32x137xf32, #tpu.memory_space<vmem>> -> memref<1x1x32x137xf32, #tpu.memory_space<vmem>>
        %scatter3A_867 = tpu.memref_squeeze %scatter3A_866 : memref<1x1x32x137xf32, #tpu.memory_space<vmem>> -> memref<32x137xf32, #tpu.memory_space<vmem>>
        tpu.vector_store_idx %scatter3A_867[%iota3A, %broadcast_in_dim3A_863], %get3A_857 : memref<32x137xf32, #tpu.memory_space<vmem>>[vector<16xi32>, vector<16xi32>], vector<16xf32>,
        %scatter3A_868 = arith.constant 0 : i32
        %scatter3A_869 = arith.constant 0 : i32
        %scatter3A_870 = tpu.memref_slice %arg8[%scan3A_511, %scan3A_512, %scatter3A_868, %scatter3A_869] : memref<4x1x32x137xf32, #tpu.memory_space<vmem>> -> memref<1x1x32x137xf32, #tpu.memory_space<vmem>>
        %scatter3A_871 = tpu.memref_squeeze %scatter3A_870 : memref<1x1x32x137xf32, #tpu.memory_space<vmem>> -> memref<32x137xf32, #tpu.memory_space<vmem>>
        tpu.vector_store_idx %scatter3A_871[%add3A_509, %broadcast_in_dim3A_863], %get3A_862 : memref<32x137xf32, #tpu.memory_space<vmem>>[vector<16xi32>, vector<16xi32>], vector<16xf32>,
        %mul3A_872 = arith.constant 16 : i32
        %mul3A_873 = arith.muli %scan3A_712, %mul3A_872 : i32
        %add3A_874 = arith.constant 7 : i32
        %add3A_875 = arith.addi %mul3A_873, %add3A_874 : i32
        %get3A_876 = arith.constant 1 : i32
        %get3A_877 = arith.index_cast %get3A_876 : i32 to index
        %get3A_878 = arith.index_cast %add3A_875 : i32 to index
        %get3A_879 = arith.constant 0 : index
        %get3A_880 = tpu.vector_load %arg7[%get3A_877, %get3A_878, %get3A_879] {strides = array<i32>} : memref<4x128x32xf32, #tpu.memory_space<vmem>>, vector<16xf32>,
        %get3A_881 = arith.constant 1 : i32
        %get3A_882 = arith.index_cast %get3A_881 : i32 to index
        %get3A_883 = arith.index_cast %add3A_875 : i32 to index
        %get3A_884 = arith.constant 16 : index
        %get3A_885 = tpu.vector_load %arg7[%get3A_882, %get3A_883, %get3A_884] {strides = array<i32>} : memref<4x128x32xf32, #tpu.memory_space<vmem>>, vector<16xf32>,
        %broadcast_in_dim3A_886 = vector.broadcast %add3A_875 : i32 to vector<16xi32>
        %scatter3A_887 = arith.constant 0 : i32
        %scatter3A_888 = arith.constant 0 : i32
        %scatter3A_889 = tpu.memref_slice %arg8[%scan3A_511, %scan3A_512, %scatter3A_887, %scatter3A_888] : memref<4x1x32x137xf32, #tpu.memory_space<vmem>> -> memref<1x1x32x137xf32, #tpu.memory_space<vmem>>
        %scatter3A_890 = tpu.memref_squeeze %scatter3A_889 : memref<1x1x32x137xf32, #tpu.memory_space<vmem>> -> memref<32x137xf32, #tpu.memory_space<vmem>>
        tpu.vector_store_idx %scatter3A_890[%iota3A, %broadcast_in_dim3A_886], %get3A_880 : memref<32x137xf32, #tpu.memory_space<vmem>>[vector<16xi32>, vector<16xi32>], vector<16xf32>,
        %scatter3A_891 = arith.constant 0 : i32
        %scatter3A_892 = arith.constant 0 : i32
        %scatter3A_893 = tpu.memref_slice %arg8[%scan3A_511, %scan3A_512, %scatter3A_891, %scatter3A_892] : memref<4x1x32x137xf32, #tpu.memory_space<vmem>> -> memref<1x1x32x137xf32, #tpu.memory_space<vmem>>
        %scatter3A_894 = tpu.memref_squeeze %scatter3A_893 : memref<1x1x32x137xf32, #tpu.memory_space<vmem>> -> memref<32x137xf32, #tpu.memory_space<vmem>>
        tpu.vector_store_idx %scatter3A_894[%add3A_509, %broadcast_in_dim3A_886], %get3A_885 : memref<32x137xf32, #tpu.memory_space<vmem>>[vector<16xi32>, vector<16xi32>], vector<16xf32>,
        %mul3A_895 = arith.constant 16 : i32
        %mul3A_896 = arith.muli %scan3A_712, %mul3A_895 : i32
        %add3A_897 = arith.constant 8 : i32
        %add3A_898 = arith.addi %mul3A_896, %add3A_897 : i32
        %get3A_899 = arith.constant 1 : i32
        %get3A_900 = arith.index_cast %get3A_899 : i32 to index
        %get3A_901 = arith.index_cast %add3A_898 : i32 to index
        %get3A_902 = arith.constant 0 : index
        %get3A_903 = tpu.vector_load %arg7[%get3A_900, %get3A_901, %get3A_902] {strides = array<i32>} : memref<4x128x32xf32, #tpu.memory_space<vmem>>, vector<16xf32>,
        %get3A_904 = arith.constant 1 : i32
        %get3A_905 = arith.index_cast %get3A_904 : i32 to index
        %get3A_906 = arith.index_cast %add3A_898 : i32 to index
        %get3A_907 = arith.constant 16 : index
        %get3A_908 = tpu.vector_load %arg7[%get3A_905, %get3A_906, %get3A_907] {strides = array<i32>} : memref<4x128x32xf32, #tpu.memory_space<vmem>>, vector<16xf32>,
        %broadcast_in_dim3A_909 = vector.broadcast %add3A_898 : i32 to vector<16xi32>
        %scatter3A_910 = arith.constant 0 : i32
        %scatter3A_911 = arith.constant 0 : i32
        %scatter3A_912 = tpu.memref_slice %arg8[%scan3A_511, %scan3A_512, %scatter3A_910, %scatter3A_911] : memref<4x1x32x137xf32, #tpu.memory_space<vmem>> -> memref<1x1x32x137xf32, #tpu.memory_space<vmem>>
        %scatter3A_913 = tpu.memref_squeeze %scatter3A_912 : memref<1x1x32x137xf32, #tpu.memory_space<vmem>> -> memref<32x137xf32, #tpu.memory_space<vmem>>
        tpu.vector_store_idx %scatter3A_913[%iota3A, %broadcast_in_dim3A_909], %get3A_903 : memref<32x137xf32, #tpu.memory_space<vmem>>[vector<16xi32>, vector<16xi32>], vector<16xf32>,
        %scatter3A_914 = arith.constant 0 : i32
        %scatter3A_915 = arith.constant 0 : i32
        %scatter3A_916 = tpu.memref_slice %arg8[%scan3A_511, %scan3A_512, %scatter3A_914, %scatter3A_915] : memref<4x1x32x137xf32, #tpu.memory_space<vmem>> -> memref<1x1x32x137xf32, #tpu.memory_space<vmem>>
        %scatter3A_917 = tpu.memref_squeeze %scatter3A_916 : memref<1x1x32x137xf32, #tpu.memory_space<vmem>> -> memref<32x137xf32, #tpu.memory_space<vmem>>
        tpu.vector_store_idx %scatter3A_917[%add3A_509, %broadcast_in_dim3A_909], %get3A_908 : memref<32x137xf32, #tpu.memory_space<vmem>>[vector<16xi32>, vector<16xi32>], vector<16xf32>,
        %mul3A_918 = arith.constant 16 : i32
        %mul3A_919 = arith.muli %scan3A_712, %mul3A_918 : i32
        %add3A_920 = arith.constant 9 : i32
        %add3A_921 = arith.addi %mul3A_919, %add3A_920 : i32
        %get3A_922 = arith.constant 1 : i32
        %get3A_923 = arith.index_cast %get3A_922 : i32 to index
        %get3A_924 = arith.index_cast %add3A_921 : i32 to index
        %get3A_925 = arith.constant 0 : index
        %get3A_926 = tpu.vector_load %arg7[%get3A_923, %get3A_924, %get3A_925] {strides = array<i32>} : memref<4x128x32xf32, #tpu.memory_space<vmem>>, vector<16xf32>,
        %get3A_927 = arith.constant 1 : i32
        %get3A_928 = arith.index_cast %get3A_927 : i32 to index
        %get3A_929 = arith.index_cast %add3A_921 : i32 to index
        %get3A_930 = arith.constant 16 : index
        %get3A_931 = tpu.vector_load %arg7[%get3A_928, %get3A_929, %get3A_930] {strides = array<i32>} : memref<4x128x32xf32, #tpu.memory_space<vmem>>, vector<16xf32>,
        %broadcast_in_dim3A_932 = vector.broadcast %add3A_921 : i32 to vector<16xi32>
        %scatter3A_933 = arith.constant 0 : i32
        %scatter3A_934 = arith.constant 0 : i32
        %scatter3A_935 = tpu.memref_slice %arg8[%scan3A_511, %scan3A_512, %scatter3A_933, %scatter3A_934] : memref<4x1x32x137xf32, #tpu.memory_space<vmem>> -> memref<1x1x32x137xf32, #tpu.memory_space<vmem>>
        %scatter3A_936 = tpu.memref_squeeze %scatter3A_935 : memref<1x1x32x137xf32, #tpu.memory_space<vmem>> -> memref<32x137xf32, #tpu.memory_space<vmem>>
        tpu.vector_store_idx %scatter3A_936[%iota3A, %broadcast_in_dim3A_932], %get3A_926 : memref<32x137xf32, #tpu.memory_space<vmem>>[vector<16xi32>, vector<16xi32>], vector<16xf32>,
        %scatter3A_937 = arith.constant 0 : i32
        %scatter3A_938 = arith.constant 0 : i32
        %scatter3A_939 = tpu.memref_slice %arg8[%scan3A_511, %scan3A_512, %scatter3A_937, %scatter3A_938] : memref<4x1x32x137xf32, #tpu.memory_space<vmem>> -> memref<1x1x32x137xf32, #tpu.memory_space<vmem>>
        %scatter3A_940 = tpu.memref_squeeze %scatter3A_939 : memref<1x1x32x137xf32, #tpu.memory_space<vmem>> -> memref<32x137xf32, #tpu.memory_space<vmem>>
        tpu.vector_store_idx %scatter3A_940[%add3A_509, %broadcast_in_dim3A_932], %get3A_931 : memref<32x137xf32, #tpu.memory_space<vmem>>[vector<16xi32>, vector<16xi32>], vector<16xf32>,
        %mul3A_941 = arith.constant 16 : i32
        %mul3A_942 = arith.muli %scan3A_712, %mul3A_941 : i32
        %add3A_943 = arith.constant 10 : i32
        %add3A_944 = arith.addi %mul3A_942, %add3A_943 : i32
        %get3A_945 = arith.constant 1 : i32
        %get3A_946 = arith.index_cast %get3A_945 : i32 to index
        %get3A_947 = arith.index_cast %add3A_944 : i32 to index
        %get3A_948 = arith.constant 0 : index
        %get3A_949 = tpu.vector_load %arg7[%get3A_946, %get3A_947, %get3A_948] {strides = array<i32>} : memref<4x128x32xf32, #tpu.memory_space<vmem>>, vector<16xf32>,
        %get3A_950 = arith.constant 1 : i32
        %get3A_951 = arith.index_cast %get3A_950 : i32 to index
        %get3A_952 = arith.index_cast %add3A_944 : i32 to index
        %get3A_953 = arith.constant 16 : index
        %get3A_954 = tpu.vector_load %arg7[%get3A_951, %get3A_952, %get3A_953] {strides = array<i32>} : memref<4x128x32xf32, #tpu.memory_space<vmem>>, vector<16xf32>,
        %broadcast_in_dim3A_955 = vector.broadcast %add3A_944 : i32 to vector<16xi32>
        %scatter3A_956 = arith.constant 0 : i32
        %scatter3A_957 = arith.constant 0 : i32
        %scatter3A_958 = tpu.memref_slice %arg8[%scan3A_511, %scan3A_512, %scatter3A_956, %scatter3A_957] : memref<4x1x32x137xf32, #tpu.memory_space<vmem>> -> memref<1x1x32x137xf32, #tpu.memory_space<vmem>>
        %scatter3A_959 = tpu.memref_squeeze %scatter3A_958 : memref<1x1x32x137xf32, #tpu.memory_space<vmem>> -> memref<32x137xf32, #tpu.memory_space<vmem>>
        tpu.vector_store_idx %scatter3A_959[%iota3A, %broadcast_in_dim3A_955], %get3A_949 : memref<32x137xf32, #tpu.memory_space<vmem>>[vector<16xi32>, vector<16xi32>], vector<16xf32>,
        %scatter3A_960 = arith.constant 0 : i32
        %scatter3A_961 = arith.constant 0 : i32
        %scatter3A_962 = tpu.memref_slice %arg8[%scan3A_511, %scan3A_512, %scatter3A_960, %scatter3A_961] : memref<4x1x32x137xf32, #tpu.memory_space<vmem>> -> memref<1x1x32x137xf32, #tpu.memory_space<vmem>>
        %scatter3A_963 = tpu.memref_squeeze %scatter3A_962 : memref<1x1x32x137xf32, #tpu.memory_space<vmem>> -> memref<32x137xf32, #tpu.memory_space<vmem>>
        tpu.vector_store_idx %scatter3A_963[%add3A_509, %broadcast_in_dim3A_955], %get3A_954 : memref<32x137xf32, #tpu.memory_space<vmem>>[vector<16xi32>, vector<16xi32>], vector<16xf32>,
        %mul3A_964 = arith.constant 16 : i32
        %mul3A_965 = arith.muli %scan3A_712, %mul3A_964 : i32
        %add3A_966 = arith.constant 11 : i32
        %add3A_967 = arith.addi %mul3A_965, %add3A_966 : i32
        %get3A_968 = arith.constant 1 : i32
        %get3A_969 = arith.index_cast %get3A_968 : i32 to index
        %get3A_970 = arith.index_cast %add3A_967 : i32 to index
        %get3A_971 = arith.constant 0 : index
        %get3A_972 = tpu.vector_load %arg7[%get3A_969, %get3A_970, %get3A_971] {strides = array<i32>} : memref<4x128x32xf32, #tpu.memory_space<vmem>>, vector<16xf32>,
        %get3A_973 = arith.constant 1 : i32
        %get3A_974 = arith.index_cast %get3A_973 : i32 to index
        %get3A_975 = arith.index_cast %add3A_967 : i32 to index
        %get3A_976 = arith.constant 16 : index
        %get3A_977 = tpu.vector_load %arg7[%get3A_974, %get3A_975, %get3A_976] {strides = array<i32>} : memref<4x128x32xf32, #tpu.memory_space<vmem>>, vector<16xf32>,
        %broadcast_in_dim3A_978 = vector.broadcast %add3A_967 : i32 to vector<16xi32>
        %scatter3A_979 = arith.constant 0 : i32
        %scatter3A_980 = arith.constant 0 : i32
        %scatter3A_981 = tpu.memref_slice %arg8[%scan3A_511, %scan3A_512, %scatter3A_979, %scatter3A_980] : memref<4x1x32x137xf32, #tpu.memory_space<vmem>> -> memref<1x1x32x137xf32, #tpu.memory_space<vmem>>
        %scatter3A_982 = tpu.memref_squeeze %scatter3A_981 : memref<1x1x32x137xf32, #tpu.memory_space<vmem>> -> memref<32x137xf32, #tpu.memory_space<vmem>>
        tpu.vector_store_idx %scatter3A_982[%iota3A, %broadcast_in_dim3A_978], %get3A_972 : memref<32x137xf32, #tpu.memory_space<vmem>>[vector<16xi32>, vector<16xi32>], vector<16xf32>,
        %scatter3A_983 = arith.constant 0 : i32
        %scatter3A_984 = arith.constant 0 : i32
        %scatter3A_985 = tpu.memref_slice %arg8[%scan3A_511, %scan3A_512, %scatter3A_983, %scatter3A_984] : memref<4x1x32x137xf32, #tpu.memory_space<vmem>> -> memref<1x1x32x137xf32, #tpu.memory_space<vmem>>
        %scatter3A_986 = tpu.memref_squeeze %scatter3A_985 : memref<1x1x32x137xf32, #tpu.memory_space<vmem>> -> memref<32x137xf32, #tpu.memory_space<vmem>>
        tpu.vector_store_idx %scatter3A_986[%add3A_509, %broadcast_in_dim3A_978], %get3A_977 : memref<32x137xf32, #tpu.memory_space<vmem>>[vector<16xi32>, vector<16xi32>], vector<16xf32>,
        %mul3A_987 = arith.constant 16 : i32
        %mul3A_988 = arith.muli %scan3A_712, %mul3A_987 : i32
        %add3A_989 = arith.constant 12 : i32
        %add3A_990 = arith.addi %mul3A_988, %add3A_989 : i32
        %get3A_991 = arith.constant 1 : i32
        %get3A_992 = arith.index_cast %get3A_991 : i32 to index
        %get3A_993 = arith.index_cast %add3A_990 : i32 to index
        %get3A_994 = arith.constant 0 : index
        %get3A_995 = tpu.vector_load %arg7[%get3A_992, %get3A_993, %get3A_994] {strides = array<i32>} : memref<4x128x32xf32, #tpu.memory_space<vmem>>, vector<16xf32>,
        %get3A_996 = arith.constant 1 : i32
        %get3A_997 = arith.index_cast %get3A_996 : i32 to index
        %get3A_998 = arith.index_cast %add3A_990 : i32 to index
        %get3A_999 = arith.constant 16 : index
        %get3A_1000 = tpu.vector_load %arg7[%get3A_997, %get3A_998, %get3A_999] {strides = array<i32>} : memref<4x128x32xf32, #tpu.memory_space<vmem>>, vector<16xf32>,
        %broadcast_in_dim3A_1001 = vector.broadcast %add3A_990 : i32 to vector<16xi32>
        %scatter3A_1002 = arith.constant 0 : i32
        %scatter3A_1003 = arith.constant 0 : i32
        %scatter3A_1004 = tpu.memref_slice %arg8[%scan3A_511, %scan3A_512, %scatter3A_1002, %scatter3A_1003] : memref<4x1x32x137xf32, #tpu.memory_space<vmem>> -> memref<1x1x32x137xf32, #tpu.memory_space<vmem>>
        %scatter3A_1005 = tpu.memref_squeeze %scatter3A_1004 : memref<1x1x32x137xf32, #tpu.memory_space<vmem>> -> memref<32x137xf32, #tpu.memory_space<vmem>>
        tpu.vector_store_idx %scatter3A_1005[%iota3A, %broadcast_in_dim3A_1001], %get3A_995 : memref<32x137xf32, #tpu.memory_space<vmem>>[vector<16xi32>, vector<16xi32>], vector<16xf32>,
        %scatter3A_1006 = arith.constant 0 : i32
        %scatter3A_1007 = arith.constant 0 : i32
        %scatter3A_1008 = tpu.memref_slice %arg8[%scan3A_511, %scan3A_512, %scatter3A_1006, %scatter3A_1007] : memref<4x1x32x137xf32, #tpu.memory_space<vmem>> -> memref<1x1x32x137xf32, #tpu.memory_space<vmem>>
        %scatter3A_1009 = tpu.memref_squeeze %scatter3A_1008 : memref<1x1x32x137xf32, #tpu.memory_space<vmem>> -> memref<32x137xf32, #tpu.memory_space<vmem>>
        tpu.vector_store_idx %scatter3A_1009[%add3A_509, %broadcast_in_dim3A_1001], %get3A_1000 : memref<32x137xf32, #tpu.memory_space<vmem>>[vector<16xi32>, vector<16xi32>], vector<16xf32>,
        %mul3A_1010 = arith.constant 16 : i32
        %mul3A_1011 = arith.muli %scan3A_712, %mul3A_1010 : i32
        %add3A_1012 = arith.constant 13 : i32
        %add3A_1013 = arith.addi %mul3A_1011, %add3A_1012 : i32
        %get3A_1014 = arith.constant 1 : i32
        %get3A_1015 = arith.index_cast %get3A_1014 : i32 to index
        %get3A_1016 = arith.index_cast %add3A_1013 : i32 to index
        %get3A_1017 = arith.constant 0 : index
        %get3A_1018 = tpu.vector_load %arg7[%get3A_1015, %get3A_1016, %get3A_1017] {strides = array<i32>} : memref<4x128x32xf32, #tpu.memory_space<vmem>>, vector<16xf32>,
        %get3A_1019 = arith.constant 1 : i32
        %get3A_1020 = arith.index_cast %get3A_1019 : i32 to index
        %get3A_1021 = arith.index_cast %add3A_1013 : i32 to index
        %get3A_1022 = arith.constant 16 : index
        %get3A_1023 = tpu.vector_load %arg7[%get3A_1020, %get3A_1021, %get3A_1022] {strides = array<i32>} : memref<4x128x32xf32, #tpu.memory_space<vmem>>, vector<16xf32>,
        %broadcast_in_dim3A_1024 = vector.broadcast %add3A_1013 : i32 to vector<16xi32>
        %scatter3A_1025 = arith.constant 0 : i32
        %scatter3A_1026 = arith.constant 0 : i32
        %scatter3A_1027 = tpu.memref_slice %arg8[%scan3A_511, %scan3A_512, %scatter3A_1025, %scatter3A_1026] : memref<4x1x32x137xf32, #tpu.memory_space<vmem>> -> memref<1x1x32x137xf32, #tpu.memory_space<vmem>>
        %scatter3A_1028 = tpu.memref_squeeze %scatter3A_1027 : memref<1x1x32x137xf32, #tpu.memory_space<vmem>> -> memref<32x137xf32, #tpu.memory_space<vmem>>
        tpu.vector_store_idx %scatter3A_1028[%iota3A, %broadcast_in_dim3A_1024], %get3A_1018 : memref<32x137xf32, #tpu.memory_space<vmem>>[vector<16xi32>, vector<16xi32>], vector<16xf32>,
        %scatter3A_1029 = arith.constant 0 : i32
        %scatter3A_1030 = arith.constant 0 : i32
        %scatter3A_1031 = tpu.memref_slice %arg8[%scan3A_511, %scan3A_512, %scatter3A_1029, %scatter3A_1030] : memref<4x1x32x137xf32, #tpu.memory_space<vmem>> -> memref<1x1x32x137xf32, #tpu.memory_space<vmem>>
        %scatter3A_1032 = tpu.memref_squeeze %scatter3A_1031 : memref<1x1x32x137xf32, #tpu.memory_space<vmem>> -> memref<32x137xf32, #tpu.memory_space<vmem>>
        tpu.vector_store_idx %scatter3A_1032[%add3A_509, %broadcast_in_dim3A_1024], %get3A_1023 : memref<32x137xf32, #tpu.memory_space<vmem>>[vector<16xi32>, vector<16xi32>], vector<16xf32>,
        %mul3A_1033 = arith.constant 16 : i32
        %mul3A_1034 = arith.muli %scan3A_712, %mul3A_1033 : i32
        %add3A_1035 = arith.constant 14 : i32
        %add3A_1036 = arith.addi %mul3A_1034, %add3A_1035 : i32
        %get3A_1037 = arith.constant 1 : i32
        %get3A_1038 = arith.index_cast %get3A_1037 : i32 to index
        %get3A_1039 = arith.index_cast %add3A_1036 : i32 to index
        %get3A_1040 = arith.constant 0 : index
        %get3A_1041 = tpu.vector_load %arg7[%get3A_1038, %get3A_1039, %get3A_1040] {strides = array<i32>} : memref<4x128x32xf32, #tpu.memory_space<vmem>>, vector<16xf32>,
        %get3A_1042 = arith.constant 1 : i32
        %get3A_1043 = arith.index_cast %get3A_1042 : i32 to index
        %get3A_1044 = arith.index_cast %add3A_1036 : i32 to index
        %get3A_1045 = arith.constant 16 : index
        %get3A_1046 = tpu.vector_load %arg7[%get3A_1043, %get3A_1044, %get3A_1045] {strides = array<i32>} : memref<4x128x32xf32, #tpu.memory_space<vmem>>, vector<16xf32>,
        %broadcast_in_dim3A_1047 = vector.broadcast %add3A_1036 : i32 to vector<16xi32>
        %scatter3A_1048 = arith.constant 0 : i32
        %scatter3A_1049 = arith.constant 0 : i32
        %scatter3A_1050 = tpu.memref_slice %arg8[%scan3A_511, %scan3A_512, %scatter3A_1048, %scatter3A_1049] : memref<4x1x32x137xf32, #tpu.memory_space<vmem>> -> memref<1x1x32x137xf32, #tpu.memory_space<vmem>>
        %scatter3A_1051 = tpu.memref_squeeze %scatter3A_1050 : memref<1x1x32x137xf32, #tpu.memory_space<vmem>> -> memref<32x137xf32, #tpu.memory_space<vmem>>
        tpu.vector_store_idx %scatter3A_1051[%iota3A, %broadcast_in_dim3A_1047], %get3A_1041 : memref<32x137xf32, #tpu.memory_space<vmem>>[vector<16xi32>, vector<16xi32>], vector<16xf32>,
        %scatter3A_1052 = arith.constant 0 : i32
        %scatter3A_1053 = arith.constant 0 : i32
        %scatter3A_1054 = tpu.memref_slice %arg8[%scan3A_511, %scan3A_512, %scatter3A_1052, %scatter3A_1053] : memref<4x1x32x137xf32, #tpu.memory_space<vmem>> -> memref<1x1x32x137xf32, #tpu.memory_space<vmem>>
        %scatter3A_1055 = tpu.memref_squeeze %scatter3A_1054 : memref<1x1x32x137xf32, #tpu.memory_space<vmem>> -> memref<32x137xf32, #tpu.memory_space<vmem>>
        tpu.vector_store_idx %scatter3A_1055[%add3A_509, %broadcast_in_dim3A_1047], %get3A_1046 : memref<32x137xf32, #tpu.memory_space<vmem>>[vector<16xi32>, vector<16xi32>], vector<16xf32>,
        %mul3A_1056 = arith.constant 16 : i32
        %mul3A_1057 = arith.muli %scan3A_712, %mul3A_1056 : i32
        %add3A_1058 = arith.constant 15 : i32
        %add3A_1059 = arith.addi %mul3A_1057, %add3A_1058 : i32
        %get3A_1060 = arith.constant 1 : i32
        %get3A_1061 = arith.index_cast %get3A_1060 : i32 to index
        %get3A_1062 = arith.index_cast %add3A_1059 : i32 to index
        %get3A_1063 = arith.constant 0 : index
        %get3A_1064 = tpu.vector_load %arg7[%get3A_1061, %get3A_1062, %get3A_1063] {strides = array<i32>} : memref<4x128x32xf32, #tpu.memory_space<vmem>>, vector<16xf32>,
        %get3A_1065 = arith.constant 1 : i32
        %get3A_1066 = arith.index_cast %get3A_1065 : i32 to index
        %get3A_1067 = arith.index_cast %add3A_1059 : i32 to index
        %get3A_1068 = arith.constant 16 : index
        %get3A_1069 = tpu.vector_load %arg7[%get3A_1066, %get3A_1067, %get3A_1068] {strides = array<i32>} : memref<4x128x32xf32, #tpu.memory_space<vmem>>, vector<16xf32>,
        %broadcast_in_dim3A_1070 = vector.broadcast %add3A_1059 : i32 to vector<16xi32>
        %scatter3A_1071 = arith.constant 0 : i32
        %scatter3A_1072 = arith.constant 0 : i32
        %scatter3A_1073 = tpu.memref_slice %arg8[%scan3A_511, %scan3A_512, %scatter3A_1071, %scatter3A_1072] : memref<4x1x32x137xf32, #tpu.memory_space<vmem>> -> memref<1x1x32x137xf32, #tpu.memory_space<vmem>>
        %scatter3A_1074 = tpu.memref_squeeze %scatter3A_1073 : memref<1x1x32x137xf32, #tpu.memory_space<vmem>> -> memref<32x137xf32, #tpu.memory_space<vmem>>
        tpu.vector_store_idx %scatter3A_1074[%iota3A, %broadcast_in_dim3A_1070], %get3A_1064 : memref<32x137xf32, #tpu.memory_space<vmem>>[vector<16xi32>, vector<16xi32>], vector<16xf32>,
        %scatter3A_1075 = arith.constant 0 : i32
        %scatter3A_1076 = arith.constant 0 : i32
        %scatter3A_1077 = tpu.memref_slice %arg8[%scan3A_511, %scan3A_512, %scatter3A_1075, %scatter3A_1076] : memref<4x1x32x137xf32, #tpu.memory_space<vmem>> -> memref<1x1x32x137xf32, #tpu.memory_space<vmem>>
        %scatter3A_1078 = tpu.memref_squeeze %scatter3A_1077 : memref<1x1x32x137xf32, #tpu.memory_space<vmem>> -> memref<32x137xf32, #tpu.memory_space<vmem>>
        tpu.vector_store_idx %scatter3A_1078[%add3A_509, %broadcast_in_dim3A_1070], %get3A_1069 : memref<32x137xf32, #tpu.memory_space<vmem>>[vector<16xi32>, vector<16xi32>], vector<16xf32>,
      }
      %scan3A_517 = arith.constant 8 : i32
      %mul3A_518 = arith.constant 32 : i32
      %mul3A_519 = arith.muli %select_n3A_471, %mul3A_518 : i32
      %mul3A_520 = arith.constant 128 : i32
      %mul3A_521 = arith.muli %add3A_473, %mul3A_520 : i32
      %add3A_522 = arith.addi %mul3A_2, %mul3A_521 : i32
      %dma_start3A_523 = arith.constant 1 : i32
      %dma_start3A_524 = arith.constant 0 : i32
      %dma_start3A_525 = arith.constant 0 : i32
      %dma_start3A_526 = arith.constant 0 : i32
      %dma_start3A_527 = tpu.memref_slice %arg8[%dma_start3A_523, %dma_start3A_524, %dma_start3A_525, %dma_start3A_526] : memref<4x1x32x137xf32, #tpu.memory_space<vmem>> -> memref<1x1x32x128xf32, #tpu.memory_space<vmem>>
      %dma_start3A_528 = tpu.memref_squeeze %dma_start3A_527 : memref<1x1x32x128xf32, #tpu.memory_space<vmem>> -> memref<32x128xf32, #tpu.memory_space<vmem>>
      %dma_start3A_529 = tpu.memref_slice %arg4[%mul3A_519, %add3A_522] : memref<1600x16384xf32, #tpu.memory_space<hbm>> -> memref<32x128xf32, #tpu.memory_space<hbm>>
      %dma_start3A_530 = tpu.memref_slice %arg4[%mul3A_519, %add3A_522] : memref<1600x16384xf32, #tpu.memory_space<hbm>> -> memref<32x128xf32, #tpu.memory_space<hbm>>
      %dma_start3A_531 = arith.constant 0 : i32
      %dma_start3A_532 = arith.constant 0 : i32
      %dma_start3A_533 = tpu.memref_slice %arg8[%dma_start3A_523, %dma_start3A_524, %dma_start3A_531, %dma_start3A_532] : memref<4x1x32x137xf32, #tpu.memory_space<vmem>> -> memref<1x1x32x128xf32, #tpu.memory_space<vmem>>
      %dma_start3A_534 = tpu.memref_squeeze %dma_start3A_533 : memref<1x1x32x128xf32, #tpu.memory_space<vmem>> -> memref<32x128xf32, #tpu.memory_space<vmem>>
      tpu.enqueue_dma source(%dma_start3A_534 : memref<32x128xf32, #tpu.memory_space<vmem>>) target(%dma_start3A_530 : memref<32x128xf32, #tpu.memory_space<hbm>>) target_semaphore(%arg14 : memref<!tpu.dma_semaphore, #tpu.memory_space<semaphore_mem>>)
      %lt3A_535 = arith.constant 4 : i32
      %lt3A_536 = arith.cmpi slt, %add3A_481, %lt3A_535 : i32
      %convert_element_type3A_537 = arith.extui %lt3A_536 : i1 to i32
      %cond3A_538 = arith.constant 0 : i32
      %cond3A_539 = arith.cmpi ne, %convert_element_type3A_537, %cond3A_538 : i32
      scf.if %cond3A_539 {
        %mul3A_712 = arith.constant 50 : i32
        %mul3A_713 = arith.muli %add3A_481, %mul3A_712 : i32
        %add3A_714 = arith.addi %mul3A_713, %select_n3A_479 : i32
        %get3A_715 = arith.index_cast %add3A_714 : i32 to index
        %get3A_716 = arith.constant 0 : index
        %get3A_717 = tpu.vector_load %arg5[%get3A_715, %get3A_716] {strides = array<i32>} : memref<200x128xi32, #tpu.memory_space<vmem>>, vector<16xi32>,
        %swap3A_718 = arith.constant 1 : i32
        %swap3A_719 = arith.index_cast %swap3A_718 : i32 to index
        %swap3A_720 = arith.constant 0 : index
        %swap3A_721 = tpu.vector_load %arg6[%swap3A_719, %swap3A_720] {strides = array<i32>} : memref<4x128xi32, #tpu.memory_space<vmem>>, vector<16xi32>,
        tpu.vector_store %arg6[%swap3A_719, %swap3A_720], %get3A_717 {strides = array<i32>} : memref<4x128xi32, #tpu.memory_space<vmem>>, vector<16xi32>,
        %mul3A_722 = arith.constant 50 : i32
        %mul3A_723 = arith.muli %add3A_481, %mul3A_722 : i32
        %add3A_724 = arith.addi %mul3A_723, %select_n3A_479 : i32
        %get3A_725 = arith.index_cast %add3A_724 : i32 to index
        %get3A_726 = arith.constant 16 : index
        %get3A_727 = tpu.vector_load %arg5[%get3A_725, %get3A_726] {strides = array<i32>} : memref<200x128xi32, #tpu.memory_space<vmem>>, vector<16xi32>,
        %swap3A_728 = arith.constant 1 : i32
        %swap3A_729 = arith.index_cast %swap3A_728 : i32 to index
        %swap3A_730 = arith.constant 16 : index
        %swap3A_731 = tpu.vector_load %arg6[%swap3A_729, %swap3A_730] {strides = array<i32>} : memref<4x128xi32, #tpu.memory_space<vmem>>, vector<16xi32>,
        tpu.vector_store %arg6[%swap3A_729, %swap3A_730], %get3A_727 {strides = array<i32>} : memref<4x128xi32, #tpu.memory_space<vmem>>, vector<16xi32>,
        %mul3A_732 = arith.constant 50 : i32
        %mul3A_733 = arith.muli %add3A_481, %mul3A_732 : i32
        %add3A_734 = arith.addi %mul3A_733, %select_n3A_479 : i32
        %get3A_735 = arith.index_cast %add3A_734 : i32 to index
        %get3A_736 = arith.constant 32 : index
        %get3A_737 = tpu.vector_load %arg5[%get3A_735, %get3A_736] {strides = array<i32>} : memref<200x128xi32, #tpu.memory_space<vmem>>, vector<16xi32>,
        %swap3A_738 = arith.constant 1 : i32
        %swap3A_739 = arith.index_cast %swap3A_738 : i32 to index
        %swap3A_740 = arith.constant 32 : index
        %swap3A_741 = tpu.vector_load %arg6[%swap3A_739, %swap3A_740] {strides = array<i32>} : memref<4x128xi32, #tpu.memory_space<vmem>>, vector<16xi32>,
        tpu.vector_store %arg6[%swap3A_739, %swap3A_740], %get3A_737 {strides = array<i32>} : memref<4x128xi32, #tpu.memory_space<vmem>>, vector<16xi32>,
        %mul3A_742 = arith.constant 50 : i32
        %mul3A_743 = arith.muli %add3A_481, %mul3A_742 : i32
        %add3A_744 = arith.addi %mul3A_743, %select_n3A_479 : i32
        %get3A_745 = arith.index_cast %add3A_744 : i32 to index
        %get3A_746 = arith.constant 48 : index
        %get3A_747 = tpu.vector_load %arg5[%get3A_745, %get3A_746] {strides = array<i32>} : memref<200x128xi32, #tpu.memory_space<vmem>>, vector<16xi32>,
        %swap3A_748 = arith.constant 1 : i32
        %swap3A_749 = arith.index_cast %swap3A_748 : i32 to index
        %swap3A_750 = arith.constant 48 : index
        %swap3A_751 = tpu.vector_load %arg6[%swap3A_749, %swap3A_750] {strides = array<i32>} : memref<4x128xi32, #tpu.memory_space<vmem>>, vector<16xi32>,
        tpu.vector_store %arg6[%swap3A_749, %swap3A_750], %get3A_747 {strides = array<i32>} : memref<4x128xi32, #tpu.memory_space<vmem>>, vector<16xi32>,
        %mul3A_752 = arith.constant 50 : i32
        %mul3A_753 = arith.muli %add3A_481, %mul3A_752 : i32
        %add3A_754 = arith.addi %mul3A_753, %select_n3A_479 : i32
        %get3A_755 = arith.index_cast %add3A_754 : i32 to index
        %get3A_756 = arith.constant 64 : index
        %get3A_757 = tpu.vector_load %arg5[%get3A_755, %get3A_756] {strides = array<i32>} : memref<200x128xi32, #tpu.memory_space<vmem>>, vector<16xi32>,
        %swap3A_758 = arith.constant 1 : i32
        %swap3A_759 = arith.index_cast %swap3A_758 : i32 to index
        %swap3A_760 = arith.constant 64 : index
        %swap3A_761 = tpu.vector_load %arg6[%swap3A_759, %swap3A_760] {strides = array<i32>} : memref<4x128xi32, #tpu.memory_space<vmem>>, vector<16xi32>,
        tpu.vector_store %arg6[%swap3A_759, %swap3A_760], %get3A_757 {strides = array<i32>} : memref<4x128xi32, #tpu.memory_space<vmem>>, vector<16xi32>,
        %mul3A_762 = arith.constant 50 : i32
        %mul3A_763 = arith.muli %add3A_481, %mul3A_762 : i32
        %add3A_764 = arith.addi %mul3A_763, %select_n3A_479 : i32
        %get3A_765 = arith.index_cast %add3A_764 : i32 to index
        %get3A_766 = arith.constant 80 : index
        %get3A_767 = tpu.vector_load %arg5[%get3A_765, %get3A_766] {strides = array<i32>} : memref<200x128xi32, #tpu.memory_space<vmem>>, vector<16xi32>,
        %swap3A_768 = arith.constant 1 : i32
        %swap3A_769 = arith.index_cast %swap3A_768 : i32 to index
        %swap3A_770 = arith.constant 80 : index
        %swap3A_771 = tpu.vector_load %arg6[%swap3A_769, %swap3A_770] {strides = array<i32>} : memref<4x128xi32, #tpu.memory_space<vmem>>, vector<16xi32>,
        tpu.vector_store %arg6[%swap3A_769, %swap3A_770], %get3A_767 {strides = array<i32>} : memref<4x128xi32, #tpu.memory_space<vmem>>, vector<16xi32>,
        %mul3A_772 = arith.constant 50 : i32
        %mul3A_773 = arith.muli %add3A_481, %mul3A_772 : i32
        %add3A_774 = arith.addi %mul3A_773, %select_n3A_479 : i32
        %get3A_775 = arith.index_cast %add3A_774 : i32 to index
        %get3A_776 = arith.constant 96 : index
        %get3A_777 = tpu.vector_load %arg5[%get3A_775, %get3A_776] {strides = array<i32>} : memref<200x128xi32, #tpu.memory_space<vmem>>, vector<16xi32>,
        %swap3A_778 = arith.constant 1 : i32
        %swap3A_779 = arith.index_cast %swap3A_778 : i32 to index
        %swap3A_780 = arith.constant 96 : index
        %swap3A_781 = tpu.vector_load %arg6[%swap3A_779, %swap3A_780] {strides = array<i32>} : memref<4x128xi32, #tpu.memory_space<vmem>>, vector<16xi32>,
        tpu.vector_store %arg6[%swap3A_779, %swap3A_780], %get3A_777 {strides = array<i32>} : memref<4x128xi32, #tpu.memory_space<vmem>>, vector<16xi32>,
        %mul3A_782 = arith.constant 50 : i32
        %mul3A_783 = arith.muli %add3A_481, %mul3A_782 : i32
        %add3A_784 = arith.addi %mul3A_783, %select_n3A_479 : i32
        %get3A_785 = arith.index_cast %add3A_784 : i32 to index
        %get3A_786 = arith.constant 112 : index
        %get3A_787 = tpu.vector_load %arg5[%get3A_785, %get3A_786] {strides = array<i32>} : memref<200x128xi32, #tpu.memory_space<vmem>>, vector<16xi32>,
        %swap3A_788 = arith.constant 1 : i32
        %swap3A_789 = arith.index_cast %swap3A_788 : i32 to index
        %swap3A_790 = arith.constant 112 : index
        %swap3A_791 = tpu.vector_load %arg6[%swap3A_789, %swap3A_790] {strides = array<i32>} : memref<4x128xi32, #tpu.memory_space<vmem>>, vector<16xi32>,
        tpu.vector_store %arg6[%swap3A_789, %swap3A_790], %get3A_787 {strides = array<i32>} : memref<4x128xi32, #tpu.memory_space<vmem>>, vector<16xi32>,
        %dma_start3A_792 = arith.constant 1 : i32
        %dma_start3A_793 = arith.constant 1 : i32
        %dma_start3A_794 = arith.constant 0 : i32
        %dma_start3A_795 = arith.constant 0 : i32
        %dma_start3A_796 = tpu.memref_slice %arg7[%dma_start3A_793, %dma_start3A_794, %dma_start3A_795] : memref<4x128x32xf32, #tpu.memory_space<vmem>> -> memref<1x128x32xf32, #tpu.memory_space<vmem>>
        %dma_start3A_797 = tpu.memref_squeeze %dma_start3A_796 : memref<1x128x32xf32, #tpu.memory_space<vmem>> -> memref<128x32xf32, #tpu.memory_space<vmem>>
        %dma_start3A_798 = arith.constant 0 : i32
        %dma_start3A_799 = tpu.memref_slice %arg6[%dma_start3A_792, %dma_start3A_798] : memref<4x128xi32, #tpu.memory_space<vmem>> -> memref<1x128xi32, #tpu.memory_space<vmem>>
        %dma_start3A_800 = tpu.memref_squeeze %dma_start3A_799 : memref<1x128xi32, #tpu.memory_space<vmem>> -> memref<128xi32, #tpu.memory_space<vmem>>
        %dma_start3A_801 = arith.constant 0 : i32
        %dma_start3A_802 = arith.constant 0 : i32
        %dma_start3A_803 = tpu.memref_slice %arg2[%dma_start3A_801, %dma_start3A_802] : memref<1000000x32xf32, #tpu.memory_space<hbm>> -> memref<1000000x32xf32, #tpu.memory_space<hbm>>
        tpu.enqueue_indirect_dma source(%dma_start3A_803 : memref<1000000x32xf32, #tpu.memory_space<hbm>>) target(%dma_start3A_797 : memref<128x32xf32, #tpu.memory_space<vmem>>) offsets(%dma_start3A_800 : memref<128xi32, #tpu.memory_space<vmem>>) semaphore(%arg10 : memref<!tpu.dma_semaphore, #tpu.memory_space<semaphore_mem>>)
      } else {
      }
      %eq3A_540 = arith.constant 49 : i32
      %eq3A_541 = arith.cmpi eq, %select_n3A_471, %eq3A_540 : i32
      %add3A_542 = arith.constant 1 : i32
      %add3A_543 = arith.addi %select_n3A_471, %add3A_542 : i32
      %jit3A_544 = arith.constant 0 : i32
      %select_n3A_545 = arith.select %eq3A_541, %jit3A_544, %add3A_543 : i32
      %convert_element_type3A_546 = arith.extui %eq3A_541 : i1 to i32
      %add3A_547 = arith.addi %add3A_473, %convert_element_type3A_546 : i32
      %eq3A_548 = arith.constant 49 : i32
      %eq3A_549 = arith.cmpi eq, %select_n3A_479, %eq3A_548 : i32
      %add3A_550 = arith.constant 1 : i32
      %add3A_551 = arith.addi %select_n3A_479, %add3A_550 : i32
      %jit3A_552 = arith.constant 0 : i32
      %select_n3A_553 = arith.select %eq3A_549, %jit3A_552, %add3A_551 : i32
      %convert_element_type3A_554 = arith.extui %eq3A_549 : i1 to i32
      %add3A_555 = arith.addi %add3A_481, %convert_element_type3A_554 : i32
      %eq3A_556 = arith.constant 49 : i32
      %eq3A_557 = arith.cmpi eq, %select_n3A_487, %eq3A_556 : i32
      %add3A_558 = arith.constant 1 : i32
      %add3A_559 = arith.addi %select_n3A_487, %add3A_558 : i32
      %jit3A_560 = arith.constant 0 : i32
      %select_n3A_561 = arith.select %eq3A_557, %jit3A_560, %add3A_559 : i32
      %convert_element_type3A_562 = arith.extui %eq3A_557 : i1 to i32
      %add3A_563 = arith.addi %add3A_489, %convert_element_type3A_562 : i32
      %dma_wait3A_564 = arith.constant 2 : i32
      %dma_wait3A_565 = arith.constant 2 : i32
      %dma_wait3A_566 = arith.constant 0 : i32
      %dma_wait3A_567 = arith.constant 0 : i32
      %dma_wait3A_568 = tpu.memref_slice %arg7[%dma_wait3A_565, %dma_wait3A_566, %dma_wait3A_567] : memref<4x128x32xf32, #tpu.memory_space<vmem>> -> memref<1x128x32xf32, #tpu.memory_space<vmem>>
      %dma_wait3A_569 = tpu.memref_squeeze %dma_wait3A_568 : memref<1x128x32xf32, #tpu.memory_space<vmem>> -> memref<128x32xf32, #tpu.memory_space<vmem>>
      %dma_wait3A_570 = arith.constant 0 : i32
      %dma_wait3A_571 = tpu.memref_slice %arg6[%dma_wait3A_564, %dma_wait3A_570] : memref<4x128xi32, #tpu.memory_space<vmem>> -> memref<1x128xi32, #tpu.memory_space<vmem>>
      %dma_wait3A_572 = tpu.memref_squeeze %dma_wait3A_571 : memref<1x128xi32, #tpu.memory_space<vmem>> -> memref<128xi32, #tpu.memory_space<vmem>>
      %dma_wait3A_573 = arith.constant 0 : i32
      %dma_wait3A_574 = arith.constant 0 : i32
      %dma_wait3A_575 = tpu.memref_slice %arg2[%dma_wait3A_573, %dma_wait3A_574] : memref<1000000x32xf32, #tpu.memory_space<hbm>> -> memref<1000000x32xf32, #tpu.memory_space<hbm>>
      tpu.wait_indirect_dma semaphore(%arg11 : memref<!tpu.dma_semaphore, #tpu.memory_space<semaphore_mem>>) src(%dma_wait3A_575 : memref<1000000x32xf32, #tpu.memory_space<hbm>>) dst(%dma_wait3A_569 : memref<128x32xf32, #tpu.memory_space<vmem>>)
      %ge3A_576 = arith.constant 0 : i32
      %ge3A_577 = arith.cmpi sge, %add3A_563, %ge3A_576 : i32
      %convert_element_type3A_578 = arith.extui %ge3A_577 : i1 to i32
      %cond3A_579 = arith.constant 0 : i32
      %cond3A_580 = arith.cmpi ne, %convert_element_type3A_578, %cond3A_579 : i32
      scf.if %cond3A_580 {
        %mul3A_712 = arith.constant 32 : i32
        %mul3A_713 = arith.muli %select_n3A_561, %mul3A_712 : i32
        %mul3A_714 = arith.constant 128 : i32
        %mul3A_715 = arith.muli %add3A_563, %mul3A_714 : i32
        %add3A_716 = arith.addi %mul3A_2, %mul3A_715 : i32
        %dma_wait3A_717 = arith.constant 2 : i32
        %dma_wait3A_718 = arith.constant 0 : i32
        %dma_wait3A_719 = arith.constant 0 : i32
        %dma_wait3A_720 = arith.constant 0 : i32
        %dma_wait3A_721 = tpu.memref_slice %arg8[%dma_wait3A_717, %dma_wait3A_718, %dma_wait3A_719, %dma_wait3A_720] : memref<4x1x32x137xf32, #tpu.memory_space<vmem>> -> memref<1x1x32x128xf32, #tpu.memory_space<vmem>>
        %dma_wait3A_722 = tpu.memref_squeeze %dma_wait3A_721 : memref<1x1x32x128xf32, #tpu.memory_space<vmem>> -> memref<32x128xf32, #tpu.memory_space<vmem>>
        %dma_wait3A_723 = tpu.memref_slice %arg4[%mul3A_713, %add3A_716] : memref<1600x16384xf32, #tpu.memory_space<hbm>> -> memref<32x128xf32, #tpu.memory_space<hbm>>
        %dma_wait3A_724 = tpu.memref_slice %arg4[%mul3A_713, %add3A_716] : memref<1600x16384xf32, #tpu.memory_space<hbm>> -> memref<32x128xf32, #tpu.memory_space<hbm>>
        %dma_wait3A_725 = arith.constant 0 : i32
        %dma_wait3A_726 = arith.constant 0 : i32
        %dma_wait3A_727 = tpu.memref_slice %arg8[%dma_wait3A_717, %dma_wait3A_718, %dma_wait3A_725, %dma_wait3A_726] : memref<4x1x32x137xf32, #tpu.memory_space<vmem>> -> memref<1x1x32x128xf32, #tpu.memory_space<vmem>>
        %dma_wait3A_728 = tpu.memref_squeeze %dma_wait3A_727 : memref<1x1x32x128xf32, #tpu.memory_space<vmem>> -> memref<32x128xf32, #tpu.memory_space<vmem>>
        tpu.wait_dma2 semaphore(%arg15 : memref<!tpu.dma_semaphore, #tpu.memory_space<semaphore_mem>>) src(%dma_wait3A_728 : memref<32x128xf32, #tpu.memory_space<vmem>>) dst(%dma_wait3A_724 : memref<32x128xf32, #tpu.memory_space<hbm>>)
      } else {
      }
      %add3A_581 = arith.constant 16 : i32
      %add3A_582 = vector.broadcast %add3A_581 : i32 to vector<16xi32>
      %add3A_583 = arith.addi %iota3A, %add3A_582 : vector<16xi32>
      %scan3A_584 = arith.constant 0 : i32
      %scan3A_585 = arith.constant 2 : i32
      %scan3A_586 = arith.constant 0 : i32
      %scan3A_587 = arith.constant 0 : i32
      %scan3A_588 = arith.constant 8 : i32
      %scan3A_589 = arith.addi %scan3A_587, %scan3A_588 : i32
      %scan3A_590 = arith.constant 1 : i32
      scf.for %scan3A_712 = %scan3A_587 to %scan3A_589 step %scan3A_590  : i32 {
        %mul3A_713 = arith.constant 16 : i32
        %mul3A_714 = arith.muli %scan3A_712, %mul3A_713 : i32
        %add3A_715 = arith.constant 0 : i32
        %add3A_716 = arith.addi %mul3A_714, %add3A_715 : i32
        %get3A_717 = arith.constant 2 : i32
        %get3A_718 = arith.index_cast %get3A_717 : i32 to index
        %get3A_719 = arith.index_cast %add3A_716 : i32 to index
        %get3A_720 = arith.constant 0 : index
        %get3A_721 = tpu.vector_load %arg7[%get3A_718, %get3A_719, %get3A_720] {strides = array<i32>} : memref<4x128x32xf32, #tpu.memory_space<vmem>>, vector<16xf32>,
        %get3A_722 = arith.constant 2 : i32
        %get3A_723 = arith.index_cast %get3A_722 : i32 to index
        %get3A_724 = arith.index_cast %add3A_716 : i32 to index
        %get3A_725 = arith.constant 16 : index
        %get3A_726 = tpu.vector_load %arg7[%get3A_723, %get3A_724, %get3A_725] {strides = array<i32>} : memref<4x128x32xf32, #tpu.memory_space<vmem>>, vector<16xf32>,
        %broadcast_in_dim3A = vector.broadcast %add3A_716 : i32 to vector<16xi32>
        %scatter3A = arith.constant 0 : i32
        %scatter3A_727 = arith.constant 0 : i32
        %scatter3A_728 = tpu.memref_slice %arg8[%scan3A_585, %scan3A_586, %scatter3A, %scatter3A_727] : memref<4x1x32x137xf32, #tpu.memory_space<vmem>> -> memref<1x1x32x137xf32, #tpu.memory_space<vmem>>
        %scatter3A_729 = tpu.memref_squeeze %scatter3A_728 : memref<1x1x32x137xf32, #tpu.memory_space<vmem>> -> memref<32x137xf32, #tpu.memory_space<vmem>>
        tpu.vector_store_idx %scatter3A_729[%iota3A, %broadcast_in_dim3A], %get3A_721 : memref<32x137xf32, #tpu.memory_space<vmem>>[vector<16xi32>, vector<16xi32>], vector<16xf32>,
        %scatter3A_730 = arith.constant 0 : i32
        %scatter3A_731 = arith.constant 0 : i32
        %scatter3A_732 = tpu.memref_slice %arg8[%scan3A_585, %scan3A_586, %scatter3A_730, %scatter3A_731] : memref<4x1x32x137xf32, #tpu.memory_space<vmem>> -> memref<1x1x32x137xf32, #tpu.memory_space<vmem>>
        %scatter3A_733 = tpu.memref_squeeze %scatter3A_732 : memref<1x1x32x137xf32, #tpu.memory_space<vmem>> -> memref<32x137xf32, #tpu.memory_space<vmem>>
        tpu.vector_store_idx %scatter3A_733[%add3A_583, %broadcast_in_dim3A], %get3A_726 : memref<32x137xf32, #tpu.memory_space<vmem>>[vector<16xi32>, vector<16xi32>], vector<16xf32>,
        %mul3A_734 = arith.constant 16 : i32
        %mul3A_735 = arith.muli %scan3A_712, %mul3A_734 : i32
        %add3A_736 = arith.constant 1 : i32
        %add3A_737 = arith.addi %mul3A_735, %add3A_736 : i32
        %get3A_738 = arith.constant 2 : i32
        %get3A_739 = arith.index_cast %get3A_738 : i32 to index
        %get3A_740 = arith.index_cast %add3A_737 : i32 to index
        %get3A_741 = arith.constant 0 : index
        %get3A_742 = tpu.vector_load %arg7[%get3A_739, %get3A_740, %get3A_741] {strides = array<i32>} : memref<4x128x32xf32, #tpu.memory_space<vmem>>, vector<16xf32>,
        %get3A_743 = arith.constant 2 : i32
        %get3A_744 = arith.index_cast %get3A_743 : i32 to index
        %get3A_745 = arith.index_cast %add3A_737 : i32 to index
        %get3A_746 = arith.constant 16 : index
        %get3A_747 = tpu.vector_load %arg7[%get3A_744, %get3A_745, %get3A_746] {strides = array<i32>} : memref<4x128x32xf32, #tpu.memory_space<vmem>>, vector<16xf32>,
        %broadcast_in_dim3A_748 = vector.broadcast %add3A_737 : i32 to vector<16xi32>
        %scatter3A_749 = arith.constant 0 : i32
        %scatter3A_750 = arith.constant 0 : i32
        %scatter3A_751 = tpu.memref_slice %arg8[%scan3A_585, %scan3A_586, %scatter3A_749, %scatter3A_750] : memref<4x1x32x137xf32, #tpu.memory_space<vmem>> -> memref<1x1x32x137xf32, #tpu.memory_space<vmem>>
        %scatter3A_752 = tpu.memref_squeeze %scatter3A_751 : memref<1x1x32x137xf32, #tpu.memory_space<vmem>> -> memref<32x137xf32, #tpu.memory_space<vmem>>
        tpu.vector_store_idx %scatter3A_752[%iota3A, %broadcast_in_dim3A_748], %get3A_742 : memref<32x137xf32, #tpu.memory_space<vmem>>[vector<16xi32>, vector<16xi32>], vector<16xf32>,
        %scatter3A_753 = arith.constant 0 : i32
        %scatter3A_754 = arith.constant 0 : i32
        %scatter3A_755 = tpu.memref_slice %arg8[%scan3A_585, %scan3A_586, %scatter3A_753, %scatter3A_754] : memref<4x1x32x137xf32, #tpu.memory_space<vmem>> -> memref<1x1x32x137xf32, #tpu.memory_space<vmem>>
        %scatter3A_756 = tpu.memref_squeeze %scatter3A_755 : memref<1x1x32x137xf32, #tpu.memory_space<vmem>> -> memref<32x137xf32, #tpu.memory_space<vmem>>
        tpu.vector_store_idx %scatter3A_756[%add3A_583, %broadcast_in_dim3A_748], %get3A_747 : memref<32x137xf32, #tpu.memory_space<vmem>>[vector<16xi32>, vector<16xi32>], vector<16xf32>,
        %mul3A_757 = arith.constant 16 : i32
        %mul3A_758 = arith.muli %scan3A_712, %mul3A_757 : i32
        %add3A_759 = arith.constant 2 : i32
        %add3A_760 = arith.addi %mul3A_758, %add3A_759 : i32
        %get3A_761 = arith.constant 2 : i32
        %get3A_762 = arith.index_cast %get3A_761 : i32 to index
        %get3A_763 = arith.index_cast %add3A_760 : i32 to index
        %get3A_764 = arith.constant 0 : index
        %get3A_765 = tpu.vector_load %arg7[%get3A_762, %get3A_763, %get3A_764] {strides = array<i32>} : memref<4x128x32xf32, #tpu.memory_space<vmem>>, vector<16xf32>,
        %get3A_766 = arith.constant 2 : i32
        %get3A_767 = arith.index_cast %get3A_766 : i32 to index
        %get3A_768 = arith.index_cast %add3A_760 : i32 to index
        %get3A_769 = arith.constant 16 : index
        %get3A_770 = tpu.vector_load %arg7[%get3A_767, %get3A_768, %get3A_769] {strides = array<i32>} : memref<4x128x32xf32, #tpu.memory_space<vmem>>, vector<16xf32>,
        %broadcast_in_dim3A_771 = vector.broadcast %add3A_760 : i32 to vector<16xi32>
        %scatter3A_772 = arith.constant 0 : i32
        %scatter3A_773 = arith.constant 0 : i32
        %scatter3A_774 = tpu.memref_slice %arg8[%scan3A_585, %scan3A_586, %scatter3A_772, %scatter3A_773] : memref<4x1x32x137xf32, #tpu.memory_space<vmem>> -> memref<1x1x32x137xf32, #tpu.memory_space<vmem>>
        %scatter3A_775 = tpu.memref_squeeze %scatter3A_774 : memref<1x1x32x137xf32, #tpu.memory_space<vmem>> -> memref<32x137xf32, #tpu.memory_space<vmem>>
        tpu.vector_store_idx %scatter3A_775[%iota3A, %broadcast_in_dim3A_771], %get3A_765 : memref<32x137xf32, #tpu.memory_space<vmem>>[vector<16xi32>, vector<16xi32>], vector<16xf32>,
        %scatter3A_776 = arith.constant 0 : i32
        %scatter3A_777 = arith.constant 0 : i32
        %scatter3A_778 = tpu.memref_slice %arg8[%scan3A_585, %scan3A_586, %scatter3A_776, %scatter3A_777] : memref<4x1x32x137xf32, #tpu.memory_space<vmem>> -> memref<1x1x32x137xf32, #tpu.memory_space<vmem>>
        %scatter3A_779 = tpu.memref_squeeze %scatter3A_778 : memref<1x1x32x137xf32, #tpu.memory_space<vmem>> -> memref<32x137xf32, #tpu.memory_space<vmem>>
        tpu.vector_store_idx %scatter3A_779[%add3A_583, %broadcast_in_dim3A_771], %get3A_770 : memref<32x137xf32, #tpu.memory_space<vmem>>[vector<16xi32>, vector<16xi32>], vector<16xf32>,
        %mul3A_780 = arith.constant 16 : i32
        %mul3A_781 = arith.muli %scan3A_712, %mul3A_780 : i32
        %add3A_782 = arith.constant 3 : i32
        %add3A_783 = arith.addi %mul3A_781, %add3A_782 : i32
        %get3A_784 = arith.constant 2 : i32
        %get3A_785 = arith.index_cast %get3A_784 : i32 to index
        %get3A_786 = arith.index_cast %add3A_783 : i32 to index
        %get3A_787 = arith.constant 0 : index
        %get3A_788 = tpu.vector_load %arg7[%get3A_785, %get3A_786, %get3A_787] {strides = array<i32>} : memref<4x128x32xf32, #tpu.memory_space<vmem>>, vector<16xf32>,
        %get3A_789 = arith.constant 2 : i32
        %get3A_790 = arith.index_cast %get3A_789 : i32 to index
        %get3A_791 = arith.index_cast %add3A_783 : i32 to index
        %get3A_792 = arith.constant 16 : index
        %get3A_793 = tpu.vector_load %arg7[%get3A_790, %get3A_791, %get3A_792] {strides = array<i32>} : memref<4x128x32xf32, #tpu.memory_space<vmem>>, vector<16xf32>,
        %broadcast_in_dim3A_794 = vector.broadcast %add3A_783 : i32 to vector<16xi32>
        %scatter3A_795 = arith.constant 0 : i32
        %scatter3A_796 = arith.constant 0 : i32
        %scatter3A_797 = tpu.memref_slice %arg8[%scan3A_585, %scan3A_586, %scatter3A_795, %scatter3A_796] : memref<4x1x32x137xf32, #tpu.memory_space<vmem>> -> memref<1x1x32x137xf32, #tpu.memory_space<vmem>>
        %scatter3A_798 = tpu.memref_squeeze %scatter3A_797 : memref<1x1x32x137xf32, #tpu.memory_space<vmem>> -> memref<32x137xf32, #tpu.memory_space<vmem>>
        tpu.vector_store_idx %scatter3A_798[%iota3A, %broadcast_in_dim3A_794], %get3A_788 : memref<32x137xf32, #tpu.memory_space<vmem>>[vector<16xi32>, vector<16xi32>], vector<16xf32>,
        %scatter3A_799 = arith.constant 0 : i32
        %scatter3A_800 = arith.constant 0 : i32
        %scatter3A_801 = tpu.memref_slice %arg8[%scan3A_585, %scan3A_586, %scatter3A_799, %scatter3A_800] : memref<4x1x32x137xf32, #tpu.memory_space<vmem>> -> memref<1x1x32x137xf32, #tpu.memory_space<vmem>>
        %scatter3A_802 = tpu.memref_squeeze %scatter3A_801 : memref<1x1x32x137xf32, #tpu.memory_space<vmem>> -> memref<32x137xf32, #tpu.memory_space<vmem>>
        tpu.vector_store_idx %scatter3A_802[%add3A_583, %broadcast_in_dim3A_794], %get3A_793 : memref<32x137xf32, #tpu.memory_space<vmem>>[vector<16xi32>, vector<16xi32>], vector<16xf32>,
        %mul3A_803 = arith.constant 16 : i32
        %mul3A_804 = arith.muli %scan3A_712, %mul3A_803 : i32
        %add3A_805 = arith.constant 4 : i32
        %add3A_806 = arith.addi %mul3A_804, %add3A_805 : i32
        %get3A_807 = arith.constant 2 : i32
        %get3A_808 = arith.index_cast %get3A_807 : i32 to index
        %get3A_809 = arith.index_cast %add3A_806 : i32 to index
        %get3A_810 = arith.constant 0 : index
        %get3A_811 = tpu.vector_load %arg7[%get3A_808, %get3A_809, %get3A_810] {strides = array<i32>} : memref<4x128x32xf32, #tpu.memory_space<vmem>>, vector<16xf32>,
        %get3A_812 = arith.constant 2 : i32
        %get3A_813 = arith.index_cast %get3A_812 : i32 to index
        %get3A_814 = arith.index_cast %add3A_806 : i32 to index
        %get3A_815 = arith.constant 16 : index
        %get3A_816 = tpu.vector_load %arg7[%get3A_813, %get3A_814, %get3A_815] {strides = array<i32>} : memref<4x128x32xf32, #tpu.memory_space<vmem>>, vector<16xf32>,
        %broadcast_in_dim3A_817 = vector.broadcast %add3A_806 : i32 to vector<16xi32>
        %scatter3A_818 = arith.constant 0 : i32
        %scatter3A_819 = arith.constant 0 : i32
        %scatter3A_820 = tpu.memref_slice %arg8[%scan3A_585, %scan3A_586, %scatter3A_818, %scatter3A_819] : memref<4x1x32x137xf32, #tpu.memory_space<vmem>> -> memref<1x1x32x137xf32, #tpu.memory_space<vmem>>
        %scatter3A_821 = tpu.memref_squeeze %scatter3A_820 : memref<1x1x32x137xf32, #tpu.memory_space<vmem>> -> memref<32x137xf32, #tpu.memory_space<vmem>>
        tpu.vector_store_idx %scatter3A_821[%iota3A, %broadcast_in_dim3A_817], %get3A_811 : memref<32x137xf32, #tpu.memory_space<vmem>>[vector<16xi32>, vector<16xi32>], vector<16xf32>,
        %scatter3A_822 = arith.constant 0 : i32
        %scatter3A_823 = arith.constant 0 : i32
        %scatter3A_824 = tpu.memref_slice %arg8[%scan3A_585, %scan3A_586, %scatter3A_822, %scatter3A_823] : memref<4x1x32x137xf32, #tpu.memory_space<vmem>> -> memref<1x1x32x137xf32, #tpu.memory_space<vmem>>
        %scatter3A_825 = tpu.memref_squeeze %scatter3A_824 : memref<1x1x32x137xf32, #tpu.memory_space<vmem>> -> memref<32x137xf32, #tpu.memory_space<vmem>>
        tpu.vector_store_idx %scatter3A_825[%add3A_583, %broadcast_in_dim3A_817], %get3A_816 : memref<32x137xf32, #tpu.memory_space<vmem>>[vector<16xi32>, vector<16xi32>], vector<16xf32>,
        %mul3A_826 = arith.constant 16 : i32
        %mul3A_827 = arith.muli %scan3A_712, %mul3A_826 : i32
        %add3A_828 = arith.constant 5 : i32
        %add3A_829 = arith.addi %mul3A_827, %add3A_828 : i32
        %get3A_830 = arith.constant 2 : i32
        %get3A_831 = arith.index_cast %get3A_830 : i32 to index
        %get3A_832 = arith.index_cast %add3A_829 : i32 to index
        %get3A_833 = arith.constant 0 : index
        %get3A_834 = tpu.vector_load %arg7[%get3A_831, %get3A_832, %get3A_833] {strides = array<i32>} : memref<4x128x32xf32, #tpu.memory_space<vmem>>, vector<16xf32>,
        %get3A_835 = arith.constant 2 : i32
        %get3A_836 = arith.index_cast %get3A_835 : i32 to index
        %get3A_837 = arith.index_cast %add3A_829 : i32 to index
        %get3A_838 = arith.constant 16 : index
        %get3A_839 = tpu.vector_load %arg7[%get3A_836, %get3A_837, %get3A_838] {strides = array<i32>} : memref<4x128x32xf32, #tpu.memory_space<vmem>>, vector<16xf32>,
        %broadcast_in_dim3A_840 = vector.broadcast %add3A_829 : i32 to vector<16xi32>
        %scatter3A_841 = arith.constant 0 : i32
        %scatter3A_842 = arith.constant 0 : i32
        %scatter3A_843 = tpu.memref_slice %arg8[%scan3A_585, %scan3A_586, %scatter3A_841, %scatter3A_842] : memref<4x1x32x137xf32, #tpu.memory_space<vmem>> -> memref<1x1x32x137xf32, #tpu.memory_space<vmem>>
        %scatter3A_844 = tpu.memref_squeeze %scatter3A_843 : memref<1x1x32x137xf32, #tpu.memory_space<vmem>> -> memref<32x137xf32, #tpu.memory_space<vmem>>
        tpu.vector_store_idx %scatter3A_844[%iota3A, %broadcast_in_dim3A_840], %get3A_834 : memref<32x137xf32, #tpu.memory_space<vmem>>[vector<16xi32>, vector<16xi32>], vector<16xf32>,
        %scatter3A_845 = arith.constant 0 : i32
        %scatter3A_846 = arith.constant 0 : i32
        %scatter3A_847 = tpu.memref_slice %arg8[%scan3A_585, %scan3A_586, %scatter3A_845, %scatter3A_846] : memref<4x1x32x137xf32, #tpu.memory_space<vmem>> -> memref<1x1x32x137xf32, #tpu.memory_space<vmem>>
        %scatter3A_848 = tpu.memref_squeeze %scatter3A_847 : memref<1x1x32x137xf32, #tpu.memory_space<vmem>> -> memref<32x137xf32, #tpu.memory_space<vmem>>
        tpu.vector_store_idx %scatter3A_848[%add3A_583, %broadcast_in_dim3A_840], %get3A_839 : memref<32x137xf32, #tpu.memory_space<vmem>>[vector<16xi32>, vector<16xi32>], vector<16xf32>,
        %mul3A_849 = arith.constant 16 : i32
        %mul3A_850 = arith.muli %scan3A_712, %mul3A_849 : i32
        %add3A_851 = arith.constant 6 : i32
        %add3A_852 = arith.addi %mul3A_850, %add3A_851 : i32
        %get3A_853 = arith.constant 2 : i32
        %get3A_854 = arith.index_cast %get3A_853 : i32 to index
        %get3A_855 = arith.index_cast %add3A_852 : i32 to index
        %get3A_856 = arith.constant 0 : index
        %get3A_857 = tpu.vector_load %arg7[%get3A_854, %get3A_855, %get3A_856] {strides = array<i32>} : memref<4x128x32xf32, #tpu.memory_space<vmem>>, vector<16xf32>,
        %get3A_858 = arith.constant 2 : i32
        %get3A_859 = arith.index_cast %get3A_858 : i32 to index
        %get3A_860 = arith.index_cast %add3A_852 : i32 to index
        %get3A_861 = arith.constant 16 : index
        %get3A_862 = tpu.vector_load %arg7[%get3A_859, %get3A_860, %get3A_861] {strides = array<i32>} : memref<4x128x32xf32, #tpu.memory_space<vmem>>, vector<16xf32>,
        %broadcast_in_dim3A_863 = vector.broadcast %add3A_852 : i32 to vector<16xi32>
        %scatter3A_864 = arith.constant 0 : i32
        %scatter3A_865 = arith.constant 0 : i32
        %scatter3A_866 = tpu.memref_slice %arg8[%scan3A_585, %scan3A_586, %scatter3A_864, %scatter3A_865] : memref<4x1x32x137xf32, #tpu.memory_space<vmem>> -> memref<1x1x32x137xf32, #tpu.memory_space<vmem>>
        %scatter3A_867 = tpu.memref_squeeze %scatter3A_866 : memref<1x1x32x137xf32, #tpu.memory_space<vmem>> -> memref<32x137xf32, #tpu.memory_space<vmem>>
        tpu.vector_store_idx %scatter3A_867[%iota3A, %broadcast_in_dim3A_863], %get3A_857 : memref<32x137xf32, #tpu.memory_space<vmem>>[vector<16xi32>, vector<16xi32>], vector<16xf32>,
        %scatter3A_868 = arith.constant 0 : i32
        %scatter3A_869 = arith.constant 0 : i32
        %scatter3A_870 = tpu.memref_slice %arg8[%scan3A_585, %scan3A_586, %scatter3A_868, %scatter3A_869] : memref<4x1x32x137xf32, #tpu.memory_space<vmem>> -> memref<1x1x32x137xf32, #tpu.memory_space<vmem>>
        %scatter3A_871 = tpu.memref_squeeze %scatter3A_870 : memref<1x1x32x137xf32, #tpu.memory_space<vmem>> -> memref<32x137xf32, #tpu.memory_space<vmem>>
        tpu.vector_store_idx %scatter3A_871[%add3A_583, %broadcast_in_dim3A_863], %get3A_862 : memref<32x137xf32, #tpu.memory_space<vmem>>[vector<16xi32>, vector<16xi32>], vector<16xf32>,
        %mul3A_872 = arith.constant 16 : i32
        %mul3A_873 = arith.muli %scan3A_712, %mul3A_872 : i32
        %add3A_874 = arith.constant 7 : i32
        %add3A_875 = arith.addi %mul3A_873, %add3A_874 : i32
        %get3A_876 = arith.constant 2 : i32
        %get3A_877 = arith.index_cast %get3A_876 : i32 to index
        %get3A_878 = arith.index_cast %add3A_875 : i32 to index
        %get3A_879 = arith.constant 0 : index
        %get3A_880 = tpu.vector_load %arg7[%get3A_877, %get3A_878, %get3A_879] {strides = array<i32>} : memref<4x128x32xf32, #tpu.memory_space<vmem>>, vector<16xf32>,
        %get3A_881 = arith.constant 2 : i32
        %get3A_882 = arith.index_cast %get3A_881 : i32 to index
        %get3A_883 = arith.index_cast %add3A_875 : i32 to index
        %get3A_884 = arith.constant 16 : index
        %get3A_885 = tpu.vector_load %arg7[%get3A_882, %get3A_883, %get3A_884] {strides = array<i32>} : memref<4x128x32xf32, #tpu.memory_space<vmem>>, vector<16xf32>,
        %broadcast_in_dim3A_886 = vector.broadcast %add3A_875 : i32 to vector<16xi32>
        %scatter3A_887 = arith.constant 0 : i32
        %scatter3A_888 = arith.constant 0 : i32
        %scatter3A_889 = tpu.memref_slice %arg8[%scan3A_585, %scan3A_586, %scatter3A_887, %scatter3A_888] : memref<4x1x32x137xf32, #tpu.memory_space<vmem>> -> memref<1x1x32x137xf32, #tpu.memory_space<vmem>>
        %scatter3A_890 = tpu.memref_squeeze %scatter3A_889 : memref<1x1x32x137xf32, #tpu.memory_space<vmem>> -> memref<32x137xf32, #tpu.memory_space<vmem>>
        tpu.vector_store_idx %scatter3A_890[%iota3A, %broadcast_in_dim3A_886], %get3A_880 : memref<32x137xf32, #tpu.memory_space<vmem>>[vector<16xi32>, vector<16xi32>], vector<16xf32>,
        %scatter3A_891 = arith.constant 0 : i32
        %scatter3A_892 = arith.constant 0 : i32
        %scatter3A_893 = tpu.memref_slice %arg8[%scan3A_585, %scan3A_586, %scatter3A_891, %scatter3A_892] : memref<4x1x32x137xf32, #tpu.memory_space<vmem>> -> memref<1x1x32x137xf32, #tpu.memory_space<vmem>>
        %scatter3A_894 = tpu.memref_squeeze %scatter3A_893 : memref<1x1x32x137xf32, #tpu.memory_space<vmem>> -> memref<32x137xf32, #tpu.memory_space<vmem>>
        tpu.vector_store_idx %scatter3A_894[%add3A_583, %broadcast_in_dim3A_886], %get3A_885 : memref<32x137xf32, #tpu.memory_space<vmem>>[vector<16xi32>, vector<16xi32>], vector<16xf32>,
        %mul3A_895 = arith.constant 16 : i32
        %mul3A_896 = arith.muli %scan3A_712, %mul3A_895 : i32
        %add3A_897 = arith.constant 8 : i32
        %add3A_898 = arith.addi %mul3A_896, %add3A_897 : i32
        %get3A_899 = arith.constant 2 : i32
        %get3A_900 = arith.index_cast %get3A_899 : i32 to index
        %get3A_901 = arith.index_cast %add3A_898 : i32 to index
        %get3A_902 = arith.constant 0 : index
        %get3A_903 = tpu.vector_load %arg7[%get3A_900, %get3A_901, %get3A_902] {strides = array<i32>} : memref<4x128x32xf32, #tpu.memory_space<vmem>>, vector<16xf32>,
        %get3A_904 = arith.constant 2 : i32
        %get3A_905 = arith.index_cast %get3A_904 : i32 to index
        %get3A_906 = arith.index_cast %add3A_898 : i32 to index
        %get3A_907 = arith.constant 16 : index
        %get3A_908 = tpu.vector_load %arg7[%get3A_905, %get3A_906, %get3A_907] {strides = array<i32>} : memref<4x128x32xf32, #tpu.memory_space<vmem>>, vector<16xf32>,
        %broadcast_in_dim3A_909 = vector.broadcast %add3A_898 : i32 to vector<16xi32>
        %scatter3A_910 = arith.constant 0 : i32
        %scatter3A_911 = arith.constant 0 : i32
        %scatter3A_912 = tpu.memref_slice %arg8[%scan3A_585, %scan3A_586, %scatter3A_910, %scatter3A_911] : memref<4x1x32x137xf32, #tpu.memory_space<vmem>> -> memref<1x1x32x137xf32, #tpu.memory_space<vmem>>
        %scatter3A_913 = tpu.memref_squeeze %scatter3A_912 : memref<1x1x32x137xf32, #tpu.memory_space<vmem>> -> memref<32x137xf32, #tpu.memory_space<vmem>>
        tpu.vector_store_idx %scatter3A_913[%iota3A, %broadcast_in_dim3A_909], %get3A_903 : memref<32x137xf32, #tpu.memory_space<vmem>>[vector<16xi32>, vector<16xi32>], vector<16xf32>,
        %scatter3A_914 = arith.constant 0 : i32
        %scatter3A_915 = arith.constant 0 : i32
        %scatter3A_916 = tpu.memref_slice %arg8[%scan3A_585, %scan3A_586, %scatter3A_914, %scatter3A_915] : memref<4x1x32x137xf32, #tpu.memory_space<vmem>> -> memref<1x1x32x137xf32, #tpu.memory_space<vmem>>
        %scatter3A_917 = tpu.memref_squeeze %scatter3A_916 : memref<1x1x32x137xf32, #tpu.memory_space<vmem>> -> memref<32x137xf32, #tpu.memory_space<vmem>>
        tpu.vector_store_idx %scatter3A_917[%add3A_583, %broadcast_in_dim3A_909], %get3A_908 : memref<32x137xf32, #tpu.memory_space<vmem>>[vector<16xi32>, vector<16xi32>], vector<16xf32>,
        %mul3A_918 = arith.constant 16 : i32
        %mul3A_919 = arith.muli %scan3A_712, %mul3A_918 : i32
        %add3A_920 = arith.constant 9 : i32
        %add3A_921 = arith.addi %mul3A_919, %add3A_920 : i32
        %get3A_922 = arith.constant 2 : i32
        %get3A_923 = arith.index_cast %get3A_922 : i32 to index
        %get3A_924 = arith.index_cast %add3A_921 : i32 to index
        %get3A_925 = arith.constant 0 : index
        %get3A_926 = tpu.vector_load %arg7[%get3A_923, %get3A_924, %get3A_925] {strides = array<i32>} : memref<4x128x32xf32, #tpu.memory_space<vmem>>, vector<16xf32>,
        %get3A_927 = arith.constant 2 : i32
        %get3A_928 = arith.index_cast %get3A_927 : i32 to index
        %get3A_929 = arith.index_cast %add3A_921 : i32 to index
        %get3A_930 = arith.constant 16 : index
        %get3A_931 = tpu.vector_load %arg7[%get3A_928, %get3A_929, %get3A_930] {strides = array<i32>} : memref<4x128x32xf32, #tpu.memory_space<vmem>>, vector<16xf32>,
        %broadcast_in_dim3A_932 = vector.broadcast %add3A_921 : i32 to vector<16xi32>
        %scatter3A_933 = arith.constant 0 : i32
        %scatter3A_934 = arith.constant 0 : i32
        %scatter3A_935 = tpu.memref_slice %arg8[%scan3A_585, %scan3A_586, %scatter3A_933, %scatter3A_934] : memref<4x1x32x137xf32, #tpu.memory_space<vmem>> -> memref<1x1x32x137xf32, #tpu.memory_space<vmem>>
        %scatter3A_936 = tpu.memref_squeeze %scatter3A_935 : memref<1x1x32x137xf32, #tpu.memory_space<vmem>> -> memref<32x137xf32, #tpu.memory_space<vmem>>
        tpu.vector_store_idx %scatter3A_936[%iota3A, %broadcast_in_dim3A_932], %get3A_926 : memref<32x137xf32, #tpu.memory_space<vmem>>[vector<16xi32>, vector<16xi32>], vector<16xf32>,
        %scatter3A_937 = arith.constant 0 : i32
        %scatter3A_938 = arith.constant 0 : i32
        %scatter3A_939 = tpu.memref_slice %arg8[%scan3A_585, %scan3A_586, %scatter3A_937, %scatter3A_938] : memref<4x1x32x137xf32, #tpu.memory_space<vmem>> -> memref<1x1x32x137xf32, #tpu.memory_space<vmem>>
        %scatter3A_940 = tpu.memref_squeeze %scatter3A_939 : memref<1x1x32x137xf32, #tpu.memory_space<vmem>> -> memref<32x137xf32, #tpu.memory_space<vmem>>
        tpu.vector_store_idx %scatter3A_940[%add3A_583, %broadcast_in_dim3A_932], %get3A_931 : memref<32x137xf32, #tpu.memory_space<vmem>>[vector<16xi32>, vector<16xi32>], vector<16xf32>,
        %mul3A_941 = arith.constant 16 : i32
        %mul3A_942 = arith.muli %scan3A_712, %mul3A_941 : i32
        %add3A_943 = arith.constant 10 : i32
        %add3A_944 = arith.addi %mul3A_942, %add3A_943 : i32
        %get3A_945 = arith.constant 2 : i32
        %get3A_946 = arith.index_cast %get3A_945 : i32 to index
        %get3A_947 = arith.index_cast %add3A_944 : i32 to index
        %get3A_948 = arith.constant 0 : index
        %get3A_949 = tpu.vector_load %arg7[%get3A_946, %get3A_947, %get3A_948] {strides = array<i32>} : memref<4x128x32xf32, #tpu.memory_space<vmem>>, vector<16xf32>,
        %get3A_950 = arith.constant 2 : i32
        %get3A_951 = arith.index_cast %get3A_950 : i32 to index
        %get3A_952 = arith.index_cast %add3A_944 : i32 to index
        %get3A_953 = arith.constant 16 : index
        %get3A_954 = tpu.vector_load %arg7[%get3A_951, %get3A_952, %get3A_953] {strides = array<i32>} : memref<4x128x32xf32, #tpu.memory_space<vmem>>, vector<16xf32>,
        %broadcast_in_dim3A_955 = vector.broadcast %add3A_944 : i32 to vector<16xi32>
        %scatter3A_956 = arith.constant 0 : i32
        %scatter3A_957 = arith.constant 0 : i32
        %scatter3A_958 = tpu.memref_slice %arg8[%scan3A_585, %scan3A_586, %scatter3A_956, %scatter3A_957] : memref<4x1x32x137xf32, #tpu.memory_space<vmem>> -> memref<1x1x32x137xf32, #tpu.memory_space<vmem>>
        %scatter3A_959 = tpu.memref_squeeze %scatter3A_958 : memref<1x1x32x137xf32, #tpu.memory_space<vmem>> -> memref<32x137xf32, #tpu.memory_space<vmem>>
        tpu.vector_store_idx %scatter3A_959[%iota3A, %broadcast_in_dim3A_955], %get3A_949 : memref<32x137xf32, #tpu.memory_space<vmem>>[vector<16xi32>, vector<16xi32>], vector<16xf32>,
        %scatter3A_960 = arith.constant 0 : i32
        %scatter3A_961 = arith.constant 0 : i32
        %scatter3A_962 = tpu.memref_slice %arg8[%scan3A_585, %scan3A_586, %scatter3A_960, %scatter3A_961] : memref<4x1x32x137xf32, #tpu.memory_space<vmem>> -> memref<1x1x32x137xf32, #tpu.memory_space<vmem>>
        %scatter3A_963 = tpu.memref_squeeze %scatter3A_962 : memref<1x1x32x137xf32, #tpu.memory_space<vmem>> -> memref<32x137xf32, #tpu.memory_space<vmem>>
        tpu.vector_store_idx %scatter3A_963[%add3A_583, %broadcast_in_dim3A_955], %get3A_954 : memref<32x137xf32, #tpu.memory_space<vmem>>[vector<16xi32>, vector<16xi32>], vector<16xf32>,
        %mul3A_964 = arith.constant 16 : i32
        %mul3A_965 = arith.muli %scan3A_712, %mul3A_964 : i32
        %add3A_966 = arith.constant 11 : i32
        %add3A_967 = arith.addi %mul3A_965, %add3A_966 : i32
        %get3A_968 = arith.constant 2 : i32
        %get3A_969 = arith.index_cast %get3A_968 : i32 to index
        %get3A_970 = arith.index_cast %add3A_967 : i32 to index
        %get3A_971 = arith.constant 0 : index
        %get3A_972 = tpu.vector_load %arg7[%get3A_969, %get3A_970, %get3A_971] {strides = array<i32>} : memref<4x128x32xf32, #tpu.memory_space<vmem>>, vector<16xf32>,
        %get3A_973 = arith.constant 2 : i32
        %get3A_974 = arith.index_cast %get3A_973 : i32 to index
        %get3A_975 = arith.index_cast %add3A_967 : i32 to index
        %get3A_976 = arith.constant 16 : index
        %get3A_977 = tpu.vector_load %arg7[%get3A_974, %get3A_975, %get3A_976] {strides = array<i32>} : memref<4x128x32xf32, #tpu.memory_space<vmem>>, vector<16xf32>,
        %broadcast_in_dim3A_978 = vector.broadcast %add3A_967 : i32 to vector<16xi32>
        %scatter3A_979 = arith.constant 0 : i32
        %scatter3A_980 = arith.constant 0 : i32
        %scatter3A_981 = tpu.memref_slice %arg8[%scan3A_585, %scan3A_586, %scatter3A_979, %scatter3A_980] : memref<4x1x32x137xf32, #tpu.memory_space<vmem>> -> memref<1x1x32x137xf32, #tpu.memory_space<vmem>>
        %scatter3A_982 = tpu.memref_squeeze %scatter3A_981 : memref<1x1x32x137xf32, #tpu.memory_space<vmem>> -> memref<32x137xf32, #tpu.memory_space<vmem>>
        tpu.vector_store_idx %scatter3A_982[%iota3A, %broadcast_in_dim3A_978], %get3A_972 : memref<32x137xf32, #tpu.memory_space<vmem>>[vector<16xi32>, vector<16xi32>], vector<16xf32>,
        %scatter3A_983 = arith.constant 0 : i32
        %scatter3A_984 = arith.constant 0 : i32
        %scatter3A_985 = tpu.memref_slice %arg8[%scan3A_585, %scan3A_586, %scatter3A_983, %scatter3A_984] : memref<4x1x32x137xf32, #tpu.memory_space<vmem>> -> memref<1x1x32x137xf32, #tpu.memory_space<vmem>>
        %scatter3A_986 = tpu.memref_squeeze %scatter3A_985 : memref<1x1x32x137xf32, #tpu.memory_space<vmem>> -> memref<32x137xf32, #tpu.memory_space<vmem>>
        tpu.vector_store_idx %scatter3A_986[%add3A_583, %broadcast_in_dim3A_978], %get3A_977 : memref<32x137xf32, #tpu.memory_space<vmem>>[vector<16xi32>, vector<16xi32>], vector<16xf32>,
        %mul3A_987 = arith.constant 16 : i32
        %mul3A_988 = arith.muli %scan3A_712, %mul3A_987 : i32
        %add3A_989 = arith.constant 12 : i32
        %add3A_990 = arith.addi %mul3A_988, %add3A_989 : i32
        %get3A_991 = arith.constant 2 : i32
        %get3A_992 = arith.index_cast %get3A_991 : i32 to index
        %get3A_993 = arith.index_cast %add3A_990 : i32 to index
        %get3A_994 = arith.constant 0 : index
        %get3A_995 = tpu.vector_load %arg7[%get3A_992, %get3A_993, %get3A_994] {strides = array<i32>} : memref<4x128x32xf32, #tpu.memory_space<vmem>>, vector<16xf32>,
        %get3A_996 = arith.constant 2 : i32
        %get3A_997 = arith.index_cast %get3A_996 : i32 to index
        %get3A_998 = arith.index_cast %add3A_990 : i32 to index
        %get3A_999 = arith.constant 16 : index
        %get3A_1000 = tpu.vector_load %arg7[%get3A_997, %get3A_998, %get3A_999] {strides = array<i32>} : memref<4x128x32xf32, #tpu.memory_space<vmem>>, vector<16xf32>,
        %broadcast_in_dim3A_1001 = vector.broadcast %add3A_990 : i32 to vector<16xi32>
        %scatter3A_1002 = arith.constant 0 : i32
        %scatter3A_1003 = arith.constant 0 : i32
        %scatter3A_1004 = tpu.memref_slice %arg8[%scan3A_585, %scan3A_586, %scatter3A_1002, %scatter3A_1003] : memref<4x1x32x137xf32, #tpu.memory_space<vmem>> -> memref<1x1x32x137xf32, #tpu.memory_space<vmem>>
        %scatter3A_1005 = tpu.memref_squeeze %scatter3A_1004 : memref<1x1x32x137xf32, #tpu.memory_space<vmem>> -> memref<32x137xf32, #tpu.memory_space<vmem>>
        tpu.vector_store_idx %scatter3A_1005[%iota3A, %broadcast_in_dim3A_1001], %get3A_995 : memref<32x137xf32, #tpu.memory_space<vmem>>[vector<16xi32>, vector<16xi32>], vector<16xf32>,
        %scatter3A_1006 = arith.constant 0 : i32
        %scatter3A_1007 = arith.constant 0 : i32
        %scatter3A_1008 = tpu.memref_slice %arg8[%scan3A_585, %scan3A_586, %scatter3A_1006, %scatter3A_1007] : memref<4x1x32x137xf32, #tpu.memory_space<vmem>> -> memref<1x1x32x137xf32, #tpu.memory_space<vmem>>
        %scatter3A_1009 = tpu.memref_squeeze %scatter3A_1008 : memref<1x1x32x137xf32, #tpu.memory_space<vmem>> -> memref<32x137xf32, #tpu.memory_space<vmem>>
        tpu.vector_store_idx %scatter3A_1009[%add3A_583, %broadcast_in_dim3A_1001], %get3A_1000 : memref<32x137xf32, #tpu.memory_space<vmem>>[vector<16xi32>, vector<16xi32>], vector<16xf32>,
        %mul3A_1010 = arith.constant 16 : i32
        %mul3A_1011 = arith.muli %scan3A_712, %mul3A_1010 : i32
        %add3A_1012 = arith.constant 13 : i32
        %add3A_1013 = arith.addi %mul3A_1011, %add3A_1012 : i32
        %get3A_1014 = arith.constant 2 : i32
        %get3A_1015 = arith.index_cast %get3A_1014 : i32 to index
        %get3A_1016 = arith.index_cast %add3A_1013 : i32 to index
        %get3A_1017 = arith.constant 0 : index
        %get3A_1018 = tpu.vector_load %arg7[%get3A_1015, %get3A_1016, %get3A_1017] {strides = array<i32>} : memref<4x128x32xf32, #tpu.memory_space<vmem>>, vector<16xf32>,
        %get3A_1019 = arith.constant 2 : i32
        %get3A_1020 = arith.index_cast %get3A_1019 : i32 to index
        %get3A_1021 = arith.index_cast %add3A_1013 : i32 to index
        %get3A_1022 = arith.constant 16 : index
        %get3A_1023 = tpu.vector_load %arg7[%get3A_1020, %get3A_1021, %get3A_1022] {strides = array<i32>} : memref<4x128x32xf32, #tpu.memory_space<vmem>>, vector<16xf32>,
        %broadcast_in_dim3A_1024 = vector.broadcast %add3A_1013 : i32 to vector<16xi32>
        %scatter3A_1025 = arith.constant 0 : i32
        %scatter3A_1026 = arith.constant 0 : i32
        %scatter3A_1027 = tpu.memref_slice %arg8[%scan3A_585, %scan3A_586, %scatter3A_1025, %scatter3A_1026] : memref<4x1x32x137xf32, #tpu.memory_space<vmem>> -> memref<1x1x32x137xf32, #tpu.memory_space<vmem>>
        %scatter3A_1028 = tpu.memref_squeeze %scatter3A_1027 : memref<1x1x32x137xf32, #tpu.memory_space<vmem>> -> memref<32x137xf32, #tpu.memory_space<vmem>>
        tpu.vector_store_idx %scatter3A_1028[%iota3A, %broadcast_in_dim3A_1024], %get3A_1018 : memref<32x137xf32, #tpu.memory_space<vmem>>[vector<16xi32>, vector<16xi32>], vector<16xf32>,
        %scatter3A_1029 = arith.constant 0 : i32
        %scatter3A_1030 = arith.constant 0 : i32
        %scatter3A_1031 = tpu.memref_slice %arg8[%scan3A_585, %scan3A_586, %scatter3A_1029, %scatter3A_1030] : memref<4x1x32x137xf32, #tpu.memory_space<vmem>> -> memref<1x1x32x137xf32, #tpu.memory_space<vmem>>
        %scatter3A_1032 = tpu.memref_squeeze %scatter3A_1031 : memref<1x1x32x137xf32, #tpu.memory_space<vmem>> -> memref<32x137xf32, #tpu.memory_space<vmem>>
        tpu.vector_store_idx %scatter3A_1032[%add3A_583, %broadcast_in_dim3A_1024], %get3A_1023 : memref<32x137xf32, #tpu.memory_space<vmem>>[vector<16xi32>, vector<16xi32>], vector<16xf32>,
        %mul3A_1033 = arith.constant 16 : i32
        %mul3A_1034 = arith.muli %scan3A_712, %mul3A_1033 : i32
        %add3A_1035 = arith.constant 14 : i32
        %add3A_1036 = arith.addi %mul3A_1034, %add3A_1035 : i32
        %get3A_1037 = arith.constant 2 : i32
        %get3A_1038 = arith.index_cast %get3A_1037 : i32 to index
        %get3A_1039 = arith.index_cast %add3A_1036 : i32 to index
        %get3A_1040 = arith.constant 0 : index
        %get3A_1041 = tpu.vector_load %arg7[%get3A_1038, %get3A_1039, %get3A_1040] {strides = array<i32>} : memref<4x128x32xf32, #tpu.memory_space<vmem>>, vector<16xf32>,
        %get3A_1042 = arith.constant 2 : i32
        %get3A_1043 = arith.index_cast %get3A_1042 : i32 to index
        %get3A_1044 = arith.index_cast %add3A_1036 : i32 to index
        %get3A_1045 = arith.constant 16 : index
        %get3A_1046 = tpu.vector_load %arg7[%get3A_1043, %get3A_1044, %get3A_1045] {strides = array<i32>} : memref<4x128x32xf32, #tpu.memory_space<vmem>>, vector<16xf32>,
        %broadcast_in_dim3A_1047 = vector.broadcast %add3A_1036 : i32 to vector<16xi32>
        %scatter3A_1048 = arith.constant 0 : i32
        %scatter3A_1049 = arith.constant 0 : i32
        %scatter3A_1050 = tpu.memref_slice %arg8[%scan3A_585, %scan3A_586, %scatter3A_1048, %scatter3A_1049] : memref<4x1x32x137xf32, #tpu.memory_space<vmem>> -> memref<1x1x32x137xf32, #tpu.memory_space<vmem>>
        %scatter3A_1051 = tpu.memref_squeeze %scatter3A_1050 : memref<1x1x32x137xf32, #tpu.memory_space<vmem>> -> memref<32x137xf32, #tpu.memory_space<vmem>>
        tpu.vector_store_idx %scatter3A_1051[%iota3A, %broadcast_in_dim3A_1047], %get3A_1041 : memref<32x137xf32, #tpu.memory_space<vmem>>[vector<16xi32>, vector<16xi32>], vector<16xf32>,
        %scatter3A_1052 = arith.constant 0 : i32
        %scatter3A_1053 = arith.constant 0 : i32
        %scatter3A_1054 = tpu.memref_slice %arg8[%scan3A_585, %scan3A_586, %scatter3A_1052, %scatter3A_1053] : memref<4x1x32x137xf32, #tpu.memory_space<vmem>> -> memref<1x1x32x137xf32, #tpu.memory_space<vmem>>
        %scatter3A_1055 = tpu.memref_squeeze %scatter3A_1054 : memref<1x1x32x137xf32, #tpu.memory_space<vmem>> -> memref<32x137xf32, #tpu.memory_space<vmem>>
        tpu.vector_store_idx %scatter3A_1055[%add3A_583, %broadcast_in_dim3A_1047], %get3A_1046 : memref<32x137xf32, #tpu.memory_space<vmem>>[vector<16xi32>, vector<16xi32>], vector<16xf32>,
        %mul3A_1056 = arith.constant 16 : i32
        %mul3A_1057 = arith.muli %scan3A_712, %mul3A_1056 : i32
        %add3A_1058 = arith.constant 15 : i32
        %add3A_1059 = arith.addi %mul3A_1057, %add3A_1058 : i32
        %get3A_1060 = arith.constant 2 : i32
        %get3A_1061 = arith.index_cast %get3A_1060 : i32 to index
        %get3A_1062 = arith.index_cast %add3A_1059 : i32 to index
        %get3A_1063 = arith.constant 0 : index
        %get3A_1064 = tpu.vector_load %arg7[%get3A_1061, %get3A_1062, %get3A_1063] {strides = array<i32>} : memref<4x128x32xf32, #tpu.memory_space<vmem>>, vector<16xf32>,
        %get3A_1065 = arith.constant 2 : i32
        %get3A_1066 = arith.index_cast %get3A_1065 : i32 to index
        %get3A_1067 = arith.index_cast %add3A_1059 : i32 to index
        %get3A_1068 = arith.constant 16 : index
        %get3A_1069 = tpu.vector_load %arg7[%get3A_1066, %get3A_1067, %get3A_1068] {strides = array<i32>} : memref<4x128x32xf32, #tpu.memory_space<vmem>>, vector<16xf32>,
        %broadcast_in_dim3A_1070 = vector.broadcast %add3A_1059 : i32 to vector<16xi32>
        %scatter3A_1071 = arith.constant 0 : i32
        %scatter3A_1072 = arith.constant 0 : i32
        %scatter3A_1073 = tpu.memref_slice %arg8[%scan3A_585, %scan3A_586, %scatter3A_1071, %scatter3A_1072] : memref<4x1x32x137xf32, #tpu.memory_space<vmem>> -> memref<1x1x32x137xf32, #tpu.memory_space<vmem>>
        %scatter3A_1074 = tpu.memref_squeeze %scatter3A_1073 : memref<1x1x32x137xf32, #tpu.memory_space<vmem>> -> memref<32x137xf32, #tpu.memory_space<vmem>>
        tpu.vector_store_idx %scatter3A_1074[%iota3A, %broadcast_in_dim3A_1070], %get3A_1064 : memref<32x137xf32, #tpu.memory_space<vmem>>[vector<16xi32>, vector<16xi32>], vector<16xf32>,
        %scatter3A_1075 = arith.constant 0 : i32
        %scatter3A_1076 = arith.constant 0 : i32
        %scatter3A_1077 = tpu.memref_slice %arg8[%scan3A_585, %scan3A_586, %scatter3A_1075, %scatter3A_1076] : memref<4x1x32x137xf32, #tpu.memory_space<vmem>> -> memref<1x1x32x137xf32, #tpu.memory_space<vmem>>
        %scatter3A_1078 = tpu.memref_squeeze %scatter3A_1077 : memref<1x1x32x137xf32, #tpu.memory_space<vmem>> -> memref<32x137xf32, #tpu.memory_space<vmem>>
        tpu.vector_store_idx %scatter3A_1078[%add3A_583, %broadcast_in_dim3A_1070], %get3A_1069 : memref<32x137xf32, #tpu.memory_space<vmem>>[vector<16xi32>, vector<16xi32>], vector<16xf32>,
      }
      %scan3A_591 = arith.constant 8 : i32
      %mul3A_592 = arith.constant 32 : i32
      %mul3A_593 = arith.muli %select_n3A_545, %mul3A_592 : i32
      %mul3A_594 = arith.constant 128 : i32
      %mul3A_595 = arith.muli %add3A_547, %mul3A_594 : i32
      %add3A_596 = arith.addi %mul3A_2, %mul3A_595 : i32
      %dma_start3A_597 = arith.constant 2 : i32
      %dma_start3A_598 = arith.constant 0 : i32
      %dma_start3A_599 = arith.constant 0 : i32
      %dma_start3A_600 = arith.constant 0 : i32
      %dma_start3A_601 = tpu.memref_slice %arg8[%dma_start3A_597, %dma_start3A_598, %dma_start3A_599, %dma_start3A_600] : memref<4x1x32x137xf32, #tpu.memory_space<vmem>> -> memref<1x1x32x128xf32, #tpu.memory_space<vmem>>
      %dma_start3A_602 = tpu.memref_squeeze %dma_start3A_601 : memref<1x1x32x128xf32, #tpu.memory_space<vmem>> -> memref<32x128xf32, #tpu.memory_space<vmem>>
      %dma_start3A_603 = tpu.memref_slice %arg4[%mul3A_593, %add3A_596] : memref<1600x16384xf32, #tpu.memory_space<hbm>> -> memref<32x128xf32, #tpu.memory_space<hbm>>
      %dma_start3A_604 = tpu.memref_slice %arg4[%mul3A_593, %add3A_596] : memref<1600x16384xf32, #tpu.memory_space<hbm>> -> memref<32x128xf32, #tpu.memory_space<hbm>>
      %dma_start3A_605 = arith.constant 0 : i32
      %dma_start3A_606 = arith.constant 0 : i32
      %dma_start3A_607 = tpu.memref_slice %arg8[%dma_start3A_597, %dma_start3A_598, %dma_start3A_605, %dma_start3A_606] : memref<4x1x32x137xf32, #tpu.memory_space<vmem>> -> memref<1x1x32x128xf32, #tpu.memory_space<vmem>>
      %dma_start3A_608 = tpu.memref_squeeze %dma_start3A_607 : memref<1x1x32x128xf32, #tpu.memory_space<vmem>> -> memref<32x128xf32, #tpu.memory_space<vmem>>
      tpu.enqueue_dma source(%dma_start3A_608 : memref<32x128xf32, #tpu.memory_space<vmem>>) target(%dma_start3A_604 : memref<32x128xf32, #tpu.memory_space<hbm>>) target_semaphore(%arg15 : memref<!tpu.dma_semaphore, #tpu.memory_space<semaphore_mem>>)
      %lt3A_609 = arith.constant 4 : i32
      %lt3A_610 = arith.cmpi slt, %add3A_555, %lt3A_609 : i32
      %convert_element_type3A_611 = arith.extui %lt3A_610 : i1 to i32
      %cond3A_612 = arith.constant 0 : i32
      %cond3A_613 = arith.cmpi ne, %convert_element_type3A_611, %cond3A_612 : i32
      scf.if %cond3A_613 {
        %mul3A_712 = arith.constant 50 : i32
        %mul3A_713 = arith.muli %add3A_555, %mul3A_712 : i32
        %add3A_714 = arith.addi %mul3A_713, %select_n3A_553 : i32
        %get3A_715 = arith.index_cast %add3A_714 : i32 to index
        %get3A_716 = arith.constant 0 : index
        %get3A_717 = tpu.vector_load %arg5[%get3A_715, %get3A_716] {strides = array<i32>} : memref<200x128xi32, #tpu.memory_space<vmem>>, vector<16xi32>,
        %swap3A_718 = arith.constant 2 : i32
        %swap3A_719 = arith.index_cast %swap3A_718 : i32 to index
        %swap3A_720 = arith.constant 0 : index
        %swap3A_721 = tpu.vector_load %arg6[%swap3A_719, %swap3A_720] {strides = array<i32>} : memref<4x128xi32, #tpu.memory_space<vmem>>, vector<16xi32>,
        tpu.vector_store %arg6[%swap3A_719, %swap3A_720], %get3A_717 {strides = array<i32>} : memref<4x128xi32, #tpu.memory_space<vmem>>, vector<16xi32>,
        %mul3A_722 = arith.constant 50 : i32
        %mul3A_723 = arith.muli %add3A_555, %mul3A_722 : i32
        %add3A_724 = arith.addi %mul3A_723, %select_n3A_553 : i32
        %get3A_725 = arith.index_cast %add3A_724 : i32 to index
        %get3A_726 = arith.constant 16 : index
        %get3A_727 = tpu.vector_load %arg5[%get3A_725, %get3A_726] {strides = array<i32>} : memref<200x128xi32, #tpu.memory_space<vmem>>, vector<16xi32>,
        %swap3A_728 = arith.constant 2 : i32
        %swap3A_729 = arith.index_cast %swap3A_728 : i32 to index
        %swap3A_730 = arith.constant 16 : index
        %swap3A_731 = tpu.vector_load %arg6[%swap3A_729, %swap3A_730] {strides = array<i32>} : memref<4x128xi32, #tpu.memory_space<vmem>>, vector<16xi32>,
        tpu.vector_store %arg6[%swap3A_729, %swap3A_730], %get3A_727 {strides = array<i32>} : memref<4x128xi32, #tpu.memory_space<vmem>>, vector<16xi32>,
        %mul3A_732 = arith.constant 50 : i32
        %mul3A_733 = arith.muli %add3A_555, %mul3A_732 : i32
        %add3A_734 = arith.addi %mul3A_733, %select_n3A_553 : i32
        %get3A_735 = arith.index_cast %add3A_734 : i32 to index
        %get3A_736 = arith.constant 32 : index
        %get3A_737 = tpu.vector_load %arg5[%get3A_735, %get3A_736] {strides = array<i32>} : memref<200x128xi32, #tpu.memory_space<vmem>>, vector<16xi32>,
        %swap3A_738 = arith.constant 2 : i32
        %swap3A_739 = arith.index_cast %swap3A_738 : i32 to index
        %swap3A_740 = arith.constant 32 : index
        %swap3A_741 = tpu.vector_load %arg6[%swap3A_739, %swap3A_740] {strides = array<i32>} : memref<4x128xi32, #tpu.memory_space<vmem>>, vector<16xi32>,
        tpu.vector_store %arg6[%swap3A_739, %swap3A_740], %get3A_737 {strides = array<i32>} : memref<4x128xi32, #tpu.memory_space<vmem>>, vector<16xi32>,
        %mul3A_742 = arith.constant 50 : i32
        %mul3A_743 = arith.muli %add3A_555, %mul3A_742 : i32
        %add3A_744 = arith.addi %mul3A_743, %select_n3A_553 : i32
        %get3A_745 = arith.index_cast %add3A_744 : i32 to index
        %get3A_746 = arith.constant 48 : index
        %get3A_747 = tpu.vector_load %arg5[%get3A_745, %get3A_746] {strides = array<i32>} : memref<200x128xi32, #tpu.memory_space<vmem>>, vector<16xi32>,
        %swap3A_748 = arith.constant 2 : i32
        %swap3A_749 = arith.index_cast %swap3A_748 : i32 to index
        %swap3A_750 = arith.constant 48 : index
        %swap3A_751 = tpu.vector_load %arg6[%swap3A_749, %swap3A_750] {strides = array<i32>} : memref<4x128xi32, #tpu.memory_space<vmem>>, vector<16xi32>,
        tpu.vector_store %arg6[%swap3A_749, %swap3A_750], %get3A_747 {strides = array<i32>} : memref<4x128xi32, #tpu.memory_space<vmem>>, vector<16xi32>,
        %mul3A_752 = arith.constant 50 : i32
        %mul3A_753 = arith.muli %add3A_555, %mul3A_752 : i32
        %add3A_754 = arith.addi %mul3A_753, %select_n3A_553 : i32
        %get3A_755 = arith.index_cast %add3A_754 : i32 to index
        %get3A_756 = arith.constant 64 : index
        %get3A_757 = tpu.vector_load %arg5[%get3A_755, %get3A_756] {strides = array<i32>} : memref<200x128xi32, #tpu.memory_space<vmem>>, vector<16xi32>,
        %swap3A_758 = arith.constant 2 : i32
        %swap3A_759 = arith.index_cast %swap3A_758 : i32 to index
        %swap3A_760 = arith.constant 64 : index
        %swap3A_761 = tpu.vector_load %arg6[%swap3A_759, %swap3A_760] {strides = array<i32>} : memref<4x128xi32, #tpu.memory_space<vmem>>, vector<16xi32>,
        tpu.vector_store %arg6[%swap3A_759, %swap3A_760], %get3A_757 {strides = array<i32>} : memref<4x128xi32, #tpu.memory_space<vmem>>, vector<16xi32>,
        %mul3A_762 = arith.constant 50 : i32
        %mul3A_763 = arith.muli %add3A_555, %mul3A_762 : i32
        %add3A_764 = arith.addi %mul3A_763, %select_n3A_553 : i32
        %get3A_765 = arith.index_cast %add3A_764 : i32 to index
        %get3A_766 = arith.constant 80 : index
        %get3A_767 = tpu.vector_load %arg5[%get3A_765, %get3A_766] {strides = array<i32>} : memref<200x128xi32, #tpu.memory_space<vmem>>, vector<16xi32>,
        %swap3A_768 = arith.constant 2 : i32
        %swap3A_769 = arith.index_cast %swap3A_768 : i32 to index
        %swap3A_770 = arith.constant 80 : index
        %swap3A_771 = tpu.vector_load %arg6[%swap3A_769, %swap3A_770] {strides = array<i32>} : memref<4x128xi32, #tpu.memory_space<vmem>>, vector<16xi32>,
        tpu.vector_store %arg6[%swap3A_769, %swap3A_770], %get3A_767 {strides = array<i32>} : memref<4x128xi32, #tpu.memory_space<vmem>>, vector<16xi32>,
        %mul3A_772 = arith.constant 50 : i32
        %mul3A_773 = arith.muli %add3A_555, %mul3A_772 : i32
        %add3A_774 = arith.addi %mul3A_773, %select_n3A_553 : i32
        %get3A_775 = arith.index_cast %add3A_774 : i32 to index
        %get3A_776 = arith.constant 96 : index
        %get3A_777 = tpu.vector_load %arg5[%get3A_775, %get3A_776] {strides = array<i32>} : memref<200x128xi32, #tpu.memory_space<vmem>>, vector<16xi32>,
        %swap3A_778 = arith.constant 2 : i32
        %swap3A_779 = arith.index_cast %swap3A_778 : i32 to index
        %swap3A_780 = arith.constant 96 : index
        %swap3A_781 = tpu.vector_load %arg6[%swap3A_779, %swap3A_780] {strides = array<i32>} : memref<4x128xi32, #tpu.memory_space<vmem>>, vector<16xi32>,
        tpu.vector_store %arg6[%swap3A_779, %swap3A_780], %get3A_777 {strides = array<i32>} : memref<4x128xi32, #tpu.memory_space<vmem>>, vector<16xi32>,
        %mul3A_782 = arith.constant 50 : i32
        %mul3A_783 = arith.muli %add3A_555, %mul3A_782 : i32
        %add3A_784 = arith.addi %mul3A_783, %select_n3A_553 : i32
        %get3A_785 = arith.index_cast %add3A_784 : i32 to index
        %get3A_786 = arith.constant 112 : index
        %get3A_787 = tpu.vector_load %arg5[%get3A_785, %get3A_786] {strides = array<i32>} : memref<200x128xi32, #tpu.memory_space<vmem>>, vector<16xi32>,
        %swap3A_788 = arith.constant 2 : i32
        %swap3A_789 = arith.index_cast %swap3A_788 : i32 to index
        %swap3A_790 = arith.constant 112 : index
        %swap3A_791 = tpu.vector_load %arg6[%swap3A_789, %swap3A_790] {strides = array<i32>} : memref<4x128xi32, #tpu.memory_space<vmem>>, vector<16xi32>,
        tpu.vector_store %arg6[%swap3A_789, %swap3A_790], %get3A_787 {strides = array<i32>} : memref<4x128xi32, #tpu.memory_space<vmem>>, vector<16xi32>,
        %dma_start3A_792 = arith.constant 2 : i32
        %dma_start3A_793 = arith.constant 2 : i32
        %dma_start3A_794 = arith.constant 0 : i32
        %dma_start3A_795 = arith.constant 0 : i32
        %dma_start3A_796 = tpu.memref_slice %arg7[%dma_start3A_793, %dma_start3A_794, %dma_start3A_795] : memref<4x128x32xf32, #tpu.memory_space<vmem>> -> memref<1x128x32xf32, #tpu.memory_space<vmem>>
        %dma_start3A_797 = tpu.memref_squeeze %dma_start3A_796 : memref<1x128x32xf32, #tpu.memory_space<vmem>> -> memref<128x32xf32, #tpu.memory_space<vmem>>
        %dma_start3A_798 = arith.constant 0 : i32
        %dma_start3A_799 = tpu.memref_slice %arg6[%dma_start3A_792, %dma_start3A_798] : memref<4x128xi32, #tpu.memory_space<vmem>> -> memref<1x128xi32, #tpu.memory_space<vmem>>
        %dma_start3A_800 = tpu.memref_squeeze %dma_start3A_799 : memref<1x128xi32, #tpu.memory_space<vmem>> -> memref<128xi32, #tpu.memory_space<vmem>>
        %dma_start3A_801 = arith.constant 0 : i32
        %dma_start3A_802 = arith.constant 0 : i32
        %dma_start3A_803 = tpu.memref_slice %arg2[%dma_start3A_801, %dma_start3A_802] : memref<1000000x32xf32, #tpu.memory_space<hbm>> -> memref<1000000x32xf32, #tpu.memory_space<hbm>>
        tpu.enqueue_indirect_dma source(%dma_start3A_803 : memref<1000000x32xf32, #tpu.memory_space<hbm>>) target(%dma_start3A_797 : memref<128x32xf32, #tpu.memory_space<vmem>>) offsets(%dma_start3A_800 : memref<128xi32, #tpu.memory_space<vmem>>) semaphore(%arg11 : memref<!tpu.dma_semaphore, #tpu.memory_space<semaphore_mem>>)
      } else {
      }
      %eq3A_614 = arith.constant 49 : i32
      %eq3A_615 = arith.cmpi eq, %select_n3A_545, %eq3A_614 : i32
      %add3A_616 = arith.constant 1 : i32
      %add3A_617 = arith.addi %select_n3A_545, %add3A_616 : i32
      %jit3A_618 = arith.constant 0 : i32
      %select_n3A_619 = arith.select %eq3A_615, %jit3A_618, %add3A_617 : i32
      %convert_element_type3A_620 = arith.extui %eq3A_615 : i1 to i32
      %add3A_621 = arith.addi %add3A_547, %convert_element_type3A_620 : i32
      %eq3A_622 = arith.constant 49 : i32
      %eq3A_623 = arith.cmpi eq, %select_n3A_553, %eq3A_622 : i32
      %add3A_624 = arith.constant 1 : i32
      %add3A_625 = arith.addi %select_n3A_553, %add3A_624 : i32
      %jit3A_626 = arith.constant 0 : i32
      %select_n3A_627 = arith.select %eq3A_623, %jit3A_626, %add3A_625 : i32
      %convert_element_type3A_628 = arith.extui %eq3A_623 : i1 to i32
      %add3A_629 = arith.addi %add3A_555, %convert_element_type3A_628 : i32
      %eq3A_630 = arith.constant 49 : i32
      %eq3A_631 = arith.cmpi eq, %select_n3A_561, %eq3A_630 : i32
      %add3A_632 = arith.constant 1 : i32
      %add3A_633 = arith.addi %select_n3A_561, %add3A_632 : i32
      %jit3A_634 = arith.constant 0 : i32
      %select_n3A_635 = arith.select %eq3A_631, %jit3A_634, %add3A_633 : i32
      %convert_element_type3A_636 = arith.extui %eq3A_631 : i1 to i32
      %add3A_637 = arith.addi %add3A_563, %convert_element_type3A_636 : i32
      %dma_wait3A_638 = arith.constant 3 : i32
      %dma_wait3A_639 = arith.constant 3 : i32
      %dma_wait3A_640 = arith.constant 0 : i32
      %dma_wait3A_641 = arith.constant 0 : i32
      %dma_wait3A_642 = tpu.memref_slice %arg7[%dma_wait3A_639, %dma_wait3A_640, %dma_wait3A_641] : memref<4x128x32xf32, #tpu.memory_space<vmem>> -> memref<1x128x32xf32, #tpu.memory_space<vmem>>
      %dma_wait3A_643 = tpu.memref_squeeze %dma_wait3A_642 : memref<1x128x32xf32, #tpu.memory_space<vmem>> -> memref<128x32xf32, #tpu.memory_space<vmem>>
      %dma_wait3A_644 = arith.constant 0 : i32
      %dma_wait3A_645 = tpu.memref_slice %arg6[%dma_wait3A_638, %dma_wait3A_644] : memref<4x128xi32, #tpu.memory_space<vmem>> -> memref<1x128xi32, #tpu.memory_space<vmem>>
      %dma_wait3A_646 = tpu.memref_squeeze %dma_wait3A_645 : memref<1x128xi32, #tpu.memory_space<vmem>> -> memref<128xi32, #tpu.memory_space<vmem>>
      %dma_wait3A_647 = arith.constant 0 : i32
      %dma_wait3A_648 = arith.constant 0 : i32
      %dma_wait3A_649 = tpu.memref_slice %arg2[%dma_wait3A_647, %dma_wait3A_648] : memref<1000000x32xf32, #tpu.memory_space<hbm>> -> memref<1000000x32xf32, #tpu.memory_space<hbm>>
      tpu.wait_indirect_dma semaphore(%arg12 : memref<!tpu.dma_semaphore, #tpu.memory_space<semaphore_mem>>) src(%dma_wait3A_649 : memref<1000000x32xf32, #tpu.memory_space<hbm>>) dst(%dma_wait3A_643 : memref<128x32xf32, #tpu.memory_space<vmem>>)
      %ge3A_650 = arith.constant 0 : i32
      %ge3A_651 = arith.cmpi sge, %add3A_637, %ge3A_650 : i32
      %convert_element_type3A_652 = arith.extui %ge3A_651 : i1 to i32
      %cond3A_653 = arith.constant 0 : i32
      %cond3A_654 = arith.cmpi ne, %convert_element_type3A_652, %cond3A_653 : i32
      scf.if %cond3A_654 {
        %mul3A_712 = arith.constant 32 : i32
        %mul3A_713 = arith.muli %select_n3A_635, %mul3A_712 : i32
        %mul3A_714 = arith.constant 128 : i32
        %mul3A_715 = arith.muli %add3A_637, %mul3A_714 : i32
        %add3A_716 = arith.addi %mul3A_2, %mul3A_715 : i32
        %dma_wait3A_717 = arith.constant 3 : i32
        %dma_wait3A_718 = arith.constant 0 : i32
        %dma_wait3A_719 = arith.constant 0 : i32
        %dma_wait3A_720 = arith.constant 0 : i32
        %dma_wait3A_721 = tpu.memref_slice %arg8[%dma_wait3A_717, %dma_wait3A_718, %dma_wait3A_719, %dma_wait3A_720] : memref<4x1x32x137xf32, #tpu.memory_space<vmem>> -> memref<1x1x32x128xf32, #tpu.memory_space<vmem>>
        %dma_wait3A_722 = tpu.memref_squeeze %dma_wait3A_721 : memref<1x1x32x128xf32, #tpu.memory_space<vmem>> -> memref<32x128xf32, #tpu.memory_space<vmem>>
        %dma_wait3A_723 = tpu.memref_slice %arg4[%mul3A_713, %add3A_716] : memref<1600x16384xf32, #tpu.memory_space<hbm>> -> memref<32x128xf32, #tpu.memory_space<hbm>>
        %dma_wait3A_724 = tpu.memref_slice %arg4[%mul3A_713, %add3A_716] : memref<1600x16384xf32, #tpu.memory_space<hbm>> -> memref<32x128xf32, #tpu.memory_space<hbm>>
        %dma_wait3A_725 = arith.constant 0 : i32
        %dma_wait3A_726 = arith.constant 0 : i32
        %dma_wait3A_727 = tpu.memref_slice %arg8[%dma_wait3A_717, %dma_wait3A_718, %dma_wait3A_725, %dma_wait3A_726] : memref<4x1x32x137xf32, #tpu.memory_space<vmem>> -> memref<1x1x32x128xf32, #tpu.memory_space<vmem>>
        %dma_wait3A_728 = tpu.memref_squeeze %dma_wait3A_727 : memref<1x1x32x128xf32, #tpu.memory_space<vmem>> -> memref<32x128xf32, #tpu.memory_space<vmem>>
        tpu.wait_dma2 semaphore(%arg16 : memref<!tpu.dma_semaphore, #tpu.memory_space<semaphore_mem>>) src(%dma_wait3A_728 : memref<32x128xf32, #tpu.memory_space<vmem>>) dst(%dma_wait3A_724 : memref<32x128xf32, #tpu.memory_space<hbm>>)
      } else {
      }
      %add3A_655 = arith.constant 16 : i32
      %add3A_656 = vector.broadcast %add3A_655 : i32 to vector<16xi32>
      %add3A_657 = arith.addi %iota3A, %add3A_656 : vector<16xi32>
      %scan3A_658 = arith.constant 0 : i32
      %scan3A_659 = arith.constant 3 : i32
      %scan3A_660 = arith.constant 0 : i32
      %scan3A_661 = arith.constant 0 : i32
      %scan3A_662 = arith.constant 8 : i32
      %scan3A_663 = arith.addi %scan3A_661, %scan3A_662 : i32
      %scan3A_664 = arith.constant 1 : i32
      scf.for %scan3A_712 = %scan3A_661 to %scan3A_663 step %scan3A_664  : i32 {
        %mul3A_713 = arith.constant 16 : i32
        %mul3A_714 = arith.muli %scan3A_712, %mul3A_713 : i32
        %add3A_715 = arith.constant 0 : i32
        %add3A_716 = arith.addi %mul3A_714, %add3A_715 : i32
        %get3A_717 = arith.constant 3 : i32
        %get3A_718 = arith.index_cast %get3A_717 : i32 to index
        %get3A_719 = arith.index_cast %add3A_716 : i32 to index
        %get3A_720 = arith.constant 0 : index
        %get3A_721 = tpu.vector_load %arg7[%get3A_718, %get3A_719, %get3A_720] {strides = array<i32>} : memref<4x128x32xf32, #tpu.memory_space<vmem>>, vector<16xf32>,
        %get3A_722 = arith.constant 3 : i32
        %get3A_723 = arith.index_cast %get3A_722 : i32 to index
        %get3A_724 = arith.index_cast %add3A_716 : i32 to index
        %get3A_725 = arith.constant 16 : index
        %get3A_726 = tpu.vector_load %arg7[%get3A_723, %get3A_724, %get3A_725] {strides = array<i32>} : memref<4x128x32xf32, #tpu.memory_space<vmem>>, vector<16xf32>,
        %broadcast_in_dim3A = vector.broadcast %add3A_716 : i32 to vector<16xi32>
        %scatter3A = arith.constant 0 : i32
        %scatter3A_727 = arith.constant 0 : i32
        %scatter3A_728 = tpu.memref_slice %arg8[%scan3A_659, %scan3A_660, %scatter3A, %scatter3A_727] : memref<4x1x32x137xf32, #tpu.memory_space<vmem>> -> memref<1x1x32x137xf32, #tpu.memory_space<vmem>>
        %scatter3A_729 = tpu.memref_squeeze %scatter3A_728 : memref<1x1x32x137xf32, #tpu.memory_space<vmem>> -> memref<32x137xf32, #tpu.memory_space<vmem>>
        tpu.vector_store_idx %scatter3A_729[%iota3A, %broadcast_in_dim3A], %get3A_721 : memref<32x137xf32, #tpu.memory_space<vmem>>[vector<16xi32>, vector<16xi32>], vector<16xf32>,
        %scatter3A_730 = arith.constant 0 : i32
        %scatter3A_731 = arith.constant 0 : i32
        %scatter3A_732 = tpu.memref_slice %arg8[%scan3A_659, %scan3A_660, %scatter3A_730, %scatter3A_731] : memref<4x1x32x137xf32, #tpu.memory_space<vmem>> -> memref<1x1x32x137xf32, #tpu.memory_space<vmem>>
        %scatter3A_733 = tpu.memref_squeeze %scatter3A_732 : memref<1x1x32x137xf32, #tpu.memory_space<vmem>> -> memref<32x137xf32, #tpu.memory_space<vmem>>
        tpu.vector_store_idx %scatter3A_733[%add3A_657, %broadcast_in_dim3A], %get3A_726 : memref<32x137xf32, #tpu.memory_space<vmem>>[vector<16xi32>, vector<16xi32>], vector<16xf32>,
        %mul3A_734 = arith.constant 16 : i32
        %mul3A_735 = arith.muli %scan3A_712, %mul3A_734 : i32
        %add3A_736 = arith.constant 1 : i32
        %add3A_737 = arith.addi %mul3A_735, %add3A_736 : i32
        %get3A_738 = arith.constant 3 : i32
        %get3A_739 = arith.index_cast %get3A_738 : i32 to index
        %get3A_740 = arith.index_cast %add3A_737 : i32 to index
        %get3A_741 = arith.constant 0 : index
        %get3A_742 = tpu.vector_load %arg7[%get3A_739, %get3A_740, %get3A_741] {strides = array<i32>} : memref<4x128x32xf32, #tpu.memory_space<vmem>>, vector<16xf32>,
        %get3A_743 = arith.constant 3 : i32
        %get3A_744 = arith.index_cast %get3A_743 : i32 to index
        %get3A_745 = arith.index_cast %add3A_737 : i32 to index
        %get3A_746 = arith.constant 16 : index
        %get3A_747 = tpu.vector_load %arg7[%get3A_744, %get3A_745, %get3A_746] {strides = array<i32>} : memref<4x128x32xf32, #tpu.memory_space<vmem>>, vector<16xf32>,
        %broadcast_in_dim3A_748 = vector.broadcast %add3A_737 : i32 to vector<16xi32>
        %scatter3A_749 = arith.constant 0 : i32
        %scatter3A_750 = arith.constant 0 : i32
        %scatter3A_751 = tpu.memref_slice %arg8[%scan3A_659, %scan3A_660, %scatter3A_749, %scatter3A_750] : memref<4x1x32x137xf32, #tpu.memory_space<vmem>> -> memref<1x1x32x137xf32, #tpu.memory_space<vmem>>
        %scatter3A_752 = tpu.memref_squeeze %scatter3A_751 : memref<1x1x32x137xf32, #tpu.memory_space<vmem>> -> memref<32x137xf32, #tpu.memory_space<vmem>>
        tpu.vector_store_idx %scatter3A_752[%iota3A, %broadcast_in_dim3A_748], %get3A_742 : memref<32x137xf32, #tpu.memory_space<vmem>>[vector<16xi32>, vector<16xi32>], vector<16xf32>,
        %scatter3A_753 = arith.constant 0 : i32
        %scatter3A_754 = arith.constant 0 : i32
        %scatter3A_755 = tpu.memref_slice %arg8[%scan3A_659, %scan3A_660, %scatter3A_753, %scatter3A_754] : memref<4x1x32x137xf32, #tpu.memory_space<vmem>> -> memref<1x1x32x137xf32, #tpu.memory_space<vmem>>
        %scatter3A_756 = tpu.memref_squeeze %scatter3A_755 : memref<1x1x32x137xf32, #tpu.memory_space<vmem>> -> memref<32x137xf32, #tpu.memory_space<vmem>>
        tpu.vector_store_idx %scatter3A_756[%add3A_657, %broadcast_in_dim3A_748], %get3A_747 : memref<32x137xf32, #tpu.memory_space<vmem>>[vector<16xi32>, vector<16xi32>], vector<16xf32>,
        %mul3A_757 = arith.constant 16 : i32
        %mul3A_758 = arith.muli %scan3A_712, %mul3A_757 : i32
        %add3A_759 = arith.constant 2 : i32
        %add3A_760 = arith.addi %mul3A_758, %add3A_759 : i32
        %get3A_761 = arith.constant 3 : i32
        %get3A_762 = arith.index_cast %get3A_761 : i32 to index
        %get3A_763 = arith.index_cast %add3A_760 : i32 to index
        %get3A_764 = arith.constant 0 : index
        %get3A_765 = tpu.vector_load %arg7[%get3A_762, %get3A_763, %get3A_764] {strides = array<i32>} : memref<4x128x32xf32, #tpu.memory_space<vmem>>, vector<16xf32>,
        %get3A_766 = arith.constant 3 : i32
        %get3A_767 = arith.index_cast %get3A_766 : i32 to index
        %get3A_768 = arith.index_cast %add3A_760 : i32 to index
        %get3A_769 = arith.constant 16 : index
        %get3A_770 = tpu.vector_load %arg7[%get3A_767, %get3A_768, %get3A_769] {strides = array<i32>} : memref<4x128x32xf32, #tpu.memory_space<vmem>>, vector<16xf32>,
        %broadcast_in_dim3A_771 = vector.broadcast %add3A_760 : i32 to vector<16xi32>
        %scatter3A_772 = arith.constant 0 : i32
        %scatter3A_773 = arith.constant 0 : i32
        %scatter3A_774 = tpu.memref_slice %arg8[%scan3A_659, %scan3A_660, %scatter3A_772, %scatter3A_773] : memref<4x1x32x137xf32, #tpu.memory_space<vmem>> -> memref<1x1x32x137xf32, #tpu.memory_space<vmem>>
        %scatter3A_775 = tpu.memref_squeeze %scatter3A_774 : memref<1x1x32x137xf32, #tpu.memory_space<vmem>> -> memref<32x137xf32, #tpu.memory_space<vmem>>
        tpu.vector_store_idx %scatter3A_775[%iota3A, %broadcast_in_dim3A_771], %get3A_765 : memref<32x137xf32, #tpu.memory_space<vmem>>[vector<16xi32>, vector<16xi32>], vector<16xf32>,
        %scatter3A_776 = arith.constant 0 : i32
        %scatter3A_777 = arith.constant 0 : i32
        %scatter3A_778 = tpu.memref_slice %arg8[%scan3A_659, %scan3A_660, %scatter3A_776, %scatter3A_777] : memref<4x1x32x137xf32, #tpu.memory_space<vmem>> -> memref<1x1x32x137xf32, #tpu.memory_space<vmem>>
        %scatter3A_779 = tpu.memref_squeeze %scatter3A_778 : memref<1x1x32x137xf32, #tpu.memory_space<vmem>> -> memref<32x137xf32, #tpu.memory_space<vmem>>
        tpu.vector_store_idx %scatter3A_779[%add3A_657, %broadcast_in_dim3A_771], %get3A_770 : memref<32x137xf32, #tpu.memory_space<vmem>>[vector<16xi32>, vector<16xi32>], vector<16xf32>,
        %mul3A_780 = arith.constant 16 : i32
        %mul3A_781 = arith.muli %scan3A_712, %mul3A_780 : i32
        %add3A_782 = arith.constant 3 : i32
        %add3A_783 = arith.addi %mul3A_781, %add3A_782 : i32
        %get3A_784 = arith.constant 3 : i32
        %get3A_785 = arith.index_cast %get3A_784 : i32 to index
        %get3A_786 = arith.index_cast %add3A_783 : i32 to index
        %get3A_787 = arith.constant 0 : index
        %get3A_788 = tpu.vector_load %arg7[%get3A_785, %get3A_786, %get3A_787] {strides = array<i32>} : memref<4x128x32xf32, #tpu.memory_space<vmem>>, vector<16xf32>,
        %get3A_789 = arith.constant 3 : i32
        %get3A_790 = arith.index_cast %get3A_789 : i32 to index
        %get3A_791 = arith.index_cast %add3A_783 : i32 to index
        %get3A_792 = arith.constant 16 : index
        %get3A_793 = tpu.vector_load %arg7[%get3A_790, %get3A_791, %get3A_792] {strides = array<i32>} : memref<4x128x32xf32, #tpu.memory_space<vmem>>, vector<16xf32>,
        %broadcast_in_dim3A_794 = vector.broadcast %add3A_783 : i32 to vector<16xi32>
        %scatter3A_795 = arith.constant 0 : i32
        %scatter3A_796 = arith.constant 0 : i32
        %scatter3A_797 = tpu.memref_slice %arg8[%scan3A_659, %scan3A_660, %scatter3A_795, %scatter3A_796] : memref<4x1x32x137xf32, #tpu.memory_space<vmem>> -> memref<1x1x32x137xf32, #tpu.memory_space<vmem>>
        %scatter3A_798 = tpu.memref_squeeze %scatter3A_797 : memref<1x1x32x137xf32, #tpu.memory_space<vmem>> -> memref<32x137xf32, #tpu.memory_space<vmem>>
        tpu.vector_store_idx %scatter3A_798[%iota3A, %broadcast_in_dim3A_794], %get3A_788 : memref<32x137xf32, #tpu.memory_space<vmem>>[vector<16xi32>, vector<16xi32>], vector<16xf32>,
        %scatter3A_799 = arith.constant 0 : i32
        %scatter3A_800 = arith.constant 0 : i32
        %scatter3A_801 = tpu.memref_slice %arg8[%scan3A_659, %scan3A_660, %scatter3A_799, %scatter3A_800] : memref<4x1x32x137xf32, #tpu.memory_space<vmem>> -> memref<1x1x32x137xf32, #tpu.memory_space<vmem>>
        %scatter3A_802 = tpu.memref_squeeze %scatter3A_801 : memref<1x1x32x137xf32, #tpu.memory_space<vmem>> -> memref<32x137xf32, #tpu.memory_space<vmem>>
        tpu.vector_store_idx %scatter3A_802[%add3A_657, %broadcast_in_dim3A_794], %get3A_793 : memref<32x137xf32, #tpu.memory_space<vmem>>[vector<16xi32>, vector<16xi32>], vector<16xf32>,
        %mul3A_803 = arith.constant 16 : i32
        %mul3A_804 = arith.muli %scan3A_712, %mul3A_803 : i32
        %add3A_805 = arith.constant 4 : i32
        %add3A_806 = arith.addi %mul3A_804, %add3A_805 : i32
        %get3A_807 = arith.constant 3 : i32
        %get3A_808 = arith.index_cast %get3A_807 : i32 to index
        %get3A_809 = arith.index_cast %add3A_806 : i32 to index
        %get3A_810 = arith.constant 0 : index
        %get3A_811 = tpu.vector_load %arg7[%get3A_808, %get3A_809, %get3A_810] {strides = array<i32>} : memref<4x128x32xf32, #tpu.memory_space<vmem>>, vector<16xf32>,
        %get3A_812 = arith.constant 3 : i32
        %get3A_813 = arith.index_cast %get3A_812 : i32 to index
        %get3A_814 = arith.index_cast %add3A_806 : i32 to index
        %get3A_815 = arith.constant 16 : index
        %get3A_816 = tpu.vector_load %arg7[%get3A_813, %get3A_814, %get3A_815] {strides = array<i32>} : memref<4x128x32xf32, #tpu.memory_space<vmem>>, vector<16xf32>,
        %broadcast_in_dim3A_817 = vector.broadcast %add3A_806 : i32 to vector<16xi32>
        %scatter3A_818 = arith.constant 0 : i32
        %scatter3A_819 = arith.constant 0 : i32
        %scatter3A_820 = tpu.memref_slice %arg8[%scan3A_659, %scan3A_660, %scatter3A_818, %scatter3A_819] : memref<4x1x32x137xf32, #tpu.memory_space<vmem>> -> memref<1x1x32x137xf32, #tpu.memory_space<vmem>>
        %scatter3A_821 = tpu.memref_squeeze %scatter3A_820 : memref<1x1x32x137xf32, #tpu.memory_space<vmem>> -> memref<32x137xf32, #tpu.memory_space<vmem>>
        tpu.vector_store_idx %scatter3A_821[%iota3A, %broadcast_in_dim3A_817], %get3A_811 : memref<32x137xf32, #tpu.memory_space<vmem>>[vector<16xi32>, vector<16xi32>], vector<16xf32>,
        %scatter3A_822 = arith.constant 0 : i32
        %scatter3A_823 = arith.constant 0 : i32
        %scatter3A_824 = tpu.memref_slice %arg8[%scan3A_659, %scan3A_660, %scatter3A_822, %scatter3A_823] : memref<4x1x32x137xf32, #tpu.memory_space<vmem>> -> memref<1x1x32x137xf32, #tpu.memory_space<vmem>>
        %scatter3A_825 = tpu.memref_squeeze %scatter3A_824 : memref<1x1x32x137xf32, #tpu.memory_space<vmem>> -> memref<32x137xf32, #tpu.memory_space<vmem>>
        tpu.vector_store_idx %scatter3A_825[%add3A_657, %broadcast_in_dim3A_817], %get3A_816 : memref<32x137xf32, #tpu.memory_space<vmem>>[vector<16xi32>, vector<16xi32>], vector<16xf32>,
        %mul3A_826 = arith.constant 16 : i32
        %mul3A_827 = arith.muli %scan3A_712, %mul3A_826 : i32
        %add3A_828 = arith.constant 5 : i32
        %add3A_829 = arith.addi %mul3A_827, %add3A_828 : i32
        %get3A_830 = arith.constant 3 : i32
        %get3A_831 = arith.index_cast %get3A_830 : i32 to index
        %get3A_832 = arith.index_cast %add3A_829 : i32 to index
        %get3A_833 = arith.constant 0 : index
        %get3A_834 = tpu.vector_load %arg7[%get3A_831, %get3A_832, %get3A_833] {strides = array<i32>} : memref<4x128x32xf32, #tpu.memory_space<vmem>>, vector<16xf32>,
        %get3A_835 = arith.constant 3 : i32
        %get3A_836 = arith.index_cast %get3A_835 : i32 to index
        %get3A_837 = arith.index_cast %add3A_829 : i32 to index
        %get3A_838 = arith.constant 16 : index
        %get3A_839 = tpu.vector_load %arg7[%get3A_836, %get3A_837, %get3A_838] {strides = array<i32>} : memref<4x128x32xf32, #tpu.memory_space<vmem>>, vector<16xf32>,
        %broadcast_in_dim3A_840 = vector.broadcast %add3A_829 : i32 to vector<16xi32>
        %scatter3A_841 = arith.constant 0 : i32
        %scatter3A_842 = arith.constant 0 : i32
        %scatter3A_843 = tpu.memref_slice %arg8[%scan3A_659, %scan3A_660, %scatter3A_841, %scatter3A_842] : memref<4x1x32x137xf32, #tpu.memory_space<vmem>> -> memref<1x1x32x137xf32, #tpu.memory_space<vmem>>
        %scatter3A_844 = tpu.memref_squeeze %scatter3A_843 : memref<1x1x32x137xf32, #tpu.memory_space<vmem>> -> memref<32x137xf32, #tpu.memory_space<vmem>>
        tpu.vector_store_idx %scatter3A_844[%iota3A, %broadcast_in_dim3A_840], %get3A_834 : memref<32x137xf32, #tpu.memory_space<vmem>>[vector<16xi32>, vector<16xi32>], vector<16xf32>,
        %scatter3A_845 = arith.constant 0 : i32
        %scatter3A_846 = arith.constant 0 : i32
        %scatter3A_847 = tpu.memref_slice %arg8[%scan3A_659, %scan3A_660, %scatter3A_845, %scatter3A_846] : memref<4x1x32x137xf32, #tpu.memory_space<vmem>> -> memref<1x1x32x137xf32, #tpu.memory_space<vmem>>
        %scatter3A_848 = tpu.memref_squeeze %scatter3A_847 : memref<1x1x32x137xf32, #tpu.memory_space<vmem>> -> memref<32x137xf32, #tpu.memory_space<vmem>>
        tpu.vector_store_idx %scatter3A_848[%add3A_657, %broadcast_in_dim3A_840], %get3A_839 : memref<32x137xf32, #tpu.memory_space<vmem>>[vector<16xi32>, vector<16xi32>], vector<16xf32>,
        %mul3A_849 = arith.constant 16 : i32
        %mul3A_850 = arith.muli %scan3A_712, %mul3A_849 : i32
        %add3A_851 = arith.constant 6 : i32
        %add3A_852 = arith.addi %mul3A_850, %add3A_851 : i32
        %get3A_853 = arith.constant 3 : i32
        %get3A_854 = arith.index_cast %get3A_853 : i32 to index
        %get3A_855 = arith.index_cast %add3A_852 : i32 to index
        %get3A_856 = arith.constant 0 : index
        %get3A_857 = tpu.vector_load %arg7[%get3A_854, %get3A_855, %get3A_856] {strides = array<i32>} : memref<4x128x32xf32, #tpu.memory_space<vmem>>, vector<16xf32>,
        %get3A_858 = arith.constant 3 : i32
        %get3A_859 = arith.index_cast %get3A_858 : i32 to index
        %get3A_860 = arith.index_cast %add3A_852 : i32 to index
        %get3A_861 = arith.constant 16 : index
        %get3A_862 = tpu.vector_load %arg7[%get3A_859, %get3A_860, %get3A_861] {strides = array<i32>} : memref<4x128x32xf32, #tpu.memory_space<vmem>>, vector<16xf32>,
        %broadcast_in_dim3A_863 = vector.broadcast %add3A_852 : i32 to vector<16xi32>
        %scatter3A_864 = arith.constant 0 : i32
        %scatter3A_865 = arith.constant 0 : i32
        %scatter3A_866 = tpu.memref_slice %arg8[%scan3A_659, %scan3A_660, %scatter3A_864, %scatter3A_865] : memref<4x1x32x137xf32, #tpu.memory_space<vmem>> -> memref<1x1x32x137xf32, #tpu.memory_space<vmem>>
        %scatter3A_867 = tpu.memref_squeeze %scatter3A_866 : memref<1x1x32x137xf32, #tpu.memory_space<vmem>> -> memref<32x137xf32, #tpu.memory_space<vmem>>
        tpu.vector_store_idx %scatter3A_867[%iota3A, %broadcast_in_dim3A_863], %get3A_857 : memref<32x137xf32, #tpu.memory_space<vmem>>[vector<16xi32>, vector<16xi32>], vector<16xf32>,
        %scatter3A_868 = arith.constant 0 : i32
        %scatter3A_869 = arith.constant 0 : i32
        %scatter3A_870 = tpu.memref_slice %arg8[%scan3A_659, %scan3A_660, %scatter3A_868, %scatter3A_869] : memref<4x1x32x137xf32, #tpu.memory_space<vmem>> -> memref<1x1x32x137xf32, #tpu.memory_space<vmem>>
        %scatter3A_871 = tpu.memref_squeeze %scatter3A_870 : memref<1x1x32x137xf32, #tpu.memory_space<vmem>> -> memref<32x137xf32, #tpu.memory_space<vmem>>
        tpu.vector_store_idx %scatter3A_871[%add3A_657, %broadcast_in_dim3A_863], %get3A_862 : memref<32x137xf32, #tpu.memory_space<vmem>>[vector<16xi32>, vector<16xi32>], vector<16xf32>,
        %mul3A_872 = arith.constant 16 : i32
        %mul3A_873 = arith.muli %scan3A_712, %mul3A_872 : i32
        %add3A_874 = arith.constant 7 : i32
        %add3A_875 = arith.addi %mul3A_873, %add3A_874 : i32
        %get3A_876 = arith.constant 3 : i32
        %get3A_877 = arith.index_cast %get3A_876 : i32 to index
        %get3A_878 = arith.index_cast %add3A_875 : i32 to index
        %get3A_879 = arith.constant 0 : index
        %get3A_880 = tpu.vector_load %arg7[%get3A_877, %get3A_878, %get3A_879] {strides = array<i32>} : memref<4x128x32xf32, #tpu.memory_space<vmem>>, vector<16xf32>,
        %get3A_881 = arith.constant 3 : i32
        %get3A_882 = arith.index_cast %get3A_881 : i32 to index
        %get3A_883 = arith.index_cast %add3A_875 : i32 to index
        %get3A_884 = arith.constant 16 : index
        %get3A_885 = tpu.vector_load %arg7[%get3A_882, %get3A_883, %get3A_884] {strides = array<i32>} : memref<4x128x32xf32, #tpu.memory_space<vmem>>, vector<16xf32>,
        %broadcast_in_dim3A_886 = vector.broadcast %add3A_875 : i32 to vector<16xi32>
        %scatter3A_887 = arith.constant 0 : i32
        %scatter3A_888 = arith.constant 0 : i32
        %scatter3A_889 = tpu.memref_slice %arg8[%scan3A_659, %scan3A_660, %scatter3A_887, %scatter3A_888] : memref<4x1x32x137xf32, #tpu.memory_space<vmem>> -> memref<1x1x32x137xf32, #tpu.memory_space<vmem>>
        %scatter3A_890 = tpu.memref_squeeze %scatter3A_889 : memref<1x1x32x137xf32, #tpu.memory_space<vmem>> -> memref<32x137xf32, #tpu.memory_space<vmem>>
        tpu.vector_store_idx %scatter3A_890[%iota3A, %broadcast_in_dim3A_886], %get3A_880 : memref<32x137xf32, #tpu.memory_space<vmem>>[vector<16xi32>, vector<16xi32>], vector<16xf32>,
        %scatter3A_891 = arith.constant 0 : i32
        %scatter3A_892 = arith.constant 0 : i32
        %scatter3A_893 = tpu.memref_slice %arg8[%scan3A_659, %scan3A_660, %scatter3A_891, %scatter3A_892] : memref<4x1x32x137xf32, #tpu.memory_space<vmem>> -> memref<1x1x32x137xf32, #tpu.memory_space<vmem>>
        %scatter3A_894 = tpu.memref_squeeze %scatter3A_893 : memref<1x1x32x137xf32, #tpu.memory_space<vmem>> -> memref<32x137xf32, #tpu.memory_space<vmem>>
        tpu.vector_store_idx %scatter3A_894[%add3A_657, %broadcast_in_dim3A_886], %get3A_885 : memref<32x137xf32, #tpu.memory_space<vmem>>[vector<16xi32>, vector<16xi32>], vector<16xf32>,
        %mul3A_895 = arith.constant 16 : i32
        %mul3A_896 = arith.muli %scan3A_712, %mul3A_895 : i32
        %add3A_897 = arith.constant 8 : i32
        %add3A_898 = arith.addi %mul3A_896, %add3A_897 : i32
        %get3A_899 = arith.constant 3 : i32
        %get3A_900 = arith.index_cast %get3A_899 : i32 to index
        %get3A_901 = arith.index_cast %add3A_898 : i32 to index
        %get3A_902 = arith.constant 0 : index
        %get3A_903 = tpu.vector_load %arg7[%get3A_900, %get3A_901, %get3A_902] {strides = array<i32>} : memref<4x128x32xf32, #tpu.memory_space<vmem>>, vector<16xf32>,
        %get3A_904 = arith.constant 3 : i32
        %get3A_905 = arith.index_cast %get3A_904 : i32 to index
        %get3A_906 = arith.index_cast %add3A_898 : i32 to index
        %get3A_907 = arith.constant 16 : index
        %get3A_908 = tpu.vector_load %arg7[%get3A_905, %get3A_906, %get3A_907] {strides = array<i32>} : memref<4x128x32xf32, #tpu.memory_space<vmem>>, vector<16xf32>,
        %broadcast_in_dim3A_909 = vector.broadcast %add3A_898 : i32 to vector<16xi32>
        %scatter3A_910 = arith.constant 0 : i32
        %scatter3A_911 = arith.constant 0 : i32
        %scatter3A_912 = tpu.memref_slice %arg8[%scan3A_659, %scan3A_660, %scatter3A_910, %scatter3A_911] : memref<4x1x32x137xf32, #tpu.memory_space<vmem>> -> memref<1x1x32x137xf32, #tpu.memory_space<vmem>>
        %scatter3A_913 = tpu.memref_squeeze %scatter3A_912 : memref<1x1x32x137xf32, #tpu.memory_space<vmem>> -> memref<32x137xf32, #tpu.memory_space<vmem>>
        tpu.vector_store_idx %scatter3A_913[%iota3A, %broadcast_in_dim3A_909], %get3A_903 : memref<32x137xf32, #tpu.memory_space<vmem>>[vector<16xi32>, vector<16xi32>], vector<16xf32>,
        %scatter3A_914 = arith.constant 0 : i32
        %scatter3A_915 = arith.constant 0 : i32
        %scatter3A_916 = tpu.memref_slice %arg8[%scan3A_659, %scan3A_660, %scatter3A_914, %scatter3A_915] : memref<4x1x32x137xf32, #tpu.memory_space<vmem>> -> memref<1x1x32x137xf32, #tpu.memory_space<vmem>>
        %scatter3A_917 = tpu.memref_squeeze %scatter3A_916 : memref<1x1x32x137xf32, #tpu.memory_space<vmem>> -> memref<32x137xf32, #tpu.memory_space<vmem>>
        tpu.vector_store_idx %scatter3A_917[%add3A_657, %broadcast_in_dim3A_909], %get3A_908 : memref<32x137xf32, #tpu.memory_space<vmem>>[vector<16xi32>, vector<16xi32>], vector<16xf32>,
        %mul3A_918 = arith.constant 16 : i32
        %mul3A_919 = arith.muli %scan3A_712, %mul3A_918 : i32
        %add3A_920 = arith.constant 9 : i32
        %add3A_921 = arith.addi %mul3A_919, %add3A_920 : i32
        %get3A_922 = arith.constant 3 : i32
        %get3A_923 = arith.index_cast %get3A_922 : i32 to index
        %get3A_924 = arith.index_cast %add3A_921 : i32 to index
        %get3A_925 = arith.constant 0 : index
        %get3A_926 = tpu.vector_load %arg7[%get3A_923, %get3A_924, %get3A_925] {strides = array<i32>} : memref<4x128x32xf32, #tpu.memory_space<vmem>>, vector<16xf32>,
        %get3A_927 = arith.constant 3 : i32
        %get3A_928 = arith.index_cast %get3A_927 : i32 to index
        %get3A_929 = arith.index_cast %add3A_921 : i32 to index
        %get3A_930 = arith.constant 16 : index
        %get3A_931 = tpu.vector_load %arg7[%get3A_928, %get3A_929, %get3A_930] {strides = array<i32>} : memref<4x128x32xf32, #tpu.memory_space<vmem>>, vector<16xf32>,
        %broadcast_in_dim3A_932 = vector.broadcast %add3A_921 : i32 to vector<16xi32>
        %scatter3A_933 = arith.constant 0 : i32
        %scatter3A_934 = arith.constant 0 : i32
        %scatter3A_935 = tpu.memref_slice %arg8[%scan3A_659, %scan3A_660, %scatter3A_933, %scatter3A_934] : memref<4x1x32x137xf32, #tpu.memory_space<vmem>> -> memref<1x1x32x137xf32, #tpu.memory_space<vmem>>
        %scatter3A_936 = tpu.memref_squeeze %scatter3A_935 : memref<1x1x32x137xf32, #tpu.memory_space<vmem>> -> memref<32x137xf32, #tpu.memory_space<vmem>>
        tpu.vector_store_idx %scatter3A_936[%iota3A, %broadcast_in_dim3A_932], %get3A_926 : memref<32x137xf32, #tpu.memory_space<vmem>>[vector<16xi32>, vector<16xi32>], vector<16xf32>,
        %scatter3A_937 = arith.constant 0 : i32
        %scatter3A_938 = arith.constant 0 : i32
        %scatter3A_939 = tpu.memref_slice %arg8[%scan3A_659, %scan3A_660, %scatter3A_937, %scatter3A_938] : memref<4x1x32x137xf32, #tpu.memory_space<vmem>> -> memref<1x1x32x137xf32, #tpu.memory_space<vmem>>
        %scatter3A_940 = tpu.memref_squeeze %scatter3A_939 : memref<1x1x32x137xf32, #tpu.memory_space<vmem>> -> memref<32x137xf32, #tpu.memory_space<vmem>>
        tpu.vector_store_idx %scatter3A_940[%add3A_657, %broadcast_in_dim3A_932], %get3A_931 : memref<32x137xf32, #tpu.memory_space<vmem>>[vector<16xi32>, vector<16xi32>], vector<16xf32>,
        %mul3A_941 = arith.constant 16 : i32
        %mul3A_942 = arith.muli %scan3A_712, %mul3A_941 : i32
        %add3A_943 = arith.constant 10 : i32
        %add3A_944 = arith.addi %mul3A_942, %add3A_943 : i32
        %get3A_945 = arith.constant 3 : i32
        %get3A_946 = arith.index_cast %get3A_945 : i32 to index
        %get3A_947 = arith.index_cast %add3A_944 : i32 to index
        %get3A_948 = arith.constant 0 : index
        %get3A_949 = tpu.vector_load %arg7[%get3A_946, %get3A_947, %get3A_948] {strides = array<i32>} : memref<4x128x32xf32, #tpu.memory_space<vmem>>, vector<16xf32>,
        %get3A_950 = arith.constant 3 : i32
        %get3A_951 = arith.index_cast %get3A_950 : i32 to index
        %get3A_952 = arith.index_cast %add3A_944 : i32 to index
        %get3A_953 = arith.constant 16 : index
        %get3A_954 = tpu.vector_load %arg7[%get3A_951, %get3A_952, %get3A_953] {strides = array<i32>} : memref<4x128x32xf32, #tpu.memory_space<vmem>>, vector<16xf32>,
        %broadcast_in_dim3A_955 = vector.broadcast %add3A_944 : i32 to vector<16xi32>
        %scatter3A_956 = arith.constant 0 : i32
        %scatter3A_957 = arith.constant 0 : i32
        %scatter3A_958 = tpu.memref_slice %arg8[%scan3A_659, %scan3A_660, %scatter3A_956, %scatter3A_957] : memref<4x1x32x137xf32, #tpu.memory_space<vmem>> -> memref<1x1x32x137xf32, #tpu.memory_space<vmem>>
        %scatter3A_959 = tpu.memref_squeeze %scatter3A_958 : memref<1x1x32x137xf32, #tpu.memory_space<vmem>> -> memref<32x137xf32, #tpu.memory_space<vmem>>
        tpu.vector_store_idx %scatter3A_959[%iota3A, %broadcast_in_dim3A_955], %get3A_949 : memref<32x137xf32, #tpu.memory_space<vmem>>[vector<16xi32>, vector<16xi32>], vector<16xf32>,
        %scatter3A_960 = arith.constant 0 : i32
        %scatter3A_961 = arith.constant 0 : i32
        %scatter3A_962 = tpu.memref_slice %arg8[%scan3A_659, %scan3A_660, %scatter3A_960, %scatter3A_961] : memref<4x1x32x137xf32, #tpu.memory_space<vmem>> -> memref<1x1x32x137xf32, #tpu.memory_space<vmem>>
        %scatter3A_963 = tpu.memref_squeeze %scatter3A_962 : memref<1x1x32x137xf32, #tpu.memory_space<vmem>> -> memref<32x137xf32, #tpu.memory_space<vmem>>
        tpu.vector_store_idx %scatter3A_963[%add3A_657, %broadcast_in_dim3A_955], %get3A_954 : memref<32x137xf32, #tpu.memory_space<vmem>>[vector<16xi32>, vector<16xi32>], vector<16xf32>,
        %mul3A_964 = arith.constant 16 : i32
        %mul3A_965 = arith.muli %scan3A_712, %mul3A_964 : i32
        %add3A_966 = arith.constant 11 : i32
        %add3A_967 = arith.addi %mul3A_965, %add3A_966 : i32
        %get3A_968 = arith.constant 3 : i32
        %get3A_969 = arith.index_cast %get3A_968 : i32 to index
        %get3A_970 = arith.index_cast %add3A_967 : i32 to index
        %get3A_971 = arith.constant 0 : index
        %get3A_972 = tpu.vector_load %arg7[%get3A_969, %get3A_970, %get3A_971] {strides = array<i32>} : memref<4x128x32xf32, #tpu.memory_space<vmem>>, vector<16xf32>,
        %get3A_973 = arith.constant 3 : i32
        %get3A_974 = arith.index_cast %get3A_973 : i32 to index
        %get3A_975 = arith.index_cast %add3A_967 : i32 to index
        %get3A_976 = arith.constant 16 : index
        %get3A_977 = tpu.vector_load %arg7[%get3A_974, %get3A_975, %get3A_976] {strides = array<i32>} : memref<4x128x32xf32, #tpu.memory_space<vmem>>, vector<16xf32>,
        %broadcast_in_dim3A_978 = vector.broadcast %add3A_967 : i32 to vector<16xi32>
        %scatter3A_979 = arith.constant 0 : i32
        %scatter3A_980 = arith.constant 0 : i32
        %scatter3A_981 = tpu.memref_slice %arg8[%scan3A_659, %scan3A_660, %scatter3A_979, %scatter3A_980] : memref<4x1x32x137xf32, #tpu.memory_space<vmem>> -> memref<1x1x32x137xf32, #tpu.memory_space<vmem>>
        %scatter3A_982 = tpu.memref_squeeze %scatter3A_981 : memref<1x1x32x137xf32, #tpu.memory_space<vmem>> -> memref<32x137xf32, #tpu.memory_space<vmem>>
        tpu.vector_store_idx %scatter3A_982[%iota3A, %broadcast_in_dim3A_978], %get3A_972 : memref<32x137xf32, #tpu.memory_space<vmem>>[vector<16xi32>, vector<16xi32>], vector<16xf32>,
        %scatter3A_983 = arith.constant 0 : i32
        %scatter3A_984 = arith.constant 0 : i32
        %scatter3A_985 = tpu.memref_slice %arg8[%scan3A_659, %scan3A_660, %scatter3A_983, %scatter3A_984] : memref<4x1x32x137xf32, #tpu.memory_space<vmem>> -> memref<1x1x32x137xf32, #tpu.memory_space<vmem>>
        %scatter3A_986 = tpu.memref_squeeze %scatter3A_985 : memref<1x1x32x137xf32, #tpu.memory_space<vmem>> -> memref<32x137xf32, #tpu.memory_space<vmem>>
        tpu.vector_store_idx %scatter3A_986[%add3A_657, %broadcast_in_dim3A_978], %get3A_977 : memref<32x137xf32, #tpu.memory_space<vmem>>[vector<16xi32>, vector<16xi32>], vector<16xf32>,
        %mul3A_987 = arith.constant 16 : i32
        %mul3A_988 = arith.muli %scan3A_712, %mul3A_987 : i32
        %add3A_989 = arith.constant 12 : i32
        %add3A_990 = arith.addi %mul3A_988, %add3A_989 : i32
        %get3A_991 = arith.constant 3 : i32
        %get3A_992 = arith.index_cast %get3A_991 : i32 to index
        %get3A_993 = arith.index_cast %add3A_990 : i32 to index
        %get3A_994 = arith.constant 0 : index
        %get3A_995 = tpu.vector_load %arg7[%get3A_992, %get3A_993, %get3A_994] {strides = array<i32>} : memref<4x128x32xf32, #tpu.memory_space<vmem>>, vector<16xf32>,
        %get3A_996 = arith.constant 3 : i32
        %get3A_997 = arith.index_cast %get3A_996 : i32 to index
        %get3A_998 = arith.index_cast %add3A_990 : i32 to index
        %get3A_999 = arith.constant 16 : index
        %get3A_1000 = tpu.vector_load %arg7[%get3A_997, %get3A_998, %get3A_999] {strides = array<i32>} : memref<4x128x32xf32, #tpu.memory_space<vmem>>, vector<16xf32>,
        %broadcast_in_dim3A_1001 = vector.broadcast %add3A_990 : i32 to vector<16xi32>
        %scatter3A_1002 = arith.constant 0 : i32
        %scatter3A_1003 = arith.constant 0 : i32
        %scatter3A_1004 = tpu.memref_slice %arg8[%scan3A_659, %scan3A_660, %scatter3A_1002, %scatter3A_1003] : memref<4x1x32x137xf32, #tpu.memory_space<vmem>> -> memref<1x1x32x137xf32, #tpu.memory_space<vmem>>
        %scatter3A_1005 = tpu.memref_squeeze %scatter3A_1004 : memref<1x1x32x137xf32, #tpu.memory_space<vmem>> -> memref<32x137xf32, #tpu.memory_space<vmem>>
        tpu.vector_store_idx %scatter3A_1005[%iota3A, %broadcast_in_dim3A_1001], %get3A_995 : memref<32x137xf32, #tpu.memory_space<vmem>>[vector<16xi32>, vector<16xi32>], vector<16xf32>,
        %scatter3A_1006 = arith.constant 0 : i32
        %scatter3A_1007 = arith.constant 0 : i32
        %scatter3A_1008 = tpu.memref_slice %arg8[%scan3A_659, %scan3A_660, %scatter3A_1006, %scatter3A_1007] : memref<4x1x32x137xf32, #tpu.memory_space<vmem>> -> memref<1x1x32x137xf32, #tpu.memory_space<vmem>>
        %scatter3A_1009 = tpu.memref_squeeze %scatter3A_1008 : memref<1x1x32x137xf32, #tpu.memory_space<vmem>> -> memref<32x137xf32, #tpu.memory_space<vmem>>
        tpu.vector_store_idx %scatter3A_1009[%add3A_657, %broadcast_in_dim3A_1001], %get3A_1000 : memref<32x137xf32, #tpu.memory_space<vmem>>[vector<16xi32>, vector<16xi32>], vector<16xf32>,
        %mul3A_1010 = arith.constant 16 : i32
        %mul3A_1011 = arith.muli %scan3A_712, %mul3A_1010 : i32
        %add3A_1012 = arith.constant 13 : i32
        %add3A_1013 = arith.addi %mul3A_1011, %add3A_1012 : i32
        %get3A_1014 = arith.constant 3 : i32
        %get3A_1015 = arith.index_cast %get3A_1014 : i32 to index
        %get3A_1016 = arith.index_cast %add3A_1013 : i32 to index
        %get3A_1017 = arith.constant 0 : index
        %get3A_1018 = tpu.vector_load %arg7[%get3A_1015, %get3A_1016, %get3A_1017] {strides = array<i32>} : memref<4x128x32xf32, #tpu.memory_space<vmem>>, vector<16xf32>,
        %get3A_1019 = arith.constant 3 : i32
        %get3A_1020 = arith.index_cast %get3A_1019 : i32 to index
        %get3A_1021 = arith.index_cast %add3A_1013 : i32 to index
        %get3A_1022 = arith.constant 16 : index
        %get3A_1023 = tpu.vector_load %arg7[%get3A_1020, %get3A_1021, %get3A_1022] {strides = array<i32>} : memref<4x128x32xf32, #tpu.memory_space<vmem>>, vector<16xf32>,
        %broadcast_in_dim3A_1024 = vector.broadcast %add3A_1013 : i32 to vector<16xi32>
        %scatter3A_1025 = arith.constant 0 : i32
        %scatter3A_1026 = arith.constant 0 : i32
        %scatter3A_1027 = tpu.memref_slice %arg8[%scan3A_659, %scan3A_660, %scatter3A_1025, %scatter3A_1026] : memref<4x1x32x137xf32, #tpu.memory_space<vmem>> -> memref<1x1x32x137xf32, #tpu.memory_space<vmem>>
        %scatter3A_1028 = tpu.memref_squeeze %scatter3A_1027 : memref<1x1x32x137xf32, #tpu.memory_space<vmem>> -> memref<32x137xf32, #tpu.memory_space<vmem>>
        tpu.vector_store_idx %scatter3A_1028[%iota3A, %broadcast_in_dim3A_1024], %get3A_1018 : memref<32x137xf32, #tpu.memory_space<vmem>>[vector<16xi32>, vector<16xi32>], vector<16xf32>,
        %scatter3A_1029 = arith.constant 0 : i32
        %scatter3A_1030 = arith.constant 0 : i32
        %scatter3A_1031 = tpu.memref_slice %arg8[%scan3A_659, %scan3A_660, %scatter3A_1029, %scatter3A_1030] : memref<4x1x32x137xf32, #tpu.memory_space<vmem>> -> memref<1x1x32x137xf32, #tpu.memory_space<vmem>>
        %scatter3A_1032 = tpu.memref_squeeze %scatter3A_1031 : memref<1x1x32x137xf32, #tpu.memory_space<vmem>> -> memref<32x137xf32, #tpu.memory_space<vmem>>
        tpu.vector_store_idx %scatter3A_1032[%add3A_657, %broadcast_in_dim3A_1024], %get3A_1023 : memref<32x137xf32, #tpu.memory_space<vmem>>[vector<16xi32>, vector<16xi32>], vector<16xf32>,
        %mul3A_1033 = arith.constant 16 : i32
        %mul3A_1034 = arith.muli %scan3A_712, %mul3A_1033 : i32
        %add3A_1035 = arith.constant 14 : i32
        %add3A_1036 = arith.addi %mul3A_1034, %add3A_1035 : i32
        %get3A_1037 = arith.constant 3 : i32
        %get3A_1038 = arith.index_cast %get3A_1037 : i32 to index
        %get3A_1039 = arith.index_cast %add3A_1036 : i32 to index
        %get3A_1040 = arith.constant 0 : index
        %get3A_1041 = tpu.vector_load %arg7[%get3A_1038, %get3A_1039, %get3A_1040] {strides = array<i32>} : memref<4x128x32xf32, #tpu.memory_space<vmem>>, vector<16xf32>,
        %get3A_1042 = arith.constant 3 : i32
        %get3A_1043 = arith.index_cast %get3A_1042 : i32 to index
        %get3A_1044 = arith.index_cast %add3A_1036 : i32 to index
        %get3A_1045 = arith.constant 16 : index
        %get3A_1046 = tpu.vector_load %arg7[%get3A_1043, %get3A_1044, %get3A_1045] {strides = array<i32>} : memref<4x128x32xf32, #tpu.memory_space<vmem>>, vector<16xf32>,
        %broadcast_in_dim3A_1047 = vector.broadcast %add3A_1036 : i32 to vector<16xi32>
        %scatter3A_1048 = arith.constant 0 : i32
        %scatter3A_1049 = arith.constant 0 : i32
        %scatter3A_1050 = tpu.memref_slice %arg8[%scan3A_659, %scan3A_660, %scatter3A_1048, %scatter3A_1049] : memref<4x1x32x137xf32, #tpu.memory_space<vmem>> -> memref<1x1x32x137xf32, #tpu.memory_space<vmem>>
        %scatter3A_1051 = tpu.memref_squeeze %scatter3A_1050 : memref<1x1x32x137xf32, #tpu.memory_space<vmem>> -> memref<32x137xf32, #tpu.memory_space<vmem>>
        tpu.vector_store_idx %scatter3A_1051[%iota3A, %broadcast_in_dim3A_1047], %get3A_1041 : memref<32x137xf32, #tpu.memory_space<vmem>>[vector<16xi32>, vector<16xi32>], vector<16xf32>,
        %scatter3A_1052 = arith.constant 0 : i32
        %scatter3A_1053 = arith.constant 0 : i32
        %scatter3A_1054 = tpu.memref_slice %arg8[%scan3A_659, %scan3A_660, %scatter3A_1052, %scatter3A_1053] : memref<4x1x32x137xf32, #tpu.memory_space<vmem>> -> memref<1x1x32x137xf32, #tpu.memory_space<vmem>>
        %scatter3A_1055 = tpu.memref_squeeze %scatter3A_1054 : memref<1x1x32x137xf32, #tpu.memory_space<vmem>> -> memref<32x137xf32, #tpu.memory_space<vmem>>
        tpu.vector_store_idx %scatter3A_1055[%add3A_657, %broadcast_in_dim3A_1047], %get3A_1046 : memref<32x137xf32, #tpu.memory_space<vmem>>[vector<16xi32>, vector<16xi32>], vector<16xf32>,
        %mul3A_1056 = arith.constant 16 : i32
        %mul3A_1057 = arith.muli %scan3A_712, %mul3A_1056 : i32
        %add3A_1058 = arith.constant 15 : i32
        %add3A_1059 = arith.addi %mul3A_1057, %add3A_1058 : i32
        %get3A_1060 = arith.constant 3 : i32
        %get3A_1061 = arith.index_cast %get3A_1060 : i32 to index
        %get3A_1062 = arith.index_cast %add3A_1059 : i32 to index
        %get3A_1063 = arith.constant 0 : index
        %get3A_1064 = tpu.vector_load %arg7[%get3A_1061, %get3A_1062, %get3A_1063] {strides = array<i32>} : memref<4x128x32xf32, #tpu.memory_space<vmem>>, vector<16xf32>,
        %get3A_1065 = arith.constant 3 : i32
        %get3A_1066 = arith.index_cast %get3A_1065 : i32 to index
        %get3A_1067 = arith.index_cast %add3A_1059 : i32 to index
        %get3A_1068 = arith.constant 16 : index
        %get3A_1069 = tpu.vector_load %arg7[%get3A_1066, %get3A_1067, %get3A_1068] {strides = array<i32>} : memref<4x128x32xf32, #tpu.memory_space<vmem>>, vector<16xf32>,
        %broadcast_in_dim3A_1070 = vector.broadcast %add3A_1059 : i32 to vector<16xi32>
        %scatter3A_1071 = arith.constant 0 : i32
        %scatter3A_1072 = arith.constant 0 : i32
        %scatter3A_1073 = tpu.memref_slice %arg8[%scan3A_659, %scan3A_660, %scatter3A_1071, %scatter3A_1072] : memref<4x1x32x137xf32, #tpu.memory_space<vmem>> -> memref<1x1x32x137xf32, #tpu.memory_space<vmem>>
        %scatter3A_1074 = tpu.memref_squeeze %scatter3A_1073 : memref<1x1x32x137xf32, #tpu.memory_space<vmem>> -> memref<32x137xf32, #tpu.memory_space<vmem>>
        tpu.vector_store_idx %scatter3A_1074[%iota3A, %broadcast_in_dim3A_1070], %get3A_1064 : memref<32x137xf32, #tpu.memory_space<vmem>>[vector<16xi32>, vector<16xi32>], vector<16xf32>,
        %scatter3A_1075 = arith.constant 0 : i32
        %scatter3A_1076 = arith.constant 0 : i32
        %scatter3A_1077 = tpu.memref_slice %arg8[%scan3A_659, %scan3A_660, %scatter3A_1075, %scatter3A_1076] : memref<4x1x32x137xf32, #tpu.memory_space<vmem>> -> memref<1x1x32x137xf32, #tpu.memory_space<vmem>>
        %scatter3A_1078 = tpu.memref_squeeze %scatter3A_1077 : memref<1x1x32x137xf32, #tpu.memory_space<vmem>> -> memref<32x137xf32, #tpu.memory_space<vmem>>
        tpu.vector_store_idx %scatter3A_1078[%add3A_657, %broadcast_in_dim3A_1070], %get3A_1069 : memref<32x137xf32, #tpu.memory_space<vmem>>[vector<16xi32>, vector<16xi32>], vector<16xf32>,
      }
      %scan3A_665 = arith.constant 8 : i32
      %mul3A_666 = arith.constant 32 : i32
      %mul3A_667 = arith.muli %select_n3A_619, %mul3A_666 : i32
      %mul3A_668 = arith.constant 128 : i32
      %mul3A_669 = arith.muli %add3A_621, %mul3A_668 : i32
      %add3A_670 = arith.addi %mul3A_2, %mul3A_669 : i32
      %dma_start3A_671 = arith.constant 3 : i32
      %dma_start3A_672 = arith.constant 0 : i32
      %dma_start3A_673 = arith.constant 0 : i32
      %dma_start3A_674 = arith.constant 0 : i32
      %dma_start3A_675 = tpu.memref_slice %arg8[%dma_start3A_671, %dma_start3A_672, %dma_start3A_673, %dma_start3A_674] : memref<4x1x32x137xf32, #tpu.memory_space<vmem>> -> memref<1x1x32x128xf32, #tpu.memory_space<vmem>>
      %dma_start3A_676 = tpu.memref_squeeze %dma_start3A_675 : memref<1x1x32x128xf32, #tpu.memory_space<vmem>> -> memref<32x128xf32, #tpu.memory_space<vmem>>
      %dma_start3A_677 = tpu.memref_slice %arg4[%mul3A_667, %add3A_670] : memref<1600x16384xf32, #tpu.memory_space<hbm>> -> memref<32x128xf32, #tpu.memory_space<hbm>>
      %dma_start3A_678 = tpu.memref_slice %arg4[%mul3A_667, %add3A_670] : memref<1600x16384xf32, #tpu.memory_space<hbm>> -> memref<32x128xf32, #tpu.memory_space<hbm>>
      %dma_start3A_679 = arith.constant 0 : i32
      %dma_start3A_680 = arith.constant 0 : i32
      %dma_start3A_681 = tpu.memref_slice %arg8[%dma_start3A_671, %dma_start3A_672, %dma_start3A_679, %dma_start3A_680] : memref<4x1x32x137xf32, #tpu.memory_space<vmem>> -> memref<1x1x32x128xf32, #tpu.memory_space<vmem>>
      %dma_start3A_682 = tpu.memref_squeeze %dma_start3A_681 : memref<1x1x32x128xf32, #tpu.memory_space<vmem>> -> memref<32x128xf32, #tpu.memory_space<vmem>>
      tpu.enqueue_dma source(%dma_start3A_682 : memref<32x128xf32, #tpu.memory_space<vmem>>) target(%dma_start3A_678 : memref<32x128xf32, #tpu.memory_space<hbm>>) target_semaphore(%arg16 : memref<!tpu.dma_semaphore, #tpu.memory_space<semaphore_mem>>)
      %lt3A_683 = arith.constant 4 : i32
      %lt3A_684 = arith.cmpi slt, %add3A_629, %lt3A_683 : i32
      %convert_element_type3A_685 = arith.extui %lt3A_684 : i1 to i32
      %cond3A_686 = arith.constant 0 : i32
      %cond3A_687 = arith.cmpi ne, %convert_element_type3A_685, %cond3A_686 : i32
      scf.if %cond3A_687 {
        %mul3A_712 = arith.constant 50 : i32
        %mul3A_713 = arith.muli %add3A_629, %mul3A_712 : i32
        %add3A_714 = arith.addi %mul3A_713, %select_n3A_627 : i32
        %get3A_715 = arith.index_cast %add3A_714 : i32 to index
        %get3A_716 = arith.constant 0 : index
        %get3A_717 = tpu.vector_load %arg5[%get3A_715, %get3A_716] {strides = array<i32>} : memref<200x128xi32, #tpu.memory_space<vmem>>, vector<16xi32>,
        %swap3A_718 = arith.constant 3 : i32
        %swap3A_719 = arith.index_cast %swap3A_718 : i32 to index
        %swap3A_720 = arith.constant 0 : index
        %swap3A_721 = tpu.vector_load %arg6[%swap3A_719, %swap3A_720] {strides = array<i32>} : memref<4x128xi32, #tpu.memory_space<vmem>>, vector<16xi32>,
        tpu.vector_store %arg6[%swap3A_719, %swap3A_720], %get3A_717 {strides = array<i32>} : memref<4x128xi32, #tpu.memory_space<vmem>>, vector<16xi32>,
        %mul3A_722 = arith.constant 50 : i32
        %mul3A_723 = arith.muli %add3A_629, %mul3A_722 : i32
        %add3A_724 = arith.addi %mul3A_723, %select_n3A_627 : i32
        %get3A_725 = arith.index_cast %add3A_724 : i32 to index
        %get3A_726 = arith.constant 16 : index
        %get3A_727 = tpu.vector_load %arg5[%get3A_725, %get3A_726] {strides = array<i32>} : memref<200x128xi32, #tpu.memory_space<vmem>>, vector<16xi32>,
        %swap3A_728 = arith.constant 3 : i32
        %swap3A_729 = arith.index_cast %swap3A_728 : i32 to index
        %swap3A_730 = arith.constant 16 : index
        %swap3A_731 = tpu.vector_load %arg6[%swap3A_729, %swap3A_730] {strides = array<i32>} : memref<4x128xi32, #tpu.memory_space<vmem>>, vector<16xi32>,
        tpu.vector_store %arg6[%swap3A_729, %swap3A_730], %get3A_727 {strides = array<i32>} : memref<4x128xi32, #tpu.memory_space<vmem>>, vector<16xi32>,
        %mul3A_732 = arith.constant 50 : i32
        %mul3A_733 = arith.muli %add3A_629, %mul3A_732 : i32
        %add3A_734 = arith.addi %mul3A_733, %select_n3A_627 : i32
        %get3A_735 = arith.index_cast %add3A_734 : i32 to index
        %get3A_736 = arith.constant 32 : index
        %get3A_737 = tpu.vector_load %arg5[%get3A_735, %get3A_736] {strides = array<i32>} : memref<200x128xi32, #tpu.memory_space<vmem>>, vector<16xi32>,
        %swap3A_738 = arith.constant 3 : i32
        %swap3A_739 = arith.index_cast %swap3A_738 : i32 to index
        %swap3A_740 = arith.constant 32 : index
        %swap3A_741 = tpu.vector_load %arg6[%swap3A_739, %swap3A_740] {strides = array<i32>} : memref<4x128xi32, #tpu.memory_space<vmem>>, vector<16xi32>,
        tpu.vector_store %arg6[%swap3A_739, %swap3A_740], %get3A_737 {strides = array<i32>} : memref<4x128xi32, #tpu.memory_space<vmem>>, vector<16xi32>,
        %mul3A_742 = arith.constant 50 : i32
        %mul3A_743 = arith.muli %add3A_629, %mul3A_742 : i32
        %add3A_744 = arith.addi %mul3A_743, %select_n3A_627 : i32
        %get3A_745 = arith.index_cast %add3A_744 : i32 to index
        %get3A_746 = arith.constant 48 : index
        %get3A_747 = tpu.vector_load %arg5[%get3A_745, %get3A_746] {strides = array<i32>} : memref<200x128xi32, #tpu.memory_space<vmem>>, vector<16xi32>,
        %swap3A_748 = arith.constant 3 : i32
        %swap3A_749 = arith.index_cast %swap3A_748 : i32 to index
        %swap3A_750 = arith.constant 48 : index
        %swap3A_751 = tpu.vector_load %arg6[%swap3A_749, %swap3A_750] {strides = array<i32>} : memref<4x128xi32, #tpu.memory_space<vmem>>, vector<16xi32>,
        tpu.vector_store %arg6[%swap3A_749, %swap3A_750], %get3A_747 {strides = array<i32>} : memref<4x128xi32, #tpu.memory_space<vmem>>, vector<16xi32>,
        %mul3A_752 = arith.constant 50 : i32
        %mul3A_753 = arith.muli %add3A_629, %mul3A_752 : i32
        %add3A_754 = arith.addi %mul3A_753, %select_n3A_627 : i32
        %get3A_755 = arith.index_cast %add3A_754 : i32 to index
        %get3A_756 = arith.constant 64 : index
        %get3A_757 = tpu.vector_load %arg5[%get3A_755, %get3A_756] {strides = array<i32>} : memref<200x128xi32, #tpu.memory_space<vmem>>, vector<16xi32>,
        %swap3A_758 = arith.constant 3 : i32
        %swap3A_759 = arith.index_cast %swap3A_758 : i32 to index
        %swap3A_760 = arith.constant 64 : index
        %swap3A_761 = tpu.vector_load %arg6[%swap3A_759, %swap3A_760] {strides = array<i32>} : memref<4x128xi32, #tpu.memory_space<vmem>>, vector<16xi32>,
        tpu.vector_store %arg6[%swap3A_759, %swap3A_760], %get3A_757 {strides = array<i32>} : memref<4x128xi32, #tpu.memory_space<vmem>>, vector<16xi32>,
        %mul3A_762 = arith.constant 50 : i32
        %mul3A_763 = arith.muli %add3A_629, %mul3A_762 : i32
        %add3A_764 = arith.addi %mul3A_763, %select_n3A_627 : i32
        %get3A_765 = arith.index_cast %add3A_764 : i32 to index
        %get3A_766 = arith.constant 80 : index
        %get3A_767 = tpu.vector_load %arg5[%get3A_765, %get3A_766] {strides = array<i32>} : memref<200x128xi32, #tpu.memory_space<vmem>>, vector<16xi32>,
        %swap3A_768 = arith.constant 3 : i32
        %swap3A_769 = arith.index_cast %swap3A_768 : i32 to index
        %swap3A_770 = arith.constant 80 : index
        %swap3A_771 = tpu.vector_load %arg6[%swap3A_769, %swap3A_770] {strides = array<i32>} : memref<4x128xi32, #tpu.memory_space<vmem>>, vector<16xi32>,
        tpu.vector_store %arg6[%swap3A_769, %swap3A_770], %get3A_767 {strides = array<i32>} : memref<4x128xi32, #tpu.memory_space<vmem>>, vector<16xi32>,
        %mul3A_772 = arith.constant 50 : i32
        %mul3A_773 = arith.muli %add3A_629, %mul3A_772 : i32
        %add3A_774 = arith.addi %mul3A_773, %select_n3A_627 : i32
        %get3A_775 = arith.index_cast %add3A_774 : i32 to index
        %get3A_776 = arith.constant 96 : index
        %get3A_777 = tpu.vector_load %arg5[%get3A_775, %get3A_776] {strides = array<i32>} : memref<200x128xi32, #tpu.memory_space<vmem>>, vector<16xi32>,
        %swap3A_778 = arith.constant 3 : i32
        %swap3A_779 = arith.index_cast %swap3A_778 : i32 to index
        %swap3A_780 = arith.constant 96 : index
        %swap3A_781 = tpu.vector_load %arg6[%swap3A_779, %swap3A_780] {strides = array<i32>} : memref<4x128xi32, #tpu.memory_space<vmem>>, vector<16xi32>,
        tpu.vector_store %arg6[%swap3A_779, %swap3A_780], %get3A_777 {strides = array<i32>} : memref<4x128xi32, #tpu.memory_space<vmem>>, vector<16xi32>,
        %mul3A_782 = arith.constant 50 : i32
        %mul3A_783 = arith.muli %add3A_629, %mul3A_782 : i32
        %add3A_784 = arith.addi %mul3A_783, %select_n3A_627 : i32
        %get3A_785 = arith.index_cast %add3A_784 : i32 to index
        %get3A_786 = arith.constant 112 : index
        %get3A_787 = tpu.vector_load %arg5[%get3A_785, %get3A_786] {strides = array<i32>} : memref<200x128xi32, #tpu.memory_space<vmem>>, vector<16xi32>,
        %swap3A_788 = arith.constant 3 : i32
        %swap3A_789 = arith.index_cast %swap3A_788 : i32 to index
        %swap3A_790 = arith.constant 112 : index
        %swap3A_791 = tpu.vector_load %arg6[%swap3A_789, %swap3A_790] {strides = array<i32>} : memref<4x128xi32, #tpu.memory_space<vmem>>, vector<16xi32>,
        tpu.vector_store %arg6[%swap3A_789, %swap3A_790], %get3A_787 {strides = array<i32>} : memref<4x128xi32, #tpu.memory_space<vmem>>, vector<16xi32>,
        %dma_start3A_792 = arith.constant 3 : i32
        %dma_start3A_793 = arith.constant 3 : i32
        %dma_start3A_794 = arith.constant 0 : i32
        %dma_start3A_795 = arith.constant 0 : i32
        %dma_start3A_796 = tpu.memref_slice %arg7[%dma_start3A_793, %dma_start3A_794, %dma_start3A_795] : memref<4x128x32xf32, #tpu.memory_space<vmem>> -> memref<1x128x32xf32, #tpu.memory_space<vmem>>
        %dma_start3A_797 = tpu.memref_squeeze %dma_start3A_796 : memref<1x128x32xf32, #tpu.memory_space<vmem>> -> memref<128x32xf32, #tpu.memory_space<vmem>>
        %dma_start3A_798 = arith.constant 0 : i32
        %dma_start3A_799 = tpu.memref_slice %arg6[%dma_start3A_792, %dma_start3A_798] : memref<4x128xi32, #tpu.memory_space<vmem>> -> memref<1x128xi32, #tpu.memory_space<vmem>>
        %dma_start3A_800 = tpu.memref_squeeze %dma_start3A_799 : memref<1x128xi32, #tpu.memory_space<vmem>> -> memref<128xi32, #tpu.memory_space<vmem>>
        %dma_start3A_801 = arith.constant 0 : i32
        %dma_start3A_802 = arith.constant 0 : i32
        %dma_start3A_803 = tpu.memref_slice %arg2[%dma_start3A_801, %dma_start3A_802] : memref<1000000x32xf32, #tpu.memory_space<hbm>> -> memref<1000000x32xf32, #tpu.memory_space<hbm>>
        tpu.enqueue_indirect_dma source(%dma_start3A_803 : memref<1000000x32xf32, #tpu.memory_space<hbm>>) target(%dma_start3A_797 : memref<128x32xf32, #tpu.memory_space<vmem>>) offsets(%dma_start3A_800 : memref<128xi32, #tpu.memory_space<vmem>>) semaphore(%arg12 : memref<!tpu.dma_semaphore, #tpu.memory_space<semaphore_mem>>)
      } else {
      }
      %eq3A_688 = arith.constant 49 : i32
      %eq3A_689 = arith.cmpi eq, %select_n3A_619, %eq3A_688 : i32
      %add3A_690 = arith.constant 1 : i32
      %add3A_691 = arith.addi %select_n3A_619, %add3A_690 : i32
      %jit3A_692 = arith.constant 0 : i32
      %select_n3A_693 = arith.select %eq3A_689, %jit3A_692, %add3A_691 : i32
      %convert_element_type3A_694 = arith.extui %eq3A_689 : i1 to i32
      %add3A_695 = arith.addi %add3A_621, %convert_element_type3A_694 : i32
      %eq3A_696 = arith.constant 49 : i32
      %eq3A_697 = arith.cmpi eq, %select_n3A_627, %eq3A_696 : i32
      %add3A_698 = arith.constant 1 : i32
      %add3A_699 = arith.addi %select_n3A_627, %add3A_698 : i32
      %jit3A_700 = arith.constant 0 : i32
      %select_n3A_701 = arith.select %eq3A_697, %jit3A_700, %add3A_699 : i32
      %convert_element_type3A_702 = arith.extui %eq3A_697 : i1 to i32
      %add3A_703 = arith.addi %add3A_629, %convert_element_type3A_702 : i32
      %eq3A_704 = arith.constant 49 : i32
      %eq3A_705 = arith.cmpi eq, %select_n3A_635, %eq3A_704 : i32
      %add3A_706 = arith.constant 1 : i32
      %add3A_707 = arith.addi %select_n3A_635, %add3A_706 : i32
      %jit3A_708 = arith.constant 0 : i32
      %select_n3A_709 = arith.select %eq3A_705, %jit3A_708, %add3A_707 : i32
      %convert_element_type3A_710 = arith.extui %eq3A_705 : i1 to i32
      %add3A_711 = arith.addi %add3A_637, %convert_element_type3A_710 : i32
      scf.yield %select_n3A_693, %add3A_695, %select_n3A_701, %add3A_703, %select_n3A_709, %add3A_711 : i32, i32, i32, i32, i32, i32
    }
    %scan3A_316 = arith.constant 50 : i32
    %mul3A_317 = arith.constant 32 : i32
    %mul3A_318 = arith.muli %scan3A_315#4, %mul3A_317 : i32
    %mul3A_319 = arith.constant 128 : i32
    %mul3A_320 = arith.muli %scan3A_315#5, %mul3A_319 : i32
    %add3A_321 = arith.addi %mul3A_2, %mul3A_320 : i32
    %dma_wait3A = arith.constant 0 : i32
    %dma_wait3A_322 = arith.constant 0 : i32
    %dma_wait3A_323 = arith.constant 0 : i32
    %dma_wait3A_324 = arith.constant 0 : i32
    %dma_wait3A_325 = tpu.memref_slice %arg8[%dma_wait3A, %dma_wait3A_322, %dma_wait3A_323, %dma_wait3A_324] : memref<4x1x32x137xf32, #tpu.memory_space<vmem>> -> memref<1x1x32x128xf32, #tpu.memory_space<vmem>>
    %dma_wait3A_326 = tpu.memref_squeeze %dma_wait3A_325 : memref<1x1x32x128xf32, #tpu.memory_space<vmem>> -> memref<32x128xf32, #tpu.memory_space<vmem>>
    %dma_wait3A_327 = tpu.memref_slice %arg4[%mul3A_318, %add3A_321] : memref<1600x16384xf32, #tpu.memory_space<hbm>> -> memref<32x128xf32, #tpu.memory_space<hbm>>
    %dma_wait3A_328 = tpu.memref_slice %arg4[%mul3A_318, %add3A_321] : memref<1600x16384xf32, #tpu.memory_space<hbm>> -> memref<32x128xf32, #tpu.memory_space<hbm>>
    %dma_wait3A_329 = arith.constant 0 : i32
    %dma_wait3A_330 = arith.constant 0 : i32
    %dma_wait3A_331 = tpu.memref_slice %arg8[%dma_wait3A, %dma_wait3A_322, %dma_wait3A_329, %dma_wait3A_330] : memref<4x1x32x137xf32, #tpu.memory_space<vmem>> -> memref<1x1x32x128xf32, #tpu.memory_space<vmem>>
    %dma_wait3A_332 = tpu.memref_squeeze %dma_wait3A_331 : memref<1x1x32x128xf32, #tpu.memory_space<vmem>> -> memref<32x128xf32, #tpu.memory_space<vmem>>
    tpu.wait_dma2 semaphore(%arg13 : memref<!tpu.dma_semaphore, #tpu.memory_space<semaphore_mem>>) src(%dma_wait3A_332 : memref<32x128xf32, #tpu.memory_space<vmem>>) dst(%dma_wait3A_328 : memref<32x128xf32, #tpu.memory_space<hbm>>)
    %eq3A = arith.constant 49 : i32
    %eq3A_333 = arith.cmpi eq, %scan3A_315#4, %eq3A : i32
    %add3A_334 = arith.constant 1 : i32
    %add3A_335 = arith.addi %scan3A_315#4, %add3A_334 : i32
    %jit3A = arith.constant 0 : i32
    %select_n3A = arith.select %eq3A_333, %jit3A, %add3A_335 : i32
    %convert_element_type3A = arith.extui %eq3A_333 : i1 to i32
    %add3A_336 = arith.addi %scan3A_315#5, %convert_element_type3A : i32
    %mul3A_337 = arith.constant 32 : i32
    %mul3A_338 = arith.muli %select_n3A, %mul3A_337 : i32
    %mul3A_339 = arith.constant 128 : i32
    %mul3A_340 = arith.muli %add3A_336, %mul3A_339 : i32
    %add3A_341 = arith.addi %mul3A_2, %mul3A_340 : i32
    %dma_wait3A_342 = arith.constant 1 : i32
    %dma_wait3A_343 = arith.constant 0 : i32
    %dma_wait3A_344 = arith.constant 0 : i32
    %dma_wait3A_345 = arith.constant 0 : i32
    %dma_wait3A_346 = tpu.memref_slice %arg8[%dma_wait3A_342, %dma_wait3A_343, %dma_wait3A_344, %dma_wait3A_345] : memref<4x1x32x137xf32, #tpu.memory_space<vmem>> -> memref<1x1x32x128xf32, #tpu.memory_space<vmem>>
    %dma_wait3A_347 = tpu.memref_squeeze %dma_wait3A_346 : memref<1x1x32x128xf32, #tpu.memory_space<vmem>> -> memref<32x128xf32, #tpu.memory_space<vmem>>
    %dma_wait3A_348 = tpu.memref_slice %arg4[%mul3A_338, %add3A_341] : memref<1600x16384xf32, #tpu.memory_space<hbm>> -> memref<32x128xf32, #tpu.memory_space<hbm>>
    %dma_wait3A_349 = tpu.memref_slice %arg4[%mul3A_338, %add3A_341] : memref<1600x16384xf32, #tpu.memory_space<hbm>> -> memref<32x128xf32, #tpu.memory_space<hbm>>
    %dma_wait3A_350 = arith.constant 0 : i32
    %dma_wait3A_351 = arith.constant 0 : i32
    %dma_wait3A_352 = tpu.memref_slice %arg8[%dma_wait3A_342, %dma_wait3A_343, %dma_wait3A_350, %dma_wait3A_351] : memref<4x1x32x137xf32, #tpu.memory_space<vmem>> -> memref<1x1x32x128xf32, #tpu.memory_space<vmem>>
    %dma_wait3A_353 = tpu.memref_squeeze %dma_wait3A_352 : memref<1x1x32x128xf32, #tpu.memory_space<vmem>> -> memref<32x128xf32, #tpu.memory_space<vmem>>
    tpu.wait_dma2 semaphore(%arg14 : memref<!tpu.dma_semaphore, #tpu.memory_space<semaphore_mem>>) src(%dma_wait3A_353 : memref<32x128xf32, #tpu.memory_space<vmem>>) dst(%dma_wait3A_349 : memref<32x128xf32, #tpu.memory_space<hbm>>)
    %eq3A_354 = arith.constant 49 : i32
    %eq3A_355 = arith.cmpi eq, %select_n3A, %eq3A_354 : i32
    %add3A_356 = arith.constant 1 : i32
    %add3A_357 = arith.addi %select_n3A, %add3A_356 : i32
    %jit3A_358 = arith.constant 0 : i32
    %select_n3A_359 = arith.select %eq3A_355, %jit3A_358, %add3A_357 : i32
    %convert_element_type3A_360 = arith.extui %eq3A_355 : i1 to i32
    %add3A_361 = arith.addi %add3A_336, %convert_element_type3A_360 : i32
    %mul3A_362 = arith.constant 32 : i32
    %mul3A_363 = arith.muli %select_n3A_359, %mul3A_362 : i32
    %mul3A_364 = arith.constant 128 : i32
    %mul3A_365 = arith.muli %add3A_361, %mul3A_364 : i32
    %add3A_366 = arith.addi %mul3A_2, %mul3A_365 : i32
    %dma_wait3A_367 = arith.constant 2 : i32
    %dma_wait3A_368 = arith.constant 0 : i32
    %dma_wait3A_369 = arith.constant 0 : i32
    %dma_wait3A_370 = arith.constant 0 : i32
    %dma_wait3A_371 = tpu.memref_slice %arg8[%dma_wait3A_367, %dma_wait3A_368, %dma_wait3A_369, %dma_wait3A_370] : memref<4x1x32x137xf32, #tpu.memory_space<vmem>> -> memref<1x1x32x128xf32, #tpu.memory_space<vmem>>
    %dma_wait3A_372 = tpu.memref_squeeze %dma_wait3A_371 : memref<1x1x32x128xf32, #tpu.memory_space<vmem>> -> memref<32x128xf32, #tpu.memory_space<vmem>>
    %dma_wait3A_373 = tpu.memref_slice %arg4[%mul3A_363, %add3A_366] : memref<1600x16384xf32, #tpu.memory_space<hbm>> -> memref<32x128xf32, #tpu.memory_space<hbm>>
    %dma_wait3A_374 = tpu.memref_slice %arg4[%mul3A_363, %add3A_366] : memref<1600x16384xf32, #tpu.memory_space<hbm>> -> memref<32x128xf32, #tpu.memory_space<hbm>>
    %dma_wait3A_375 = arith.constant 0 : i32
    %dma_wait3A_376 = arith.constant 0 : i32
    %dma_wait3A_377 = tpu.memref_slice %arg8[%dma_wait3A_367, %dma_wait3A_368, %dma_wait3A_375, %dma_wait3A_376] : memref<4x1x32x137xf32, #tpu.memory_space<vmem>> -> memref<1x1x32x128xf32, #tpu.memory_space<vmem>>
    %dma_wait3A_378 = tpu.memref_squeeze %dma_wait3A_377 : memref<1x1x32x128xf32, #tpu.memory_space<vmem>> -> memref<32x128xf32, #tpu.memory_space<vmem>>
    tpu.wait_dma2 semaphore(%arg15 : memref<!tpu.dma_semaphore, #tpu.memory_space<semaphore_mem>>) src(%dma_wait3A_378 : memref<32x128xf32, #tpu.memory_space<vmem>>) dst(%dma_wait3A_374 : memref<32x128xf32, #tpu.memory_space<hbm>>)
    %eq3A_379 = arith.constant 49 : i32
    %eq3A_380 = arith.cmpi eq, %select_n3A_359, %eq3A_379 : i32
    %add3A_381 = arith.constant 1 : i32
    %add3A_382 = arith.addi %select_n3A_359, %add3A_381 : i32
    %jit3A_383 = arith.constant 0 : i32
    %select_n3A_384 = arith.select %eq3A_380, %jit3A_383, %add3A_382 : i32
    %convert_element_type3A_385 = arith.extui %eq3A_380 : i1 to i32
    %add3A_386 = arith.addi %add3A_361, %convert_element_type3A_385 : i32
    %mul3A_387 = arith.constant 32 : i32
    %mul3A_388 = arith.muli %select_n3A_384, %mul3A_387 : i32
    %mul3A_389 = arith.constant 128 : i32
    %mul3A_390 = arith.muli %add3A_386, %mul3A_389 : i32
    %add3A_391 = arith.addi %mul3A_2, %mul3A_390 : i32
    %dma_wait3A_392 = arith.constant 3 : i32
    %dma_wait3A_393 = arith.constant 0 : i32
    %dma_wait3A_394 = arith.constant 0 : i32
    %dma_wait3A_395 = arith.constant 0 : i32
    %dma_wait3A_396 = tpu.memref_slice %arg8[%dma_wait3A_392, %dma_wait3A_393, %dma_wait3A_394, %dma_wait3A_395] : memref<4x1x32x137xf32, #tpu.memory_space<vmem>> -> memref<1x1x32x128xf32, #tpu.memory_space<vmem>>
    %dma_wait3A_397 = tpu.memref_squeeze %dma_wait3A_396 : memref<1x1x32x128xf32, #tpu.memory_space<vmem>> -> memref<32x128xf32, #tpu.memory_space<vmem>>
    %dma_wait3A_398 = tpu.memref_slice %arg4[%mul3A_388, %add3A_391] : memref<1600x16384xf32, #tpu.memory_space<hbm>> -> memref<32x128xf32, #tpu.memory_space<hbm>>
    %dma_wait3A_399 = tpu.memref_slice %arg4[%mul3A_388, %add3A_391] : memref<1600x16384xf32, #tpu.memory_space<hbm>> -> memref<32x128xf32, #tpu.memory_space<hbm>>
    %dma_wait3A_400 = arith.constant 0 : i32
    %dma_wait3A_401 = arith.constant 0 : i32
    %dma_wait3A_402 = tpu.memref_slice %arg8[%dma_wait3A_392, %dma_wait3A_393, %dma_wait3A_400, %dma_wait3A_401] : memref<4x1x32x137xf32, #tpu.memory_space<vmem>> -> memref<1x1x32x128xf32, #tpu.memory_space<vmem>>
    %dma_wait3A_403 = tpu.memref_squeeze %dma_wait3A_402 : memref<1x1x32x128xf32, #tpu.memory_space<vmem>> -> memref<32x128xf32, #tpu.memory_space<vmem>>
    tpu.wait_dma2 semaphore(%arg16 : memref<!tpu.dma_semaphore, #tpu.memory_space<semaphore_mem>>) src(%dma_wait3A_403 : memref<32x128xf32, #tpu.memory_space<vmem>>) dst(%dma_wait3A_399 : memref<32x128xf32, #tpu.memory_space<hbm>>)
    %eq3A_404 = arith.constant 49 : i32
    %eq3A_405 = arith.cmpi eq, %select_n3A_384, %eq3A_404 : i32
    %add3A_406 = arith.constant 1 : i32
    %add3A_407 = arith.addi %select_n3A_384, %add3A_406 : i32
    %jit3A_408 = arith.constant 0 : i32
    %select_n3A_409 = arith.select %eq3A_405, %jit3A_408, %add3A_407 : i32
    %convert_element_type3A_410 = arith.extui %eq3A_405 : i1 to i32
    %add3A_411 = arith.addi %add3A_386, %convert_element_type3A_410 : i32
    return
  }
}

#map = affine_map<(d0, d1) -> (0, 0)>
module attributes {stable_mosaic.version = 14 : i64} {
  func.func @_xstage_body(%arg0: i32, %arg1: i32, %arg2: memref<50x16384xi32, #tpu.memory_space<hbm>>, %arg3: memref<6400x128xi32, #tpu.memory_space<hbm>>, %arg4: memref<200x128xi32, #tpu.memory_space<vmem>>) attributes {dimension_semantics = [#tpu.dimension_semantics<core_parallel>, #tpu.dimension_semantics<subcore_parallel>], iteration_bounds = array<i64: 2, 16>, scalar_prefetch = 0 : i64, scratch_operands = 1 : i64, tpu.core_type = #tpu.core_type<sc_vector_subcore>, window_params = [{transform_indices = #map}, {transform_indices = #map}]} {
    %mul3A = arith.constant 2 : i32
    %mul3A_0 = arith.muli %arg1, %mul3A : i32
    %add3A = arith.addi %mul3A_0, %arg0 : i32
    %mul3A_1 = arith.constant 512 : i32
    %mul3A_2 = arith.muli %add3A, %mul3A_1 : i32
    %add3A_3 = arith.constant 0 : i32
    %add3A_4 = arith.addi %mul3A_2, %add3A_3 : i32
    "tpu.region"() ({
      %run_scoped3A = tpu.sem_alloc : memref<!tpu.dma_semaphore, #tpu.memory_space<semaphore_mem>>
      %dma_start3A = arith.constant 0 : i32
      %dma_start3A_19 = arith.constant 0 : i32
      %dma_start3A_20 = tpu.memref_slice %arg4[%dma_start3A, %dma_start3A_19] : memref<200x128xi32, #tpu.memory_space<vmem>> -> memref<50x128xi32, #tpu.memory_space<vmem>>
      %dma_start3A_21 = arith.constant 0 : i32
      %dma_start3A_22 = tpu.memref_slice %arg2[%dma_start3A_21, %add3A_4] : memref<50x16384xi32, #tpu.memory_space<hbm>> -> memref<50x128xi32, #tpu.memory_space<hbm>>
      %dma_start3A_23 = arith.constant 0 : i32
      %dma_start3A_24 = arith.constant 0 : i32
      %dma_start3A_25 = tpu.memref_slice %arg4[%dma_start3A_23, %dma_start3A_24] : memref<200x128xi32, #tpu.memory_space<vmem>> -> memref<50x128xi32, #tpu.memory_space<vmem>>
      %dma_start3A_26 = arith.constant 0 : i32
      %dma_start3A_27 = tpu.memref_slice %arg2[%dma_start3A_26, %add3A_4] : memref<50x16384xi32, #tpu.memory_space<hbm>> -> memref<50x128xi32, #tpu.memory_space<hbm>>
      tpu.enqueue_dma source(%dma_start3A_27 : memref<50x128xi32, #tpu.memory_space<hbm>>) target(%dma_start3A_25 : memref<50x128xi32, #tpu.memory_space<vmem>>) target_semaphore(%run_scoped3A : memref<!tpu.dma_semaphore, #tpu.memory_space<semaphore_mem>>)
      %dma_wait3A = arith.constant 0 : i32
      %dma_wait3A_28 = arith.constant 0 : i32
      %dma_wait3A_29 = tpu.memref_slice %arg4[%dma_wait3A, %dma_wait3A_28] : memref<200x128xi32, #tpu.memory_space<vmem>> -> memref<50x128xi32, #tpu.memory_space<vmem>>
      %dma_wait3A_30 = arith.constant 0 : i32
      %dma_wait3A_31 = tpu.memref_slice %arg2[%dma_wait3A_30, %add3A_4] : memref<50x16384xi32, #tpu.memory_space<hbm>> -> memref<50x128xi32, #tpu.memory_space<hbm>>
      %dma_wait3A_32 = arith.constant 0 : i32
      %dma_wait3A_33 = arith.constant 0 : i32
      %dma_wait3A_34 = tpu.memref_slice %arg4[%dma_wait3A_32, %dma_wait3A_33] : memref<200x128xi32, #tpu.memory_space<vmem>> -> memref<50x128xi32, #tpu.memory_space<vmem>>
      %dma_wait3A_35 = arith.constant 0 : i32
      %dma_wait3A_36 = tpu.memref_slice %arg2[%dma_wait3A_35, %add3A_4] : memref<50x16384xi32, #tpu.memory_space<hbm>> -> memref<50x128xi32, #tpu.memory_space<hbm>>
      tpu.wait_dma2 semaphore(%run_scoped3A : memref<!tpu.dma_semaphore, #tpu.memory_space<semaphore_mem>>) src(%dma_wait3A_36 : memref<50x128xi32, #tpu.memory_space<hbm>>) dst(%dma_wait3A_34 : memref<50x128xi32, #tpu.memory_space<vmem>>)
      tpu.yield
    }) : () -> ()
    %mul3A_5 = arith.constant 512 : i32
    %mul3A_6 = arith.muli %add3A, %mul3A_5 : i32
    %add3A_7 = arith.constant 128 : i32
    %add3A_8 = arith.addi %mul3A_6, %add3A_7 : i32
    "tpu.region"() ({
      %run_scoped3A = tpu.sem_alloc : memref<!tpu.dma_semaphore, #tpu.memory_space<semaphore_mem>>
      %dma_start3A = arith.constant 50 : i32
      %dma_start3A_19 = arith.constant 0 : i32
      %dma_start3A_20 = tpu.memref_slice %arg4[%dma_start3A, %dma_start3A_19] : memref<200x128xi32, #tpu.memory_space<vmem>> -> memref<50x128xi32, #tpu.memory_space<vmem>>
      %dma_start3A_21 = arith.constant 0 : i32
      %dma_start3A_22 = tpu.memref_slice %arg2[%dma_start3A_21, %add3A_8] : memref<50x16384xi32, #tpu.memory_space<hbm>> -> memref<50x128xi32, #tpu.memory_space<hbm>>
      %dma_start3A_23 = arith.constant 50 : i32
      %dma_start3A_24 = arith.constant 0 : i32
      %dma_start3A_25 = tpu.memref_slice %arg4[%dma_start3A_23, %dma_start3A_24] : memref<200x128xi32, #tpu.memory_space<vmem>> -> memref<50x128xi32, #tpu.memory_space<vmem>>
      %dma_start3A_26 = arith.constant 0 : i32
      %dma_start3A_27 = tpu.memref_slice %arg2[%dma_start3A_26, %add3A_8] : memref<50x16384xi32, #tpu.memory_space<hbm>> -> memref<50x128xi32, #tpu.memory_space<hbm>>
      tpu.enqueue_dma source(%dma_start3A_27 : memref<50x128xi32, #tpu.memory_space<hbm>>) target(%dma_start3A_25 : memref<50x128xi32, #tpu.memory_space<vmem>>) target_semaphore(%run_scoped3A : memref<!tpu.dma_semaphore, #tpu.memory_space<semaphore_mem>>)
      %dma_wait3A = arith.constant 50 : i32
      %dma_wait3A_28 = arith.constant 0 : i32
      %dma_wait3A_29 = tpu.memref_slice %arg4[%dma_wait3A, %dma_wait3A_28] : memref<200x128xi32, #tpu.memory_space<vmem>> -> memref<50x128xi32, #tpu.memory_space<vmem>>
      %dma_wait3A_30 = arith.constant 0 : i32
      %dma_wait3A_31 = tpu.memref_slice %arg2[%dma_wait3A_30, %add3A_8] : memref<50x16384xi32, #tpu.memory_space<hbm>> -> memref<50x128xi32, #tpu.memory_space<hbm>>
      %dma_wait3A_32 = arith.constant 50 : i32
      %dma_wait3A_33 = arith.constant 0 : i32
      %dma_wait3A_34 = tpu.memref_slice %arg4[%dma_wait3A_32, %dma_wait3A_33] : memref<200x128xi32, #tpu.memory_space<vmem>> -> memref<50x128xi32, #tpu.memory_space<vmem>>
      %dma_wait3A_35 = arith.constant 0 : i32
      %dma_wait3A_36 = tpu.memref_slice %arg2[%dma_wait3A_35, %add3A_8] : memref<50x16384xi32, #tpu.memory_space<hbm>> -> memref<50x128xi32, #tpu.memory_space<hbm>>
      tpu.wait_dma2 semaphore(%run_scoped3A : memref<!tpu.dma_semaphore, #tpu.memory_space<semaphore_mem>>) src(%dma_wait3A_36 : memref<50x128xi32, #tpu.memory_space<hbm>>) dst(%dma_wait3A_34 : memref<50x128xi32, #tpu.memory_space<vmem>>)
      tpu.yield
    }) : () -> ()
    %mul3A_9 = arith.constant 512 : i32
    %mul3A_10 = arith.muli %add3A, %mul3A_9 : i32
    %add3A_11 = arith.constant 256 : i32
    %add3A_12 = arith.addi %mul3A_10, %add3A_11 : i32
    "tpu.region"() ({
      %run_scoped3A = tpu.sem_alloc : memref<!tpu.dma_semaphore, #tpu.memory_space<semaphore_mem>>
      %dma_start3A = arith.constant 100 : i32
      %dma_start3A_19 = arith.constant 0 : i32
      %dma_start3A_20 = tpu.memref_slice %arg4[%dma_start3A, %dma_start3A_19] : memref<200x128xi32, #tpu.memory_space<vmem>> -> memref<50x128xi32, #tpu.memory_space<vmem>>
      %dma_start3A_21 = arith.constant 0 : i32
      %dma_start3A_22 = tpu.memref_slice %arg2[%dma_start3A_21, %add3A_12] : memref<50x16384xi32, #tpu.memory_space<hbm>> -> memref<50x128xi32, #tpu.memory_space<hbm>>
      %dma_start3A_23 = arith.constant 100 : i32
      %dma_start3A_24 = arith.constant 0 : i32
      %dma_start3A_25 = tpu.memref_slice %arg4[%dma_start3A_23, %dma_start3A_24] : memref<200x128xi32, #tpu.memory_space<vmem>> -> memref<50x128xi32, #tpu.memory_space<vmem>>
      %dma_start3A_26 = arith.constant 0 : i32
      %dma_start3A_27 = tpu.memref_slice %arg2[%dma_start3A_26, %add3A_12] : memref<50x16384xi32, #tpu.memory_space<hbm>> -> memref<50x128xi32, #tpu.memory_space<hbm>>
      tpu.enqueue_dma source(%dma_start3A_27 : memref<50x128xi32, #tpu.memory_space<hbm>>) target(%dma_start3A_25 : memref<50x128xi32, #tpu.memory_space<vmem>>) target_semaphore(%run_scoped3A : memref<!tpu.dma_semaphore, #tpu.memory_space<semaphore_mem>>)
      %dma_wait3A = arith.constant 100 : i32
      %dma_wait3A_28 = arith.constant 0 : i32
      %dma_wait3A_29 = tpu.memref_slice %arg4[%dma_wait3A, %dma_wait3A_28] : memref<200x128xi32, #tpu.memory_space<vmem>> -> memref<50x128xi32, #tpu.memory_space<vmem>>
      %dma_wait3A_30 = arith.constant 0 : i32
      %dma_wait3A_31 = tpu.memref_slice %arg2[%dma_wait3A_30, %add3A_12] : memref<50x16384xi32, #tpu.memory_space<hbm>> -> memref<50x128xi32, #tpu.memory_space<hbm>>
      %dma_wait3A_32 = arith.constant 100 : i32
      %dma_wait3A_33 = arith.constant 0 : i32
      %dma_wait3A_34 = tpu.memref_slice %arg4[%dma_wait3A_32, %dma_wait3A_33] : memref<200x128xi32, #tpu.memory_space<vmem>> -> memref<50x128xi32, #tpu.memory_space<vmem>>
      %dma_wait3A_35 = arith.constant 0 : i32
      %dma_wait3A_36 = tpu.memref_slice %arg2[%dma_wait3A_35, %add3A_12] : memref<50x16384xi32, #tpu.memory_space<hbm>> -> memref<50x128xi32, #tpu.memory_space<hbm>>
      tpu.wait_dma2 semaphore(%run_scoped3A : memref<!tpu.dma_semaphore, #tpu.memory_space<semaphore_mem>>) src(%dma_wait3A_36 : memref<50x128xi32, #tpu.memory_space<hbm>>) dst(%dma_wait3A_34 : memref<50x128xi32, #tpu.memory_space<vmem>>)
      tpu.yield
    }) : () -> ()
    %mul3A_13 = arith.constant 512 : i32
    %mul3A_14 = arith.muli %add3A, %mul3A_13 : i32
    %add3A_15 = arith.constant 384 : i32
    %add3A_16 = arith.addi %mul3A_14, %add3A_15 : i32
    "tpu.region"() ({
      %run_scoped3A = tpu.sem_alloc : memref<!tpu.dma_semaphore, #tpu.memory_space<semaphore_mem>>
      %dma_start3A = arith.constant 150 : i32
      %dma_start3A_19 = arith.constant 0 : i32
      %dma_start3A_20 = tpu.memref_slice %arg4[%dma_start3A, %dma_start3A_19] : memref<200x128xi32, #tpu.memory_space<vmem>> -> memref<50x128xi32, #tpu.memory_space<vmem>>
      %dma_start3A_21 = arith.constant 0 : i32
      %dma_start3A_22 = tpu.memref_slice %arg2[%dma_start3A_21, %add3A_16] : memref<50x16384xi32, #tpu.memory_space<hbm>> -> memref<50x128xi32, #tpu.memory_space<hbm>>
      %dma_start3A_23 = arith.constant 150 : i32
      %dma_start3A_24 = arith.constant 0 : i32
      %dma_start3A_25 = tpu.memref_slice %arg4[%dma_start3A_23, %dma_start3A_24] : memref<200x128xi32, #tpu.memory_space<vmem>> -> memref<50x128xi32, #tpu.memory_space<vmem>>
      %dma_start3A_26 = arith.constant 0 : i32
      %dma_start3A_27 = tpu.memref_slice %arg2[%dma_start3A_26, %add3A_16] : memref<50x16384xi32, #tpu.memory_space<hbm>> -> memref<50x128xi32, #tpu.memory_space<hbm>>
      tpu.enqueue_dma source(%dma_start3A_27 : memref<50x128xi32, #tpu.memory_space<hbm>>) target(%dma_start3A_25 : memref<50x128xi32, #tpu.memory_space<vmem>>) target_semaphore(%run_scoped3A : memref<!tpu.dma_semaphore, #tpu.memory_space<semaphore_mem>>)
      %dma_wait3A = arith.constant 150 : i32
      %dma_wait3A_28 = arith.constant 0 : i32
      %dma_wait3A_29 = tpu.memref_slice %arg4[%dma_wait3A, %dma_wait3A_28] : memref<200x128xi32, #tpu.memory_space<vmem>> -> memref<50x128xi32, #tpu.memory_space<vmem>>
      %dma_wait3A_30 = arith.constant 0 : i32
      %dma_wait3A_31 = tpu.memref_slice %arg2[%dma_wait3A_30, %add3A_16] : memref<50x16384xi32, #tpu.memory_space<hbm>> -> memref<50x128xi32, #tpu.memory_space<hbm>>
      %dma_wait3A_32 = arith.constant 150 : i32
      %dma_wait3A_33 = arith.constant 0 : i32
      %dma_wait3A_34 = tpu.memref_slice %arg4[%dma_wait3A_32, %dma_wait3A_33] : memref<200x128xi32, #tpu.memory_space<vmem>> -> memref<50x128xi32, #tpu.memory_space<vmem>>
      %dma_wait3A_35 = arith.constant 0 : i32
      %dma_wait3A_36 = tpu.memref_slice %arg2[%dma_wait3A_35, %add3A_16] : memref<50x16384xi32, #tpu.memory_space<hbm>> -> memref<50x128xi32, #tpu.memory_space<hbm>>
      tpu.wait_dma2 semaphore(%run_scoped3A : memref<!tpu.dma_semaphore, #tpu.memory_space<semaphore_mem>>) src(%dma_wait3A_36 : memref<50x128xi32, #tpu.memory_space<hbm>>) dst(%dma_wait3A_34 : memref<50x128xi32, #tpu.memory_space<vmem>>)
      tpu.yield
    }) : () -> ()
    %mul3A_17 = arith.constant 200 : i32
    %mul3A_18 = arith.muli %add3A, %mul3A_17 : i32
    "tpu.region"() ({
      %run_scoped3A = tpu.sem_alloc : memref<!tpu.dma_semaphore, #tpu.memory_space<semaphore_mem>>
      %dma_start3A = arith.constant 0 : i32
      %dma_start3A_19 = tpu.memref_slice %arg3[%mul3A_18, %dma_start3A] : memref<6400x128xi32, #tpu.memory_space<hbm>> -> memref<200x128xi32, #tpu.memory_space<hbm>>
      %dma_start3A_20 = arith.constant 0 : i32
      %dma_start3A_21 = tpu.memref_slice %arg3[%mul3A_18, %dma_start3A_20] : memref<6400x128xi32, #tpu.memory_space<hbm>> -> memref<200x128xi32, #tpu.memory_space<hbm>>
      tpu.enqueue_dma source(%arg4 : memref<200x128xi32, #tpu.memory_space<vmem>>) target(%dma_start3A_21 : memref<200x128xi32, #tpu.memory_space<hbm>>) target_semaphore(%run_scoped3A : memref<!tpu.dma_semaphore, #tpu.memory_space<semaphore_mem>>)
      %dma_wait3A = arith.constant 0 : i32
      %dma_wait3A_22 = tpu.memref_slice %arg3[%mul3A_18, %dma_wait3A] : memref<6400x128xi32, #tpu.memory_space<hbm>> -> memref<200x128xi32, #tpu.memory_space<hbm>>
      %dma_wait3A_23 = arith.constant 0 : i32
      %dma_wait3A_24 = tpu.memref_slice %arg3[%mul3A_18, %dma_wait3A_23] : memref<6400x128xi32, #tpu.memory_space<hbm>> -> memref<200x128xi32, #tpu.memory_space<hbm>>
      tpu.wait_dma2 semaphore(%run_scoped3A : memref<!tpu.dma_semaphore, #tpu.memory_space<semaphore_mem>>) src(%arg4 : memref<200x128xi32, #tpu.memory_space<vmem>>) dst(%dma_wait3A_24 : memref<200x128xi32, #tpu.memory_space<hbm>>)
      tpu.yield
    }) : () -> ()
    return
  }
}

</mosaic_0001>

<sc_bundles>
// kernel: kernel.4.cloned.1.call-start
scs
__scs_entry_jumppad:
0x0: {  	(pc) =	sbr.rel $0x88, $3  }
0x1: {  	(tag) =	ssettag $0x0;
	lr =	simm.s32 $0x1  }
0x2: {  	[smem:$0x3F9F] =	sst lr;
	_ =	strace $0xD0000000  }
0x3: {  	_ = 	snop  }
0x4: {  	_ = 	snop  }
0x5: {  	_ = 	snop  }
0x6: {  	_ = 	snop  }
0x7: {  	_ = 	snop  }
__scs_overlays_trampoline_lowered:
0x8: {  	[smem:$0x3FAE] =	sst s0  }
0x9: {  	[smem:$0x3FAF] =	sst s1  }
0xa: {  	[smem:$0x3FB0] =	sst s2  }
0xb: {  	[smem:$0x3FB1] =	sst s3  }
0xc: {  	[smem:$0x3FB2] =	sst s4  }
0xd: {  	[smem:$0x3FB3] =	sst s5  }
0xe: {  	[smem:$0x3FB4] =	sst s6  }
0xf: {  	[smem:$0x3FB5] =	sst s7  }
0x10: {  	[smem:$0x3FB6] =	sst s8  }
0x11: {  	[smem:$0x3FB7] =	sst s9;
	s0 =	simm.s32 @!p0 $0x0  }
0x12: {  	s1 =	sld [smem:$0x3F9D];
	s0 =	simm.s32 @p0 $0x1  }
0x13: {  	[smem:$0x3FB8] =	sst s0;
	s0 =	simm.s32 @!p1 $0x0  }
0x14: {  	s2 =	sld [smem:$0x3F9C];
	s0 =	simm.s32 @p1 $0x1  }
0x15: {  	[smem:$0x3FB9] =	sst s0;
	s0 =	simm.s32 @!p2 $0x0  }
0x16: {  	s3 =	sld [smem:$0x3FDB];
	s0 =	simm.s32 @p2 $0x1  }
0x17: {  	s4 =	simm.s32 $0x1BF5;
	[smem:$0x3FBB] =	sst s0  }
0x18: {  	s0 =	sld [smem:$0x3F9E];
	_ =	swait.ge [sflag:s4], $0x0  }
0x19: {  	s7 =	sld [smem:$0x3F9F]  }
0x1a: {  	s8 =	sadd.s32 $0xFFFFE003, lr  }
0x1b: {  	s9 =	sadd.s32 $0xFFFFFEF7, lr;
	s5 =	simm.s32 $0xFFFFFFFF;
	p2 =	slt.u32 s8, $0xFFFFF086  }
0x1c: {  	p1 =	slt.u32 s9, $0xF7A;
	s5 =	simm.s32 @!p2 $0x0  }
0x1d: {  	s5 =	simm.s32 @p1 $0x1;
	p0 =	seq.s32 s7, s2  }
0x1e: {  	s7 =	smul.u32 @!p0 $0xF7A, s2;
	p2 =	seq.s32 @!p0 s5, $0x0  }
0x1f: {  	s9 =	smul.u32 $0xF7A, s1;
	s8 =	simm.s32 @!p0 $0x1BF5;
	p2 =	por !p2, p0  }
0x20: {  	[sflag:s8] =	ssyncset.s32 @!p0 $0xFFFFF086;
	s6 =	sadd.s32 @!p0 s3, s7;
	s7 =	simm.s32 @!p0 $0x108  }
0x21: {  	s3 =	sadd.s32 s3, s9;
	s6 =	sadd.s32 @!p0 $0x88, s6;
	s7 =	simm.s32 @p2 $0x1082  }
0x22: {  	[simem:s7], [sflag:s8] =	dma.local @!p0 [hbm:s6], $0xF7A  }
0x23: {  	s9 =	sor.u32 $0xD0000000, s2;
	s6 =	simm.s32 $0x108;
	_ =	swait.ge @!p0 [sflag:s8], $0x0  }
0x24: {  	s3 =	sadd.s32 $0x88, s3;
	s6 =	simm.s32 @!p1 $0x1082;
	[sflag:s4] =	ssyncset.s32 $0xFFFFF086  }
0x25: {  	[simem:s6], [sflag:s4] =	dma.local [hbm:s3], $0xF7A  }
0x26: {  	[smem:$0x3F9F] =	sst s1;
	(tag) =	ssettag s2;
	_ =	strace s9  }
0x27: {  	s1 =	sld [smem:$0x3FAF]  }
0x28: {  	s2 =	sld [smem:$0x3FB0]  }
0x29: {  	s4 =	sld [smem:$0x3FB2]  }
0x2a: {  	p0 =	seq.s32 s5, $0x0;
	s5 =	sld [smem:$0x3FB3]  }
0x2b: {  	s6 =	sld [smem:$0x3FB4]  }
0x2c: {  	s7 =	sld [smem:$0x3FB5]  }
0x2d: {  	s3 =	simm.s32 $0x108;
	s8 =	sld [smem:$0x3FB6]  }
0x2e: {  	s3 =	simm.s32 @!p0 $0x1082;
	s9 =	sld [smem:$0x3FB7]  }
0x2f: {  	lr =	sadd.s32 s0, s3;
	s0 =	sld [smem:$0x3FAE]  }
0x30: {  	s3 =	sld [smem:$0x3FB1]  }
0x31: {  	[smem:$0x3FBA] =	sst s10  }
0x32: {  	s10 =	sld [smem:$0x3FB8];
	_ =	sdelay $0x3  }
0x33: {  	p0 =	seq.s32 s10, $0x1;
	s10 =	sld [smem:$0x3FBA];
	_ =	sdelay $0x3  }
0x34: {  	[smem:$0x3FBA] =	sst s10  }
0x35: {  	s10 =	sld [smem:$0x3FB9];
	_ =	sdelay $0x3  }
0x36: {  	p1 =	seq.s32 s10, $0x1;
	s10 =	sld [smem:$0x3FBA];
	_ =	sdelay $0x3  }
0x37: {  	[smem:$0x3FBA] =	sst s10  }
0x38: {  	s10 =	sld [smem:$0x3FBB]  }
0x39: {  	_ = 	snop;
	(pc) =	sbr.ind lr, $3  }
0x3a: {  	_ = 	snop  }
0x3b: {  	_ = 	snop  }
0x3c: {  	p2 =	seq.s32 s10, $0x1;
	s10 =	sld [smem:$0x3FBA]  }
0x3d: {  	_ =	shalt  }
0x3e: {  	_ =	shalt  }
0x3f: {  	_ =	shalt  }
0x40: {  	_ =	shalt  }
0x41: {  	_ =	shalt  }
0x42: {  	_ =	shalt  }
0x43: {  	_ =	shalt  }
0x44: {  	_ =	shalt  }
0x45: {  	_ =	shalt  }
0x46: {  	_ =	shalt  }
0x47: {  	_ =	shalt  }
0x48: {  	_ =	shalt  }
0x49: {  	_ =	shalt  }
0x4a: {  	_ =	shalt  }
0x4b: {  	_ =	shalt  }
0x4c: {  	_ =	shalt  }
0x4d: {  	_ =	shalt  }
0x4e: {  	_ =	shalt  }
0x4f: {  	_ =	shalt  }
0x50: {  	_ =	shalt  }
0x51: {  	_ =	shalt  }
0x52: {  	_ =	shalt  }
0x53: {  	_ =	shalt  }
0x54: {  	_ =	shalt  }
0x55: {  	_ =	shalt  }
0x56: {  	_ =	shalt  }
0x57: {  	_ =	shalt  }
0x58: {  	_ =	shalt  }
0x59: {  	_ =	shalt  }
0x5a: {  	_ =	shalt  }
0x5b: {  	_ =	shalt  }
0x5c: {  	_ =	shalt  }
0x5d: {  	_ =	shalt  }
0x5e: {  	_ =	shalt  }
0x5f: {  	_ =	shalt  }
0x60: {  	_ =	shalt  }
0x61: {  	_ =	shalt  }
0x62: {  	_ =	shalt  }
0x63: {  	_ =	shalt  }
0x64: {  	_ =	shalt  }
0x65: {  	_ =	shalt  }
0x66: {  	_ =	shalt  }
0x67: {  	_ =	shalt  }
0x68: {  	_ =	shalt  }
0x69: {  	_ =	shalt  }
0x6a: {  	_ =	shalt  }
0x6b: {  	_ =	shalt  }
0x6c: {  	_ =	shalt  }
0x6d: {  	_ =	shalt  }
0x6e: {  	_ =	shalt  }
0x6f: {  	_ =	shalt  }
0x70: {  	_ =	shalt  }
0x71: {  	_ =	shalt  }
0x72: {  	_ =	shalt  }
0x73: {  	_ =	shalt  }
0x74: {  	_ =	shalt  }
0x75: {  	_ =	shalt  }
0x76: {  	_ =	shalt  }
0x77: {  	_ =	shalt  }
0x78: {  	_ =	shalt  }
0x79: {  	_ =	shalt  }
0x7a: {  	_ =	shalt  }
0x7b: {  	_ =	shalt  }
0x7c: {  	_ =	shalt  }
0x7d: {  	_ =	shalt  }
0x7e: {  	_ =	shalt  }
0x7f: {  	_ =	shalt  }
0x80: {  	_ =	shalt  }
0x81: {  	_ =	shalt  }
0x82: {  	_ =	shalt  }
0x83: {  	_ =	shalt  }
0x84: {  	_ =	shalt  }
0x85: {  	_ =	shalt  }
0x86: {  	_ =	shalt  }
0x87: {  	_ =	shalt  }
.Lfunc_end0:
.L_simem_size_0:
called_computation_lowered:
.L_overlay_start_0:
0x88: {  	s2 =	sld [smem:$0x3FD9]  }
0x89: {  	s3 =	sld [smem:$0x3FFE];
	_ =	sdelay $0x1  }
0x8a: {  	s1 =	srdreg.scid  }
0x8b: {  	s0 =	sand.u32 $0x1, s1  }
0x8c: {  	s18 =	sshll.u32 s0, $0xA;
	s2 =	sadd.s32 s3, s2  }
0x8d: {  	s2 =	sadd.s32 s2, s18  }
0x8e: {  	[smem:$0x3FC6] =	sst s2  }
0x8f: {  	_ = 	snop  }
0x90: {  	s2 =	sld [smem:$0x3FC9]  }
0x91: {  	s19 =	sld [smem:$0x3FD0];
	(tm) =	ssettm $0x1  }
0x92: {  	s4 =	sld [smem:$0x3FFB];
	_ =	sdelay $0x3  }
0x93: {  	_ =	strace s4  }
0x94: {  	s4 =	sld [smem:$0x3FFC];
	_ =	sdelay $0x3  }
0x95: {  	_ =	strace s4  }
0x96: {  	s4 =	sld [smem:$0x3FFD];
	_ =	sdelay $0x3  }
0x97: {  	_ =	strace s4  }
0x98: {  	_ =	strace $0x8FFFFFFF  }
0x99: {  	s20 =	sld [smem:$0x3FDB];
	_ =	sdelay $0x1  }
0x9a: {  	s5 =	simm.s32 $_scs_section_size  }
0x9b: {  	s6 =	simm.s32 $_size__tile_overlayer_lowered;
	s7 =	simm.s32 $_tile_overlayer_lowered  }
0x9c: {  	s23 =	simm.s32 $0x1BFF;
	s22 =	sshll.u32 s7, $0x1;
	s4 =	sadd.s32 s5, s20  }
0x9d: {  	s8 =	simm.s32 $0x0;
	s21 =	sshll.u32 s6, $0x1;
	s6 =	sadd.s32 s22, s4  }
0x9e: {  	[timem:s8], [sflag:s23] =	dma.local [hbm:s6], s21  }
0x9f: {  	_ =	swait.ge [sflag:s23], s21  }
0xa0: {  	s5 =	ssub.s32 $0x0, s21;
	[sflag:s23] =	ssyncset.done $0x0  }
0xa1: {  	[sflag:s23] =	ssyncadd.s32 s5;
	_ =	sdelay $0x1  }
0xa2: {  	s24 =	simm.s32 $0x1B8B  }
0xa3: {  	_ =	swait.ge [sflag:s24], $0x1  }
0xa4: {  	[sflag:s24] =	ssyncset.done $0x0  }
0xa5: {  	s25 =	simm.s32 $0x1B8E;
	[sflag:s24] =	ssyncadd.s32 $0xFFFFFFFF  }
0xa6: {  	s26 =	simm.s32 $execute0_lowered;
	[smem:$0x3FD2] =	sst s25  }
0xa7: {  	s5 =	sshll.u32 s26, $0x1;
	_ =	strace $0x80000046;
	[dreg:$0x1] =	wrdreg $0xFFFFFFFF  }
0xa8: {  	s28 =	simm.s32 $_size_execute0_lowered;
	s4 =	sadd.s32 s4, s5;
	[dreg:$0x0] =	wrdreg $0x0  }
0xa9: {  	s5 =	sshll.u32 s28, $0x1;
	[dreg:$0x2] =	wrdreg s4  }
0xaa: {  	[dreg:$0x3] =	wrdreg s5  }
0xab: {  	[dreg:$0x4] =	wrdreg $0xC0  }
0xac: {  	_ =	task [dreg:s8], $0x5FFFF  }
0xad: {  	[dreg:$0x1] =	wrdreg $0xFFFFFFFF  }
0xae: {  	[dreg:$0x0] =	wrdreg $0x60  }
0xaf: {  	[dreg:$0x2] =	wrdreg s2  }
0xb0: {  	[dreg:$0x3] =	wrdreg s19  }
0xb1: {  	[dreg:$0x4] =	wrdreg $0x9  }
0xb2: {  	_ =	task.clear_ibuf [dreg:s8], $0x5FFFF;
	_ =	strace $0x90000046  }
0xb3: {  	s29 =	simm.s32 $0x9;
	_ =	strace $0x80000048  }
0xb4: {  	_ =	swait.ge [sflag:s29], $0x1  }
0xb5: {  	[sflag:s29] =	ssyncadd.s32 $0xFFFFFFFF  }
0xb6: {  	_ =	strace $0x90000048  }
0xb7: {  	_ =	sfence  }
0xb8: {  	s30 =	sld [smem:$0x0];
	_ =	sdelay $0x2  }
0xb9: {  	s31 =	sshll.u32 s1, $0xD;
	s1 =	sshrl.u32 s1, $0x2  }
0xba: {  	s3 =	sand.u32 $0x4000, s31;
	s1 =	sadd.s32 s1, s30  }
0xbb: {  	s0 =	sor.u32 s3, s0;
	s1 =	sshll.u32 s1, $0x11  }
0xbc: {  	s0 =	sor.u32 s1, s0  }
0xbd: {  	s0 =	sadd.s32 $0x8F2B, s0  }
0xbe: {  	[sflag:s0] =	ssyncadd.remote.s32 $0x1  }
0xbf: {  	_ =	sfence.sel $0xFFFF  }
0xc0: {  	[dreg:$0x0] =	wrdreg $0xFFFFFFFF;
	(pc) =	sbr.abs _section_cstart, $3  }
0xc1: {  	[dreg:$0x1] =	wrdreg $0xFFFFFFFF  }
0xc2: {  	_ =	task.clear_ibuf [dreg:s8], $0x2FFFF;
	_ =	strace $0x9FFFFFFF  }
0xc3: {  	(tm) =	ssettm $0x7FFFFFFF  }
tec
execute0_lowered:
.L_overlay_start_1:
0x0: {  	(tag) =	ssettag $0x1  }
0x1: {  	s3 =	rddreg [dreg:$0x0]  }
0x2: {  	s4 =	srdreg.scid;
	s1 =	stileid.u32  }
0x3: {  	s21 =	rddreg [dreg:$0x1];
	s19 =	sand.u32 $0x1, s4;
	s30 =	sshll.u32 s1, $0x1  }
0x4: {  	s0 =	rddreg [dreg:$0x2];
	s2 =	simm.s32 $0x0;
	s22 =	sor.u32 s19, s30  }
0x5: {  	s5 =	simm.s32 $0x20000;
	[smem:$0x7FF] =	sst s2;
	s4 =	sshll.u32 s22, $0x9  }
0x6: {  	_ =	strace $0x80000047;
	s3 =	sadd.s32 s3, s4;
	s4 =	simm.s32 $0x400  }
0x7: {  	[tilespmem:s2], [sflag:$0x1] =	stream.strided.gather [hbm4b:s3+s4], $0x1800, s5, s4, $0x38;
	[tilespmem:$0x6400] =	vst v63  }
0x8: {  	s8 =	simm.s32 $0x1800;
	s7 =	simm.s32 $0x1;
	s6 =	sadd.s32 $0x18000, s3  }
0x9: {  	[tilespmem:s8], [sflag:$0x1] =	stream.linear.gather [hbm4b:s6+s2], $0x100, $0x38;
	[tilespmem:$0x6400] =	vst v63  }
0xa: {  	_ =	swait.ge [sflag:s7], $0x1900  }
0xb: {  	[sflag:s7] =	ssyncset.done $0x0  }
0xc: {  	s10 =	simm.s32 $0x1900;
	s9 =	sadd.s32 $0x80, s3;
	[sflag:s7] =	ssyncadd.s32 $0xFFFFE700  }
0xd: {  	[tilespmem:s10], [sflag:$0x1] =	stream.strided.gather [hbm4b:s9+s4], $0x1800, s5, s4, $0x38;
	[tilespmem:$0x6400] =	vst v63  }
0xe: {  	s12 =	simm.s32 $0x3100;
	s11 =	sadd.s32 $0x18000, s9  }
0xf: {  	[tilespmem:s12], [sflag:$0x1] =	stream.linear.gather [hbm4b:s11+s2], $0x100, $0x38;
	[tilespmem:$0x6400] =	vst v63  }
0x10: {  	_ =	swait.ge [sflag:s7], $0x1900  }
0x11: {  	[sflag:s7] =	ssyncset.done $0x0  }
0x12: {  	s14 =	simm.s32 $0x3200;
	s13 =	sadd.s32 $0x100, s3;
	[sflag:s7] =	ssyncadd.s32 $0xFFFFE700  }
0x13: {  	[tilespmem:s14], [sflag:$0x1] =	stream.strided.gather [hbm4b:s13+s4], $0x1800, s5, s4, $0x38;
	[tilespmem:$0x6400] =	vst v63  }
0x14: {  	s16 =	simm.s32 $0x4A00;
	s15 =	sadd.s32 $0x18000, s13  }
0x15: {  	[tilespmem:s16], [sflag:$0x1] =	stream.linear.gather [hbm4b:s15+s2], $0x100, $0x38;
	[tilespmem:$0x6400] =	vst v63  }
0x16: {  	s23 =	ssub.s32 $0x2, s19;
	_ =	swait.ge [sflag:s7], $0x1900  }
0x17: {  	s18 =	simm.s32 $0x4B00;
	s24 =	sshrl.u32 s23, $0x1;
	[sflag:s7] =	ssyncset.done $0x0  }
0x18: {  	s23 =	ssub.s32 s23, s24;
	s17 =	sadd.s32 $0x180, s3;
	[sflag:s7] =	ssyncadd.s32 $0xFFFFE700  }
0x19: {  	[tilespmem:s18], [sflag:$0x1] =	stream.strided.gather [hbm4b:s17+s4], $0x1800, s5, s4, $0x38;
	[tilespmem:$0x6400] =	vst v63  }
0x1a: {  	s20 =	simm.s32 $0x6300;
	s31 =	smax.u32 s23, $0x1;
	s19 =	sadd.s32 $0x18000, s17  }
0x1b: {  	[tilespmem:s20], [sflag:$0x1] =	stream.linear.gather [hbm4b:s19+s2], $0x100, $0x38;
	[tilespmem:$0x6400] =	vst v63  }
0x1c: {  	s22 =	smul.u32 $0xC80, s22;
	p0 =	sne.s32 s31, $0x1;
	_ =	swait.ge [sflag:s7], $0x1900  }
.Ltmp0:
0x1d: {  	[sflag:s7] =	ssyncset.done $0x0;
	(pc) =	sbr.rel @!p0 .LBB2_2-.Ltmp0, $4  }
0x1e: {  	s21 =	sadd.s32 s21, s22;
	[sflag:s7] =	ssyncadd.s32 $0xFFFFE700  }
0x1f: {  	[hbm4b:s21+s2] =	stream.linear.scatter [tilespmem:s2], [sflag:$0x1], $0x6400, $0x38;
	[tilespmem:$0x6400] =	vst v63  }
0x20: {  	_ =	swait.ge [sflag:s7], $0x6400  }
0x21: {  	s22 =	sadd.s32 $0xFFFFFFFF, s31;
	[sflag:s7] =	ssyncset.done $0x0  }
.LBB2_1:
0x22: {  	p0 =	sne.s32 s22, $0x1;
	s22 =	sadd.s32 $0xFFFFFFFF, s22;
	[sflag:s7] =	ssyncadd.s32 $0xFFFF9C00  }
0x23: {  	[tilespmem:s2], [sflag:$0x1] =	stream.strided.gather [hbm4b:s3+s4], $0x1800, s5, s4, $0x38;
	[tilespmem:$0x6400] =	vst v63  }
0x24: {  	_ = 	snop  }
0x25: {  	[tilespmem:s8], [sflag:$0x1] =	stream.linear.gather [hbm4b:s6+s2], $0x100, $0x38;
	[tilespmem:$0x6400] =	vst v63  }
0x26: {  	_ =	swait.ge [sflag:s7], $0x1900  }
0x27: {  	[sflag:s7] =	ssyncset.done $0x0  }
0x28: {  	[sflag:s7] =	ssyncadd.s32 $0xFFFFE700  }
0x29: {  	[tilespmem:s10], [sflag:$0x1] =	stream.strided.gather [hbm4b:s9+s4], $0x1800, s5, s4, $0x38;
	[tilespmem:$0x6400] =	vst v63  }
0x2a: {  	_ = 	snop  }
0x2b: {  	[tilespmem:s12], [sflag:$0x1] =	stream.linear.gather [hbm4b:s11+s2], $0x100, $0x38;
	[tilespmem:$0x6400] =	vst v63  }
0x2c: {  	_ =	swait.ge [sflag:s7], $0x1900  }
0x2d: {  	[sflag:s7] =	ssyncset.done $0x0  }
0x2e: {  	[sflag:s7] =	ssyncadd.s32 $0xFFFFE700  }
0x2f: {  	[tilespmem:s14], [sflag:$0x1] =	stream.strided.gather [hbm4b:s13+s4], $0x1800, s5, s4, $0x38;
	[tilespmem:$0x6400] =	vst v63  }
0x30: {  	_ = 	snop  }
0x31: {  	[tilespmem:s16], [sflag:$0x1] =	stream.linear.gather [hbm4b:s15+s2], $0x100, $0x38;
	[tilespmem:$0x6400] =	vst v63  }
0x32: {  	_ =	swait.ge [sflag:s7], $0x1900  }
0x33: {  	[sflag:s7] =	ssyncset.done $0x0  }
0x34: {  	[sflag:s7] =	ssyncadd.s32 $0xFFFFE700  }
0x35: {  	[tilespmem:s18], [sflag:$0x1] =	stream.strided.gather [hbm4b:s17+s4], $0x1800, s5, s4, $0x38;
	[tilespmem:$0x6400] =	vst v63  }
0x36: {  	_ = 	snop  }
0x37: {  	[tilespmem:s20], [sflag:$0x1] =	stream.linear.gather [hbm4b:s19+s2], $0x100, $0x38;
	[tilespmem:$0x6400] =	vst v63  }
0x38: {  	_ =	swait.ge [sflag:s7], $0x1900  }
.Ltmp1:
0x39: {  	[sflag:s7] =	ssyncset.done $0x0;
	(pc) =	sbr.rel @p0 .LBB2_1-.Ltmp1, $4  }
0x3a: {  	[sflag:s7] =	ssyncadd.s32 $0xFFFFE700  }
0x3b: {  	[hbm4b:s21+s2] =	stream.linear.scatter [tilespmem:s2], [sflag:$0x1], $0x6400, $0x38;
	[tilespmem:$0x6400] =	vst v63  }
0x3c: {  	_ =	swait.ge [sflag:s7], $0x6400  }
0x3d: {  	[sflag:s7] =	ssyncset.done $0x0  }
.LBB2_2:
0x3e: {  	[sflag:s7] =	ssyncadd.s32 $0xFFFF9C00  }
0x3f: {  	_ =	sfence.sel $0x180000  }
0x40: {  	[bflag:$0x0] =	sbarrier.arrive $0xFFFF  }
0x41: {  	p0 =	sne.s32 s1, $0x0;
	_ =	strace $0x90000047  }
0x42: {  	s0 =	sadd.s32 @!p0 $0x100000, s0;
	[bflag:$0x2] =	sbarrier.arrive $0xFFFF  }
0x43: {  	[sflag:s0] =	ssyncadd.tile.s32 @!p0 $0x1;
	_ =	shalt  }
.Lfunc_end2:
_tile_overlayer_lowered:
.L_overlay_start_2:
0x44: {  	(tag) =	ssettag $0x2  }
0x45: {  	s0 =	rddreg [dreg:$0x0];
	s2 =	stileid.u32  }
0x46: {  	s1 =	rddreg [dreg:$0x1];
	p0 =	sne.s32 s2, $0x0  }
0x47: {  	s3 =	rddreg [dreg:$0x2];
	[bflag:$0x3] =	sbarrier.arrive $0xFFFF;
	s2 =	simm.s32 @!p0 $0x1C01  }
0x48: {  	[timem:s3], [sflag:s2] =	dma.local @!p0 [hbm:s0], s1  }
0x49: {  	s0 =	simm.s32 @!p0 $0x1  }
0x4a: {  	_ =	swait.ge @!p0 [sflag:s0], s1  }
0x4b: {  	s1 =	ssub.s32 @!p0 $0x0, s1;
	[sflag:s0] =	ssyncset.done @!p0 $0x0  }
0x4c: {  	[sflag:s0] =	ssyncadd.s32 @!p0 s1  }
0x4d: {  	[bflag:$0x3] =	sbarrier.arrive $0xFFFF  }
0x4e: {  	_ =	shalt  }

// kernel: kernel.7.cloned.1.call-start
scs
__scs_entry_jumppad:
0x0: {  	(pc) =	sbr.rel $0x88, $3  }
0x1: {  	(tag) =	ssettag $0x0;
	lr =	simm.s32 $0x1  }
0x2: {  	[smem:$0x3F9F] =	sst lr;
	_ =	strace $0xD0000000  }
0x3: {  	_ = 	snop  }
0x4: {  	_ = 	snop  }
0x5: {  	_ = 	snop  }
0x6: {  	_ = 	snop  }
0x7: {  	_ = 	snop  }
__scs_overlays_trampoline_lowered:
0x8: {  	[smem:$0x3FAE] =	sst s0  }
0x9: {  	[smem:$0x3FAF] =	sst s1  }
0xa: {  	[smem:$0x3FB0] =	sst s2  }
0xb: {  	[smem:$0x3FB1] =	sst s3  }
0xc: {  	[smem:$0x3FB2] =	sst s4  }
0xd: {  	[smem:$0x3FB3] =	sst s5  }
0xe: {  	[smem:$0x3FB4] =	sst s6  }
0xf: {  	[smem:$0x3FB5] =	sst s7  }
0x10: {  	[smem:$0x3FB6] =	sst s8  }
0x11: {  	[smem:$0x3FB7] =	sst s9;
	s0 =	simm.s32 @!p0 $0x0  }
0x12: {  	s1 =	sld [smem:$0x3F9D];
	s0 =	simm.s32 @p0 $0x1  }
0x13: {  	[smem:$0x3FB8] =	sst s0;
	s0 =	simm.s32 @!p1 $0x0  }
0x14: {  	s2 =	sld [smem:$0x3F9C];
	s0 =	simm.s32 @p1 $0x1  }
0x15: {  	[smem:$0x3FB9] =	sst s0;
	s0 =	simm.s32 @!p2 $0x0  }
0x16: {  	s3 =	sld [smem:$0x3FDB];
	s0 =	simm.s32 @p2 $0x1  }
0x17: {  	s4 =	simm.s32 $0x1BF5;
	[smem:$0x3FBB] =	sst s0  }
0x18: {  	s0 =	sld [smem:$0x3F9E];
	_ =	swait.ge [sflag:s4], $0x0  }
0x19: {  	s7 =	sld [smem:$0x3F9F]  }
0x1a: {  	s8 =	sadd.s32 $0xFFFFE003, lr  }
0x1b: {  	s9 =	sadd.s32 $0xFFFFFEF7, lr;
	s5 =	simm.s32 $0xFFFFFFFF;
	p2 =	slt.u32 s8, $0xFFFFF086  }
0x1c: {  	p1 =	slt.u32 s9, $0xF7A;
	s5 =	simm.s32 @!p2 $0x0  }
0x1d: {  	s5 =	simm.s32 @p1 $0x1;
	p0 =	seq.s32 s7, s2  }
0x1e: {  	s7 =	smul.u32 @!p0 $0xF7A, s2;
	p2 =	seq.s32 @!p0 s5, $0x0  }
0x1f: {  	s9 =	smul.u32 $0xF7A, s1;
	s8 =	simm.s32 @!p0 $0x1BF5;
	p2 =	por !p2, p0  }
0x20: {  	[sflag:s8] =	ssyncset.s32 @!p0 $0xFFFFF086;
	s6 =	sadd.s32 @!p0 s3, s7;
	s7 =	simm.s32 @!p0 $0x108  }
0x21: {  	s3 =	sadd.s32 s3, s9;
	s6 =	sadd.s32 @!p0 $0x88, s6;
	s7 =	simm.s32 @p2 $0x1082  }
0x22: {  	[simem:s7], [sflag:s8] =	dma.local @!p0 [hbm:s6], $0xF7A  }
0x23: {  	s9 =	sor.u32 $0xD0000000, s2;
	s6 =	simm.s32 $0x108;
	_ =	swait.ge @!p0 [sflag:s8], $0x0  }
0x24: {  	s3 =	sadd.s32 $0x88, s3;
	s6 =	simm.s32 @!p1 $0x1082;
	[sflag:s4] =	ssyncset.s32 $0xFFFFF086  }
0x25: {  	[simem:s6], [sflag:s4] =	dma.local [hbm:s3], $0xF7A  }
0x26: {  	[smem:$0x3F9F] =	sst s1;
	(tag) =	ssettag s2;
	_ =	strace s9  }
0x27: {  	s1 =	sld [smem:$0x3FAF]  }
0x28: {  	s2 =	sld [smem:$0x3FB0]  }
0x29: {  	s4 =	sld [smem:$0x3FB2]  }
0x2a: {  	p0 =	seq.s32 s5, $0x0;
	s5 =	sld [smem:$0x3FB3]  }
0x2b: {  	s6 =	sld [smem:$0x3FB4]  }
0x2c: {  	s7 =	sld [smem:$0x3FB5]  }
0x2d: {  	s3 =	simm.s32 $0x108;
	s8 =	sld [smem:$0x3FB6]  }
0x2e: {  	s3 =	simm.s32 @!p0 $0x1082;
	s9 =	sld [smem:$0x3FB7]  }
0x2f: {  	lr =	sadd.s32 s0, s3;
	s0 =	sld [smem:$0x3FAE]  }
0x30: {  	s3 =	sld [smem:$0x3FB1]  }
0x31: {  	[smem:$0x3FBA] =	sst s10  }
0x32: {  	s10 =	sld [smem:$0x3FB8];
	_ =	sdelay $0x3  }
0x33: {  	p0 =	seq.s32 s10, $0x1;
	s10 =	sld [smem:$0x3FBA];
	_ =	sdelay $0x3  }
0x34: {  	[smem:$0x3FBA] =	sst s10  }
0x35: {  	s10 =	sld [smem:$0x3FB9];
	_ =	sdelay $0x3  }
0x36: {  	p1 =	seq.s32 s10, $0x1;
	s10 =	sld [smem:$0x3FBA];
	_ =	sdelay $0x3  }
0x37: {  	[smem:$0x3FBA] =	sst s10  }
0x38: {  	s10 =	sld [smem:$0x3FBB]  }
0x39: {  	_ = 	snop;
	(pc) =	sbr.ind lr, $3  }
0x3a: {  	_ = 	snop  }
0x3b: {  	_ = 	snop  }
0x3c: {  	p2 =	seq.s32 s10, $0x1;
	s10 =	sld [smem:$0x3FBA]  }
0x3d: {  	_ =	shalt  }
0x3e: {  	_ =	shalt  }
0x3f: {  	_ =	shalt  }
0x40: {  	_ =	shalt  }
0x41: {  	_ =	shalt  }
0x42: {  	_ =	shalt  }
0x43: {  	_ =	shalt  }
0x44: {  	_ =	shalt  }
0x45: {  	_ =	shalt  }
0x46: {  	_ =	shalt  }
0x47: {  	_ =	shalt  }
0x48: {  	_ =	shalt  }
0x49: {  	_ =	shalt  }
0x4a: {  	_ =	shalt  }
0x4b: {  	_ =	shalt  }
0x4c: {  	_ =	shalt  }
0x4d: {  	_ =	shalt  }
0x4e: {  	_ =	shalt  }
0x4f: {  	_ =	shalt  }
0x50: {  	_ =	shalt  }
0x51: {  	_ =	shalt  }
0x52: {  	_ =	shalt  }
0x53: {  	_ =	shalt  }
0x54: {  	_ =	shalt  }
0x55: {  	_ =	shalt  }
0x56: {  	_ =	shalt  }
0x57: {  	_ =	shalt  }
0x58: {  	_ =	shalt  }
0x59: {  	_ =	shalt  }
0x5a: {  	_ =	shalt  }
0x5b: {  	_ =	shalt  }
0x5c: {  	_ =	shalt  }
0x5d: {  	_ =	shalt  }
0x5e: {  	_ =	shalt  }
0x5f: {  	_ =	shalt  }
0x60: {  	_ =	shalt  }
0x61: {  	_ =	shalt  }
0x62: {  	_ =	shalt  }
0x63: {  	_ =	shalt  }
0x64: {  	_ =	shalt  }
0x65: {  	_ =	shalt  }
0x66: {  	_ =	shalt  }
0x67: {  	_ =	shalt  }
0x68: {  	_ =	shalt  }
0x69: {  	_ =	shalt  }
0x6a: {  	_ =	shalt  }
0x6b: {  	_ =	shalt  }
0x6c: {  	_ =	shalt  }
0x6d: {  	_ =	shalt  }
0x6e: {  	_ =	shalt  }
0x6f: {  	_ =	shalt  }
0x70: {  	_ =	shalt  }
0x71: {  	_ =	shalt  }
0x72: {  	_ =	shalt  }
0x73: {  	_ =	shalt  }
0x74: {  	_ =	shalt  }
0x75: {  	_ =	shalt  }
0x76: {  	_ =	shalt  }
0x77: {  	_ =	shalt  }
0x78: {  	_ =	shalt  }
0x79: {  	_ =	shalt  }
0x7a: {  	_ =	shalt  }
0x7b: {  	_ =	shalt  }
0x7c: {  	_ =	shalt  }
0x7d: {  	_ =	shalt  }
0x7e: {  	_ =	shalt  }
0x7f: {  	_ =	shalt  }
0x80: {  	_ =	shalt  }
0x81: {  	_ =	shalt  }
0x82: {  	_ =	shalt  }
0x83: {  	_ =	shalt  }
0x84: {  	_ =	shalt  }
0x85: {  	_ =	shalt  }
0x86: {  	_ =	shalt  }
0x87: {  	_ =	shalt  }
.Lfunc_end0:
.L_simem_size_0:
called_computation.1_lowered:
.L_overlay_start_0:
0x88: {  	s2 =	sld [smem:$0x3FD9]  }
0x89: {  	s3 =	sld [smem:$0x3FFE];
	_ =	sdelay $0x1  }
0x8a: {  	s1 =	srdreg.scid  }
0x8b: {  	s0 =	sand.u32 $0x1, s1  }
0x8c: {  	s17 =	sshll.u32 s0, $0xA;
	s2 =	sadd.s32 s3, s2  }
0x8d: {  	s2 =	sadd.s32 s2, s17  }
0x8e: {  	[smem:$0x3FC6] =	sst s2  }
0x8f: {  	_ = 	snop  }
0x90: {  	s2 =	sld [smem:$0x3FD0];
	(tm) =	ssettm $0x1  }
0x91: {  	s18 =	sld [smem:$0x3FFB];
	_ =	sdelay $0x3  }
0x92: {  	_ =	strace s18  }
0x93: {  	s3 =	sld [smem:$0x3FFC];
	_ =	sdelay $0x3  }
0x94: {  	_ =	strace s3  }
0x95: {  	s3 =	sld [smem:$0x3FFD];
	_ =	sdelay $0x3  }
0x96: {  	_ =	strace s3  }
0x97: {  	_ =	strace $0x8FFFFFFF  }
0x98: {  	s19 =	sld [smem:$0x3FDB];
	_ =	sdelay $0x1  }
0x99: {  	s4 =	simm.s32 $_scs_section_size  }
0x9a: {  	s5 =	simm.s32 $_size__tile_overlayer_lowered;
	s6 =	simm.s32 $_tile_overlayer_lowered  }
0x9b: {  	s22 =	simm.s32 $0x1BFF;
	s21 =	sshll.u32 s6, $0x1;
	s3 =	sadd.s32 s4, s19  }
0x9c: {  	s7 =	simm.s32 $0x0;
	s20 =	sshll.u32 s5, $0x1;
	s5 =	sadd.s32 s21, s3  }
0x9d: {  	[timem:s7], [sflag:s22] =	dma.local [hbm:s5], s20  }
0x9e: {  	_ =	swait.ge [sflag:s22], s20  }
0x9f: {  	s4 =	ssub.s32 $0x0, s20;
	[sflag:s22] =	ssyncset.done $0x0  }
0xa0: {  	[sflag:s22] =	ssyncadd.s32 s4;
	_ =	sdelay $0x1  }
0xa1: {  	s23 =	simm.s32 $0x1B8B  }
0xa2: {  	_ =	swait.ge [sflag:s23], $0x1  }
0xa3: {  	[sflag:s23] =	ssyncset.done $0x0  }
0xa4: {  	s25 =	simm.s32 $0x1B8E;
	s24 =	sld [smem:$0x3FFE];
	[sflag:s23] =	ssyncadd.s32 $0xFFFFFFFF  }
0xa5: {  	s26 =	simm.s32 $execute0_lowered;
	[smem:$0x3FD2] =	sst s25  }
0xa6: {  	s5 =	sshll.u32 s26, $0x1;
	_ =	strace $0x80000049;
	[dreg:$0x1] =	wrdreg $0xFFFFFFFF  }
0xa7: {  	s28 =	simm.s32 $_size_execute0_lowered;
	s3 =	sadd.s32 s3, s5;
	[dreg:$0x0] =	wrdreg $0x0  }
0xa8: {  	s5 =	sshll.u32 s28, $0x1;
	[dreg:$0x2] =	wrdreg s3  }
0xa9: {  	[dreg:$0x3] =	wrdreg s5  }
0xaa: {  	[dreg:$0x4] =	wrdreg $0xC0  }
0xab: {  	_ =	task [dreg:s7], $0x5FFFF  }
0xac: {  	[dreg:$0x1] =	wrdreg $0xFFFFFFFF  }
0xad: {  	[dreg:$0x0] =	wrdreg $0x60  }
0xae: {  	[dreg:$0x2] =	wrdreg s24  }
0xaf: {  	[dreg:$0x3] =	wrdreg s2  }
0xb0: {  	[dreg:$0x4] =	wrdreg $0x9  }
0xb1: {  	_ =	task.clear_ibuf [dreg:s7], $0x5FFFF;
	_ =	strace $0x90000049  }
0xb2: {  	s29 =	simm.s32 $0x9;
	_ =	strace $0x8000004B  }
0xb3: {  	_ =	swait.ge [sflag:s29], $0x1  }
0xb4: {  	[sflag:s29] =	ssyncadd.s32 $0xFFFFFFFF  }
0xb5: {  	_ =	strace $0x9000004B  }
0xb6: {  	_ =	sfence  }
0xb7: {  	s30 =	sld [smem:$0x0];
	_ =	sdelay $0x2  }
0xb8: {  	s31 =	sshll.u32 s1, $0xD;
	s1 =	sshrl.u32 s1, $0x2  }
0xb9: {  	s3 =	sand.u32 $0x4000, s31;
	s1 =	sadd.s32 s1, s30  }
0xba: {  	s0 =	sor.u32 s3, s0;
	s1 =	sshll.u32 s1, $0x11  }
0xbb: {  	s0 =	sor.u32 s1, s0  }
0xbc: {  	s0 =	sadd.s32 $0x8F2B, s0  }
0xbd: {  	[sflag:s0] =	ssyncadd.remote.s32 $0x1  }
0xbe: {  	_ =	sfence.sel $0xFFFF  }
0xbf: {  	[dreg:$0x0] =	wrdreg $0xFFFFFFFF;
	(pc) =	sbr.abs _section_cstart, $3  }
0xc0: {  	[dreg:$0x1] =	wrdreg $0xFFFFFFFF  }
0xc1: {  	_ =	task.clear_ibuf [dreg:s7], $0x2FFFF;
	_ =	strace $0x9FFFFFFF  }
0xc2: {  	(tm) =	ssettm $0x7FFFFFFF  }
0xc3: {  	_ =	shalt  }
tec
execute0_lowered:
.L_overlay_start_1:
0x0: {  	(tag) =	ssettag $0x1  }
0x1: {  	s0 =	rddreg [dreg:$0x0]  }
0x2: {  	s1 =	rddreg [dreg:$0x1];
	s3 =	srdreg.scid  }
0x3: {  	s4 =	stileid.u32;
	s2 =	simm.s32 $0x0;
	s8 =	simm.s32 $0x9  }
0x4: {  	s9 =	simm.s32 $0x80;
	s18 =	simm.s32 $0x1;
	s19 =	simm.s32 $0xA600  }
0x5: {  	s20 =	simm.s32 $0x2;
	s21 =	simm.s32 $0xB800;
	s22 =	simm.s32 $0x3  }
0x6: {  	v0 =	vlaneseq.u32;
	s23 =	simm.s32 $0xCA00;
	s24 =	simm.s32 $0x4;
	s25 =	simm.s32 $0xDC00  }
0x7: {  	v1 =	vimm.s32 $0x0;
	vm0 =	vcmask $0x300;
	s28 =	simm.s32 $0x6;
	s3 =	sand.u32 $0x1, s3;
	s4 =	sshll.u32 s4, $0x1;
	v0 =	vmul.u32 $0x90, v0  }
0x8: {  	s29 =	simm.s32 $0x7;
	s30 =	simm.s32 $0x8;
	v1 =	vsel vm0, $0x3, v1;
	s5 =	sor.u32 s3, s4  }
0x9: {  	s31 =	simm.s32 $0x0;
	s6 =	ssub.s32 $0x2, s3;
	s7 =	smul.u32 $0xC80, s5;
	v2 =	vadd.s32 $0x900, v0;
	v3 =	vor.u32 $0x1, v0;
	v4 =	vadd.s32 $0x901, v0  }
0xa: {  	[smem:$0x7FF] =	sst s2;
	s3 =	sadd.s32 $0xF42C00, s0;
	s26 =	sshrl.u32 s6, $0x1;
	v5 =	vor.u32 $0x2, v0;
	v6 =	vadd.s32 $0x902, v0;
	v7 =	vor.u32 $0x3, v0  }
0xb: {  	s4 =	sadd.s32 $0x800, s0;
	v8 =	vadd.s32 $0x903, v0;
	v9 =	vor.u32 $0x4, v0;
	v10 =	vadd.s32 $0x904, v0;
	s0 =	ssub.s32 s6, s26;
	s1 =	sadd.s32 s1, s7  }
0xc: {  	_ =	strace $0x8000004A;
	v11 =	vor.u32 $0x5, v0;
	v12 =	vadd.s32 $0x905, v0;
	v13 =	vor.u32 $0x6, v0;
	s0 =	smax.u32 s0, $0x1;
	[dreg:$0x3] =	wrdreg s1  }
0xd: {  	s5 =	sshll.u32 s5, $0x9;
	v14 =	vadd.s32 $0x906, v0;
	v15 =	vor.u32 $0x7, v0;
	v16 =	vadd.s32 $0x907, v0;
	s26 =	simm.s32 $0x5;
	[dreg:$0x4] =	wrdreg s0  }
.LBB2_1:
0xe: {  	s0 =	rddreg [dreg:$0x3]  }
0xf: {  	[tilespmem:s2], [sflag:$0x9] =	stream.linear.gather [hbm4b:s0+s2], $0x6400, $0x38;
	[tilespmem:$0xEE00] =	vst v63  }
0x10: {  	_ =	swait.ge [sflag:s8], $0x6400  }
0x11: {  	[sflag:s8] =	ssyncset.done $0x0  }
0x12: {  	[sflag:s8] =	ssyncadd.s32 $0xFFFF9C00  }
0x13: {  	v17 =	vld [tilespmem:$0x0]  }
0x14: {  	v18 =	vld [tilespmem:$0x10]  }
0x15: {  	v19 =	vld [tilespmem:$0x20]  }
0x16: {  	v20 =	vld [tilespmem:$0x30]  }
0x17: {  	v21 =	vld [tilespmem:$0x40]  }
0x18: {  	[tilespmem:$0x6400] =	vst v17;
	v17 =	vld [tilespmem:$0x50]  }
0x19: {  	[tilespmem:$0x6410] =	vst v18;
	v18 =	vld [tilespmem:$0x60]  }
0x1a: {  	[tilespmem:$0x6420] =	vst v19;
	v19 =	vld [tilespmem:$0x70]  }
0x1b: {  	[tilespmem:$0x6430] =	vst v20  }
0x1c: {  	[tilespmem:$0x6440] =	vst v21  }
0x1d: {  	[tilespmem:$0x6450] =	vst v17  }
0x1e: {  	[tilespmem:$0x6460] =	vst v18  }
0x1f: {  	s11 =	simm.s32 $0x6400;
	s1 =	simm.s32 $0x6600;
	[tilespmem:$0x6470] =	vst v19  }
0x20: {  	[tilespmem:s1], [sflag:$0x1] =	stream.indirect.gather [hbm4b:s3+s9], $0x20, s11, s9, $0xb8;
	[tilespmem:$0xEE00] =	vst v63  }
0x21: {  	v17 =	vld [tilespmem:$0x80]  }
0x22: {  	v18 =	vld [tilespmem:$0x90]  }
0x23: {  	v19 =	vld [tilespmem:$0xA0]  }
0x24: {  	v58 =	vld [tilespmem:$0xB0]  }
0x25: {  	v59 =	vld [tilespmem:$0xC0]  }
0x26: {  	[tilespmem:$0x6480] =	vst v17;
	v17 =	vld [tilespmem:$0xD0]  }
0x27: {  	[tilespmem:$0x6490] =	vst v18;
	v18 =	vld [tilespmem:$0xE0]  }
0x28: {  	[tilespmem:$0x64A0] =	vst v19;
	v19 =	vld [tilespmem:$0xF0]  }
0x29: {  	[tilespmem:$0x64B0] =	vst v58  }
0x2a: {  	[tilespmem:$0x64C0] =	vst v59  }
0x2b: {  	[tilespmem:$0x64D0] =	vst v17  }
0x2c: {  	[tilespmem:$0x64E0] =	vst v18  }
0x2d: {  	s12 =	simm.s32 $0x6480;
	s13 =	simm.s32 $0x7600;
	[tilespmem:$0x64F0] =	vst v19  }
0x2e: {  	[tilespmem:s13], [sflag:$0x2] =	stream.indirect.gather [hbm4b:s3+s9], $0x20, s12, s9, $0xb8;
	[tilespmem:$0xEE00] =	vst v63  }
0x2f: {  	v17 =	vld [tilespmem:$0x100]  }
0x30: {  	v18 =	vld [tilespmem:$0x110]  }
0x31: {  	v19 =	vld [tilespmem:$0x120]  }
0x32: {  	v60 =	vld [tilespmem:$0x130]  }
0x33: {  	v61 =	vld [tilespmem:$0x140]  }
0x34: {  	[tilespmem:$0x6500] =	vst v17;
	v17 =	vld [tilespmem:$0x150]  }
0x35: {  	[tilespmem:$0x6510] =	vst v18;
	v18 =	vld [tilespmem:$0x160]  }
0x36: {  	[tilespmem:$0x6520] =	vst v19;
	v19 =	vld [tilespmem:$0x170]  }
0x37: {  	[tilespmem:$0x6530] =	vst v60  }
0x38: {  	[tilespmem:$0x6540] =	vst v61  }
0x39: {  	[tilespmem:$0x6550] =	vst v17  }
0x3a: {  	[tilespmem:$0x6560] =	vst v18  }
0x3b: {  	s14 =	simm.s32 $0x6500;
	s15 =	simm.s32 $0x8600;
	[tilespmem:$0x6570] =	vst v19  }
0x3c: {  	[tilespmem:s15], [sflag:$0x3] =	stream.indirect.gather [hbm4b:s3+s9], $0x20, s14, s9, $0xb8;
	[tilespmem:$0xEE00] =	vst v63  }
0x3d: {  	v17 =	vld [tilespmem:$0x180]  }
0x3e: {  	v18 =	vld [tilespmem:$0x190]  }
0x3f: {  	v19 =	vld [tilespmem:$0x1A0]  }
0x40: {  	v62 =	vld [tilespmem:$0x1B0]  }
0x41: {  	v63 =	vld [tilespmem:$0x1C0]  }
0x42: {  	[tilespmem:$0x6580] =	vst v17;
	v17 =	vld [tilespmem:$0x1D0]  }
0x43: {  	[tilespmem:$0x6590] =	vst v18;
	v18 =	vld [tilespmem:$0x1E0]  }
0x44: {  	[tilespmem:$0x65A0] =	vst v19;
	v19 =	vld [tilespmem:$0x1F0]  }
0x45: {  	[tilespmem:$0x65B0] =	vst v62  }
0x46: {  	[tilespmem:$0x65C0] =	vst v63  }
0x47: {  	s16 =	simm.s32 $0x6580;
	s17 =	simm.s32 $0x9600;
	s10 =	simm.s32 $0x4;
	[tilespmem:$0x65D0] =	vst v17  }
0x48: {  	s0 =	simm.s32 $0x0;
	s1 =	simm.s32 $0x2E;
	s11 =	simm.s32 $0x0;
	[tilespmem:$0x65E0] =	vst v18  }
0x49: {  	s13 =	simm.s32 $0x0;
	s12 =	simm.s32 $0x0;
	s14 =	simm.s32 $0xFFFFFFFF;
	[tilespmem:$0x65F0] =	vst v19  }
0x4a: {  	[tilespmem:s17], [sflag:$0x4] =	stream.indirect.gather [hbm4b:s3+s9], $0x20, s16, s9, $0xb8;
	[tilespmem:$0xEE00] =	vst v63  }
.LBB2_2:
0x4b: {  	_ =	swait.ge [sflag:s18], $0x1000;
	s6 =	simm.s32 $0x0  }
0x4c: {  	p0 =	slt.s32 s14, $0x0;
	[sflag:s18] =	ssyncset.done $0x0;
	v17 =	vmov s6  }
0x4d: {  	s6 =	simm.s32 @!p0 $0x5;
	[sflag:s18] =	ssyncadd.s32 $0xFFFFF000;
	v17 =	vshrl.u32 v17, $0x3  }
0x4e: {  	_ =	swait.ge @!p0 [sflag:s6], $0x1000;
	v17 =	vshll.u32 v17, v1  }
0x4f: {  	[sflag:s6] =	ssyncset.done @!p0 $0x0;
	v17 =	vbroadcast v17, $0x0  }
0x50: {  	s15 =	simm.s32 $0x6700;
	[sflag:s6] =	ssyncadd.s32 @!p0 $0xFFFFF000  }
0x51: {  	v18 =	vld [tilespmem:s15+$0xFFFFFF00];
	v19 =	vadd.s32 v0, v17  }
0x52: {  	s17 =	simm.s32 $0x1;
	v20 =	vld [tilespmem:s15+$0xFFFFFF10];
	v17 =	vadd.s32 v2, v17  }
0x53: {  	v21 =	vmov s17  }
0x54: {  	v21 =	vshrl.u32 v21, $0x3  }
0x55: {  	v21 =	vshll.u32 v21, v1  }
0x56: {  	[tilespmem:v19+s19+$0x0] =	vst.idx.msk $0xffff, v18;
	v18 =	vbroadcast v21, $0x0  }
0x57: {  	[tilespmem:v17+s19+$0x0] =	vst.idx.msk $0xffff, v20  }
0x58: {  	v17 =	vld [tilespmem:s15+$0xFFFFFF20];
	v19 =	vadd.s32 v3, v18  }
0x59: {  	s7 =	simm.s32 $0x2;
	v20 =	vld [tilespmem:s15+$0xFFFFFF30];
	v18 =	vadd.s32 v4, v18  }
0x5a: {  	v50 =	vmov s7  }
0x5b: {  	v21 =	vshrl.u32 v50, $0x3  }
0x5c: {  	v21 =	vshll.u32 v21, v1  }
0x5d: {  	[tilespmem:v19+s19+$0x0] =	vst.idx.msk $0xffff, v17;
	v17 =	vbroadcast v21, $0x0  }
0x5e: {  	[tilespmem:v18+s19+$0x0] =	vst.idx.msk $0xffff, v20  }
0x5f: {  	v18 =	vld [tilespmem:s15+$0xFFFFFF40];
	v19 =	vadd.s32 v5, v17  }
0x60: {  	s16 =	simm.s32 $0x3;
	v20 =	vld [tilespmem:s15+$0xFFFFFF50];
	v17 =	vadd.s32 v6, v17  }
0x61: {  	v51 =	vmov s16  }
0x62: {  	v21 =	vshrl.u32 v51, $0x3  }
0x63: {  	v21 =	vshll.u32 v21, v1  }
0x64: {  	[tilespmem:v19+s19+$0x0] =	vst.idx.msk $0xffff, v18;
	v18 =	vbroadcast v21, $0x0  }
0x65: {  	[tilespmem:v17+s19+$0x0] =	vst.idx.msk $0xffff, v20  }
0x66: {  	v17 =	vld [tilespmem:s15+$0xFFFFFF60];
	v19 =	vadd.s32 v7, v18  }
0x67: {  	s17 =	simm.s32 $0x4;
	v20 =	vld [tilespmem:s15+$0xFFFFFF70];
	v18 =	vadd.s32 v8, v18  }
0x68: {  	v52 =	vmov s17  }
0x69: {  	v21 =	vshrl.u32 v52, $0x3  }
0x6a: {  	v21 =	vshll.u32 v21, v1  }
0x6b: {  	[tilespmem:v19+s19+$0x0] =	vst.idx.msk $0xffff, v17;
	v17 =	vbroadcast v21, $0x0  }
0x6c: {  	[tilespmem:v18+s19+$0x0] =	vst.idx.msk $0xffff, v20  }
0x6d: {  	v18 =	vld [tilespmem:s15+$0xFFFFFF80];
	v19 =	vadd.s32 v9, v17  }
0x6e: {  	s7 =	simm.s32 $0x5;
	v20 =	vld [tilespmem:s15+$0xFFFFFF90];
	v17 =	vadd.s32 v10, v17  }
0x6f: {  	v53 =	vmov s7  }
0x70: {  	v21 =	vshrl.u32 v53, $0x3  }
0x71: {  	v21 =	vshll.u32 v21, v1  }
0x72: {  	[tilespmem:v19+s19+$0x0] =	vst.idx.msk $0xffff, v18;
	v18 =	vbroadcast v21, $0x0  }
0x73: {  	[tilespmem:v17+s19+$0x0] =	vst.idx.msk $0xffff, v20  }
0x74: {  	v17 =	vld [tilespmem:s15+$0xFFFFFFA0];
	v19 =	vadd.s32 v11, v18  }
0x75: {  	s16 =	simm.s32 $0x6;
	v20 =	vld [tilespmem:s15+$0xFFFFFFB0];
	v18 =	vadd.s32 v12, v18  }
0x76: {  	v54 =	vmov s16  }
0x77: {  	v21 =	vshrl.u32 v54, $0x3  }
0x78: {  	v21 =	vshll.u32 v21, v1  }
0x79: {  	[tilespmem:v19+s19+$0x0] =	vst.idx.msk $0xffff, v17;
	v17 =	vbroadcast v21, $0x0  }
0x7a: {  	[tilespmem:v18+s19+$0x0] =	vst.idx.msk $0xffff, v20  }
0x7b: {  	v18 =	vld [tilespmem:s15+$0xFFFFFFC0];
	v19 =	vadd.s32 v13, v17  }
0x7c: {  	s17 =	simm.s32 $0x7;
	v20 =	vld [tilespmem:s15+$0xFFFFFFD0];
	v17 =	vadd.s32 v14, v17  }
0x7d: {  	v55 =	vmov s17  }
0x7e: {  	v21 =	vshrl.u32 v55, $0x3  }
0x7f: {  	v21 =	vshll.u32 v21, v1  }
0x80: {  	[tilespmem:v19+s19+$0x0] =	vst.idx.msk $0xffff, v18;
	v18 =	vbroadcast v21, $0x0  }
0x81: {  	[tilespmem:v17+s19+$0x0] =	vst.idx.msk $0xffff, v20  }
0x82: {  	v17 =	vld [tilespmem:s15+$0xFFFFFFE0];
	v19 =	vadd.s32 v15, v18  }
0x83: {  	s7 =	simm.s32 $0x8;
	v20 =	vld [tilespmem:s15+$0xFFFFFFF0];
	v18 =	vadd.s32 v16, v18  }
0x84: {  	v56 =	vmov s7  }
0x85: {  	v21 =	vshrl.u32 v56, $0x3  }
0x86: {  	v21 =	vshll.u32 v21, v1  }
0x87: {  	[tilespmem:v19+s19+$0x0] =	vst.idx.msk $0xffff, v17;
	v17 =	vbroadcast v21, $0x0  }
0x88: {  	[tilespmem:v18+s19+$0x0] =	vst.idx.msk $0xffff, v20  }
0x89: {  	v18 =	vld [tilespmem:s15+$0x0];
	v19 =	vadd.s32 v0, v17  }
0x8a: {  	s16 =	simm.s32 $0x9;
	v20 =	vld [tilespmem:s15+$0x10];
	v17 =	vadd.s32 v2, v17  }
0x8b: {  	v57 =	vmov s16  }
0x8c: {  	v21 =	vshrl.u32 v57, $0x3  }
0x8d: {  	v21 =	vshll.u32 v21, v1  }
0x8e: {  	[tilespmem:v19+s19+$0x0] =	vst.idx.msk $0xffff, v18;
	v18 =	vbroadcast v21, $0x0  }
0x8f: {  	[tilespmem:v17+s19+$0x0] =	vst.idx.msk $0xffff, v20  }
0x90: {  	v17 =	vld [tilespmem:s15+$0x20];
	v19 =	vadd.s32 v3, v18  }
0x91: {  	s17 =	simm.s32 $0xA;
	v20 =	vld [tilespmem:s15+$0x30];
	v18 =	vadd.s32 v4, v18  }
0x92: {  	v58 =	vmov s17  }
0x93: {  	v21 =	vshrl.u32 v58, $0x3  }
0x94: {  	v21 =	vshll.u32 v21, v1  }
0x95: {  	[tilespmem:v19+s19+$0x0] =	vst.idx.msk $0xffff, v17;
	v17 =	vbroadcast v21, $0x0  }
0x96: {  	[tilespmem:v18+s19+$0x0] =	vst.idx.msk $0xffff, v20  }
0x97: {  	v18 =	vld [tilespmem:s15+$0x40];
	v19 =	vadd.s32 v5, v17  }
0x98: {  	s7 =	simm.s32 $0xB;
	v20 =	vld [tilespmem:s15+$0x50];
	v17 =	vadd.s32 v6, v17  }
0x99: {  	v59 =	vmov s7  }
0x9a: {  	v21 =	vshrl.u32 v59, $0x3  }
0x9b: {  	v21 =	vshll.u32 v21, v1  }
0x9c: {  	[tilespmem:v19+s19+$0x0] =	vst.idx.msk $0xffff, v18;
	v18 =	vbroadcast v21, $0x0  }
0x9d: {  	[tilespmem:v17+s19+$0x0] =	vst.idx.msk $0xffff, v20  }
0x9e: {  	v17 =	vld [tilespmem:s15+$0x60];
	v19 =	vadd.s32 v7, v18  }
0x9f: {  	s16 =	simm.s32 $0xC;
	v20 =	vld [tilespmem:s15+$0x70];
	v18 =	vadd.s32 v8, v18  }
0xa0: {  	v60 =	vmov s16  }
0xa1: {  	v21 =	vshrl.u32 v60, $0x3  }
0xa2: {  	v21 =	vshll.u32 v21, v1  }
0xa3: {  	[tilespmem:v19+s19+$0x0] =	vst.idx.msk $0xffff, v17;
	v17 =	vbroadcast v21, $0x0  }
0xa4: {  	[tilespmem:v18+s19+$0x0] =	vst.idx.msk $0xffff, v20  }
0xa5: {  	v18 =	vld [tilespmem:s15+$0x80];
	v19 =	vadd.s32 v9, v17  }
0xa6: {  	s17 =	simm.s32 $0xD;
	v20 =	vld [tilespmem:s15+$0x90];
	v17 =	vadd.s32 v10, v17  }
0xa7: {  	v61 =	vmov s17  }
0xa8: {  	v21 =	vshrl.u32 v61, $0x3  }
0xa9: {  	v21 =	vshll.u32 v21, v1  }
0xaa: {  	[tilespmem:v19+s19+$0x0] =	vst.idx.msk $0xffff, v18;
	v18 =	vbroadcast v21, $0x0  }
0xab: {  	[tilespmem:v17+s19+$0x0] =	vst.idx.msk $0xffff, v20  }
0xac: {  	v17 =	vld [tilespmem:s15+$0xA0];
	v19 =	vadd.s32 v11, v18  }
0xad: {  	s7 =	simm.s32 $0xE;
	v20 =	vld [tilespmem:s15+$0xB0];
	v18 =	vadd.s32 v12, v18  }
0xae: {  	v62 =	vmov s7  }
0xaf: {  	v21 =	vshrl.u32 v62, $0x3  }
0xb0: {  	v21 =	vshll.u32 v21, v1  }
0xb1: {  	[tilespmem:v19+s19+$0x0] =	vst.idx.msk $0xffff, v17;
	v17 =	vbroadcast v21, $0x0  }
0xb2: {  	[tilespmem:v18+s19+$0x0] =	vst.idx.msk $0xffff, v20  }
0xb3: {  	v18 =	vld [tilespmem:s15+$0xC0];
	v19 =	vadd.s32 v13, v17  }
0xb4: {  	s16 =	simm.s32 $0xF;
	v20 =	vld [tilespmem:s15+$0xD0];
	v17 =	vadd.s32 v14, v17  }
0xb5: {  	v63 =	vmov s16  }
0xb6: {  	v21 =	vshrl.u32 v63, $0x3  }
0xb7: {  	v21 =	vshll.u32 v21, v1  }
0xb8: {  	[tilespmem:v19+s19+$0x0] =	vst.idx.msk $0xffff, v18;
	v18 =	vbroadcast v21, $0x0  }
0xb9: {  	s17 =	simm.s32 $0x10;
	[tilespmem:v17+s19+$0x0] =	vst.idx.msk $0xffff, v20  }
0xba: {  	v17 =	vmov s17;
	v20 =	vld [tilespmem:s15+$0xE0];
	v21 =	vadd.s32 v15, v18  }
0xbb: {  	v19 =	vshrl.u32 v17, $0x3  }
0xbc: {  	v17 =	vld [tilespmem:s15+$0xF0];
	v22 =	vshll.u32 v19, v1;
	v19 =	vadd.s32 v16, v18;
	_ =	sdelay $0x2  }
0xbd: {  	s16 =	simm.s32 $0x1F;
	s17 =	simm.s32 $0x2F;
	v18 =	vbroadcast v22, $0x0;
	[tilespmem:v21+s19+$0x0] =	vst.idx.msk $0xffff, v20  }
.LBB2_3:
0xbe: {  	p0 =	sne.s32 s17, $0x7F  }
0xbf: {  	[tilespmem:v19+s19+$0x0] =	vst.idx.msk $0xffff, v17;
	s15 =	sadd.s32 $0x200, s15;
	s6 =	smov.u32 s17;
	s17 =	sadd.s32 $0x10, s17  }
0xc0: {  	v17 =	vld [tilespmem:s15+$0xFFFFFF00];
	v19 =	vadd.s32 v0, v18  }
0xc1: {  	s7 =	sadd.s32 $0xFFFFFFF2, s16;
	v18 =	vadd.s32 v2, v18;
	v20 =	vld [tilespmem:s15+$0xFFFFFF10]  }
0xc2: {  	v21 =	vmov s7  }
0xc3: {  	v21 =	vshrl.u32 v21, $0x3  }
0xc4: {  	v21 =	vshll.u32 v21, v1  }
0xc5: {  	[tilespmem:v19+s19+$0x0] =	vst.idx.msk $0xffff, v17;
	v17 =	vbroadcast v21, $0x0  }
0xc6: {  	[tilespmem:v18+s19+$0x0] =	vst.idx.msk $0xffff, v20  }
0xc7: {  	v18 =	vld [tilespmem:s15+$0xFFFFFF20];
	v19 =	vadd.s32 v3, v17  }
0xc8: {  	s7 =	sadd.s32 $0xFFFFFFF3, s16;
	v17 =	vadd.s32 v4, v17;
	v20 =	vld [tilespmem:s15+$0xFFFFFF30]  }
0xc9: {  	v21 =	vmov s7  }
0xca: {  	v21 =	vshrl.u32 v21, $0x3  }
0xcb: {  	v21 =	vshll.u32 v21, v1  }
0xcc: {  	[tilespmem:v19+s19+$0x0] =	vst.idx.msk $0xffff, v18;
	v18 =	vbroadcast v21, $0x0  }
0xcd: {  	[tilespmem:v17+s19+$0x0] =	vst.idx.msk $0xffff, v20  }
0xce: {  	v17 =	vld [tilespmem:s15+$0xFFFFFF40];
	v19 =	vadd.s32 v5, v18  }
0xcf: {  	s7 =	sadd.s32 $0xFFFFFFF4, s16;
	v18 =	vadd.s32 v6, v18;
	v20 =	vld [tilespmem:s15+$0xFFFFFF50]  }
0xd0: {  	v21 =	vmov s7  }
0xd1: {  	v21 =	vshrl.u32 v21, $0x3  }
0xd2: {  	v21 =	vshll.u32 v21, v1  }
0xd3: {  	[tilespmem:v19+s19+$0x0] =	vst.idx.msk $0xffff, v17;
	v17 =	vbroadcast v21, $0x0  }
0xd4: {  	[tilespmem:v18+s19+$0x0] =	vst.idx.msk $0xffff, v20  }
0xd5: {  	v18 =	vld [tilespmem:s15+$0xFFFFFF60];
	v19 =	vadd.s32 v7, v17  }
0xd6: {  	s7 =	sadd.s32 $0xFFFFFFF5, s16;
	v17 =	vadd.s32 v8, v17;
	v20 =	vld [tilespmem:s15+$0xFFFFFF70]  }
0xd7: {  	v21 =	vmov s7  }
0xd8: {  	v21 =	vshrl.u32 v21, $0x3  }
0xd9: {  	v21 =	vshll.u32 v21, v1  }
0xda: {  	[tilespmem:v19+s19+$0x0] =	vst.idx.msk $0xffff, v18;
	v18 =	vbroadcast v21, $0x0  }
0xdb: {  	[tilespmem:v17+s19+$0x0] =	vst.idx.msk $0xffff, v20  }
0xdc: {  	v17 =	vld [tilespmem:s15+$0xFFFFFF80];
	v19 =	vadd.s32 v9, v18  }
0xdd: {  	s7 =	sadd.s32 $0xFFFFFFF6, s16;
	v18 =	vadd.s32 v10, v18;
	v20 =	vld [tilespmem:s15+$0xFFFFFF90]  }
0xde: {  	v21 =	vmov s7  }
0xdf: {  	v21 =	vshrl.u32 v21, $0x3  }
0xe0: {  	v21 =	vshll.u32 v21, v1  }
0xe1: {  	[tilespmem:v19+s19+$0x0] =	vst.idx.msk $0xffff, v17;
	v17 =	vbroadcast v21, $0x0  }
0xe2: {  	[tilespmem:v18+s19+$0x0] =	vst.idx.msk $0xffff, v20  }
0xe3: {  	v18 =	vld [tilespmem:s15+$0xFFFFFFA0];
	v19 =	vadd.s32 v11, v17  }
0xe4: {  	s7 =	sadd.s32 $0xFFFFFFF7, s16;
	v17 =	vadd.s32 v12, v17;
	v20 =	vld [tilespmem:s15+$0xFFFFFFB0]  }
0xe5: {  	v21 =	vmov s7  }
0xe6: {  	v21 =	vshrl.u32 v21, $0x3  }
0xe7: {  	v21 =	vshll.u32 v21, v1  }
0xe8: {  	[tilespmem:v19+s19+$0x0] =	vst.idx.msk $0xffff, v18;
	v18 =	vbroadcast v21, $0x0  }
0xe9: {  	[tilespmem:v17+s19+$0x0] =	vst.idx.msk $0xffff, v20  }
0xea: {  	v17 =	vld [tilespmem:s15+$0xFFFFFFC0];
	v19 =	vadd.s32 v13, v18  }
0xeb: {  	s7 =	sadd.s32 $0xFFFFFFF8, s16;
	v18 =	vadd.s32 v14, v18;
	v20 =	vld [tilespmem:s15+$0xFFFFFFD0]  }
0xec: {  	v21 =	vmov s7  }
0xed: {  	v21 =	vshrl.u32 v21, $0x3  }
0xee: {  	v21 =	vshll.u32 v21, v1  }
0xef: {  	[tilespmem:v19+s19+$0x0] =	vst.idx.msk $0xffff, v17;
	v17 =	vbroadcast v21, $0x0  }
0xf0: {  	[tilespmem:v18+s19+$0x0] =	vst.idx.msk $0xffff, v20  }
0xf1: {  	v18 =	vld [tilespmem:s15+$0xFFFFFFE0];
	v19 =	vadd.s32 v15, v17  }
0xf2: {  	s7 =	sadd.s32 $0xFFFFFFF9, s16;
	v17 =	vadd.s32 v16, v17;
	v20 =	vld [tilespmem:s15+$0xFFFFFFF0]  }
0xf3: {  	v21 =	vmov s7  }
0xf4: {  	v21 =	vshrl.u32 v21, $0x3  }
0xf5: {  	v21 =	vshll.u32 v21, v1  }
0xf6: {  	[tilespmem:v19+s19+$0x0] =	vst.idx.msk $0xffff, v18;
	v18 =	vbroadcast v21, $0x0  }
0xf7: {  	[tilespmem:v17+s19+$0x0] =	vst.idx.msk $0xffff, v20  }
0xf8: {  	v17 =	vld [tilespmem:s15+$0x0];
	v19 =	vadd.s32 v0, v18  }
0xf9: {  	s7 =	sadd.s32 $0xFFFFFFFA, s16;
	v18 =	vadd.s32 v2, v18;
	v20 =	vld [tilespmem:s15+$0x10]  }
0xfa: {  	v21 =	vmov s7  }
0xfb: {  	v21 =	vshrl.u32 v21, $0x3  }
0xfc: {  	v21 =	vshll.u32 v21, v1  }
0xfd: {  	[tilespmem:v19+s19+$0x0] =	vst.idx.msk $0xffff, v17;
	v17 =	vbroadcast v21, $0x0  }
0xfe: {  	[tilespmem:v18+s19+$0x0] =	vst.idx.msk $0xffff, v20  }
0xff: {  	v18 =	vld [tilespmem:s15+$0x20];
	v19 =	vadd.s32 v3, v17  }
0x100: {  	s7 =	sadd.s32 $0xFFFFFFFB, s16;
	v17 =	vadd.s32 v4, v17;
	v20 =	vld [tilespmem:s15+$0x30]  }
0x101: {  	v21 =	vmov s7  }
0x102: {  	v21 =	vshrl.u32 v21, $0x3  }
0x103: {  	v21 =	vshll.u32 v21, v1  }
0x104: {  	[tilespmem:v19+s19+$0x0] =	vst.idx.msk $0xffff, v18;
	v18 =	vbroadcast v21, $0x0  }
0x105: {  	[tilespmem:v17+s19+$0x0] =	vst.idx.msk $0xffff, v20  }
0x106: {  	v17 =	vld [tilespmem:s15+$0x40];
	v19 =	vadd.s32 v5, v18  }
0x107: {  	s7 =	sadd.s32 $0xFFFFFFFC, s16;
	v18 =	vadd.s32 v6, v18;
	v20 =	vld [tilespmem:s15+$0x50]  }
0x108: {  	v21 =	vmov s7  }
0x109: {  	v21 =	vshrl.u32 v21, $0x3  }
0x10a: {  	v21 =	vshll.u32 v21, v1  }
0x10b: {  	[tilespmem:v19+s19+$0x0] =	vst.idx.msk $0xffff, v17;
	v17 =	vbroadcast v21, $0x0  }
0x10c: {  	[tilespmem:v18+s19+$0x0] =	vst.idx.msk $0xffff, v20  }
0x10d: {  	v18 =	vld [tilespmem:s15+$0x60];
	v19 =	vadd.s32 v7, v17  }
0x10e: {  	s7 =	sadd.s32 $0xFFFFFFFD, s16;
	v17 =	vadd.s32 v8, v17;
	v20 =	vld [tilespmem:s15+$0x70]  }
0x10f: {  	v21 =	vmov s7  }
0x110: {  	v21 =	vshrl.u32 v21, $0x3  }
0x111: {  	v21 =	vshll.u32 v21, v1  }
0x112: {  	[tilespmem:v19+s19+$0x0] =	vst.idx.msk $0xffff, v18;
	v18 =	vbroadcast v21, $0x0  }
0x113: {  	[tilespmem:v17+s19+$0x0] =	vst.idx.msk $0xffff, v20  }
0x114: {  	v17 =	vld [tilespmem:s15+$0x80];
	v19 =	vadd.s32 v9, v18  }
0x115: {  	s7 =	sadd.s32 $0xFFFFFFFE, s16;
	v18 =	vadd.s32 v10, v18;
	v20 =	vld [tilespmem:s15+$0x90]  }
0x116: {  	v21 =	vmov s7  }
0x117: {  	v21 =	vshrl.u32 v21, $0x3  }
0x118: {  	v21 =	vshll.u32 v21, v1  }
0x119: {  	[tilespmem:v19+s19+$0x0] =	vst.idx.msk $0xffff, v17;
	v17 =	vbroadcast v21, $0x0  }
0x11a: {  	[tilespmem:v18+s19+$0x0] =	vst.idx.msk $0xffff, v20  }
0x11b: {  	v18 =	vld [tilespmem:s15+$0xA0];
	v19 =	vadd.s32 v11, v17  }
0x11c: {  	s7 =	sadd.s32 $0xFFFFFFFF, s16;
	v17 =	vadd.s32 v12, v17;
	v20 =	vld [tilespmem:s15+$0xB0]  }
0x11d: {  	v21 =	vmov s7  }
0x11e: {  	v21 =	vshrl.u32 v21, $0x3  }
0x11f: {  	v21 =	vshll.u32 v21, v1  }
0x120: {  	[tilespmem:v19+s19+$0x0] =	vst.idx.msk $0xffff, v18;
	v18 =	vbroadcast v21, $0x0  }
0x121: {  	[tilespmem:v17+s19+$0x0] =	vst.idx.msk $0xffff, v20  }
0x122: {  	v17 =	vld [tilespmem:s15+$0xC0];
	v19 =	vadd.s32 v13, v18  }
0x123: {  	v18 =	vadd.s32 v14, v18;
	v20 =	vld [tilespmem:s15+$0xD0]  }
0x124: {  	v21 =	vmov s16;
	s16 =	smov.u32 s6  }
0x125: {  	v21 =	vshrl.u32 v21, $0x3  }
0x126: {  	v21 =	vshll.u32 v21, v1  }
0x127: {  	[tilespmem:v19+s19+$0x0] =	vst.idx.msk $0xffff, v17;
	v19 =	vbroadcast v21, $0x0  }
0x128: {  	[tilespmem:v18+s19+$0x0] =	vst.idx.msk $0xffff, v20  }
0x129: {  	v20 =	vld [tilespmem:s15+$0xE0];
	v21 =	vadd.s32 v15, v19  }
.Ltmp0:
0x12a: {  	s6 =	sadd.s32 $0xFFFFFFF1, s16;
	v19 =	vadd.s32 v16, v19;
	v17 =	vld [tilespmem:s15+$0xF0];
	(pc) =	sbr.rel @p0 .LBB2_3-.Ltmp0, $4  }
0x12b: {  	v18 =	vmov s6  }
0x12c: {  	v18 =	vshrl.u32 v18, $0x3  }
0x12d: {  	v18 =	vshll.u32 v18, v1  }
0x12e: {  	v18 =	vbroadcast v18, $0x0;
	[tilespmem:v21+s19+$0x0] =	vst.idx.msk $0xffff, v20  }
0x12f: {  	_ =	sdelay $0x3  }
0x130: {  	[tilespmem:v19+s19+$0x0] =	vst.idx.msk $0xffff, v17;
	s6 =	sadd.s32 $0x200, s15  }
0x131: {  	v17 =	vld [tilespmem:s6+$0xFFFFFF00];
	v19 =	vadd.s32 v0, v18  }
0x132: {  	s7 =	sadd.s32 $0xFFFFFFF2, s16;
	v20 =	vld [tilespmem:s6+$0xFFFFFF10];
	v18 =	vadd.s32 v2, v18  }
0x133: {  	v21 =	vmov s7  }
0x134: {  	v21 =	vshrl.u32 v21, $0x3  }
0x135: {  	v21 =	vshll.u32 v21, v1  }
0x136: {  	[tilespmem:v19+s19+$0x0] =	vst.idx.msk $0xffff, v17;
	v17 =	vbroadcast v21, $0x0  }
0x137: {  	[tilespmem:v18+s19+$0x0] =	vst.idx.msk $0xffff, v20  }
0x138: {  	v18 =	vld [tilespmem:s6+$0xFFFFFF20];
	v19 =	vadd.s32 v3, v17  }
0x139: {  	s17 =	sadd.s32 $0xFFFFFFF3, s16;
	v20 =	vld [tilespmem:s6+$0xFFFFFF30];
	v17 =	vadd.s32 v4, v17  }
0x13a: {  	v50 =	vmov s17  }
0x13b: {  	v21 =	vshrl.u32 v50, $0x3  }
0x13c: {  	v21 =	vshll.u32 v21, v1  }
0x13d: {  	[tilespmem:v19+s19+$0x0] =	vst.idx.msk $0xffff, v18;
	v18 =	vbroadcast v21, $0x0  }
0x13e: {  	[tilespmem:v17+s19+$0x0] =	vst.idx.msk $0xffff, v20  }
0x13f: {  	v17 =	vld [tilespmem:s6+$0xFFFFFF40];
	v19 =	vadd.s32 v5, v18  }
0x140: {  	s15 =	sadd.s32 $0xFFFFFFF4, s16;
	v20 =	vld [tilespmem:s6+$0xFFFFFF50];
	v18 =	vadd.s32 v6, v18  }
0x141: {  	v51 =	vmov s15  }
0x142: {  	v21 =	vshrl.u32 v51, $0x3  }
0x143: {  	v21 =	vshll.u32 v21, v1  }
0x144: {  	[tilespmem:v19+s19+$0x0] =	vst.idx.msk $0xffff, v17;
	v17 =	vbroadcast v21, $0x0  }
0x145: {  	[tilespmem:v18+s19+$0x0] =	vst.idx.msk $0xffff, v20  }
0x146: {  	v18 =	vld [tilespmem:s6+$0xFFFFFF60];
	v19 =	vadd.s32 v7, v17  }
0x147: {  	s17 =	sadd.s32 $0xFFFFFFF5, s16;
	v20 =	vld [tilespmem:s6+$0xFFFFFF70];
	v17 =	vadd.s32 v8, v17  }
0x148: {  	v52 =	vmov s17  }
0x149: {  	v21 =	vshrl.u32 v52, $0x3  }
0x14a: {  	v21 =	vshll.u32 v21, v1  }
0x14b: {  	[tilespmem:v19+s19+$0x0] =	vst.idx.msk $0xffff, v18;
	v18 =	vbroadcast v21, $0x0  }
0x14c: {  	[tilespmem:v17+s19+$0x0] =	vst.idx.msk $0xffff, v20  }
0x14d: {  	v17 =	vld [tilespmem:s6+$0xFFFFFF80];
	v19 =	vadd.s32 v9, v18  }
0x14e: {  	s15 =	sadd.s32 $0xFFFFFFF6, s16;
	v20 =	vld [tilespmem:s6+$0xFFFFFF90];
	v18 =	vadd.s32 v10, v18  }
0x14f: {  	v53 =	vmov s15  }
0x150: {  	v21 =	vshrl.u32 v53, $0x3  }
0x151: {  	v21 =	vshll.u32 v21, v1  }
0x152: {  	[tilespmem:v19+s19+$0x0] =	vst.idx.msk $0xffff, v17;
	v17 =	vbroadcast v21, $0x0  }
0x153: {  	[tilespmem:v18+s19+$0x0] =	vst.idx.msk $0xffff, v20  }
0x154: {  	v18 =	vld [tilespmem:s6+$0xFFFFFFA0];
	v19 =	vadd.s32 v11, v17  }
0x155: {  	s17 =	sadd.s32 $0xFFFFFFF7, s16;
	v20 =	vld [tilespmem:s6+$0xFFFFFFB0];
	v17 =	vadd.s32 v12, v17  }
0x156: {  	v54 =	vmov s17  }
0x157: {  	v21 =	vshrl.u32 v54, $0x3  }
0x158: {  	v21 =	vshll.u32 v21, v1  }
0x159: {  	[tilespmem:v19+s19+$0x0] =	vst.idx.msk $0xffff, v18;
	v18 =	vbroadcast v21, $0x0  }
0x15a: {  	[tilespmem:v17+s19+$0x0] =	vst.idx.msk $0xffff, v20  }
0x15b: {  	v17 =	vld [tilespmem:s6+$0xFFFFFFC0];
	v19 =	vadd.s32 v13, v18  }
0x15c: {  	s15 =	sadd.s32 $0xFFFFFFF8, s16;
	v20 =	vld [tilespmem:s6+$0xFFFFFFD0];
	v18 =	vadd.s32 v14, v18  }
0x15d: {  	v55 =	vmov s15  }
0x15e: {  	v21 =	vshrl.u32 v55, $0x3  }
0x15f: {  	v21 =	vshll.u32 v21, v1  }
0x160: {  	[tilespmem:v19+s19+$0x0] =	vst.idx.msk $0xffff, v17;
	v17 =	vbroadcast v21, $0x0  }
0x161: {  	[tilespmem:v18+s19+$0x0] =	vst.idx.msk $0xffff, v20  }
0x162: {  	v18 =	vld [tilespmem:s6+$0xFFFFFFE0];
	v19 =	vadd.s32 v15, v17  }
0x163: {  	s17 =	sadd.s32 $0xFFFFFFF9, s16;
	v20 =	vld [tilespmem:s6+$0xFFFFFFF0];
	v17 =	vadd.s32 v16, v17  }
0x164: {  	v56 =	vmov s17  }
0x165: {  	v21 =	vshrl.u32 v56, $0x3  }
0x166: {  	v21 =	vshll.u32 v21, v1  }
0x167: {  	[tilespmem:v19+s19+$0x0] =	vst.idx.msk $0xffff, v18;
	v18 =	vbroadcast v21, $0x0  }
0x168: {  	[tilespmem:v17+s19+$0x0] =	vst.idx.msk $0xffff, v20  }
0x169: {  	v17 =	vld [tilespmem:s6+$0x0];
	v19 =	vadd.s32 v0, v18  }
0x16a: {  	s15 =	sadd.s32 $0xFFFFFFFA, s16;
	v20 =	vld [tilespmem:s6+$0x10];
	v18 =	vadd.s32 v2, v18  }
0x16b: {  	v57 =	vmov s15  }
0x16c: {  	v21 =	vshrl.u32 v57, $0x3  }
0x16d: {  	v21 =	vshll.u32 v21, v1  }
0x16e: {  	[tilespmem:v19+s19+$0x0] =	vst.idx.msk $0xffff, v17;
	v17 =	vbroadcast v21, $0x0  }
0x16f: {  	[tilespmem:v18+s19+$0x0] =	vst.idx.msk $0xffff, v20  }
0x170: {  	v18 =	vld [tilespmem:s6+$0x20];
	v19 =	vadd.s32 v3, v17  }
0x171: {  	s17 =	sadd.s32 $0xFFFFFFFB, s16;
	v20 =	vld [tilespmem:s6+$0x30];
	v17 =	vadd.s32 v4, v17  }
0x172: {  	v58 =	vmov s17  }
0x173: {  	v21 =	vshrl.u32 v58, $0x3  }
0x174: {  	v21 =	vshll.u32 v21, v1  }
0x175: {  	[tilespmem:v19+s19+$0x0] =	vst.idx.msk $0xffff, v18;
	v18 =	vbroadcast v21, $0x0  }
0x176: {  	[tilespmem:v17+s19+$0x0] =	vst.idx.msk $0xffff, v20  }
0x177: {  	v17 =	vld [tilespmem:s6+$0x40];
	v19 =	vadd.s32 v5, v18  }
0x178: {  	s15 =	sadd.s32 $0xFFFFFFFC, s16;
	v20 =	vld [tilespmem:s6+$0x50];
	v18 =	vadd.s32 v6, v18  }
0x179: {  	v59 =	vmov s15  }
0x17a: {  	v21 =	vshrl.u32 v59, $0x3  }
0x17b: {  	v21 =	vshll.u32 v21, v1  }
0x17c: {  	[tilespmem:v19+s19+$0x0] =	vst.idx.msk $0xffff, v17;
	v17 =	vbroadcast v21, $0x0  }
0x17d: {  	[tilespmem:v18+s19+$0x0] =	vst.idx.msk $0xffff, v20  }
0x17e: {  	v18 =	vld [tilespmem:s6+$0x60];
	v19 =	vadd.s32 v7, v17  }
0x17f: {  	s17 =	sadd.s32 $0xFFFFFFFD, s16;
	v20 =	vld [tilespmem:s6+$0x70];
	v17 =	vadd.s32 v8, v17  }
0x180: {  	v60 =	vmov s17  }
0x181: {  	v21 =	vshrl.u32 v60, $0x3  }
0x182: {  	v21 =	vshll.u32 v21, v1  }
0x183: {  	[tilespmem:v19+s19+$0x0] =	vst.idx.msk $0xffff, v18;
	v18 =	vbroadcast v21, $0x0  }
0x184: {  	[tilespmem:v17+s19+$0x0] =	vst.idx.msk $0xffff, v20  }
0x185: {  	v17 =	vld [tilespmem:s6+$0x80];
	v19 =	vadd.s32 v9, v18  }
0x186: {  	s15 =	sadd.s32 $0xFFFFFFFE, s16;
	v20 =	vld [tilespmem:s6+$0x90];
	v18 =	vadd.s32 v10, v18  }
0x187: {  	v61 =	vmov s15  }
0x188: {  	v21 =	vshrl.u32 v61, $0x3  }
0x189: {  	v21 =	vshll.u32 v21, v1  }
0x18a: {  	[tilespmem:v19+s19+$0x0] =	vst.idx.msk $0xffff, v17;
	v17 =	vbroadcast v21, $0x0  }
0x18b: {  	[tilespmem:v18+s19+$0x0] =	vst.idx.msk $0xffff, v20  }
0x18c: {  	v18 =	vld [tilespmem:s6+$0xA0];
	v19 =	vadd.s32 v11, v17  }
0x18d: {  	s17 =	sadd.s32 $0xFFFFFFFF, s16;
	v20 =	vld [tilespmem:s6+$0xB0];
	v17 =	vadd.s32 v12, v17  }
0x18e: {  	v62 =	vmov s17  }
0x18f: {  	v21 =	vshrl.u32 v62, $0x3  }
0x190: {  	v21 =	vshll.u32 v21, v1  }
0x191: {  	[tilespmem:v19+s19+$0x0] =	vst.idx.msk $0xffff, v18;
	v18 =	vbroadcast v21, $0x0  }
0x192: {  	[tilespmem:v17+s19+$0x0] =	vst.idx.msk $0xffff, v20  }
0x193: {  	v17 =	vld [tilespmem:s6+$0xC0];
	v19 =	vadd.s32 v13, v18  }
0x194: {  	v20 =	vld [tilespmem:s6+$0xD0];
	v18 =	vadd.s32 v14, v18  }
0x195: {  	v63 =	vmov s16  }
0x196: {  	v21 =	vshrl.u32 v63, $0x3  }
0x197: {  	v21 =	vshll.u32 v21, v1  }
0x198: {  	[tilespmem:v19+s19+$0x0] =	vst.idx.msk $0xffff, v17;
	v17 =	vbroadcast v21, $0x0  }
0x199: {  	[tilespmem:v18+s19+$0x0] =	vst.idx.msk $0xffff, v20  }
0x19a: {  	v18 =	vld [tilespmem:s6+$0xE0];
	v19 =	vadd.s32 v15, v17  }
0x19b: {  	v20 =	vld [tilespmem:s6+$0xF0];
	v17 =	vadd.s32 v16, v17  }
0x19c: {  	s15 =	sshll.u32 s12, $0x13  }
0x19d: {  	s16 =	sshll.u32 s13, $0x7;
	s6 =	sor.u32 s5, s15  }
0x19e: {  	s6 =	sadd.s32 s16, s6  }
0x19f: {  	s6 =	sshrl.u32 s6, $0x3;
	[tilespmem:v19+s19+$0x0] =	vst.idx.msk $0xffff, v18  }
0x1a0: {  	s17 =	simm.s32 $0xA600;
	s15 =	simm.s32 $0x240;
	s6 =	sadd.s32 s4, s6;
	[tilespmem:v17+s19+$0x0] =	vst.idx.msk $0xffff, v20  }
0x1a1: {  	[hbm4b:s6+s2] =	stream.linear.scatter [tilespmem:s17], [sflag:$0x5], $0x80, $0x38;
	[tilespmem:$0xEE00] =	vst v63  }
.LBB2_5:
0x1a2: {  	p0 =	sne.s32 s15, $0x45C0  }
.Ltmp1:
0x1a3: {  	_ = 	snop;
	(pc) =	sbr.rel @p0 .LBB2_5-.Ltmp1, $4  }
0x1a4: {  	_ = 	snop  }
0x1a5: {  	s7 =	sshra.s32 s15, $0x2;
	s15 =	sadd.s32 $0x240, s15  }
0x1a6: {  	s6 =	sadd.s32 $0x800, s6;
	s7 =	sadd.s32 $0xA600, s7  }
0x1a7: {  	[hbm4b:s6+s2] =	stream.linear.scatter [tilespmem:s7], [sflag:$0x5], $0x80, $0x38;
	[tilespmem:$0xEE00] =	vst v63  }
0x1a8: {  	p0 =	sgt.s32 s11, $0x3  }
0x1a9: {  	s6 =	smul.u32 @!p0 $0x32, s11;
	_ =	sdelay $0x1  }
0x1aa: {  	s6 =	sadd.s32 @!p0 s10, s6  }
0x1ab: {  	s6 =	sshll.u32 @!p0 s6, $0x9  }
0x1ac: {  	s6 =	sshra.s32 @!p0 s6, $0x2  }
0x1ad: {  	v17 =	vld @!p0 [tilespmem:s6+$0x0];
	_ =	sdelay $0x4  }
0x1ae: {  	[tilespmem:$0x6400] =	vst @!p0 v17  }
0x1af: {  	v17 =	vld @!p0 [tilespmem:s6+$0x10];
	_ =	sdelay $0x4  }
0x1b0: {  	[tilespmem:$0x6410] =	vst @!p0 v17  }
0x1b1: {  	v17 =	vld @!p0 [tilespmem:s6+$0x20];
	_ =	sdelay $0x4  }
0x1b2: {  	[tilespmem:$0x6420] =	vst @!p0 v17  }
0x1b3: {  	v17 =	vld @!p0 [tilespmem:s6+$0x30];
	_ =	sdelay $0x4  }
0x1b4: {  	[tilespmem:$0x6430] =	vst @!p0 v17  }
0x1b5: {  	v17 =	vld @!p0 [tilespmem:s6+$0x40];
	_ =	sdelay $0x4  }
0x1b6: {  	[tilespmem:$0x6440] =	vst @!p0 v17  }
0x1b7: {  	v17 =	vld @!p0 [tilespmem:s6+$0x50];
	_ =	sdelay $0x4  }
0x1b8: {  	[tilespmem:$0x6450] =	vst @!p0 v17  }
0x1b9: {  	v17 =	vld @!p0 [tilespmem:s6+$0x60];
	_ =	sdelay $0x4  }
0x1ba: {  	[tilespmem:$0x6460] =	vst @!p0 v17  }
0x1bb: {  	v17 =	vld @!p0 [tilespmem:s6+$0x70];
	_ =	sdelay $0x4  }
0x1bc: {  	s7 =	simm.s32 @!p0 $0x6400;
	s15 =	simm.s32 @!p0 $0x6600;
	s6 =	simm.s32 @!p0 $0x80;
	[tilespmem:$0x6470] =	vst @!p0 v17  }
0x1bd: {  	[tilespmem:s15], [sflag:$0x1] =	stream.indirect.gather @!p0 [hbm4b:s3+s6], $0x20, s7, s6, $0xb8;
	[tilespmem:$0xEE00] =	vst v63  }
0x1be: {  	p0 =	seq.s32 s1, $0x31;
	s6 =	simm.s32 $0x1  }
0x1bf: {  	s6 =	simm.s32 @!p0 $0x0  }
0x1c0: {  	s17 =	simm.s32 $0x0;
	_ =	swait.ge [sflag:s20], $0x1000;
	s15 =	sadd.s32 s6, s14  }
0x1c1: {  	v17 =	vmov s17;
	[sflag:s20] =	ssyncset.done $0x0;
	p1 =	slt.s32 s15, $0x0  }
0x1c2: {  	v17 =	vshrl.u32 v17, $0x3;
	[sflag:s20] =	ssyncadd.s32 $0xFFFFF000;
	s6 =	simm.s32 @!p1 $0x6  }
0x1c3: {  	v17 =	vshll.u32 v17, v1;
	_ =	swait.ge @!p1 [sflag:s6], $0x1000  }
0x1c4: {  	v17 =	vbroadcast v17, $0x0;
	[sflag:s6] =	ssyncset.done @!p1 $0x0  }
0x1c5: {  	s16 =	simm.s32 $0x77F0;
	[sflag:s6] =	ssyncadd.s32 @!p1 $0xFFFFF000  }
0x1c6: {  	v19 =	vadd.s32 v0, v17;
	v18 =	vld [tilespmem:s16+$0xFFFFFE10]  }
0x1c7: {  	s7 =	simm.s32 $0x1;
	v17 =	vadd.s32 v2, v17;
	v20 =	vld [tilespmem:s16+$0xFFFFFE20]  }
0x1c8: {  	v21 =	vmov s7  }
0x1c9: {  	v21 =	vshrl.u32 v21, $0x3  }
0x1ca: {  	v21 =	vshll.u32 v21, v1  }
0x1cb: {  	[tilespmem:v19+s21+$0x0] =	vst.idx.msk $0xffff, v18;
	v18 =	vbroadcast v21, $0x0  }
0x1cc: {  	[tilespmem:v17+s21+$0x0] =	vst.idx.msk $0xffff, v20  }
0x1cd: {  	v17 =	vld [tilespmem:s16+$0xFFFFFE30];
	v19 =	vadd.s32 v3, v18  }
0x1ce: {  	s14 =	simm.s32 $0x2;
	v20 =	vld [tilespmem:s16+$0xFFFFFE40];
	v18 =	vadd.s32 v4, v18  }
0x1cf: {  	v50 =	vmov s14  }
0x1d0: {  	v21 =	vshrl.u32 v50, $0x3  }
0x1d1: {  	v21 =	vshll.u32 v21, v1  }
0x1d2: {  	[tilespmem:v19+s21+$0x0] =	vst.idx.msk $0xffff, v17;
	v17 =	vbroadcast v21, $0x0  }
0x1d3: {  	[tilespmem:v18+s21+$0x0] =	vst.idx.msk $0xffff, v20  }
0x1d4: {  	v18 =	vld [tilespmem:s16+$0xFFFFFE50];
	v19 =	vadd.s32 v5, v17  }
0x1d5: {  	s17 =	simm.s32 $0x3;
	v20 =	vld [tilespmem:s16+$0xFFFFFE60];
	v17 =	vadd.s32 v6, v17  }
0x1d6: {  	v51 =	vmov s17  }
0x1d7: {  	v21 =	vshrl.u32 v51, $0x3  }
0x1d8: {  	v21 =	vshll.u32 v21, v1  }
0x1d9: {  	[tilespmem:v19+s21+$0x0] =	vst.idx.msk $0xffff, v18;
	v18 =	vbroadcast v21, $0x0  }
0x1da: {  	[tilespmem:v17+s21+$0x0] =	vst.idx.msk $0xffff, v20  }
0x1db: {  	v17 =	vld [tilespmem:s16+$0xFFFFFE70];
	v19 =	vadd.s32 v7, v18  }
0x1dc: {  	s7 =	simm.s32 $0x4;
	v20 =	vld [tilespmem:s16+$0xFFFFFE80];
	v18 =	vadd.s32 v8, v18  }
0x1dd: {  	v52 =	vmov s7  }
0x1de: {  	v21 =	vshrl.u32 v52, $0x3  }
0x1df: {  	v21 =	vshll.u32 v21, v1  }
0x1e0: {  	[tilespmem:v19+s21+$0x0] =	vst.idx.msk $0xffff, v17;
	v17 =	vbroadcast v21, $0x0  }
0x1e1: {  	[tilespmem:v18+s21+$0x0] =	vst.idx.msk $0xffff, v20  }
0x1e2: {  	v18 =	vld [tilespmem:s16+$0xFFFFFE90];
	v19 =	vadd.s32 v9, v17  }
0x1e3: {  	s14 =	simm.s32 $0x5;
	v20 =	vld [tilespmem:s16+$0xFFFFFEA0];
	v17 =	vadd.s32 v10, v17  }
0x1e4: {  	v53 =	vmov s14  }
0x1e5: {  	v21 =	vshrl.u32 v53, $0x3  }
0x1e6: {  	v21 =	vshll.u32 v21, v1  }
0x1e7: {  	[tilespmem:v19+s21+$0x0] =	vst.idx.msk $0xffff, v18;
	v18 =	vbroadcast v21, $0x0  }
0x1e8: {  	[tilespmem:v17+s21+$0x0] =	vst.idx.msk $0xffff, v20  }
0x1e9: {  	v17 =	vld [tilespmem:s16+$0xFFFFFEB0];
	v19 =	vadd.s32 v11, v18  }
0x1ea: {  	s17 =	simm.s32 $0x6;
	v20 =	vld [tilespmem:s16+$0xFFFFFEC0];
	v18 =	vadd.s32 v12, v18  }
0x1eb: {  	v54 =	vmov s17  }
0x1ec: {  	v21 =	vshrl.u32 v54, $0x3  }
0x1ed: {  	v21 =	vshll.u32 v21, v1  }
0x1ee: {  	[tilespmem:v19+s21+$0x0] =	vst.idx.msk $0xffff, v17;
	v17 =	vbroadcast v21, $0x0  }
0x1ef: {  	[tilespmem:v18+s21+$0x0] =	vst.idx.msk $0xffff, v20  }
0x1f0: {  	v18 =	vld [tilespmem:s16+$0xFFFFFED0];
	v19 =	vadd.s32 v13, v17  }
0x1f1: {  	s7 =	simm.s32 $0x7;
	v20 =	vld [tilespmem:s16+$0xFFFFFEE0];
	v17 =	vadd.s32 v14, v17  }
0x1f2: {  	v55 =	vmov s7  }
0x1f3: {  	v21 =	vshrl.u32 v55, $0x3  }
0x1f4: {  	v21 =	vshll.u32 v21, v1  }
0x1f5: {  	[tilespmem:v19+s21+$0x0] =	vst.idx.msk $0xffff, v18;
	v18 =	vbroadcast v21, $0x0  }
0x1f6: {  	[tilespmem:v17+s21+$0x0] =	vst.idx.msk $0xffff, v20  }
0x1f7: {  	v17 =	vld [tilespmem:s16+$0xFFFFFEF0];
	v19 =	vadd.s32 v15, v18  }
0x1f8: {  	s14 =	simm.s32 $0x8;
	v20 =	vld [tilespmem:s16+$0xFFFFFF00];
	v18 =	vadd.s32 v16, v18  }
0x1f9: {  	v56 =	vmov s14  }
0x1fa: {  	v21 =	vshrl.u32 v56, $0x3  }
0x1fb: {  	v21 =	vshll.u32 v21, v1  }
0x1fc: {  	[tilespmem:v19+s21+$0x0] =	vst.idx.msk $0xffff, v17;
	v17 =	vbroadcast v21, $0x0  }
0x1fd: {  	[tilespmem:v18+s21+$0x0] =	vst.idx.msk $0xffff, v20  }
0x1fe: {  	v18 =	vld [tilespmem:s16+$0xFFFFFF10];
	v19 =	vadd.s32 v0, v17  }
0x1ff: {  	s17 =	simm.s32 $0x9;
	v20 =	vld [tilespmem:s16+$0xFFFFFF20];
	v17 =	vadd.s32 v2, v17  }
0x200: {  	v57 =	vmov s17  }
0x201: {  	v21 =	vshrl.u32 v57, $0x3  }
0x202: {  	v21 =	vshll.u32 v21, v1  }
0x203: {  	[tilespmem:v19+s21+$0x0] =	vst.idx.msk $0xffff, v18;
	v18 =	vbroadcast v21, $0x0  }
0x204: {  	[tilespmem:v17+s21+$0x0] =	vst.idx.msk $0xffff, v20  }
0x205: {  	v17 =	vld [tilespmem:s16+$0xFFFFFF30];
	v19 =	vadd.s32 v3, v18  }
0x206: {  	s7 =	simm.s32 $0xA;
	v20 =	vld [tilespmem:s16+$0xFFFFFF40];
	v18 =	vadd.s32 v4, v18  }
0x207: {  	v58 =	vmov s7  }
0x208: {  	v21 =	vshrl.u32 v58, $0x3  }
0x209: {  	v21 =	vshll.u32 v21, v1  }
0x20a: {  	[tilespmem:v19+s21+$0x0] =	vst.idx.msk $0xffff, v17;
	v17 =	vbroadcast v21, $0x0  }
0x20b: {  	[tilespmem:v18+s21+$0x0] =	vst.idx.msk $0xffff, v20  }
0x20c: {  	v18 =	vld [tilespmem:s16+$0xFFFFFF50];
	v19 =	vadd.s32 v5, v17  }
0x20d: {  	s14 =	simm.s32 $0xB;
	v20 =	vld [tilespmem:s16+$0xFFFFFF60];
	v17 =	vadd.s32 v6, v17  }
0x20e: {  	v59 =	vmov s14  }
0x20f: {  	v21 =	vshrl.u32 v59, $0x3  }
0x210: {  	v21 =	vshll.u32 v21, v1  }
0x211: {  	[tilespmem:v19+s21+$0x0] =	vst.idx.msk $0xffff, v18;
	v18 =	vbroadcast v21, $0x0  }
0x212: {  	[tilespmem:v17+s21+$0x0] =	vst.idx.msk $0xffff, v20  }
0x213: {  	v17 =	vld [tilespmem:s16+$0xFFFFFF70];
	v19 =	vadd.s32 v7, v18  }
0x214: {  	s17 =	simm.s32 $0xC;
	v20 =	vld [tilespmem:s16+$0xFFFFFF80];
	v18 =	vadd.s32 v8, v18  }
0x215: {  	v60 =	vmov s17  }
0x216: {  	v21 =	vshrl.u32 v60, $0x3  }
0x217: {  	v21 =	vshll.u32 v21, v1  }
0x218: {  	[tilespmem:v19+s21+$0x0] =	vst.idx.msk $0xffff, v17;
	v17 =	vbroadcast v21, $0x0  }
0x219: {  	[tilespmem:v18+s21+$0x0] =	vst.idx.msk $0xffff, v20  }
0x21a: {  	v18 =	vld [tilespmem:s16+$0xFFFFFF90];
	v19 =	vadd.s32 v9, v17  }
0x21b: {  	s7 =	simm.s32 $0xD;
	v20 =	vld [tilespmem:s16+$0xFFFFFFA0];
	v17 =	vadd.s32 v10, v17  }
0x21c: {  	v61 =	vmov s7  }
0x21d: {  	v21 =	vshrl.u32 v61, $0x3  }
0x21e: {  	v21 =	vshll.u32 v21, v1  }
0x21f: {  	[tilespmem:v19+s21+$0x0] =	vst.idx.msk $0xffff, v18;
	v18 =	vbroadcast v21, $0x0  }
0x220: {  	[tilespmem:v17+s21+$0x0] =	vst.idx.msk $0xffff, v20  }
0x221: {  	v17 =	vld [tilespmem:s16+$0xFFFFFFB0];
	v19 =	vadd.s32 v11, v18  }
0x222: {  	s14 =	simm.s32 $0xE;
	v20 =	vld [tilespmem:s16+$0xFFFFFFC0];
	v18 =	vadd.s32 v12, v18  }
0x223: {  	v62 =	vmov s14  }
0x224: {  	v21 =	vshrl.u32 v62, $0x3  }
0x225: {  	v21 =	vshll.u32 v21, v1  }
0x226: {  	[tilespmem:v19+s21+$0x0] =	vst.idx.msk $0xffff, v17;
	v17 =	vbroadcast v21, $0x0  }
0x227: {  	[tilespmem:v18+s21+$0x0] =	vst.idx.msk $0xffff, v20  }
0x228: {  	v18 =	vld [tilespmem:s16+$0xFFFFFFD0];
	v19 =	vadd.s32 v13, v17  }
0x229: {  	s17 =	simm.s32 $0xF;
	v20 =	vld [tilespmem:s16+$0xFFFFFFE0];
	v17 =	vadd.s32 v14, v17  }
0x22a: {  	v63 =	vmov s17  }
0x22b: {  	v21 =	vshrl.u32 v63, $0x3  }
0x22c: {  	v21 =	vshll.u32 v21, v1  }
0x22d: {  	[tilespmem:v19+s21+$0x0] =	vst.idx.msk $0xffff, v18;
	v18 =	vbroadcast v21, $0x0  }
0x22e: {  	s7 =	simm.s32 $0x10;
	[tilespmem:v17+s21+$0x0] =	vst.idx.msk $0xffff, v20  }
0x22f: {  	s1 =	sadd.s32 $0x1, s1;
	v17 =	vmov s7;
	v20 =	vld [tilespmem:s16+$0xFFFFFFF0];
	v21 =	vadd.s32 v15, v18  }
0x230: {  	s1 =	simm.s32 @p0 $0x0;
	s17 =	simm.s32 $0x1;
	p1 =	seq.s32 s12, $0x31;
	v19 =	vshrl.u32 v17, $0x3  }
0x231: {  	s12 =	sadd.s32 $0x1, s12;
	s6 =	simm.s32 $0x1;
	s14 =	sadd.s32 $0x1, s10;
	v17 =	vld [tilespmem:s16+$0x0];
	v22 =	vshll.u32 v19, v1;
	v19 =	vadd.s32 v16, v18  }
0x232: {  	s12 =	simm.s32 @p1 $0x0;
	s6 =	simm.s32 @!p1 $0x0;
	p1 =	seq.s32 s10, $0x31  }
0x233: {  	s14 =	simm.s32 @p1 $0x0;
	s17 =	simm.s32 @!p1 $0x0;
	s10 =	sadd.s32 s6, s13  }
0x234: {  	s13 =	simm.s32 $0x1F;
	s11 =	sadd.s32 s17, s11;
	s17 =	simm.s32 $0x2F;
	v18 =	vbroadcast v22, $0x0;
	[tilespmem:v21+s21+$0x0] =	vst.idx.msk $0xffff, v20  }
.LBB2_7:
0x235: {  	p0 =	sne.s32 s17, $0x7F  }
0x236: {  	[tilespmem:v19+s21+$0x0] =	vst.idx.msk $0xffff, v17;
	s16 =	sadd.s32 $0x200, s16;
	s6 =	smov.u32 s17;
	s17 =	sadd.s32 $0x10, s17  }
0x237: {  	v17 =	vld [tilespmem:s16+$0xFFFFFE10];
	v19 =	vadd.s32 v0, v18  }
0x238: {  	s7 =	sadd.s32 $0xFFFFFFF2, s13;
	v18 =	vadd.s32 v2, v18;
	v20 =	vld [tilespmem:s16+$0xFFFFFE20]  }
0x239: {  	v21 =	vmov s7  }
0x23a: {  	v21 =	vshrl.u32 v21, $0x3  }
0x23b: {  	v21 =	vshll.u32 v21, v1  }
0x23c: {  	[tilespmem:v19+s21+$0x0] =	vst.idx.msk $0xffff, v17;
	v17 =	vbroadcast v21, $0x0  }
0x23d: {  	[tilespmem:v18+s21+$0x0] =	vst.idx.msk $0xffff, v20  }
0x23e: {  	v18 =	vld [tilespmem:s16+$0xFFFFFE30];
	v19 =	vadd.s32 v3, v17  }
0x23f: {  	s7 =	sadd.s32 $0xFFFFFFF3, s13;
	v17 =	vadd.s32 v4, v17;
	v20 =	vld [tilespmem:s16+$0xFFFFFE40]  }
0x240: {  	v21 =	vmov s7  }
0x241: {  	v21 =	vshrl.u32 v21, $0x3  }
0x242: {  	v21 =	vshll.u32 v21, v1  }
0x243: {  	[tilespmem:v19+s21+$0x0] =	vst.idx.msk $0xffff, v18;
	v18 =	vbroadcast v21, $0x0  }
0x244: {  	[tilespmem:v17+s21+$0x0] =	vst.idx.msk $0xffff, v20  }
0x245: {  	v17 =	vld [tilespmem:s16+$0xFFFFFE50];
	v19 =	vadd.s32 v5, v18  }
0x246: {  	s7 =	sadd.s32 $0xFFFFFFF4, s13;
	v18 =	vadd.s32 v6, v18;
	v20 =	vld [tilespmem:s16+$0xFFFFFE60]  }
0x247: {  	v21 =	vmov s7  }
0x248: {  	v21 =	vshrl.u32 v21, $0x3  }
0x249: {  	v21 =	vshll.u32 v21, v1  }
0x24a: {  	[tilespmem:v19+s21+$0x0] =	vst.idx.msk $0xffff, v17;
	v17 =	vbroadcast v21, $0x0  }
0x24b: {  	[tilespmem:v18+s21+$0x0] =	vst.idx.msk $0xffff, v20  }
0x24c: {  	v18 =	vld [tilespmem:s16+$0xFFFFFE70];
	v19 =	vadd.s32 v7, v17  }
0x24d: {  	s7 =	sadd.s32 $0xFFFFFFF5, s13;
	v17 =	vadd.s32 v8, v17;
	v20 =	vld [tilespmem:s16+$0xFFFFFE80]  }
0x24e: {  	v21 =	vmov s7  }
0x24f: {  	v21 =	vshrl.u32 v21, $0x3  }
0x250: {  	v21 =	vshll.u32 v21, v1  }
0x251: {  	[tilespmem:v19+s21+$0x0] =	vst.idx.msk $0xffff, v18;
	v18 =	vbroadcast v21, $0x0  }
0x252: {  	[tilespmem:v17+s21+$0x0] =	vst.idx.msk $0xffff, v20  }
0x253: {  	v17 =	vld [tilespmem:s16+$0xFFFFFE90];
	v19 =	vadd.s32 v9, v18  }
0x254: {  	s7 =	sadd.s32 $0xFFFFFFF6, s13;
	v18 =	vadd.s32 v10, v18;
	v20 =	vld [tilespmem:s16+$0xFFFFFEA0]  }
0x255: {  	v21 =	vmov s7  }
0x256: {  	v21 =	vshrl.u32 v21, $0x3  }
0x257: {  	v21 =	vshll.u32 v21, v1  }
0x258: {  	[tilespmem:v19+s21+$0x0] =	vst.idx.msk $0xffff, v17;
	v17 =	vbroadcast v21, $0x0  }
0x259: {  	[tilespmem:v18+s21+$0x0] =	vst.idx.msk $0xffff, v20  }
0x25a: {  	v18 =	vld [tilespmem:s16+$0xFFFFFEB0];
	v19 =	vadd.s32 v11, v17  }
0x25b: {  	s7 =	sadd.s32 $0xFFFFFFF7, s13;
	v17 =	vadd.s32 v12, v17;
	v20 =	vld [tilespmem:s16+$0xFFFFFEC0]  }
0x25c: {  	v21 =	vmov s7  }
0x25d: {  	v21 =	vshrl.u32 v21, $0x3  }
0x25e: {  	v21 =	vshll.u32 v21, v1  }
0x25f: {  	[tilespmem:v19+s21+$0x0] =	vst.idx.msk $0xffff, v18;
	v18 =	vbroadcast v21, $0x0  }
0x260: {  	[tilespmem:v17+s21+$0x0] =	vst.idx.msk $0xffff, v20  }
0x261: {  	v17 =	vld [tilespmem:s16+$0xFFFFFED0];
	v19 =	vadd.s32 v13, v18  }
0x262: {  	s7 =	sadd.s32 $0xFFFFFFF8, s13;
	v18 =	vadd.s32 v14, v18;
	v20 =	vld [tilespmem:s16+$0xFFFFFEE0]  }
0x263: {  	v21 =	vmov s7  }
0x264: {  	v21 =	vshrl.u32 v21, $0x3  }
0x265: {  	v21 =	vshll.u32 v21, v1  }
0x266: {  	[tilespmem:v19+s21+$0x0] =	vst.idx.msk $0xffff, v17;
	v17 =	vbroadcast v21, $0x0  }
0x267: {  	[tilespmem:v18+s21+$0x0] =	vst.idx.msk $0xffff, v20  }
0x268: {  	v18 =	vld [tilespmem:s16+$0xFFFFFEF0];
	v19 =	vadd.s32 v15, v17  }
0x269: {  	s7 =	sadd.s32 $0xFFFFFFF9, s13;
	v17 =	vadd.s32 v16, v17;
	v20 =	vld [tilespmem:s16+$0xFFFFFF00]  }
0x26a: {  	v21 =	vmov s7  }
0x26b: {  	v21 =	vshrl.u32 v21, $0x3  }
0x26c: {  	v21 =	vshll.u32 v21, v1  }
0x26d: {  	[tilespmem:v19+s21+$0x0] =	vst.idx.msk $0xffff, v18;
	v18 =	vbroadcast v21, $0x0  }
0x26e: {  	[tilespmem:v17+s21+$0x0] =	vst.idx.msk $0xffff, v20  }
0x26f: {  	v17 =	vld [tilespmem:s16+$0xFFFFFF10];
	v19 =	vadd.s32 v0, v18  }
0x270: {  	s7 =	sadd.s32 $0xFFFFFFFA, s13;
	v18 =	vadd.s32 v2, v18;
	v20 =	vld [tilespmem:s16+$0xFFFFFF20]  }
0x271: {  	v21 =	vmov s7  }
0x272: {  	v21 =	vshrl.u32 v21, $0x3  }
0x273: {  	v21 =	vshll.u32 v21, v1  }
0x274: {  	[tilespmem:v19+s21+$0x0] =	vst.idx.msk $0xffff, v17;
	v17 =	vbroadcast v21, $0x0  }
0x275: {  	[tilespmem:v18+s21+$0x0] =	vst.idx.msk $0xffff, v20  }
0x276: {  	v18 =	vld [tilespmem:s16+$0xFFFFFF30];
	v19 =	vadd.s32 v3, v17  }
0x277: {  	s7 =	sadd.s32 $0xFFFFFFFB, s13;
	v17 =	vadd.s32 v4, v17;
	v20 =	vld [tilespmem:s16+$0xFFFFFF40]  }
0x278: {  	v21 =	vmov s7  }
0x279: {  	v21 =	vshrl.u32 v21, $0x3  }
0x27a: {  	v21 =	vshll.u32 v21, v1  }
0x27b: {  	[tilespmem:v19+s21+$0x0] =	vst.idx.msk $0xffff, v18;
	v18 =	vbroadcast v21, $0x0  }
0x27c: {  	[tilespmem:v17+s21+$0x0] =	vst.idx.msk $0xffff, v20  }
0x27d: {  	v17 =	vld [tilespmem:s16+$0xFFFFFF50];
	v19 =	vadd.s32 v5, v18  }
0x27e: {  	s7 =	sadd.s32 $0xFFFFFFFC, s13;
	v18 =	vadd.s32 v6, v18;
	v20 =	vld [tilespmem:s16+$0xFFFFFF60]  }
0x27f: {  	v21 =	vmov s7  }
0x280: {  	v21 =	vshrl.u32 v21, $0x3  }
0x281: {  	v21 =	vshll.u32 v21, v1  }
0x282: {  	[tilespmem:v19+s21+$0x0] =	vst.idx.msk $0xffff, v17;
	v17 =	vbroadcast v21, $0x0  }
0x283: {  	[tilespmem:v18+s21+$0x0] =	vst.idx.msk $0xffff, v20  }
0x284: {  	v18 =	vld [tilespmem:s16+$0xFFFFFF70];
	v19 =	vadd.s32 v7, v17  }
0x285: {  	s7 =	sadd.s32 $0xFFFFFFFD, s13;
	v17 =	vadd.s32 v8, v17;
	v20 =	vld [tilespmem:s16+$0xFFFFFF80]  }
0x286: {  	v21 =	vmov s7  }
0x287: {  	v21 =	vshrl.u32 v21, $0x3  }
0x288: {  	v21 =	vshll.u32 v21, v1  }
0x289: {  	[tilespmem:v19+s21+$0x0] =	vst.idx.msk $0xffff, v18;
	v18 =	vbroadcast v21, $0x0  }
0x28a: {  	[tilespmem:v17+s21+$0x0] =	vst.idx.msk $0xffff, v20  }
0x28b: {  	v17 =	vld [tilespmem:s16+$0xFFFFFF90];
	v19 =	vadd.s32 v9, v18  }
0x28c: {  	s7 =	sadd.s32 $0xFFFFFFFE, s13;
	v18 =	vadd.s32 v10, v18;
	v20 =	vld [tilespmem:s16+$0xFFFFFFA0]  }
0x28d: {  	v21 =	vmov s7  }
0x28e: {  	v21 =	vshrl.u32 v21, $0x3  }
0x28f: {  	v21 =	vshll.u32 v21, v1  }
0x290: {  	[tilespmem:v19+s21+$0x0] =	vst.idx.msk $0xffff, v17;
	v17 =	vbroadcast v21, $0x0  }
0x291: {  	[tilespmem:v18+s21+$0x0] =	vst.idx.msk $0xffff, v20  }
0x292: {  	v18 =	vld [tilespmem:s16+$0xFFFFFFB0];
	v19 =	vadd.s32 v11, v17  }
0x293: {  	s7 =	sadd.s32 $0xFFFFFFFF, s13;
	v17 =	vadd.s32 v12, v17;
	v20 =	vld [tilespmem:s16+$0xFFFFFFC0]  }
0x294: {  	v21 =	vmov s7  }
0x295: {  	v21 =	vshrl.u32 v21, $0x3  }
0x296: {  	v21 =	vshll.u32 v21, v1  }
0x297: {  	[tilespmem:v19+s21+$0x0] =	vst.idx.msk $0xffff, v18;
	v18 =	vbroadcast v21, $0x0  }
0x298: {  	[tilespmem:v17+s21+$0x0] =	vst.idx.msk $0xffff, v20  }
0x299: {  	v17 =	vld [tilespmem:s16+$0xFFFFFFD0];
	v19 =	vadd.s32 v13, v18  }
0x29a: {  	v18 =	vadd.s32 v14, v18;
	v20 =	vld [tilespmem:s16+$0xFFFFFFE0]  }
0x29b: {  	v21 =	vmov s13;
	s13 =	smov.u32 s6  }
0x29c: {  	v21 =	vshrl.u32 v21, $0x3  }
0x29d: {  	v21 =	vshll.u32 v21, v1  }
0x29e: {  	[tilespmem:v19+s21+$0x0] =	vst.idx.msk $0xffff, v17;
	v19 =	vbroadcast v21, $0x0  }
0x29f: {  	[tilespmem:v18+s21+$0x0] =	vst.idx.msk $0xffff, v20  }
0x2a0: {  	v20 =	vld [tilespmem:s16+$0xFFFFFFF0];
	v21 =	vadd.s32 v15, v19  }
.Ltmp2:
0x2a1: {  	s6 =	sadd.s32 $0xFFFFFFF1, s13;
	v19 =	vadd.s32 v16, v19;
	v17 =	vld [tilespmem:s16+$0x0];
	(pc) =	sbr.rel @p0 .LBB2_7-.Ltmp2, $4  }
0x2a2: {  	v18 =	vmov s6  }
0x2a3: {  	v18 =	vshrl.u32 v18, $0x3  }
0x2a4: {  	v18 =	vshll.u32 v18, v1  }
0x2a5: {  	v18 =	vbroadcast v18, $0x0;
	[tilespmem:v21+s21+$0x0] =	vst.idx.msk $0xffff, v20  }
0x2a6: {  	_ =	sdelay $0x3  }
0x2a7: {  	[tilespmem:v19+s21+$0x0] =	vst.idx.msk $0xffff, v17;
	s6 =	sadd.s32 $0x200, s16  }
0x2a8: {  	v17 =	vld [tilespmem:s6+$0xFFFFFE10];
	v19 =	vadd.s32 v0, v18  }
0x2a9: {  	s7 =	sadd.s32 $0xFFFFFFF2, s13;
	v20 =	vld [tilespmem:s6+$0xFFFFFE20];
	v18 =	vadd.s32 v2, v18  }
0x2aa: {  	v21 =	vmov s7  }
0x2ab: {  	v21 =	vshrl.u32 v21, $0x3  }
0x2ac: {  	v21 =	vshll.u32 v21, v1  }
0x2ad: {  	[tilespmem:v19+s21+$0x0] =	vst.idx.msk $0xffff, v17;
	v17 =	vbroadcast v21, $0x0  }
0x2ae: {  	[tilespmem:v18+s21+$0x0] =	vst.idx.msk $0xffff, v20  }
0x2af: {  	v18 =	vld [tilespmem:s6+$0xFFFFFE30];
	v19 =	vadd.s32 v3, v17  }
0x2b0: {  	s17 =	sadd.s32 $0xFFFFFFF3, s13;
	v20 =	vld [tilespmem:s6+$0xFFFFFE40];
	v17 =	vadd.s32 v4, v17  }
0x2b1: {  	v50 =	vmov s17  }
0x2b2: {  	v21 =	vshrl.u32 v50, $0x3  }
0x2b3: {  	v21 =	vshll.u32 v21, v1  }
0x2b4: {  	[tilespmem:v19+s21+$0x0] =	vst.idx.msk $0xffff, v18;
	v18 =	vbroadcast v21, $0x0  }
0x2b5: {  	[tilespmem:v17+s21+$0x0] =	vst.idx.msk $0xffff, v20  }
0x2b6: {  	v17 =	vld [tilespmem:s6+$0xFFFFFE50];
	v19 =	vadd.s32 v5, v18  }
0x2b7: {  	s16 =	sadd.s32 $0xFFFFFFF4, s13;
	v20 =	vld [tilespmem:s6+$0xFFFFFE60];
	v18 =	vadd.s32 v6, v18  }
0x2b8: {  	v51 =	vmov s16  }
0x2b9: {  	v21 =	vshrl.u32 v51, $0x3  }
0x2ba: {  	v21 =	vshll.u32 v21, v1  }
0x2bb: {  	[tilespmem:v19+s21+$0x0] =	vst.idx.msk $0xffff, v17;
	v17 =	vbroadcast v21, $0x0  }
0x2bc: {  	[tilespmem:v18+s21+$0x0] =	vst.idx.msk $0xffff, v20  }
0x2bd: {  	v18 =	vld [tilespmem:s6+$0xFFFFFE70];
	v19 =	vadd.s32 v7, v17  }
0x2be: {  	s17 =	sadd.s32 $0xFFFFFFF5, s13;
	v20 =	vld [tilespmem:s6+$0xFFFFFE80];
	v17 =	vadd.s32 v8, v17  }
0x2bf: {  	v52 =	vmov s17  }
0x2c0: {  	v21 =	vshrl.u32 v52, $0x3  }
0x2c1: {  	v21 =	vshll.u32 v21, v1  }
0x2c2: {  	[tilespmem:v19+s21+$0x0] =	vst.idx.msk $0xffff, v18;
	v18 =	vbroadcast v21, $0x0  }
0x2c3: {  	[tilespmem:v17+s21+$0x0] =	vst.idx.msk $0xffff, v20  }
0x2c4: {  	v17 =	vld [tilespmem:s6+$0xFFFFFE90];
	v19 =	vadd.s32 v9, v18  }
0x2c5: {  	s16 =	sadd.s32 $0xFFFFFFF6, s13;
	v20 =	vld [tilespmem:s6+$0xFFFFFEA0];
	v18 =	vadd.s32 v10, v18  }
0x2c6: {  	v53 =	vmov s16  }
0x2c7: {  	v21 =	vshrl.u32 v53, $0x3  }
0x2c8: {  	v21 =	vshll.u32 v21, v1  }
0x2c9: {  	[tilespmem:v19+s21+$0x0] =	vst.idx.msk $0xffff, v17;
	v17 =	vbroadcast v21, $0x0  }
0x2ca: {  	[tilespmem:v18+s21+$0x0] =	vst.idx.msk $0xffff, v20  }
0x2cb: {  	v18 =	vld [tilespmem:s6+$0xFFFFFEB0];
	v19 =	vadd.s32 v11, v17  }
0x2cc: {  	s17 =	sadd.s32 $0xFFFFFFF7, s13;
	v20 =	vld [tilespmem:s6+$0xFFFFFEC0];
	v17 =	vadd.s32 v12, v17  }
0x2cd: {  	v54 =	vmov s17  }
0x2ce: {  	v21 =	vshrl.u32 v54, $0x3  }
0x2cf: {  	v21 =	vshll.u32 v21, v1  }
0x2d0: {  	[tilespmem:v19+s21+$0x0] =	vst.idx.msk $0xffff, v18;
	v18 =	vbroadcast v21, $0x0  }
0x2d1: {  	[tilespmem:v17+s21+$0x0] =	vst.idx.msk $0xffff, v20  }
0x2d2: {  	v17 =	vld [tilespmem:s6+$0xFFFFFED0];
	v19 =	vadd.s32 v13, v18  }
0x2d3: {  	s16 =	sadd.s32 $0xFFFFFFF8, s13;
	v20 =	vld [tilespmem:s6+$0xFFFFFEE0];
	v18 =	vadd.s32 v14, v18  }
0x2d4: {  	v55 =	vmov s16  }
0x2d5: {  	v21 =	vshrl.u32 v55, $0x3  }
0x2d6: {  	v21 =	vshll.u32 v21, v1  }
0x2d7: {  	[tilespmem:v19+s21+$0x0] =	vst.idx.msk $0xffff, v17;
	v17 =	vbroadcast v21, $0x0  }
0x2d8: {  	[tilespmem:v18+s21+$0x0] =	vst.idx.msk $0xffff, v20  }
0x2d9: {  	v18 =	vld [tilespmem:s6+$0xFFFFFEF0];
	v19 =	vadd.s32 v15, v17  }
0x2da: {  	s17 =	sadd.s32 $0xFFFFFFF9, s13;
	v20 =	vld [tilespmem:s6+$0xFFFFFF00];
	v17 =	vadd.s32 v16, v17  }
0x2db: {  	v56 =	vmov s17  }
0x2dc: {  	v21 =	vshrl.u32 v56, $0x3  }
0x2dd: {  	v21 =	vshll.u32 v21, v1  }
0x2de: {  	[tilespmem:v19+s21+$0x0] =	vst.idx.msk $0xffff, v18;
	v18 =	vbroadcast v21, $0x0  }
0x2df: {  	[tilespmem:v17+s21+$0x0] =	vst.idx.msk $0xffff, v20  }
0x2e0: {  	v17 =	vld [tilespmem:s6+$0xFFFFFF10];
	v19 =	vadd.s32 v0, v18  }
0x2e1: {  	s16 =	sadd.s32 $0xFFFFFFFA, s13;
	v20 =	vld [tilespmem:s6+$0xFFFFFF20];
	v18 =	vadd.s32 v2, v18  }
0x2e2: {  	v57 =	vmov s16  }
0x2e3: {  	v21 =	vshrl.u32 v57, $0x3  }
0x2e4: {  	v21 =	vshll.u32 v21, v1  }
0x2e5: {  	[tilespmem:v19+s21+$0x0] =	vst.idx.msk $0xffff, v17;
	v17 =	vbroadcast v21, $0x0  }
0x2e6: {  	[tilespmem:v18+s21+$0x0] =	vst.idx.msk $0xffff, v20  }
0x2e7: {  	v18 =	vld [tilespmem:s6+$0xFFFFFF30];
	v19 =	vadd.s32 v3, v17  }
0x2e8: {  	s17 =	sadd.s32 $0xFFFFFFFB, s13;
	v20 =	vld [tilespmem:s6+$0xFFFFFF40];
	v17 =	vadd.s32 v4, v17  }
0x2e9: {  	v58 =	vmov s17  }
0x2ea: {  	v21 =	vshrl.u32 v58, $0x3  }
0x2eb: {  	v21 =	vshll.u32 v21, v1  }
0x2ec: {  	[tilespmem:v19+s21+$0x0] =	vst.idx.msk $0xffff, v18;
	v18 =	vbroadcast v21, $0x0  }
0x2ed: {  	[tilespmem:v17+s21+$0x0] =	vst.idx.msk $0xffff, v20  }
0x2ee: {  	v17 =	vld [tilespmem:s6+$0xFFFFFF50];
	v19 =	vadd.s32 v5, v18  }
0x2ef: {  	s16 =	sadd.s32 $0xFFFFFFFC, s13;
	v20 =	vld [tilespmem:s6+$0xFFFFFF60];
	v18 =	vadd.s32 v6, v18  }
0x2f0: {  	v59 =	vmov s16  }
0x2f1: {  	v21 =	vshrl.u32 v59, $0x3  }
0x2f2: {  	v21 =	vshll.u32 v21, v1  }
0x2f3: {  	[tilespmem:v19+s21+$0x0] =	vst.idx.msk $0xffff, v17;
	v17 =	vbroadcast v21, $0x0  }
0x2f4: {  	[tilespmem:v18+s21+$0x0] =	vst.idx.msk $0xffff, v20  }
0x2f5: {  	v18 =	vld [tilespmem:s6+$0xFFFFFF70];
	v19 =	vadd.s32 v7, v17  }
0x2f6: {  	s17 =	sadd.s32 $0xFFFFFFFD, s13;
	v20 =	vld [tilespmem:s6+$0xFFFFFF80];
	v17 =	vadd.s32 v8, v17  }
0x2f7: {  	v60 =	vmov s17  }
0x2f8: {  	v21 =	vshrl.u32 v60, $0x3  }
0x2f9: {  	v21 =	vshll.u32 v21, v1  }
0x2fa: {  	[tilespmem:v19+s21+$0x0] =	vst.idx.msk $0xffff, v18;
	v18 =	vbroadcast v21, $0x0  }
0x2fb: {  	[tilespmem:v17+s21+$0x0] =	vst.idx.msk $0xffff, v20  }
0x2fc: {  	v17 =	vld [tilespmem:s6+$0xFFFFFF90];
	v19 =	vadd.s32 v9, v18  }
0x2fd: {  	s16 =	sadd.s32 $0xFFFFFFFE, s13;
	v20 =	vld [tilespmem:s6+$0xFFFFFFA0];
	v18 =	vadd.s32 v10, v18  }
0x2fe: {  	v61 =	vmov s16  }
0x2ff: {  	v21 =	vshrl.u32 v61, $0x3  }
0x300: {  	v21 =	vshll.u32 v21, v1  }
0x301: {  	[tilespmem:v19+s21+$0x0] =	vst.idx.msk $0xffff, v17;
	v17 =	vbroadcast v21, $0x0  }
0x302: {  	[tilespmem:v18+s21+$0x0] =	vst.idx.msk $0xffff, v20  }
0x303: {  	v18 =	vld [tilespmem:s6+$0xFFFFFFB0];
	v19 =	vadd.s32 v11, v17  }
0x304: {  	s17 =	sadd.s32 $0xFFFFFFFF, s13;
	v20 =	vld [tilespmem:s6+$0xFFFFFFC0];
	v17 =	vadd.s32 v12, v17  }
0x305: {  	v62 =	vmov s17  }
0x306: {  	v21 =	vshrl.u32 v62, $0x3  }
0x307: {  	v21 =	vshll.u32 v21, v1  }
0x308: {  	[tilespmem:v19+s21+$0x0] =	vst.idx.msk $0xffff, v18;
	v18 =	vbroadcast v21, $0x0  }
0x309: {  	[tilespmem:v17+s21+$0x0] =	vst.idx.msk $0xffff, v20  }
0x30a: {  	v17 =	vld [tilespmem:s6+$0xFFFFFFD0];
	v19 =	vadd.s32 v13, v18  }
0x30b: {  	v20 =	vld [tilespmem:s6+$0xFFFFFFE0];
	v18 =	vadd.s32 v14, v18  }
0x30c: {  	v63 =	vmov s13  }
0x30d: {  	v21 =	vshrl.u32 v63, $0x3  }
0x30e: {  	v21 =	vshll.u32 v21, v1  }
0x30f: {  	[tilespmem:v19+s21+$0x0] =	vst.idx.msk $0xffff, v17;
	v17 =	vbroadcast v21, $0x0  }
0x310: {  	[tilespmem:v18+s21+$0x0] =	vst.idx.msk $0xffff, v20  }
0x311: {  	v18 =	vld [tilespmem:s6+$0xFFFFFFF0];
	v19 =	vadd.s32 v15, v17  }
0x312: {  	v20 =	vld [tilespmem:s6+$0x0];
	v17 =	vadd.s32 v16, v17  }
0x313: {  	s13 =	sshll.u32 s12, $0x13  }
0x314: {  	s16 =	sshll.u32 s10, $0x7;
	s6 =	sor.u32 s5, s13  }
0x315: {  	s6 =	sadd.s32 s16, s6  }
0x316: {  	s6 =	sshrl.u32 s6, $0x3;
	[tilespmem:v19+s21+$0x0] =	vst.idx.msk $0xffff, v18  }
0x317: {  	s17 =	simm.s32 $0xB800;
	s13 =	simm.s32 $0x240;
	s6 =	sadd.s32 s4, s6;
	[tilespmem:v17+s21+$0x0] =	vst.idx.msk $0xffff, v20  }
0x318: {  	[hbm4b:s6+s2] =	stream.linear.scatter [tilespmem:s17], [sflag:$0x6], $0x80, $0x38;
	[tilespmem:$0xEE00] =	vst v63  }
.LBB2_9:
0x319: {  	p0 =	sne.s32 s13, $0x45C0  }
.Ltmp3:
0x31a: {  	_ = 	snop;
	(pc) =	sbr.rel @p0 .LBB2_9-.Ltmp3, $4  }
0x31b: {  	_ = 	snop  }
0x31c: {  	s7 =	sshra.s32 s13, $0x2;
	s13 =	sadd.s32 $0x240, s13  }
0x31d: {  	s6 =	sadd.s32 $0x800, s6;
	s7 =	sadd.s32 $0xB800, s7  }
0x31e: {  	[hbm4b:s6+s2] =	stream.linear.scatter [tilespmem:s7], [sflag:$0x6], $0x80, $0x38;
	[tilespmem:$0xEE00] =	vst v63  }
0x31f: {  	p0 =	sgt.s32 s11, $0x3  }
0x320: {  	s6 =	smul.u32 @!p0 $0x32, s11;
	_ =	sdelay $0x1  }
0x321: {  	s6 =	sadd.s32 @!p0 s14, s6  }
0x322: {  	s6 =	sshll.u32 @!p0 s6, $0x9  }
0x323: {  	s6 =	sshra.s32 @!p0 s6, $0x2  }
0x324: {  	v17 =	vld @!p0 [tilespmem:s6+$0x0];
	_ =	sdelay $0x4  }
0x325: {  	[tilespmem:$0x6480] =	vst @!p0 v17  }
0x326: {  	v17 =	vld @!p0 [tilespmem:s6+$0x10];
	_ =	sdelay $0x4  }
0x327: {  	[tilespmem:$0x6490] =	vst @!p0 v17  }
0x328: {  	v17 =	vld @!p0 [tilespmem:s6+$0x20];
	_ =	sdelay $0x4  }
0x329: {  	[tilespmem:$0x64A0] =	vst @!p0 v17  }
0x32a: {  	v17 =	vld @!p0 [tilespmem:s6+$0x30];
	_ =	sdelay $0x4  }
0x32b: {  	[tilespmem:$0x64B0] =	vst @!p0 v17  }
0x32c: {  	v17 =	vld @!p0 [tilespmem:s6+$0x40];
	_ =	sdelay $0x4  }
0x32d: {  	[tilespmem:$0x64C0] =	vst @!p0 v17  }
0x32e: {  	v17 =	vld @!p0 [tilespmem:s6+$0x50];
	_ =	sdelay $0x4  }
0x32f: {  	[tilespmem:$0x64D0] =	vst @!p0 v17  }
0x330: {  	v17 =	vld @!p0 [tilespmem:s6+$0x60];
	_ =	sdelay $0x4  }
0x331: {  	[tilespmem:$0x64E0] =	vst @!p0 v17  }
0x332: {  	v17 =	vld @!p0 [tilespmem:s6+$0x70];
	_ =	sdelay $0x4  }
0x333: {  	s7 =	simm.s32 @!p0 $0x6480;
	s13 =	simm.s32 @!p0 $0x7600;
	s6 =	simm.s32 @!p0 $0x80;
	[tilespmem:$0x64F0] =	vst @!p0 v17  }
0x334: {  	[tilespmem:s13], [sflag:$0x2] =	stream.indirect.gather @!p0 [hbm4b:s3+s6], $0x20, s7, s6, $0xb8;
	[tilespmem:$0xEE00] =	vst v63  }
0x335: {  	p0 =	seq.s32 s1, $0x31;
	s6 =	simm.s32 $0x1  }
0x336: {  	s6 =	simm.s32 @!p0 $0x0  }
0x337: {  	s16 =	simm.s32 $0x0;
	_ =	swait.ge [sflag:s22], $0x1000;
	s15 =	sadd.s32 s6, s15  }
0x338: {  	v17 =	vmov s16;
	[sflag:s22] =	ssyncset.done $0x0;
	p1 =	slt.s32 s15, $0x0  }
0x339: {  	v17 =	vshrl.u32 v17, $0x3;
	[sflag:s22] =	ssyncadd.s32 $0xFFFFF000;
	s6 =	simm.s32 @!p1 $0x7  }
0x33a: {  	v17 =	vshll.u32 v17, v1;
	_ =	swait.ge @!p1 [sflag:s6], $0x1000  }
0x33b: {  	v17 =	vbroadcast v17, $0x0;
	[sflag:s6] =	ssyncset.done @!p1 $0x0  }
0x33c: {  	s16 =	simm.s32 $0x87F0;
	[sflag:s6] =	ssyncadd.s32 @!p1 $0xFFFFF000  }
0x33d: {  	v19 =	vadd.s32 v0, v17;
	v18 =	vld [tilespmem:s16+$0xFFFFFE10]  }
0x33e: {  	s17 =	simm.s32 $0x1;
	v17 =	vadd.s32 v2, v17;
	v20 =	vld [tilespmem:s16+$0xFFFFFE20]  }
0x33f: {  	v21 =	vmov s17  }
0x340: {  	v21 =	vshrl.u32 v21, $0x3  }
0x341: {  	v21 =	vshll.u32 v21, v1  }
0x342: {  	[tilespmem:v19+s23+$0x0] =	vst.idx.msk $0xffff, v18;
	v18 =	vbroadcast v21, $0x0  }
0x343: {  	[tilespmem:v17+s23+$0x0] =	vst.idx.msk $0xffff, v20  }
0x344: {  	v17 =	vld [tilespmem:s16+$0xFFFFFE30];
	v19 =	vadd.s32 v3, v18  }
0x345: {  	s7 =	simm.s32 $0x2;
	v20 =	vld [tilespmem:s16+$0xFFFFFE40];
	v18 =	vadd.s32 v4, v18  }
0x346: {  	v50 =	vmov s7  }
0x347: {  	v21 =	vshrl.u32 v50, $0x3  }
0x348: {  	v21 =	vshll.u32 v21, v1  }
0x349: {  	[tilespmem:v19+s23+$0x0] =	vst.idx.msk $0xffff, v17;
	v17 =	vbroadcast v21, $0x0  }
0x34a: {  	[tilespmem:v18+s23+$0x0] =	vst.idx.msk $0xffff, v20  }
0x34b: {  	v18 =	vld [tilespmem:s16+$0xFFFFFE50];
	v19 =	vadd.s32 v5, v17  }
0x34c: {  	s13 =	simm.s32 $0x3;
	v20 =	vld [tilespmem:s16+$0xFFFFFE60];
	v17 =	vadd.s32 v6, v17  }
0x34d: {  	v51 =	vmov s13  }
0x34e: {  	v21 =	vshrl.u32 v51, $0x3  }
0x34f: {  	v21 =	vshll.u32 v21, v1  }
0x350: {  	[tilespmem:v19+s23+$0x0] =	vst.idx.msk $0xffff, v18;
	v18 =	vbroadcast v21, $0x0  }
0x351: {  	[tilespmem:v17+s23+$0x0] =	vst.idx.msk $0xffff, v20  }
0x352: {  	v17 =	vld [tilespmem:s16+$0xFFFFFE70];
	v19 =	vadd.s32 v7, v18  }
0x353: {  	s17 =	simm.s32 $0x4;
	v20 =	vld [tilespmem:s16+$0xFFFFFE80];
	v18 =	vadd.s32 v8, v18  }
0x354: {  	v52 =	vmov s17  }
0x355: {  	v21 =	vshrl.u32 v52, $0x3  }
0x356: {  	v21 =	vshll.u32 v21, v1  }
0x357: {  	[tilespmem:v19+s23+$0x0] =	vst.idx.msk $0xffff, v17;
	v17 =	vbroadcast v21, $0x0  }
0x358: {  	[tilespmem:v18+s23+$0x0] =	vst.idx.msk $0xffff, v20  }
0x359: {  	v18 =	vld [tilespmem:s16+$0xFFFFFE90];
	v19 =	vadd.s32 v9, v17  }
0x35a: {  	s7 =	simm.s32 $0x5;
	v20 =	vld [tilespmem:s16+$0xFFFFFEA0];
	v17 =	vadd.s32 v10, v17  }
0x35b: {  	v53 =	vmov s7  }
0x35c: {  	v21 =	vshrl.u32 v53, $0x3  }
0x35d: {  	v21 =	vshll.u32 v21, v1  }
0x35e: {  	[tilespmem:v19+s23+$0x0] =	vst.idx.msk $0xffff, v18;
	v18 =	vbroadcast v21, $0x0  }
0x35f: {  	[tilespmem:v17+s23+$0x0] =	vst.idx.msk $0xffff, v20  }
0x360: {  	v17 =	vld [tilespmem:s16+$0xFFFFFEB0];
	v19 =	vadd.s32 v11, v18  }
0x361: {  	s13 =	simm.s32 $0x6;
	v20 =	vld [tilespmem:s16+$0xFFFFFEC0];
	v18 =	vadd.s32 v12, v18  }
0x362: {  	v54 =	vmov s13  }
0x363: {  	v21 =	vshrl.u32 v54, $0x3  }
0x364: {  	v21 =	vshll.u32 v21, v1  }
0x365: {  	[tilespmem:v19+s23+$0x0] =	vst.idx.msk $0xffff, v17;
	v17 =	vbroadcast v21, $0x0  }
0x366: {  	[tilespmem:v18+s23+$0x0] =	vst.idx.msk $0xffff, v20  }
0x367: {  	v18 =	vld [tilespmem:s16+$0xFFFFFED0];
	v19 =	vadd.s32 v13, v17  }
0x368: {  	s17 =	simm.s32 $0x7;
	v20 =	vld [tilespmem:s16+$0xFFFFFEE0];
	v17 =	vadd.s32 v14, v17  }
0x369: {  	v55 =	vmov s17  }
0x36a: {  	v21 =	vshrl.u32 v55, $0x3  }
0x36b: {  	v21 =	vshll.u32 v21, v1  }
0x36c: {  	[tilespmem:v19+s23+$0x0] =	vst.idx.msk $0xffff, v18;
	v18 =	vbroadcast v21, $0x0  }
0x36d: {  	[tilespmem:v17+s23+$0x0] =	vst.idx.msk $0xffff, v20  }
0x36e: {  	v17 =	vld [tilespmem:s16+$0xFFFFFEF0];
	v19 =	vadd.s32 v15, v18  }
0x36f: {  	s7 =	simm.s32 $0x8;
	v20 =	vld [tilespmem:s16+$0xFFFFFF00];
	v18 =	vadd.s32 v16, v18  }
0x370: {  	v56 =	vmov s7  }
0x371: {  	v21 =	vshrl.u32 v56, $0x3  }
0x372: {  	v21 =	vshll.u32 v21, v1  }
0x373: {  	[tilespmem:v19+s23+$0x0] =	vst.idx.msk $0xffff, v17;
	v17 =	vbroadcast v21, $0x0  }
0x374: {  	[tilespmem:v18+s23+$0x0] =	vst.idx.msk $0xffff, v20  }
0x375: {  	v18 =	vld [tilespmem:s16+$0xFFFFFF10];
	v19 =	vadd.s32 v0, v17  }
0x376: {  	s13 =	simm.s32 $0x9;
	v20 =	vld [tilespmem:s16+$0xFFFFFF20];
	v17 =	vadd.s32 v2, v17  }
0x377: {  	v57 =	vmov s13  }
0x378: {  	v21 =	vshrl.u32 v57, $0x3  }
0x379: {  	v21 =	vshll.u32 v21, v1  }
0x37a: {  	[tilespmem:v19+s23+$0x0] =	vst.idx.msk $0xffff, v18;
	v18 =	vbroadcast v21, $0x0  }
0x37b: {  	[tilespmem:v17+s23+$0x0] =	vst.idx.msk $0xffff, v20  }
0x37c: {  	v17 =	vld [tilespmem:s16+$0xFFFFFF30];
	v19 =	vadd.s32 v3, v18  }
0x37d: {  	s17 =	simm.s32 $0xA;
	v20 =	vld [tilespmem:s16+$0xFFFFFF40];
	v18 =	vadd.s32 v4, v18  }
0x37e: {  	v58 =	vmov s17  }
0x37f: {  	v21 =	vshrl.u32 v58, $0x3  }
0x380: {  	v21 =	vshll.u32 v21, v1  }
0x381: {  	[tilespmem:v19+s23+$0x0] =	vst.idx.msk $0xffff, v17;
	v17 =	vbroadcast v21, $0x0  }
0x382: {  	[tilespmem:v18+s23+$0x0] =	vst.idx.msk $0xffff, v20  }
0x383: {  	v18 =	vld [tilespmem:s16+$0xFFFFFF50];
	v19 =	vadd.s32 v5, v17  }
0x384: {  	s7 =	simm.s32 $0xB;
	v20 =	vld [tilespmem:s16+$0xFFFFFF60];
	v17 =	vadd.s32 v6, v17  }
0x385: {  	v59 =	vmov s7  }
0x386: {  	v21 =	vshrl.u32 v59, $0x3  }
0x387: {  	v21 =	vshll.u32 v21, v1  }
0x388: {  	[tilespmem:v19+s23+$0x0] =	vst.idx.msk $0xffff, v18;
	v18 =	vbroadcast v21, $0x0  }
0x389: {  	[tilespmem:v17+s23+$0x0] =	vst.idx.msk $0xffff, v20  }
0x38a: {  	v17 =	vld [tilespmem:s16+$0xFFFFFF70];
	v19 =	vadd.s32 v7, v18  }
0x38b: {  	s13 =	simm.s32 $0xC;
	v20 =	vld [tilespmem:s16+$0xFFFFFF80];
	v18 =	vadd.s32 v8, v18  }
0x38c: {  	v60 =	vmov s13  }
0x38d: {  	v21 =	vshrl.u32 v60, $0x3  }
0x38e: {  	v21 =	vshll.u32 v21, v1  }
0x38f: {  	[tilespmem:v19+s23+$0x0] =	vst.idx.msk $0xffff, v17;
	v17 =	vbroadcast v21, $0x0  }
0x390: {  	[tilespmem:v18+s23+$0x0] =	vst.idx.msk $0xffff, v20  }
0x391: {  	v18 =	vld [tilespmem:s16+$0xFFFFFF90];
	v19 =	vadd.s32 v9, v17  }
0x392: {  	s17 =	simm.s32 $0xD;
	v20 =	vld [tilespmem:s16+$0xFFFFFFA0];
	v17 =	vadd.s32 v10, v17  }
0x393: {  	v61 =	vmov s17  }
0x394: {  	v21 =	vshrl.u32 v61, $0x3  }
0x395: {  	v21 =	vshll.u32 v21, v1  }
0x396: {  	[tilespmem:v19+s23+$0x0] =	vst.idx.msk $0xffff, v18;
	v18 =	vbroadcast v21, $0x0  }
0x397: {  	[tilespmem:v17+s23+$0x0] =	vst.idx.msk $0xffff, v20  }
0x398: {  	v17 =	vld [tilespmem:s16+$0xFFFFFFB0];
	v19 =	vadd.s32 v11, v18  }
0x399: {  	s7 =	simm.s32 $0xE;
	v20 =	vld [tilespmem:s16+$0xFFFFFFC0];
	v18 =	vadd.s32 v12, v18  }
0x39a: {  	v62 =	vmov s7  }
0x39b: {  	v21 =	vshrl.u32 v62, $0x3  }
0x39c: {  	v21 =	vshll.u32 v21, v1  }
0x39d: {  	[tilespmem:v19+s23+$0x0] =	vst.idx.msk $0xffff, v17;
	v17 =	vbroadcast v21, $0x0  }
0x39e: {  	[tilespmem:v18+s23+$0x0] =	vst.idx.msk $0xffff, v20  }
0x39f: {  	v18 =	vld [tilespmem:s16+$0xFFFFFFD0];
	v19 =	vadd.s32 v13, v17  }
0x3a0: {  	s13 =	simm.s32 $0xF;
	v20 =	vld [tilespmem:s16+$0xFFFFFFE0];
	v17 =	vadd.s32 v14, v17  }
0x3a1: {  	v63 =	vmov s13  }
0x3a2: {  	v21 =	vshrl.u32 v63, $0x3  }
0x3a3: {  	v21 =	vshll.u32 v21, v1  }
0x3a4: {  	[tilespmem:v19+s23+$0x0] =	vst.idx.msk $0xffff, v18;
	v18 =	vbroadcast v21, $0x0  }
0x3a5: {  	s17 =	simm.s32 $0x10;
	[tilespmem:v17+s23+$0x0] =	vst.idx.msk $0xffff, v20  }
0x3a6: {  	s1 =	sadd.s32 $0x1, s1;
	v17 =	vmov s17;
	v20 =	vld [tilespmem:s16+$0xFFFFFFF0];
	v21 =	vadd.s32 v15, v18  }
0x3a7: {  	s1 =	simm.s32 @p0 $0x0;
	p1 =	seq.s32 s12, $0x31;
	s12 =	sadd.s32 $0x1, s12;
	v19 =	vshrl.u32 v17, $0x3  }
0x3a8: {  	s13 =	sadd.s32 $0x1, s14;
	s6 =	simm.s32 $0x1;
	s12 =	simm.s32 @p1 $0x0;
	v17 =	vld [tilespmem:s16+$0x0];
	v22 =	vshll.u32 v19, v1;
	v19 =	vadd.s32 v16, v18  }
0x3a9: {  	s6 =	simm.s32 @!p1 $0x0;
	p1 =	seq.s32 s14, $0x31;
	s14 =	simm.s32 $0x1  }
0x3aa: {  	s13 =	simm.s32 @p1 $0x0;
	s14 =	simm.s32 @!p1 $0x0;
	s10 =	sadd.s32 s6, s10  }
0x3ab: {  	s11 =	sadd.s32 s14, s11;
	s14 =	simm.s32 $0x1F;
	s17 =	simm.s32 $0x2F;
	v18 =	vbroadcast v22, $0x0;
	[tilespmem:v21+s23+$0x0] =	vst.idx.msk $0xffff, v20  }
.LBB2_11:
0x3ac: {  	p0 =	sne.s32 s17, $0x7F  }
0x3ad: {  	[tilespmem:v19+s23+$0x0] =	vst.idx.msk $0xffff, v17;
	s16 =	sadd.s32 $0x200, s16;
	s6 =	smov.u32 s17;
	s17 =	sadd.s32 $0x10, s17  }
0x3ae: {  	v17 =	vld [tilespmem:s16+$0xFFFFFE10];
	v19 =	vadd.s32 v0, v18  }
0x3af: {  	s7 =	sadd.s32 $0xFFFFFFF2, s14;
	v18 =	vadd.s32 v2, v18;
	v20 =	vld [tilespmem:s16+$0xFFFFFE20]  }
0x3b0: {  	v21 =	vmov s7  }
0x3b1: {  	v21 =	vshrl.u32 v21, $0x3  }
0x3b2: {  	v21 =	vshll.u32 v21, v1  }
0x3b3: {  	[tilespmem:v19+s23+$0x0] =	vst.idx.msk $0xffff, v17;
	v17 =	vbroadcast v21, $0x0  }
0x3b4: {  	[tilespmem:v18+s23+$0x0] =	vst.idx.msk $0xffff, v20  }
0x3b5: {  	v18 =	vld [tilespmem:s16+$0xFFFFFE30];
	v19 =	vadd.s32 v3, v17  }
0x3b6: {  	s7 =	sadd.s32 $0xFFFFFFF3, s14;
	v17 =	vadd.s32 v4, v17;
	v20 =	vld [tilespmem:s16+$0xFFFFFE40]  }
0x3b7: {  	v21 =	vmov s7  }
0x3b8: {  	v21 =	vshrl.u32 v21, $0x3  }
0x3b9: {  	v21 =	vshll.u32 v21, v1  }
0x3ba: {  	[tilespmem:v19+s23+$0x0] =	vst.idx.msk $0xffff, v18;
	v18 =	vbroadcast v21, $0x0  }
0x3bb: {  	[tilespmem:v17+s23+$0x0] =	vst.idx.msk $0xffff, v20  }
0x3bc: {  	v17 =	vld [tilespmem:s16+$0xFFFFFE50];
	v19 =	vadd.s32 v5, v18  }
0x3bd: {  	s7 =	sadd.s32 $0xFFFFFFF4, s14;
	v18 =	vadd.s32 v6, v18;
	v20 =	vld [tilespmem:s16+$0xFFFFFE60]  }
0x3be: {  	v21 =	vmov s7  }
0x3bf: {  	v21 =	vshrl.u32 v21, $0x3  }
0x3c0: {  	v21 =	vshll.u32 v21, v1  }
0x3c1: {  	[tilespmem:v19+s23+$0x0] =	vst.idx.msk $0xffff, v17;
	v17 =	vbroadcast v21, $0x0  }
0x3c2: {  	[tilespmem:v18+s23+$0x0] =	vst.idx.msk $0xffff, v20  }
0x3c3: {  	v18 =	vld [tilespmem:s16+$0xFFFFFE70];
	v19 =	vadd.s32 v7, v17  }
0x3c4: {  	s7 =	sadd.s32 $0xFFFFFFF5, s14;
	v17 =	vadd.s32 v8, v17;
	v20 =	vld [tilespmem:s16+$0xFFFFFE80]  }
0x3c5: {  	v21 =	vmov s7  }
0x3c6: {  	v21 =	vshrl.u32 v21, $0x3  }
0x3c7: {  	v21 =	vshll.u32 v21, v1  }
0x3c8: {  	[tilespmem:v19+s23+$0x0] =	vst.idx.msk $0xffff, v18;
	v18 =	vbroadcast v21, $0x0  }
0x3c9: {  	[tilespmem:v17+s23+$0x0] =	vst.idx.msk $0xffff, v20  }
0x3ca: {  	v17 =	vld [tilespmem:s16+$0xFFFFFE90];
	v19 =	vadd.s32 v9, v18  }
0x3cb: {  	s7 =	sadd.s32 $0xFFFFFFF6, s14;
	v18 =	vadd.s32 v10, v18;
	v20 =	vld [tilespmem:s16+$0xFFFFFEA0]  }
0x3cc: {  	v21 =	vmov s7  }
0x3cd: {  	v21 =	vshrl.u32 v21, $0x3  }
0x3ce: {  	v21 =	vshll.u32 v21, v1  }
0x3cf: {  	[tilespmem:v19+s23+$0x0] =	vst.idx.msk $0xffff, v17;
	v17 =	vbroadcast v21, $0x0  }
0x3d0: {  	[tilespmem:v18+s23+$0x0] =	vst.idx.msk $0xffff, v20  }
0x3d1: {  	v18 =	vld [tilespmem:s16+$0xFFFFFEB0];
	v19 =	vadd.s32 v11, v17  }
0x3d2: {  	s7 =	sadd.s32 $0xFFFFFFF7, s14;
	v17 =	vadd.s32 v12, v17;
	v20 =	vld [tilespmem:s16+$0xFFFFFEC0]  }
0x3d3: {  	v21 =	vmov s7  }
0x3d4: {  	v21 =	vshrl.u32 v21, $0x3  }
0x3d5: {  	v21 =	vshll.u32 v21, v1  }
0x3d6: {  	[tilespmem:v19+s23+$0x0] =	vst.idx.msk $0xffff, v18;
	v18 =	vbroadcast v21, $0x0  }
0x3d7: {  	[tilespmem:v17+s23+$0x0] =	vst.idx.msk $0xffff, v20  }
0x3d8: {  	v17 =	vld [tilespmem:s16+$0xFFFFFED0];
	v19 =	vadd.s32 v13, v18  }
0x3d9: {  	s7 =	sadd.s32 $0xFFFFFFF8, s14;
	v18 =	vadd.s32 v14, v18;
	v20 =	vld [tilespmem:s16+$0xFFFFFEE0]  }
0x3da: {  	v21 =	vmov s7  }
0x3db: {  	v21 =	vshrl.u32 v21, $0x3  }
0x3dc: {  	v21 =	vshll.u32 v21, v1  }
0x3dd: {  	[tilespmem:v19+s23+$0x0] =	vst.idx.msk $0xffff, v17;
	v17 =	vbroadcast v21, $0x0  }
0x3de: {  	[tilespmem:v18+s23+$0x0] =	vst.idx.msk $0xffff, v20  }
0x3df: {  	v18 =	vld [tilespmem:s16+$0xFFFFFEF0];
	v19 =	vadd.s32 v15, v17  }
0x3e0: {  	s7 =	sadd.s32 $0xFFFFFFF9, s14;
	v17 =	vadd.s32 v16, v17;
	v20 =	vld [tilespmem:s16+$0xFFFFFF00]  }
0x3e1: {  	v21 =	vmov s7  }
0x3e2: {  	v21 =	vshrl.u32 v21, $0x3  }
0x3e3: {  	v21 =	vshll.u32 v21, v1  }
0x3e4: {  	[tilespmem:v19+s23+$0x0] =	vst.idx.msk $0xffff, v18;
	v18 =	vbroadcast v21, $0x0  }
0x3e5: {  	[tilespmem:v17+s23+$0x0] =	vst.idx.msk $0xffff, v20  }
0x3e6: {  	v17 =	vld [tilespmem:s16+$0xFFFFFF10];
	v19 =	vadd.s32 v0, v18  }
0x3e7: {  	s7 =	sadd.s32 $0xFFFFFFFA, s14;
	v18 =	vadd.s32 v2, v18;
	v20 =	vld [tilespmem:s16+$0xFFFFFF20]  }
0x3e8: {  	v21 =	vmov s7  }
0x3e9: {  	v21 =	vshrl.u32 v21, $0x3  }
0x3ea: {  	v21 =	vshll.u32 v21, v1  }
0x3eb: {  	[tilespmem:v19+s23+$0x0] =	vst.idx.msk $0xffff, v17;
	v17 =	vbroadcast v21, $0x0  }
0x3ec: {  	[tilespmem:v18+s23+$0x0] =	vst.idx.msk $0xffff, v20  }
0x3ed: {  	v18 =	vld [tilespmem:s16+$0xFFFFFF30];
	v19 =	vadd.s32 v3, v17  }
0x3ee: {  	s7 =	sadd.s32 $0xFFFFFFFB, s14;
	v17 =	vadd.s32 v4, v17;
	v20 =	vld [tilespmem:s16+$0xFFFFFF40]  }
0x3ef: {  	v21 =	vmov s7  }
0x3f0: {  	v21 =	vshrl.u32 v21, $0x3  }
0x3f1: {  	v21 =	vshll.u32 v21, v1  }
0x3f2: {  	[tilespmem:v19+s23+$0x0] =	vst.idx.msk $0xffff, v18;
	v18 =	vbroadcast v21, $0x0  }
0x3f3: {  	[tilespmem:v17+s23+$0x0] =	vst.idx.msk $0xffff, v20  }
0x3f4: {  	v17 =	vld [tilespmem:s16+$0xFFFFFF50];
	v19 =	vadd.s32 v5, v18  }
0x3f5: {  	s7 =	sadd.s32 $0xFFFFFFFC, s14;
	v18 =	vadd.s32 v6, v18;
	v20 =	vld [tilespmem:s16+$0xFFFFFF60]  }
0x3f6: {  	v21 =	vmov s7  }
0x3f7: {  	v21 =	vshrl.u32 v21, $0x3  }
0x3f8: {  	v21 =	vshll.u32 v21, v1  }
0x3f9: {  	[tilespmem:v19+s23+$0x0] =	vst.idx.msk $0xffff, v17;
	v17 =	vbroadcast v21, $0x0  }
0x3fa: {  	[tilespmem:v18+s23+$0x0] =	vst.idx.msk $0xffff, v20  }
0x3fb: {  	v18 =	vld [tilespmem:s16+$0xFFFFFF70];
	v19 =	vadd.s32 v7, v17  }
0x3fc: {  	s7 =	sadd.s32 $0xFFFFFFFD, s14;
	v17 =	vadd.s32 v8, v17;
	v20 =	vld [tilespmem:s16+$0xFFFFFF80]  }
0x3fd: {  	v21 =	vmov s7  }
0x3fe: {  	v21 =	vshrl.u32 v21, $0x3  }
0x3ff: {  	v21 =	vshll.u32 v21, v1  }
0x400: {  	[tilespmem:v19+s23+$0x0] =	vst.idx.msk $0xffff, v18;
	v18 =	vbroadcast v21, $0x0  }
0x401: {  	[tilespmem:v17+s23+$0x0] =	vst.idx.msk $0xffff, v20  }
0x402: {  	v17 =	vld [tilespmem:s16+$0xFFFFFF90];
	v19 =	vadd.s32 v9, v18  }
0x403: {  	s7 =	sadd.s32 $0xFFFFFFFE, s14;
	v18 =	vadd.s32 v10, v18;
	v20 =	vld [tilespmem:s16+$0xFFFFFFA0]  }
0x404: {  	v21 =	vmov s7  }
0x405: {  	v21 =	vshrl.u32 v21, $0x3  }
0x406: {  	v21 =	vshll.u32 v21, v1  }
0x407: {  	[tilespmem:v19+s23+$0x0] =	vst.idx.msk $0xffff, v17;
	v17 =	vbroadcast v21, $0x0  }
0x408: {  	[tilespmem:v18+s23+$0x0] =	vst.idx.msk $0xffff, v20  }
0x409: {  	v18 =	vld [tilespmem:s16+$0xFFFFFFB0];
	v19 =	vadd.s32 v11, v17  }
0x40a: {  	s7 =	sadd.s32 $0xFFFFFFFF, s14;
	v17 =	vadd.s32 v12, v17;
	v20 =	vld [tilespmem:s16+$0xFFFFFFC0]  }
0x40b: {  	v21 =	vmov s7  }
0x40c: {  	v21 =	vshrl.u32 v21, $0x3  }
0x40d: {  	v21 =	vshll.u32 v21, v1  }
0x40e: {  	[tilespmem:v19+s23+$0x0] =	vst.idx.msk $0xffff, v18;
	v18 =	vbroadcast v21, $0x0  }
0x40f: {  	[tilespmem:v17+s23+$0x0] =	vst.idx.msk $0xffff, v20  }
0x410: {  	v17 =	vld [tilespmem:s16+$0xFFFFFFD0];
	v19 =	vadd.s32 v13, v18  }
0x411: {  	v18 =	vadd.s32 v14, v18;
	v20 =	vld [tilespmem:s16+$0xFFFFFFE0]  }
0x412: {  	v21 =	vmov s14;
	s14 =	smov.u32 s6  }
0x413: {  	v21 =	vshrl.u32 v21, $0x3  }
0x414: {  	v21 =	vshll.u32 v21, v1  }
0x415: {  	[tilespmem:v19+s23+$0x0] =	vst.idx.msk $0xffff, v17;
	v19 =	vbroadcast v21, $0x0  }
0x416: {  	[tilespmem:v18+s23+$0x0] =	vst.idx.msk $0xffff, v20  }
0x417: {  	v20 =	vld [tilespmem:s16+$0xFFFFFFF0];
	v21 =	vadd.s32 v15, v19  }
.Ltmp4:
0x418: {  	s6 =	sadd.s32 $0xFFFFFFF1, s14;
	v19 =	vadd.s32 v16, v19;
	v17 =	vld [tilespmem:s16+$0x0];
	(pc) =	sbr.rel @p0 .LBB2_11-.Ltmp4, $4  }
0x419: {  	v18 =	vmov s6  }
0x41a: {  	v18 =	vshrl.u32 v18, $0x3  }
0x41b: {  	v18 =	vshll.u32 v18, v1  }
0x41c: {  	v18 =	vbroadcast v18, $0x0;
	[tilespmem:v21+s23+$0x0] =	vst.idx.msk $0xffff, v20  }
0x41d: {  	_ =	sdelay $0x3  }
0x41e: {  	[tilespmem:v19+s23+$0x0] =	vst.idx.msk $0xffff, v17;
	s6 =	sadd.s32 $0x200, s16  }
0x41f: {  	v17 =	vld [tilespmem:s6+$0xFFFFFE10];
	v19 =	vadd.s32 v0, v18  }
0x420: {  	s7 =	sadd.s32 $0xFFFFFFF2, s14;
	v20 =	vld [tilespmem:s6+$0xFFFFFE20];
	v18 =	vadd.s32 v2, v18  }
0x421: {  	v21 =	vmov s7  }
0x422: {  	v21 =	vshrl.u32 v21, $0x3  }
0x423: {  	v21 =	vshll.u32 v21, v1  }
0x424: {  	[tilespmem:v19+s23+$0x0] =	vst.idx.msk $0xffff, v17;
	v17 =	vbroadcast v21, $0x0  }
0x425: {  	[tilespmem:v18+s23+$0x0] =	vst.idx.msk $0xffff, v20  }
0x426: {  	v18 =	vld [tilespmem:s6+$0xFFFFFE30];
	v19 =	vadd.s32 v3, v17  }
0x427: {  	s17 =	sadd.s32 $0xFFFFFFF3, s14;
	v20 =	vld [tilespmem:s6+$0xFFFFFE40];
	v17 =	vadd.s32 v4, v17  }
0x428: {  	v50 =	vmov s17  }
0x429: {  	v21 =	vshrl.u32 v50, $0x3  }
0x42a: {  	v21 =	vshll.u32 v21, v1  }
0x42b: {  	[tilespmem:v19+s23+$0x0] =	vst.idx.msk $0xffff, v18;
	v18 =	vbroadcast v21, $0x0  }
0x42c: {  	[tilespmem:v17+s23+$0x0] =	vst.idx.msk $0xffff, v20  }
0x42d: {  	v17 =	vld [tilespmem:s6+$0xFFFFFE50];
	v19 =	vadd.s32 v5, v18  }
0x42e: {  	s16 =	sadd.s32 $0xFFFFFFF4, s14;
	v20 =	vld [tilespmem:s6+$0xFFFFFE60];
	v18 =	vadd.s32 v6, v18  }
0x42f: {  	v51 =	vmov s16  }
0x430: {  	v21 =	vshrl.u32 v51, $0x3  }
0x431: {  	v21 =	vshll.u32 v21, v1  }
0x432: {  	[tilespmem:v19+s23+$0x0] =	vst.idx.msk $0xffff, v17;
	v17 =	vbroadcast v21, $0x0  }
0x433: {  	[tilespmem:v18+s23+$0x0] =	vst.idx.msk $0xffff, v20  }
0x434: {  	v18 =	vld [tilespmem:s6+$0xFFFFFE70];
	v19 =	vadd.s32 v7, v17  }
0x435: {  	s17 =	sadd.s32 $0xFFFFFFF5, s14;
	v20 =	vld [tilespmem:s6+$0xFFFFFE80];
	v17 =	vadd.s32 v8, v17  }
0x436: {  	v52 =	vmov s17  }
0x437: {  	v21 =	vshrl.u32 v52, $0x3  }
0x438: {  	v21 =	vshll.u32 v21, v1  }
0x439: {  	[tilespmem:v19+s23+$0x0] =	vst.idx.msk $0xffff, v18;
	v18 =	vbroadcast v21, $0x0  }
0x43a: {  	[tilespmem:v17+s23+$0x0] =	vst.idx.msk $0xffff, v20  }
0x43b: {  	v17 =	vld [tilespmem:s6+$0xFFFFFE90];
	v19 =	vadd.s32 v9, v18  }
0x43c: {  	s16 =	sadd.s32 $0xFFFFFFF6, s14;
	v20 =	vld [tilespmem:s6+$0xFFFFFEA0];
	v18 =	vadd.s32 v10, v18  }
0x43d: {  	v53 =	vmov s16  }
0x43e: {  	v21 =	vshrl.u32 v53, $0x3  }
0x43f: {  	v21 =	vshll.u32 v21, v1  }
0x440: {  	[tilespmem:v19+s23+$0x0] =	vst.idx.msk $0xffff, v17;
	v17 =	vbroadcast v21, $0x0  }
0x441: {  	[tilespmem:v18+s23+$0x0] =	vst.idx.msk $0xffff, v20  }
0x442: {  	v18 =	vld [tilespmem:s6+$0xFFFFFEB0];
	v19 =	vadd.s32 v11, v17  }
0x443: {  	s17 =	sadd.s32 $0xFFFFFFF7, s14;
	v20 =	vld [tilespmem:s6+$0xFFFFFEC0];
	v17 =	vadd.s32 v12, v17  }
0x444: {  	v54 =	vmov s17  }
0x445: {  	v21 =	vshrl.u32 v54, $0x3  }
0x446: {  	v21 =	vshll.u32 v21, v1  }
0x447: {  	[tilespmem:v19+s23+$0x0] =	vst.idx.msk $0xffff, v18;
	v18 =	vbroadcast v21, $0x0  }
0x448: {  	[tilespmem:v17+s23+$0x0] =	vst.idx.msk $0xffff, v20  }
0x449: {  	v17 =	vld [tilespmem:s6+$0xFFFFFED0];
	v19 =	vadd.s32 v13, v18  }
0x44a: {  	s16 =	sadd.s32 $0xFFFFFFF8, s14;
	v20 =	vld [tilespmem:s6+$0xFFFFFEE0];
	v18 =	vadd.s32 v14, v18  }
0x44b: {  	v55 =	vmov s16  }
0x44c: {  	v21 =	vshrl.u32 v55, $0x3  }
0x44d: {  	v21 =	vshll.u32 v21, v1  }
0x44e: {  	[tilespmem:v19+s23+$0x0] =	vst.idx.msk $0xffff, v17;
	v17 =	vbroadcast v21, $0x0  }
0x44f: {  	[tilespmem:v18+s23+$0x0] =	vst.idx.msk $0xffff, v20  }
0x450: {  	v18 =	vld [tilespmem:s6+$0xFFFFFEF0];
	v19 =	vadd.s32 v15, v17  }
0x451: {  	s17 =	sadd.s32 $0xFFFFFFF9, s14;
	v20 =	vld [tilespmem:s6+$0xFFFFFF00];
	v17 =	vadd.s32 v16, v17  }
0x452: {  	v56 =	vmov s17  }
0x453: {  	v21 =	vshrl.u32 v56, $0x3  }
0x454: {  	v21 =	vshll.u32 v21, v1  }
0x455: {  	[tilespmem:v19+s23+$0x0] =	vst.idx.msk $0xffff, v18;
	v18 =	vbroadcast v21, $0x0  }
0x456: {  	[tilespmem:v17+s23+$0x0] =	vst.idx.msk $0xffff, v20  }
0x457: {  	v17 =	vld [tilespmem:s6+$0xFFFFFF10];
	v19 =	vadd.s32 v0, v18  }
0x458: {  	s16 =	sadd.s32 $0xFFFFFFFA, s14;
	v20 =	vld [tilespmem:s6+$0xFFFFFF20];
	v18 =	vadd.s32 v2, v18  }
0x459: {  	v57 =	vmov s16  }
0x45a: {  	v21 =	vshrl.u32 v57, $0x3  }
0x45b: {  	v21 =	vshll.u32 v21, v1  }
0x45c: {  	[tilespmem:v19+s23+$0x0] =	vst.idx.msk $0xffff, v17;
	v17 =	vbroadcast v21, $0x0  }
0x45d: {  	[tilespmem:v18+s23+$0x0] =	vst.idx.msk $0xffff, v20  }
0x45e: {  	v18 =	vld [tilespmem:s6+$0xFFFFFF30];
	v19 =	vadd.s32 v3, v17  }
0x45f: {  	s17 =	sadd.s32 $0xFFFFFFFB, s14;
	v20 =	vld [tilespmem:s6+$0xFFFFFF40];
	v17 =	vadd.s32 v4, v17  }
0x460: {  	v58 =	vmov s17  }
0x461: {  	v21 =	vshrl.u32 v58, $0x3  }
0x462: {  	v21 =	vshll.u32 v21, v1  }
0x463: {  	[tilespmem:v19+s23+$0x0] =	vst.idx.msk $0xffff, v18;
	v18 =	vbroadcast v21, $0x0  }
0x464: {  	[tilespmem:v17+s23+$0x0] =	vst.idx.msk $0xffff, v20  }
0x465: {  	v17 =	vld [tilespmem:s6+$0xFFFFFF50];
	v19 =	vadd.s32 v5, v18  }
0x466: {  	s16 =	sadd.s32 $0xFFFFFFFC, s14;
	v20 =	vld [tilespmem:s6+$0xFFFFFF60];
	v18 =	vadd.s32 v6, v18  }
0x467: {  	v59 =	vmov s16  }
0x468: {  	v21 =	vshrl.u32 v59, $0x3  }
0x469: {  	v21 =	vshll.u32 v21, v1  }
0x46a: {  	[tilespmem:v19+s23+$0x0] =	vst.idx.msk $0xffff, v17;
	v17 =	vbroadcast v21, $0x0  }
0x46b: {  	[tilespmem:v18+s23+$0x0] =	vst.idx.msk $0xffff, v20  }
0x46c: {  	v18 =	vld [tilespmem:s6+$0xFFFFFF70];
	v19 =	vadd.s32 v7, v17  }
0x46d: {  	s17 =	sadd.s32 $0xFFFFFFFD, s14;
	v20 =	vld [tilespmem:s6+$0xFFFFFF80];
	v17 =	vadd.s32 v8, v17  }
0x46e: {  	v60 =	vmov s17  }
0x46f: {  	v21 =	vshrl.u32 v60, $0x3  }
0x470: {  	v21 =	vshll.u32 v21, v1  }
0x471: {  	[tilespmem:v19+s23+$0x0] =	vst.idx.msk $0xffff, v18;
	v18 =	vbroadcast v21, $0x0  }
0x472: {  	[tilespmem:v17+s23+$0x0] =	vst.idx.msk $0xffff, v20  }
0x473: {  	v17 =	vld [tilespmem:s6+$0xFFFFFF90];
	v19 =	vadd.s32 v9, v18  }
0x474: {  	s16 =	sadd.s32 $0xFFFFFFFE, s14;
	v20 =	vld [tilespmem:s6+$0xFFFFFFA0];
	v18 =	vadd.s32 v10, v18  }
0x475: {  	v61 =	vmov s16  }
0x476: {  	v21 =	vshrl.u32 v61, $0x3  }
0x477: {  	v21 =	vshll.u32 v21, v1  }
0x478: {  	[tilespmem:v19+s23+$0x0] =	vst.idx.msk $0xffff, v17;
	v17 =	vbroadcast v21, $0x0  }
0x479: {  	[tilespmem:v18+s23+$0x0] =	vst.idx.msk $0xffff, v20  }
0x47a: {  	v18 =	vld [tilespmem:s6+$0xFFFFFFB0];
	v19 =	vadd.s32 v11, v17  }
0x47b: {  	s17 =	sadd.s32 $0xFFFFFFFF, s14;
	v20 =	vld [tilespmem:s6+$0xFFFFFFC0];
	v17 =	vadd.s32 v12, v17  }
0x47c: {  	v62 =	vmov s17  }
0x47d: {  	v21 =	vshrl.u32 v62, $0x3  }
0x47e: {  	v21 =	vshll.u32 v21, v1  }
0x47f: {  	[tilespmem:v19+s23+$0x0] =	vst.idx.msk $0xffff, v18;
	v18 =	vbroadcast v21, $0x0  }
0x480: {  	[tilespmem:v17+s23+$0x0] =	vst.idx.msk $0xffff, v20  }
0x481: {  	v17 =	vld [tilespmem:s6+$0xFFFFFFD0];
	v19 =	vadd.s32 v13, v18  }
0x482: {  	v20 =	vld [tilespmem:s6+$0xFFFFFFE0];
	v18 =	vadd.s32 v14, v18  }
0x483: {  	v63 =	vmov s14  }
0x484: {  	v21 =	vshrl.u32 v63, $0x3  }
0x485: {  	v21 =	vshll.u32 v21, v1  }
0x486: {  	[tilespmem:v19+s23+$0x0] =	vst.idx.msk $0xffff, v17;
	v17 =	vbroadcast v21, $0x0  }
0x487: {  	[tilespmem:v18+s23+$0x0] =	vst.idx.msk $0xffff, v20  }
0x488: {  	v18 =	vld [tilespmem:s6+$0xFFFFFFF0];
	v19 =	vadd.s32 v15, v17  }
0x489: {  	v20 =	vld [tilespmem:s6+$0x0];
	v17 =	vadd.s32 v16, v17  }
0x48a: {  	s14 =	sshll.u32 s12, $0x13  }
0x48b: {  	s16 =	sshll.u32 s10, $0x7;
	s6 =	sor.u32 s5, s14  }
0x48c: {  	s6 =	sadd.s32 s16, s6  }
0x48d: {  	s6 =	sshrl.u32 s6, $0x3;
	[tilespmem:v19+s23+$0x0] =	vst.idx.msk $0xffff, v18  }
0x48e: {  	s17 =	simm.s32 $0xCA00;
	s14 =	simm.s32 $0x240;
	s6 =	sadd.s32 s4, s6;
	[tilespmem:v17+s23+$0x0] =	vst.idx.msk $0xffff, v20  }
0x48f: {  	[hbm4b:s6+s2] =	stream.linear.scatter [tilespmem:s17], [sflag:$0x7], $0x80, $0x38;
	[tilespmem:$0xEE00] =	vst v63  }
.LBB2_13:
0x490: {  	p0 =	sne.s32 s14, $0x45C0  }
.Ltmp5:
0x491: {  	_ = 	snop;
	(pc) =	sbr.rel @p0 .LBB2_13-.Ltmp5, $4  }
0x492: {  	_ = 	snop  }
0x493: {  	s7 =	sshra.s32 s14, $0x2;
	s14 =	sadd.s32 $0x240, s14  }
0x494: {  	s6 =	sadd.s32 $0x800, s6;
	s7 =	sadd.s32 $0xCA00, s7  }
0x495: {  	[hbm4b:s6+s2] =	stream.linear.scatter [tilespmem:s7], [sflag:$0x7], $0x80, $0x38;
	[tilespmem:$0xEE00] =	vst v63  }
0x496: {  	p0 =	sgt.s32 s11, $0x3  }
0x497: {  	s6 =	smul.u32 @!p0 $0x32, s11;
	_ =	sdelay $0x1  }
0x498: {  	s6 =	sadd.s32 @!p0 s13, s6  }
0x499: {  	s6 =	sshll.u32 @!p0 s6, $0x9  }
0x49a: {  	s6 =	sshra.s32 @!p0 s6, $0x2  }
0x49b: {  	v17 =	vld @!p0 [tilespmem:s6+$0x0];
	_ =	sdelay $0x4  }
0x49c: {  	[tilespmem:$0x6500] =	vst @!p0 v17  }
0x49d: {  	v17 =	vld @!p0 [tilespmem:s6+$0x10];
	_ =	sdelay $0x4  }
0x49e: {  	[tilespmem:$0x6510] =	vst @!p0 v17  }
0x49f: {  	v17 =	vld @!p0 [tilespmem:s6+$0x20];
	_ =	sdelay $0x4  }
0x4a0: {  	[tilespmem:$0x6520] =	vst @!p0 v17  }
0x4a1: {  	v17 =	vld @!p0 [tilespmem:s6+$0x30];
	_ =	sdelay $0x4  }
0x4a2: {  	[tilespmem:$0x6530] =	vst @!p0 v17  }
0x4a3: {  	v17 =	vld @!p0 [tilespmem:s6+$0x40];
	_ =	sdelay $0x4  }
0x4a4: {  	[tilespmem:$0x6540] =	vst @!p0 v17  }
0x4a5: {  	v17 =	vld @!p0 [tilespmem:s6+$0x50];
	_ =	sdelay $0x4  }
0x4a6: {  	[tilespmem:$0x6550] =	vst @!p0 v17  }
0x4a7: {  	v17 =	vld @!p0 [tilespmem:s6+$0x60];
	_ =	sdelay $0x4  }
0x4a8: {  	[tilespmem:$0x6560] =	vst @!p0 v17  }
0x4a9: {  	v17 =	vld @!p0 [tilespmem:s6+$0x70];
	_ =	sdelay $0x4  }
0x4aa: {  	s7 =	simm.s32 @!p0 $0x6500;
	s14 =	simm.s32 @!p0 $0x8600;
	s6 =	simm.s32 @!p0 $0x80;
	[tilespmem:$0x6570] =	vst @!p0 v17  }
0x4ab: {  	[tilespmem:s14], [sflag:$0x3] =	stream.indirect.gather @!p0 [hbm4b:s3+s6], $0x20, s7, s6, $0xb8;
	[tilespmem:$0xEE00] =	vst v63  }
0x4ac: {  	p0 =	seq.s32 s1, $0x31;
	s6 =	simm.s32 $0x1  }
0x4ad: {  	s6 =	simm.s32 @!p0 $0x0  }
0x4ae: {  	s17 =	simm.s32 $0x0;
	_ =	swait.ge [sflag:s24], $0x1000;
	s14 =	sadd.s32 s6, s15  }
0x4af: {  	v17 =	vmov s17;
	[sflag:s24] =	ssyncset.done $0x0;
	p1 =	slt.s32 s14, $0x0  }
0x4b0: {  	v17 =	vshrl.u32 v17, $0x3;
	[sflag:s24] =	ssyncadd.s32 $0xFFFFF000;
	s6 =	simm.s32 @!p1 $0x8  }
0x4b1: {  	v17 =	vshll.u32 v17, v1;
	_ =	swait.ge @!p1 [sflag:s6], $0x1000  }
0x4b2: {  	v17 =	vbroadcast v17, $0x0;
	[sflag:s6] =	ssyncset.done @!p1 $0x0  }
0x4b3: {  	s16 =	simm.s32 $0x97F0;
	[sflag:s6] =	ssyncadd.s32 @!p1 $0xFFFFF000  }
0x4b4: {  	v19 =	vadd.s32 v0, v17;
	v18 =	vld [tilespmem:s16+$0xFFFFFE10]  }
0x4b5: {  	s7 =	simm.s32 $0x1;
	v17 =	vadd.s32 v2, v17;
	v20 =	vld [tilespmem:s16+$0xFFFFFE20]  }
0x4b6: {  	v21 =	vmov s7  }
0x4b7: {  	v21 =	vshrl.u32 v21, $0x3  }
0x4b8: {  	v21 =	vshll.u32 v21, v1  }
0x4b9: {  	[tilespmem:v19+s25+$0x0] =	vst.idx.msk $0xffff, v18;
	v18 =	vbroadcast v21, $0x0  }
0x4ba: {  	[tilespmem:v17+s25+$0x0] =	vst.idx.msk $0xffff, v20  }
0x4bb: {  	v17 =	vld [tilespmem:s16+$0xFFFFFE30];
	v19 =	vadd.s32 v3, v18  }
0x4bc: {  	s15 =	simm.s32 $0x2;
	v20 =	vld [tilespmem:s16+$0xFFFFFE40];
	v18 =	vadd.s32 v4, v18  }
0x4bd: {  	v50 =	vmov s15  }
0x4be: {  	v21 =	vshrl.u32 v50, $0x3  }
0x4bf: {  	v21 =	vshll.u32 v21, v1  }
0x4c0: {  	[tilespmem:v19+s25+$0x0] =	vst.idx.msk $0xffff, v17;
	v17 =	vbroadcast v21, $0x0  }
0x4c1: {  	[tilespmem:v18+s25+$0x0] =	vst.idx.msk $0xffff, v20  }
0x4c2: {  	v18 =	vld [tilespmem:s16+$0xFFFFFE50];
	v19 =	vadd.s32 v5, v17  }
0x4c3: {  	s17 =	simm.s32 $0x3;
	v20 =	vld [tilespmem:s16+$0xFFFFFE60];
	v17 =	vadd.s32 v6, v17  }
0x4c4: {  	v51 =	vmov s17  }
0x4c5: {  	v21 =	vshrl.u32 v51, $0x3  }
0x4c6: {  	v21 =	vshll.u32 v21, v1  }
0x4c7: {  	[tilespmem:v19+s25+$0x0] =	vst.idx.msk $0xffff, v18;
	v18 =	vbroadcast v21, $0x0  }
0x4c8: {  	[tilespmem:v17+s25+$0x0] =	vst.idx.msk $0xffff, v20  }
0x4c9: {  	v17 =	vld [tilespmem:s16+$0xFFFFFE70];
	v19 =	vadd.s32 v7, v18  }
0x4ca: {  	s7 =	simm.s32 $0x4;
	v20 =	vld [tilespmem:s16+$0xFFFFFE80];
	v18 =	vadd.s32 v8, v18  }
0x4cb: {  	v52 =	vmov s7  }
0x4cc: {  	v21 =	vshrl.u32 v52, $0x3  }
0x4cd: {  	v21 =	vshll.u32 v21, v1  }
0x4ce: {  	[tilespmem:v19+s25+$0x0] =	vst.idx.msk $0xffff, v17;
	v17 =	vbroadcast v21, $0x0  }
0x4cf: {  	[tilespmem:v18+s25+$0x0] =	vst.idx.msk $0xffff, v20  }
0x4d0: {  	v18 =	vld [tilespmem:s16+$0xFFFFFE90];
	v19 =	vadd.s32 v9, v17  }
0x4d1: {  	s15 =	simm.s32 $0x5;
	v20 =	vld [tilespmem:s16+$0xFFFFFEA0];
	v17 =	vadd.s32 v10, v17  }
0x4d2: {  	v53 =	vmov s15  }
0x4d3: {  	v21 =	vshrl.u32 v53, $0x3  }
0x4d4: {  	v21 =	vshll.u32 v21, v1  }
0x4d5: {  	[tilespmem:v19+s25+$0x0] =	vst.idx.msk $0xffff, v18;
	v18 =	vbroadcast v21, $0x0  }
0x4d6: {  	[tilespmem:v17+s25+$0x0] =	vst.idx.msk $0xffff, v20  }
0x4d7: {  	v17 =	vld [tilespmem:s16+$0xFFFFFEB0];
	v19 =	vadd.s32 v11, v18  }
0x4d8: {  	s17 =	simm.s32 $0x6;
	v20 =	vld [tilespmem:s16+$0xFFFFFEC0];
	v18 =	vadd.s32 v12, v18  }
0x4d9: {  	v54 =	vmov s17  }
0x4da: {  	v21 =	vshrl.u32 v54, $0x3  }
0x4db: {  	v21 =	vshll.u32 v21, v1  }
0x4dc: {  	[tilespmem:v19+s25+$0x0] =	vst.idx.msk $0xffff, v17;
	v17 =	vbroadcast v21, $0x0  }
0x4dd: {  	[tilespmem:v18+s25+$0x0] =	vst.idx.msk $0xffff, v20  }
0x4de: {  	v18 =	vld [tilespmem:s16+$0xFFFFFED0];
	v19 =	vadd.s32 v13, v17  }
0x4df: {  	s7 =	simm.s32 $0x7;
	v20 =	vld [tilespmem:s16+$0xFFFFFEE0];
	v17 =	vadd.s32 v14, v17  }
0x4e0: {  	v55 =	vmov s7  }
0x4e1: {  	v21 =	vshrl.u32 v55, $0x3  }
0x4e2: {  	v21 =	vshll.u32 v21, v1  }
0x4e3: {  	[tilespmem:v19+s25+$0x0] =	vst.idx.msk $0xffff, v18;
	v18 =	vbroadcast v21, $0x0  }
0x4e4: {  	[tilespmem:v17+s25+$0x0] =	vst.idx.msk $0xffff, v20  }
0x4e5: {  	v17 =	vld [tilespmem:s16+$0xFFFFFEF0];
	v19 =	vadd.s32 v15, v18  }
0x4e6: {  	s15 =	simm.s32 $0x8;
	v20 =	vld [tilespmem:s16+$0xFFFFFF00];
	v18 =	vadd.s32 v16, v18  }
0x4e7: {  	v56 =	vmov s15  }
0x4e8: {  	v21 =	vshrl.u32 v56, $0x3  }
0x4e9: {  	v21 =	vshll.u32 v21, v1  }
0x4ea: {  	[tilespmem:v19+s25+$0x0] =	vst.idx.msk $0xffff, v17;
	v17 =	vbroadcast v21, $0x0  }
0x4eb: {  	[tilespmem:v18+s25+$0x0] =	vst.idx.msk $0xffff, v20  }
0x4ec: {  	v18 =	vld [tilespmem:s16+$0xFFFFFF10];
	v19 =	vadd.s32 v0, v17  }
0x4ed: {  	s17 =	simm.s32 $0x9;
	v20 =	vld [tilespmem:s16+$0xFFFFFF20];
	v17 =	vadd.s32 v2, v17  }
0x4ee: {  	v57 =	vmov s17  }
0x4ef: {  	v21 =	vshrl.u32 v57, $0x3  }
0x4f0: {  	v21 =	vshll.u32 v21, v1  }
0x4f1: {  	[tilespmem:v19+s25+$0x0] =	vst.idx.msk $0xffff, v18;
	v18 =	vbroadcast v21, $0x0  }
0x4f2: {  	[tilespmem:v17+s25+$0x0] =	vst.idx.msk $0xffff, v20  }
0x4f3: {  	v17 =	vld [tilespmem:s16+$0xFFFFFF30];
	v19 =	vadd.s32 v3, v18  }
0x4f4: {  	s7 =	simm.s32 $0xA;
	v20 =	vld [tilespmem:s16+$0xFFFFFF40];
	v18 =	vadd.s32 v4, v18  }
0x4f5: {  	v58 =	vmov s7  }
0x4f6: {  	v21 =	vshrl.u32 v58, $0x3  }
0x4f7: {  	v21 =	vshll.u32 v21, v1  }
0x4f8: {  	[tilespmem:v19+s25+$0x0] =	vst.idx.msk $0xffff, v17;
	v17 =	vbroadcast v21, $0x0  }
0x4f9: {  	[tilespmem:v18+s25+$0x0] =	vst.idx.msk $0xffff, v20  }
0x4fa: {  	v18 =	vld [tilespmem:s16+$0xFFFFFF50];
	v19 =	vadd.s32 v5, v17  }
0x4fb: {  	s15 =	simm.s32 $0xB;
	v20 =	vld [tilespmem:s16+$0xFFFFFF60];
	v17 =	vadd.s32 v6, v17  }
0x4fc: {  	v59 =	vmov s15  }
0x4fd: {  	v21 =	vshrl.u32 v59, $0x3  }
0x4fe: {  	v21 =	vshll.u32 v21, v1  }
0x4ff: {  	[tilespmem:v19+s25+$0x0] =	vst.idx.msk $0xffff, v18;
	v18 =	vbroadcast v21, $0x0  }
0x500: {  	[tilespmem:v17+s25+$0x0] =	vst.idx.msk $0xffff, v20  }
0x501: {  	v17 =	vld [tilespmem:s16+$0xFFFFFF70];
	v19 =	vadd.s32 v7, v18  }
0x502: {  	s17 =	simm.s32 $0xC;
	v20 =	vld [tilespmem:s16+$0xFFFFFF80];
	v18 =	vadd.s32 v8, v18  }
0x503: {  	v60 =	vmov s17  }
0x504: {  	v21 =	vshrl.u32 v60, $0x3  }
0x505: {  	v21 =	vshll.u32 v21, v1  }
0x506: {  	[tilespmem:v19+s25+$0x0] =	vst.idx.msk $0xffff, v17;
	v17 =	vbroadcast v21, $0x0  }
0x507: {  	[tilespmem:v18+s25+$0x0] =	vst.idx.msk $0xffff, v20  }
0x508: {  	v18 =	vld [tilespmem:s16+$0xFFFFFF90];
	v19 =	vadd.s32 v9, v17  }
0x509: {  	s7 =	simm.s32 $0xD;
	v20 =	vld [tilespmem:s16+$0xFFFFFFA0];
	v17 =	vadd.s32 v10, v17  }
0x50a: {  	v61 =	vmov s7  }
0x50b: {  	v21 =	vshrl.u32 v61, $0x3  }
0x50c: {  	v21 =	vshll.u32 v21, v1  }
0x50d: {  	[tilespmem:v19+s25+$0x0] =	vst.idx.msk $0xffff, v18;
	v18 =	vbroadcast v21, $0x0  }
0x50e: {  	[tilespmem:v17+s25+$0x0] =	vst.idx.msk $0xffff, v20  }
0x50f: {  	v17 =	vld [tilespmem:s16+$0xFFFFFFB0];
	v19 =	vadd.s32 v11, v18  }
0x510: {  	s15 =	simm.s32 $0xE;
	v20 =	vld [tilespmem:s16+$0xFFFFFFC0];
	v18 =	vadd.s32 v12, v18  }
0x511: {  	v62 =	vmov s15  }
0x512: {  	v21 =	vshrl.u32 v62, $0x3  }
0x513: {  	v21 =	vshll.u32 v21, v1  }
0x514: {  	[tilespmem:v19+s25+$0x0] =	vst.idx.msk $0xffff, v17;
	v17 =	vbroadcast v21, $0x0  }
0x515: {  	[tilespmem:v18+s25+$0x0] =	vst.idx.msk $0xffff, v20  }
0x516: {  	v18 =	vld [tilespmem:s16+$0xFFFFFFD0];
	v19 =	vadd.s32 v13, v17  }
0x517: {  	s17 =	simm.s32 $0xF;
	v20 =	vld [tilespmem:s16+$0xFFFFFFE0];
	v17 =	vadd.s32 v14, v17  }
0x518: {  	v63 =	vmov s17  }
0x519: {  	v21 =	vshrl.u32 v63, $0x3  }
0x51a: {  	v21 =	vshll.u32 v21, v1  }
0x51b: {  	[tilespmem:v19+s25+$0x0] =	vst.idx.msk $0xffff, v18;
	v18 =	vbroadcast v21, $0x0  }
0x51c: {  	s7 =	simm.s32 $0x10;
	[tilespmem:v17+s25+$0x0] =	vst.idx.msk $0xffff, v20  }
0x51d: {  	s1 =	sadd.s32 $0x1, s1;
	v17 =	vmov s7;
	v20 =	vld [tilespmem:s16+$0xFFFFFFF0];
	v21 =	vadd.s32 v15, v18  }
0x51e: {  	s1 =	simm.s32 @p0 $0x0;
	s17 =	simm.s32 $0x1;
	p1 =	seq.s32 s12, $0x31;
	v19 =	vshrl.u32 v17, $0x3  }
0x51f: {  	s12 =	sadd.s32 $0x1, s12;
	s6 =	simm.s32 $0x1;
	s15 =	sadd.s32 $0x1, s13;
	v17 =	vld [tilespmem:s16+$0x0];
	v22 =	vshll.u32 v19, v1;
	v19 =	vadd.s32 v16, v18  }
0x520: {  	s12 =	simm.s32 @p1 $0x0;
	s6 =	simm.s32 @!p1 $0x0;
	p1 =	seq.s32 s13, $0x31  }
0x521: {  	s15 =	simm.s32 @p1 $0x0;
	s17 =	simm.s32 @!p1 $0x0;
	s13 =	sadd.s32 s6, s10  }
0x522: {  	s10 =	simm.s32 $0x1F;
	s11 =	sadd.s32 s17, s11;
	s17 =	simm.s32 $0x2F;
	v18 =	vbroadcast v22, $0x0;
	[tilespmem:v21+s25+$0x0] =	vst.idx.msk $0xffff, v20  }
.LBB2_15:
0x523: {  	p0 =	sne.s32 s17, $0x7F  }
0x524: {  	[tilespmem:v19+s25+$0x0] =	vst.idx.msk $0xffff, v17;
	s16 =	sadd.s32 $0x200, s16;
	s6 =	smov.u32 s17;
	s17 =	sadd.s32 $0x10, s17  }
0x525: {  	v17 =	vld [tilespmem:s16+$0xFFFFFE10];
	v19 =	vadd.s32 v0, v18  }
0x526: {  	s7 =	sadd.s32 $0xFFFFFFF2, s10;
	v18 =	vadd.s32 v2, v18;
	v20 =	vld [tilespmem:s16+$0xFFFFFE20]  }
0x527: {  	v21 =	vmov s7  }
0x528: {  	v21 =	vshrl.u32 v21, $0x3  }
0x529: {  	v21 =	vshll.u32 v21, v1  }
0x52a: {  	[tilespmem:v19+s25+$0x0] =	vst.idx.msk $0xffff, v17;
	v17 =	vbroadcast v21, $0x0  }
0x52b: {  	[tilespmem:v18+s25+$0x0] =	vst.idx.msk $0xffff, v20  }
0x52c: {  	v18 =	vld [tilespmem:s16+$0xFFFFFE30];
	v19 =	vadd.s32 v3, v17  }
0x52d: {  	s7 =	sadd.s32 $0xFFFFFFF3, s10;
	v17 =	vadd.s32 v4, v17;
	v20 =	vld [tilespmem:s16+$0xFFFFFE40]  }
0x52e: {  	v21 =	vmov s7  }
0x52f: {  	v21 =	vshrl.u32 v21, $0x3  }
0x530: {  	v21 =	vshll.u32 v21, v1  }
0x531: {  	[tilespmem:v19+s25+$0x0] =	vst.idx.msk $0xffff, v18;
	v18 =	vbroadcast v21, $0x0  }
0x532: {  	[tilespmem:v17+s25+$0x0] =	vst.idx.msk $0xffff, v20  }
0x533: {  	v17 =	vld [tilespmem:s16+$0xFFFFFE50];
	v19 =	vadd.s32 v5, v18  }
0x534: {  	s7 =	sadd.s32 $0xFFFFFFF4, s10;
	v18 =	vadd.s32 v6, v18;
	v20 =	vld [tilespmem:s16+$0xFFFFFE60]  }
0x535: {  	v21 =	vmov s7  }
0x536: {  	v21 =	vshrl.u32 v21, $0x3  }
0x537: {  	v21 =	vshll.u32 v21, v1  }
0x538: {  	[tilespmem:v19+s25+$0x0] =	vst.idx.msk $0xffff, v17;
	v17 =	vbroadcast v21, $0x0  }
0x539: {  	[tilespmem:v18+s25+$0x0] =	vst.idx.msk $0xffff, v20  }
0x53a: {  	v18 =	vld [tilespmem:s16+$0xFFFFFE70];
	v19 =	vadd.s32 v7, v17  }
0x53b: {  	s7 =	sadd.s32 $0xFFFFFFF5, s10;
	v17 =	vadd.s32 v8, v17;
	v20 =	vld [tilespmem:s16+$0xFFFFFE80]  }
0x53c: {  	v21 =	vmov s7  }
0x53d: {  	v21 =	vshrl.u32 v21, $0x3  }
0x53e: {  	v21 =	vshll.u32 v21, v1  }
0x53f: {  	[tilespmem:v19+s25+$0x0] =	vst.idx.msk $0xffff, v18;
	v18 =	vbroadcast v21, $0x0  }
0x540: {  	[tilespmem:v17+s25+$0x0] =	vst.idx.msk $0xffff, v20  }
0x541: {  	v17 =	vld [tilespmem:s16+$0xFFFFFE90];
	v19 =	vadd.s32 v9, v18  }
0x542: {  	s7 =	sadd.s32 $0xFFFFFFF6, s10;
	v18 =	vadd.s32 v10, v18;
	v20 =	vld [tilespmem:s16+$0xFFFFFEA0]  }
0x543: {  	v21 =	vmov s7  }
0x544: {  	v21 =	vshrl.u32 v21, $0x3  }
0x545: {  	v21 =	vshll.u32 v21, v1  }
0x546: {  	[tilespmem:v19+s25+$0x0] =	vst.idx.msk $0xffff, v17;
	v17 =	vbroadcast v21, $0x0  }
0x547: {  	[tilespmem:v18+s25+$0x0] =	vst.idx.msk $0xffff, v20  }
0x548: {  	v18 =	vld [tilespmem:s16+$0xFFFFFEB0];
	v19 =	vadd.s32 v11, v17  }
0x549: {  	s7 =	sadd.s32 $0xFFFFFFF7, s10;
	v17 =	vadd.s32 v12, v17;
	v20 =	vld [tilespmem:s16+$0xFFFFFEC0]  }
0x54a: {  	v21 =	vmov s7  }
0x54b: {  	v21 =	vshrl.u32 v21, $0x3  }
0x54c: {  	v21 =	vshll.u32 v21, v1  }
0x54d: {  	[tilespmem:v19+s25+$0x0] =	vst.idx.msk $0xffff, v18;
	v18 =	vbroadcast v21, $0x0  }
0x54e: {  	[tilespmem:v17+s25+$0x0] =	vst.idx.msk $0xffff, v20  }
0x54f: {  	v17 =	vld [tilespmem:s16+$0xFFFFFED0];
	v19 =	vadd.s32 v13, v18  }
0x550: {  	s7 =	sadd.s32 $0xFFFFFFF8, s10;
	v18 =	vadd.s32 v14, v18;
	v20 =	vld [tilespmem:s16+$0xFFFFFEE0]  }
0x551: {  	v21 =	vmov s7  }
0x552: {  	v21 =	vshrl.u32 v21, $0x3  }
0x553: {  	v21 =	vshll.u32 v21, v1  }
0x554: {  	[tilespmem:v19+s25+$0x0] =	vst.idx.msk $0xffff, v17;
	v17 =	vbroadcast v21, $0x0  }
0x555: {  	[tilespmem:v18+s25+$0x0] =	vst.idx.msk $0xffff, v20  }
0x556: {  	v18 =	vld [tilespmem:s16+$0xFFFFFEF0];
	v19 =	vadd.s32 v15, v17  }
0x557: {  	s7 =	sadd.s32 $0xFFFFFFF9, s10;
	v17 =	vadd.s32 v16, v17;
	v20 =	vld [tilespmem:s16+$0xFFFFFF00]  }
0x558: {  	v21 =	vmov s7  }
0x559: {  	v21 =	vshrl.u32 v21, $0x3  }
0x55a: {  	v21 =	vshll.u32 v21, v1  }
0x55b: {  	[tilespmem:v19+s25+$0x0] =	vst.idx.msk $0xffff, v18;
	v18 =	vbroadcast v21, $0x0  }
0x55c: {  	[tilespmem:v17+s25+$0x0] =	vst.idx.msk $0xffff, v20  }
0x55d: {  	v17 =	vld [tilespmem:s16+$0xFFFFFF10];
	v19 =	vadd.s32 v0, v18  }
0x55e: {  	s7 =	sadd.s32 $0xFFFFFFFA, s10;
	v18 =	vadd.s32 v2, v18;
	v20 =	vld [tilespmem:s16+$0xFFFFFF20]  }
0x55f: {  	v21 =	vmov s7  }
0x560: {  	v21 =	vshrl.u32 v21, $0x3  }
0x561: {  	v21 =	vshll.u32 v21, v1  }
0x562: {  	[tilespmem:v19+s25+$0x0] =	vst.idx.msk $0xffff, v17;
	v17 =	vbroadcast v21, $0x0  }
0x563: {  	[tilespmem:v18+s25+$0x0] =	vst.idx.msk $0xffff, v20  }
0x564: {  	v18 =	vld [tilespmem:s16+$0xFFFFFF30];
	v19 =	vadd.s32 v3, v17  }
0x565: {  	s7 =	sadd.s32 $0xFFFFFFFB, s10;
	v17 =	vadd.s32 v4, v17;
	v20 =	vld [tilespmem:s16+$0xFFFFFF40]  }
0x566: {  	v21 =	vmov s7  }
0x567: {  	v21 =	vshrl.u32 v21, $0x3  }
0x568: {  	v21 =	vshll.u32 v21, v1  }
0x569: {  	[tilespmem:v19+s25+$0x0] =	vst.idx.msk $0xffff, v18;
	v18 =	vbroadcast v21, $0x0  }
0x56a: {  	[tilespmem:v17+s25+$0x0] =	vst.idx.msk $0xffff, v20  }
0x56b: {  	v17 =	vld [tilespmem:s16+$0xFFFFFF50];
	v19 =	vadd.s32 v5, v18  }
0x56c: {  	s7 =	sadd.s32 $0xFFFFFFFC, s10;
	v18 =	vadd.s32 v6, v18;
	v20 =	vld [tilespmem:s16+$0xFFFFFF60]  }
0x56d: {  	v21 =	vmov s7  }
0x56e: {  	v21 =	vshrl.u32 v21, $0x3  }
0x56f: {  	v21 =	vshll.u32 v21, v1  }
0x570: {  	[tilespmem:v19+s25+$0x0] =	vst.idx.msk $0xffff, v17;
	v17 =	vbroadcast v21, $0x0  }
0x571: {  	[tilespmem:v18+s25+$0x0] =	vst.idx.msk $0xffff, v20  }
0x572: {  	v18 =	vld [tilespmem:s16+$0xFFFFFF70];
	v19 =	vadd.s32 v7, v17  }
0x573: {  	s7 =	sadd.s32 $0xFFFFFFFD, s10;
	v17 =	vadd.s32 v8, v17;
	v20 =	vld [tilespmem:s16+$0xFFFFFF80]  }
0x574: {  	v21 =	vmov s7  }
0x575: {  	v21 =	vshrl.u32 v21, $0x3  }
0x576: {  	v21 =	vshll.u32 v21, v1  }
0x577: {  	[tilespmem:v19+s25+$0x0] =	vst.idx.msk $0xffff, v18;
	v18 =	vbroadcast v21, $0x0  }
0x578: {  	[tilespmem:v17+s25+$0x0] =	vst.idx.msk $0xffff, v20  }
0x579: {  	v17 =	vld [tilespmem:s16+$0xFFFFFF90];
	v19 =	vadd.s32 v9, v18  }
0x57a: {  	s7 =	sadd.s32 $0xFFFFFFFE, s10;
	v18 =	vadd.s32 v10, v18;
	v20 =	vld [tilespmem:s16+$0xFFFFFFA0]  }
0x57b: {  	v21 =	vmov s7  }
0x57c: {  	v21 =	vshrl.u32 v21, $0x3  }
0x57d: {  	v21 =	vshll.u32 v21, v1  }
0x57e: {  	[tilespmem:v19+s25+$0x0] =	vst.idx.msk $0xffff, v17;
	v17 =	vbroadcast v21, $0x0  }
0x57f: {  	[tilespmem:v18+s25+$0x0] =	vst.idx.msk $0xffff, v20  }
0x580: {  	v18 =	vld [tilespmem:s16+$0xFFFFFFB0];
	v19 =	vadd.s32 v11, v17  }
0x581: {  	s7 =	sadd.s32 $0xFFFFFFFF, s10;
	v17 =	vadd.s32 v12, v17;
	v20 =	vld [tilespmem:s16+$0xFFFFFFC0]  }
0x582: {  	v21 =	vmov s7  }
0x583: {  	v21 =	vshrl.u32 v21, $0x3  }
0x584: {  	v21 =	vshll.u32 v21, v1  }
0x585: {  	[tilespmem:v19+s25+$0x0] =	vst.idx.msk $0xffff, v18;
	v18 =	vbroadcast v21, $0x0  }
0x586: {  	[tilespmem:v17+s25+$0x0] =	vst.idx.msk $0xffff, v20  }
0x587: {  	v17 =	vld [tilespmem:s16+$0xFFFFFFD0];
	v19 =	vadd.s32 v13, v18  }
0x588: {  	v18 =	vadd.s32 v14, v18;
	v20 =	vld [tilespmem:s16+$0xFFFFFFE0]  }
0x589: {  	v21 =	vmov s10;
	s10 =	smov.u32 s6  }
0x58a: {  	v21 =	vshrl.u32 v21, $0x3  }
0x58b: {  	v21 =	vshll.u32 v21, v1  }
0x58c: {  	[tilespmem:v19+s25+$0x0] =	vst.idx.msk $0xffff, v17;
	v19 =	vbroadcast v21, $0x0  }
0x58d: {  	[tilespmem:v18+s25+$0x0] =	vst.idx.msk $0xffff, v20  }
0x58e: {  	v20 =	vld [tilespmem:s16+$0xFFFFFFF0];
	v21 =	vadd.s32 v15, v19  }
.Ltmp6:
0x58f: {  	s6 =	sadd.s32 $0xFFFFFFF1, s10;
	v19 =	vadd.s32 v16, v19;
	v17 =	vld [tilespmem:s16+$0x0];
	(pc) =	sbr.rel @p0 .LBB2_15-.Ltmp6, $4  }
0x590: {  	v18 =	vmov s6  }
0x591: {  	v18 =	vshrl.u32 v18, $0x3  }
0x592: {  	v18 =	vshll.u32 v18, v1  }
0x593: {  	v18 =	vbroadcast v18, $0x0;
	[tilespmem:v21+s25+$0x0] =	vst.idx.msk $0xffff, v20  }
0x594: {  	_ =	sdelay $0x3  }
0x595: {  	[tilespmem:v19+s25+$0x0] =	vst.idx.msk $0xffff, v17;
	s6 =	sadd.s32 $0x200, s16  }
0x596: {  	v17 =	vld [tilespmem:s6+$0xFFFFFE10];
	v19 =	vadd.s32 v0, v18  }
0x597: {  	s7 =	sadd.s32 $0xFFFFFFF2, s10;
	v20 =	vld [tilespmem:s6+$0xFFFFFE20];
	v18 =	vadd.s32 v2, v18  }
0x598: {  	v21 =	vmov s7  }
0x599: {  	v21 =	vshrl.u32 v21, $0x3  }
0x59a: {  	v21 =	vshll.u32 v21, v1  }
0x59b: {  	[tilespmem:v19+s25+$0x0] =	vst.idx.msk $0xffff, v17;
	v17 =	vbroadcast v21, $0x0  }
0x59c: {  	[tilespmem:v18+s25+$0x0] =	vst.idx.msk $0xffff, v20  }
0x59d: {  	v18 =	vld [tilespmem:s6+$0xFFFFFE30];
	v19 =	vadd.s32 v3, v17  }
0x59e: {  	s17 =	sadd.s32 $0xFFFFFFF3, s10;
	v20 =	vld [tilespmem:s6+$0xFFFFFE40];
	v17 =	vadd.s32 v4, v17  }
0x59f: {  	v50 =	vmov s17  }
0x5a0: {  	v21 =	vshrl.u32 v50, $0x3  }
0x5a1: {  	v21 =	vshll.u32 v21, v1  }
0x5a2: {  	[tilespmem:v19+s25+$0x0] =	vst.idx.msk $0xffff, v18;
	v18 =	vbroadcast v21, $0x0  }
0x5a3: {  	[tilespmem:v17+s25+$0x0] =	vst.idx.msk $0xffff, v20  }
0x5a4: {  	v17 =	vld [tilespmem:s6+$0xFFFFFE50];
	v19 =	vadd.s32 v5, v18  }
0x5a5: {  	s16 =	sadd.s32 $0xFFFFFFF4, s10;
	v20 =	vld [tilespmem:s6+$0xFFFFFE60];
	v18 =	vadd.s32 v6, v18  }
0x5a6: {  	v51 =	vmov s16  }
0x5a7: {  	v21 =	vshrl.u32 v51, $0x3  }
0x5a8: {  	v21 =	vshll.u32 v21, v1  }
0x5a9: {  	[tilespmem:v19+s25+$0x0] =	vst.idx.msk $0xffff, v17;
	v17 =	vbroadcast v21, $0x0  }
0x5aa: {  	[tilespmem:v18+s25+$0x0] =	vst.idx.msk $0xffff, v20  }
0x5ab: {  	v18 =	vld [tilespmem:s6+$0xFFFFFE70];
	v19 =	vadd.s32 v7, v17  }
0x5ac: {  	s17 =	sadd.s32 $0xFFFFFFF5, s10;
	v20 =	vld [tilespmem:s6+$0xFFFFFE80];
	v17 =	vadd.s32 v8, v17  }
0x5ad: {  	v52 =	vmov s17  }
0x5ae: {  	v21 =	vshrl.u32 v52, $0x3  }
0x5af: {  	v21 =	vshll.u32 v21, v1  }
0x5b0: {  	[tilespmem:v19+s25+$0x0] =	vst.idx.msk $0xffff, v18;
	v18 =	vbroadcast v21, $0x0  }
0x5b1: {  	[tilespmem:v17+s25+$0x0] =	vst.idx.msk $0xffff, v20  }
0x5b2: {  	v17 =	vld [tilespmem:s6+$0xFFFFFE90];
	v19 =	vadd.s32 v9, v18  }
0x5b3: {  	s16 =	sadd.s32 $0xFFFFFFF6, s10;
	v20 =	vld [tilespmem:s6+$0xFFFFFEA0];
	v18 =	vadd.s32 v10, v18  }
0x5b4: {  	v53 =	vmov s16  }
0x5b5: {  	v21 =	vshrl.u32 v53, $0x3  }
0x5b6: {  	v21 =	vshll.u32 v21, v1  }
0x5b7: {  	[tilespmem:v19+s25+$0x0] =	vst.idx.msk $0xffff, v17;
	v17 =	vbroadcast v21, $0x0  }
0x5b8: {  	[tilespmem:v18+s25+$0x0] =	vst.idx.msk $0xffff, v20  }
0x5b9: {  	v18 =	vld [tilespmem:s6+$0xFFFFFEB0];
	v19 =	vadd.s32 v11, v17  }
0x5ba: {  	s17 =	sadd.s32 $0xFFFFFFF7, s10;
	v20 =	vld [tilespmem:s6+$0xFFFFFEC0];
	v17 =	vadd.s32 v12, v17  }
0x5bb: {  	v54 =	vmov s17  }
0x5bc: {  	v21 =	vshrl.u32 v54, $0x3  }
0x5bd: {  	v21 =	vshll.u32 v21, v1  }
0x5be: {  	[tilespmem:v19+s25+$0x0] =	vst.idx.msk $0xffff, v18;
	v18 =	vbroadcast v21, $0x0  }
0x5bf: {  	[tilespmem:v17+s25+$0x0] =	vst.idx.msk $0xffff, v20  }
0x5c0: {  	v17 =	vld [tilespmem:s6+$0xFFFFFED0];
	v19 =	vadd.s32 v13, v18  }
0x5c1: {  	s16 =	sadd.s32 $0xFFFFFFF8, s10;
	v20 =	vld [tilespmem:s6+$0xFFFFFEE0];
	v18 =	vadd.s32 v14, v18  }
0x5c2: {  	v55 =	vmov s16  }
0x5c3: {  	v21 =	vshrl.u32 v55, $0x3  }
0x5c4: {  	v21 =	vshll.u32 v21, v1  }
0x5c5: {  	[tilespmem:v19+s25+$0x0] =	vst.idx.msk $0xffff, v17;
	v17 =	vbroadcast v21, $0x0  }
0x5c6: {  	[tilespmem:v18+s25+$0x0] =	vst.idx.msk $0xffff, v20  }
0x5c7: {  	v18 =	vld [tilespmem:s6+$0xFFFFFEF0];
	v19 =	vadd.s32 v15, v17  }
0x5c8: {  	s17 =	sadd.s32 $0xFFFFFFF9, s10;
	v20 =	vld [tilespmem:s6+$0xFFFFFF00];
	v17 =	vadd.s32 v16, v17  }
0x5c9: {  	v56 =	vmov s17  }
0x5ca: {  	v21 =	vshrl.u32 v56, $0x3  }
0x5cb: {  	v21 =	vshll.u32 v21, v1  }
0x5cc: {  	[tilespmem:v19+s25+$0x0] =	vst.idx.msk $0xffff, v18;
	v18 =	vbroadcast v21, $0x0  }
0x5cd: {  	[tilespmem:v17+s25+$0x0] =	vst.idx.msk $0xffff, v20  }
0x5ce: {  	v17 =	vld [tilespmem:s6+$0xFFFFFF10];
	v19 =	vadd.s32 v0, v18  }
0x5cf: {  	s16 =	sadd.s32 $0xFFFFFFFA, s10;
	v20 =	vld [tilespmem:s6+$0xFFFFFF20];
	v18 =	vadd.s32 v2, v18  }
0x5d0: {  	v57 =	vmov s16  }
0x5d1: {  	v21 =	vshrl.u32 v57, $0x3  }
0x5d2: {  	v21 =	vshll.u32 v21, v1  }
0x5d3: {  	[tilespmem:v19+s25+$0x0] =	vst.idx.msk $0xffff, v17;
	v17 =	vbroadcast v21, $0x0  }
0x5d4: {  	[tilespmem:v18+s25+$0x0] =	vst.idx.msk $0xffff, v20  }
0x5d5: {  	v18 =	vld [tilespmem:s6+$0xFFFFFF30];
	v19 =	vadd.s32 v3, v17  }
0x5d6: {  	s17 =	sadd.s32 $0xFFFFFFFB, s10;
	v20 =	vld [tilespmem:s6+$0xFFFFFF40];
	v17 =	vadd.s32 v4, v17  }
0x5d7: {  	v58 =	vmov s17  }
0x5d8: {  	v21 =	vshrl.u32 v58, $0x3  }
0x5d9: {  	v21 =	vshll.u32 v21, v1  }
0x5da: {  	[tilespmem:v19+s25+$0x0] =	vst.idx.msk $0xffff, v18;
	v18 =	vbroadcast v21, $0x0  }
0x5db: {  	[tilespmem:v17+s25+$0x0] =	vst.idx.msk $0xffff, v20  }
0x5dc: {  	v17 =	vld [tilespmem:s6+$0xFFFFFF50];
	v19 =	vadd.s32 v5, v18  }
0x5dd: {  	s16 =	sadd.s32 $0xFFFFFFFC, s10;
	v20 =	vld [tilespmem:s6+$0xFFFFFF60];
	v18 =	vadd.s32 v6, v18  }
0x5de: {  	v59 =	vmov s16  }
0x5df: {  	v21 =	vshrl.u32 v59, $0x3  }
0x5e0: {  	v21 =	vshll.u32 v21, v1  }
0x5e1: {  	[tilespmem:v19+s25+$0x0] =	vst.idx.msk $0xffff, v17;
	v17 =	vbroadcast v21, $0x0  }
0x5e2: {  	[tilespmem:v18+s25+$0x0] =	vst.idx.msk $0xffff, v20  }
0x5e3: {  	v18 =	vld [tilespmem:s6+$0xFFFFFF70];
	v19 =	vadd.s32 v7, v17  }
0x5e4: {  	s17 =	sadd.s32 $0xFFFFFFFD, s10;
	v20 =	vld [tilespmem:s6+$0xFFFFFF80];
	v17 =	vadd.s32 v8, v17  }
0x5e5: {  	v60 =	vmov s17  }
0x5e6: {  	v21 =	vshrl.u32 v60, $0x3  }
0x5e7: {  	v21 =	vshll.u32 v21, v1  }
0x5e8: {  	[tilespmem:v19+s25+$0x0] =	vst.idx.msk $0xffff, v18;
	v18 =	vbroadcast v21, $0x0  }
0x5e9: {  	[tilespmem:v17+s25+$0x0] =	vst.idx.msk $0xffff, v20  }
0x5ea: {  	v17 =	vld [tilespmem:s6+$0xFFFFFF90];
	v19 =	vadd.s32 v9, v18  }
0x5eb: {  	s16 =	sadd.s32 $0xFFFFFFFE, s10;
	v20 =	vld [tilespmem:s6+$0xFFFFFFA0];
	v18 =	vadd.s32 v10, v18  }
0x5ec: {  	v61 =	vmov s16  }
0x5ed: {  	v21 =	vshrl.u32 v61, $0x3  }
0x5ee: {  	v21 =	vshll.u32 v21, v1  }
0x5ef: {  	[tilespmem:v19+s25+$0x0] =	vst.idx.msk $0xffff, v17;
	v17 =	vbroadcast v21, $0x0  }
0x5f0: {  	[tilespmem:v18+s25+$0x0] =	vst.idx.msk $0xffff, v20  }
0x5f1: {  	v18 =	vld [tilespmem:s6+$0xFFFFFFB0];
	v19 =	vadd.s32 v11, v17  }
0x5f2: {  	s17 =	sadd.s32 $0xFFFFFFFF, s10;
	v20 =	vld [tilespmem:s6+$0xFFFFFFC0];
	v17 =	vadd.s32 v12, v17  }
0x5f3: {  	v62 =	vmov s17  }
0x5f4: {  	v21 =	vshrl.u32 v62, $0x3  }
0x5f5: {  	v21 =	vshll.u32 v21, v1  }
0x5f6: {  	[tilespmem:v19+s25+$0x0] =	vst.idx.msk $0xffff, v18;
	v18 =	vbroadcast v21, $0x0  }
0x5f7: {  	[tilespmem:v17+s25+$0x0] =	vst.idx.msk $0xffff, v20  }
0x5f8: {  	v17 =	vld [tilespmem:s6+$0xFFFFFFD0];
	v19 =	vadd.s32 v13, v18  }
0x5f9: {  	v20 =	vld [tilespmem:s6+$0xFFFFFFE0];
	v18 =	vadd.s32 v14, v18  }
0x5fa: {  	v63 =	vmov s10  }
0x5fb: {  	v21 =	vshrl.u32 v63, $0x3  }
0x5fc: {  	v21 =	vshll.u32 v21, v1  }
0x5fd: {  	[tilespmem:v19+s25+$0x0] =	vst.idx.msk $0xffff, v17;
	v17 =	vbroadcast v21, $0x0  }
0x5fe: {  	[tilespmem:v18+s25+$0x0] =	vst.idx.msk $0xffff, v20  }
0x5ff: {  	v18 =	vld [tilespmem:s6+$0xFFFFFFF0];
	v19 =	vadd.s32 v15, v17  }
0x600: {  	v20 =	vld [tilespmem:s6+$0x0];
	v17 =	vadd.s32 v16, v17  }
0x601: {  	s10 =	sshll.u32 s12, $0x13  }
0x602: {  	s16 =	sshll.u32 s13, $0x7;
	s6 =	sor.u32 s5, s10  }
0x603: {  	s6 =	sadd.s32 s16, s6  }
0x604: {  	s6 =	sshrl.u32 s6, $0x3;
	[tilespmem:v19+s25+$0x0] =	vst.idx.msk $0xffff, v18  }
0x605: {  	s17 =	simm.s32 $0xDC00;
	s10 =	simm.s32 $0x240;
	s6 =	sadd.s32 s4, s6;
	[tilespmem:v17+s25+$0x0] =	vst.idx.msk $0xffff, v20  }
0x606: {  	[hbm4b:s6+s2] =	stream.linear.scatter [tilespmem:s17], [sflag:$0x8], $0x80, $0x38;
	[tilespmem:$0xEE00] =	vst v63  }
.LBB2_17:
0x607: {  	p0 =	sne.s32 s10, $0x45C0  }
.Ltmp7:
0x608: {  	_ = 	snop;
	(pc) =	sbr.rel @p0 .LBB2_17-.Ltmp7, $4  }
0x609: {  	_ = 	snop  }
0x60a: {  	s7 =	sshra.s32 s10, $0x2;
	s10 =	sadd.s32 $0x240, s10  }
0x60b: {  	s6 =	sadd.s32 $0x800, s6;
	s7 =	sadd.s32 $0xDC00, s7  }
0x60c: {  	[hbm4b:s6+s2] =	stream.linear.scatter [tilespmem:s7], [sflag:$0x8], $0x80, $0x38;
	[tilespmem:$0xEE00] =	vst v63  }
0x60d: {  	p0 =	sgt.s32 s11, $0x3  }
0x60e: {  	s6 =	smul.u32 @!p0 $0x32, s11;
	_ =	sdelay $0x1  }
0x60f: {  	s6 =	sadd.s32 @!p0 s15, s6  }
0x610: {  	s6 =	sshll.u32 @!p0 s6, $0x9  }
0x611: {  	s6 =	sshra.s32 @!p0 s6, $0x2  }
0x612: {  	v17 =	vld @!p0 [tilespmem:s6+$0x0];
	_ =	sdelay $0x4  }
0x613: {  	[tilespmem:$0x6580] =	vst @!p0 v17  }
0x614: {  	v17 =	vld @!p0 [tilespmem:s6+$0x10];
	_ =	sdelay $0x4  }
0x615: {  	[tilespmem:$0x6590] =	vst @!p0 v17  }
0x616: {  	v17 =	vld @!p0 [tilespmem:s6+$0x20];
	_ =	sdelay $0x4  }
0x617: {  	[tilespmem:$0x65A0] =	vst @!p0 v17  }
0x618: {  	v17 =	vld @!p0 [tilespmem:s6+$0x30];
	_ =	sdelay $0x4  }
0x619: {  	[tilespmem:$0x65B0] =	vst @!p0 v17  }
0x61a: {  	v17 =	vld @!p0 [tilespmem:s6+$0x40];
	_ =	sdelay $0x4  }
0x61b: {  	[tilespmem:$0x65C0] =	vst @!p0 v17  }
0x61c: {  	v17 =	vld @!p0 [tilespmem:s6+$0x50];
	_ =	sdelay $0x4  }
0x61d: {  	[tilespmem:$0x65D0] =	vst @!p0 v17  }
0x61e: {  	v17 =	vld @!p0 [tilespmem:s6+$0x60];
	_ =	sdelay $0x4  }
0x61f: {  	[tilespmem:$0x65E0] =	vst @!p0 v17  }
0x620: {  	v17 =	vld @!p0 [tilespmem:s6+$0x70];
	_ =	sdelay $0x4  }
0x621: {  	s7 =	simm.s32 @!p0 $0x6580;
	s10 =	simm.s32 @!p0 $0x9600;
	s6 =	simm.s32 @!p0 $0x80;
	[tilespmem:$0x65F0] =	vst @!p0 v17  }
0x622: {  	[tilespmem:s10], [sflag:$0x4] =	stream.indirect.gather @!p0 [hbm4b:s3+s6], $0x20, s7, s6, $0xb8;
	[tilespmem:$0xEE00] =	vst v63  }
0x623: {  	s0 =	sadd.s32 $0x1, s0;
	p0 =	seq.s32 s12, $0x31  }
0x624: {  	s12 =	sadd.s32 $0x1, s12;
	s6 =	simm.s32 $0x1;
	s10 =	sadd.s32 $0x1, s15  }
0x625: {  	s12 =	simm.s32 @p0 $0x0;
	s6 =	simm.s32 @!p0 $0x0;
	p0 =	seq.s32 s15, $0x31  }
0x626: {  	s7 =	simm.s32 $0x1;
	s15 =	simm.s32 $0x1;
	s10 =	simm.s32 @p0 $0x0  }
0x627: {  	s7 =	simm.s32 @!p0 $0x0;
	p0 =	seq.s32 s1, $0x31;
	s1 =	sadd.s32 $0x1, s1  }
0x628: {  	s1 =	simm.s32 @p0 $0x0;
	s15 =	simm.s32 @!p0 $0x0;
	p0 =	sne.s32 s0, $0x32  }
.Ltmp8:
0x629: {  	_ = 	snop;
	(pc) =	sbr.rel @p0 .LBB2_2-.Ltmp8, $2  }
0x62a: {  	_ =	sdelay $0x2  }
0x62b: {  	s13 =	sadd.s32 s6, s13;
	s11 =	sadd.s32 s7, s11;
	s14 =	sadd.s32 s15, s14  }
0x62c: {  	_ =	swait.ge [sflag:s26], $0x1000  }
0x62d: {  	[sflag:s26] =	ssyncset.done $0x0  }
0x62e: {  	[sflag:s26] =	ssyncadd.s32 $0xFFFFF000  }
0x62f: {  	_ =	swait.ge [sflag:s28], $0x1000  }
0x630: {  	[sflag:s28] =	ssyncset.done $0x0  }
0x631: {  	[sflag:s28] =	ssyncadd.s32 $0xFFFFF000  }
0x632: {  	_ =	swait.ge [sflag:s29], $0x1000  }
0x633: {  	[sflag:s29] =	ssyncset.done $0x0  }
0x634: {  	[sflag:s29] =	ssyncadd.s32 $0xFFFFF000  }
0x635: {  	_ =	swait.ge [sflag:s30], $0x1000  }
0x636: {  	s31 =	sadd.s32 $0x1, s31;
	s0 =	rddreg [dreg:$0x4]  }
0x637: {  	p0 =	sne.s32 s31, s0  }
.Ltmp9:
0x638: {  	_ = 	snop;
	(pc) =	sbr.rel @p0 .LBB2_1-.Ltmp9, $3  }
0x639: {  	_ =	sdelay $0x1  }
0x63a: {  	[sflag:s30] =	ssyncset.done $0x0  }
0x63b: {  	[sflag:s30] =	ssyncadd.s32 $0xFFFFF000  }
0x63c: {  	_ =	sfence.sel $0x180000  }
0x63d: {  	[bflag:$0x0] =	sbarrier.arrive $0xFFFF  }
0x63e: {  	_ =	strace $0x9000004A  }
0x63f: {  	s0 =	stileid.u32;
	[bflag:$0x2] =	sbarrier.arrive $0xFFFF  }
0x640: {  	p0 =	sne.s32 s0, $0x0;
	s0 =	rddreg [dreg:$0x2]  }
0x641: {  	s0 =	sadd.s32 @!p0 $0x100000, s0  }
0x642: {  	[sflag:s0] =	ssyncadd.tile.s32 @!p0 $0x1;
	_ =	shalt  }
.Lfunc_end2:
_tile_overlayer_lowered:
.L_overlay_start_2:
0x643: {  	(tag) =	ssettag $0x2  }
0x644: {  	s0 =	rddreg [dreg:$0x0];
	s2 =	stileid.u32  }
0x645: {  	s1 =	rddreg [dreg:$0x1];
	p0 =	sne.s32 s2, $0x0  }
0x646: {  	s3 =	rddreg [dreg:$0x2];
	[bflag:$0x3] =	sbarrier.arrive $0xFFFF;
	s2 =	simm.s32 @!p0 $0x1C09  }
0x647: {  	[timem:s3], [sflag:s2] =	dma.local @!p0 [hbm:s0], s1  }
0x648: {  	s0 =	simm.s32 @!p0 $0x9  }
0x649: {  	_ =	swait.ge @!p0 [sflag:s0], s1  }
0x64a: {  	s1 =	ssub.s32 @!p0 $0x0, s1;
	[sflag:s0] =	ssyncset.done @!p0 $0x0  }
0x64b: {  	[sflag:s0] =	ssyncadd.s32 @!p0 s1  }
0x64c: {  	[bflag:$0x3] =	sbarrier.arrive $0xFFFF  }
0x64d: {  	_ =	shalt  }

</sc_bundles>
